<compile_context>
chip_gen: v7x
topology: tpu7x:2x2x1
jax: 0.10.2.dev20260603
libtpu: 0.0.44.dev20260713+nightly
codegen_flags: <defaults>
</compile_context>

<pallas_src>
import functools
import math

import jax
import jax.numpy as jnp
from jax import lax
from jax.experimental import pallas as pl
from jax.experimental.pallas import tpu as pltpu
from jax.experimental.pallas import tpu_sc as plsc

_B = 32768
_ND = 64
_L = 16
_ROWS = _B // _L
_TROWS = _ROWS // 16
_PARTW = 6 * _ND
_EXP_NEG5 = math.exp(-5.0)
_LN2 = 0.6931471805599453


def _softlog(x):
    bits = plsc.bitcast(x, jnp.int32)
    ex = (bits >> 23) & 0xFF
    m = plsc.bitcast((bits & 0x7FFFFF) | 0x3F800000, jnp.float32)
    big = m > 1.4142135381698608
    m2 = jnp.where(big, m * 0.5, m)
    ef = (ex - jnp.where(big, 126, 127)).astype(jnp.float32)
    r = (m2 - 1.0) / (m2 + 1.0)
    r2 = r * r
    poly = 1.0 + r2 * (1.0 / 3.0 + r2 * (1.0 / 5.0 + r2 * (1.0 / 7.0 + r2 * (1.0 / 9.0))))
    return ef * _LN2 + 2.0 * r * poly


def _body(s0_h, s1_h, lab_h, dat_h,
          out_h, parts_h,
          s0_v, s1_v, lab_v, dat_v,
          acc, part_r, parts_v, outv_r):
    sid = lax.axis_index("s")
    iota = lax.broadcasted_iota(jnp.int32, (_L,), 0)
    lane64 = iota * _ND

    r0 = sid * _TROWS
    pltpu.sync_copy(s0_h.at[pl.ds(r0, _TROWS)], s0_v)
    pltpu.sync_copy(s1_h.at[pl.ds(r0, _TROWS)], s1_v)
    pltpu.sync_copy(lab_h.at[pl.ds(r0, _TROWS)], lab_v)
    pltpu.sync_copy(dat_h.at[pl.ds(r0, _TROWS)], dat_v)

    def zero_body(j, c):
        acc[pl.ds(j * _L, _L)] = jnp.zeros((_L,), jnp.float32)
        return c
    lax.fori_loop(0, (64 * _ND) // _L, zero_body, 0)

    def p1_body(i, c):
        d = dat_v[i]
        l = lab_v[i]
        idx = lane64 + ((d + iota) & (_ND - 1))
        x = s1_v[i] - s0_v[i]
        p = 1.0 / (1.0 + jnp.exp(-x))
        plsc.addupdate_scatter(acc, [idx], ((l << 12) + 1).astype(jnp.float32))
        plsc.addupdate_scatter(acc, [idx + 16 * _ND], jnp.exp(p))
        plsc.addupdate_scatter(acc, [idx + 32 * _ND + (l << 10)], p)
        return c
    lax.fori_loop(0, _TROWS, p1_body, 0)
    plsc.subcore_barrier()

    for v in range(4):
        dv = v * _L + iota
        t_cn = jnp.zeros((_L,), jnp.float32)
        t_e = jnp.zeros((_L,), jnp.float32)
        t_p0 = jnp.zeros((_L,), jnp.float32)
        t_p1 = jnp.zeros((_L,), jnp.float32)
        for j in range(16):
            idx = j * _ND + ((dv + j) & (_ND - 1))
            t_cn = t_cn + plsc.load_gather(acc, [idx])
            t_e = t_e + plsc.load_gather(acc, [idx + 16 * _ND])
            t_p0 = t_p0 + plsc.load_gather(acc, [idx + 32 * _ND])
            t_p1 = t_p1 + plsc.load_gather(acc, [idx + 48 * _ND])
        icn = t_cn.astype(jnp.int32)
        part_r[pl.ds(v * _L, _L)] = (icn & 0xFFF).astype(jnp.float32)
        part_r[pl.ds(_ND + v * _L, _L)] = (icn >> 12).astype(jnp.float32)
        part_r[pl.ds(2 * _ND + v * _L, _L)] = t_e
        part_r[pl.ds(3 * _ND + v * _L, _L)] = t_p0
        part_r[pl.ds(4 * _ND + v * _L, _L)] = t_p1
    pltpu.sync_copy(part_r, parts_h.at[sid])
    plsc.subcore_barrier()

    @pl.when(sid == 0)
    def _():
        pltpu.sync_copy(parts_h, parts_v)
        nvalid = jnp.float32(0.0)
        acc_ce = jnp.zeros((_L,), jnp.float32)
        for v in range(4):
            cnt = parts_v[0, pl.ds(v * _L, _L)]
            n1 = parts_v[0, pl.ds(_ND + v * _L, _L)]
            e_tot = parts_v[0, pl.ds(2 * _ND + v * _L, _L)]
            p0 = parts_v[0, pl.ds(3 * _ND + v * _L, _L)]
            p1 = parts_v[0, pl.ds(4 * _ND + v * _L, _L)]
            for s in range(1, 16):
                cnt = cnt + parts_v[s, pl.ds(v * _L, _L)]
                n1 = n1 + parts_v[s, pl.ds(_ND + v * _L, _L)]
                e_tot = e_tot + parts_v[s, pl.ds(2 * _ND + v * _L, _L)]
                p0 = p0 + parts_v[s, pl.ds(3 * _ND + v * _L, _L)]
                p1 = p1 + parts_v[s, pl.ds(4 * _ND + v * _L, _L)]
            valid = cnt >= 2.0
            has1 = n1 > 0.5
            s_den = jnp.where(has1, n1 + (cnt - n1) * _EXP_NEG5, cnt)
            s_den = jnp.maximum(s_den, 1e-30)
            coef_a = jnp.where(has1, _EXP_NEG5, 1.0) / s_den
            coef_b = 1.0 / s_den
            log_e = _softlog(jnp.maximum(e_tot, 1e-30))
            ce = log_e - coef_a * p0 - coef_b * p1
            acc_ce = acc_ce + jnp.where(valid, ce, 0.0)
            nvalid = nvalid + jnp.sum(jnp.where(valid, 1.0, 0.0))
        num = jnp.sum(acc_ce)
        denv = jnp.maximum(nvalid, 1.0) + jnp.zeros((_L,), jnp.float32)
        outv_r[...] = jnp.where(iota == 0, num, 0.0) / denv
        pltpu.sync_copy(outv_r, out_h)


_sc_loss = functools.partial(
    pl.kernel,
    out_type=(
        jax.ShapeDtypeStruct((_L,), jnp.float32),
        jax.ShapeDtypeStruct((16, _PARTW), jnp.float32),
    ),
    mesh=plsc.VectorSubcoreMesh(core_axis_name="c", subcore_axis_name="s",
                                num_cores=1),
    compiler_params=pltpu.CompilerParams(needs_layout_passes=False),
    scratch_types=[
        pltpu.VMEM((_TROWS, _L), jnp.float32),
        pltpu.VMEM((_TROWS, _L), jnp.float32),
        pltpu.VMEM((_TROWS, _L), jnp.int32),
        pltpu.VMEM((_TROWS, _L), jnp.int32),
        pltpu.VMEM((64 * _ND,), jnp.float32),
        pltpu.VMEM((_PARTW,), jnp.float32),
        pltpu.VMEM((16, _PARTW), jnp.float32),
        pltpu.VMEM((_L,), jnp.float32),
    ],
)(_body)


def kernel(scores, labels, dates):
    s0 = scores[:, 0].reshape(_ROWS, _L)
    s1 = scores[:, 1].reshape(_ROWS, _L)
    lab = labels.astype(jnp.int32).reshape(_ROWS, _L)
    dat = dates.astype(jnp.int32).reshape(_ROWS, _L)
    out, _ = _sc_loss(s0, s1, lab, dat)
    return out[0]

# --- scband reference (transcript-rebuilt; emitter-appended) ---
"""Pipeline reference for scband-list-net-ranking-loss-45689862095269 (READ-ONLY COPY).

The authoritative reference and input builder live on the scoring server;
editing this copy changes nothing except your own understanding.
"""

import jax, jax.numpy as jnp
import numpy as np

NUM_DATES = 64
TEMPERATURE = 5.0
B = 32768


def setup_inputs(seed: int = 0) -> dict:
    key = jax.random.key(seed)
    k1, k2, k3 = jax.random.split(key, 3)
    scores = jax.random.normal(k1, (B, 2), dtype=jnp.float32)
    labels = jax.random.randint(k2, (B,), 0, 2, dtype=jnp.int32)
    dates = jnp.sort(jax.random.randint(k3, (B,), 0, NUM_DATES, dtype=jnp.int32))
    return {"scores": scores, "labels": labels, "dates": dates}


def _segment_softmax(x, seg_ids, num_segments):
    seg_max = jax.ops.segment_max(x, seg_ids, num_segments=num_segments)
    shifted = x - seg_max[seg_ids]
    e = jnp.exp(shifted)
    seg_sum = jax.ops.segment_sum(e, seg_ids, num_segments=num_segments)
    return e / seg_sum[seg_ids]


def reference(scores, labels, dates):
    dates = dates.astype(jnp.int32)
    pred_probs = jax.nn.softmax(scores, axis=1)[:, 1]
    counts = jax.ops.segment_sum(jnp.ones_like(pred_probs), dates, num_segments=NUM_DATES)
    # per-date softmax over predicted up-probabilities
    pred_dist = _segment_softmax(pred_probs, dates, NUM_DATES)
    # per-date softmax over temperature-scaled true labels
    true = labels.astype(scores.dtype) * TEMPERATURE
    true_dist = _segment_softmax(true, dates, NUM_DATES)
    ce_elems = -(true_dist * jnp.log(pred_dist + 1e-08))
    ce_per_date = jax.ops.segment_sum(ce_elems, dates, num_segments=NUM_DATES)
    valid = counts >= 2.0
    loss = jnp.sum(jnp.where(valid, ce_per_date, 0.0))
    n_dates = jnp.sum(valid.astype(jnp.int32))
    return loss / jnp.maximum(n_dates, 1).astype(scores.dtype)

if __name__ == "__main__":
    import jax
    _d = setup_inputs()
    print(jax.jit(kernel)(*tuple(_d.values())))

</pallas_src>

<mosaic_0001>
#map = affine_map<(d0, d1) -> (0, 0)>
#map1 = affine_map<(d0, d1) -> (0)>
module attributes {stable_mosaic.version = 14 : i64} {
  func.func @_body(%arg0: i32, %arg1: i32, %arg2: memref<2048x16xf32, #tpu.memory_space<hbm>>, %arg3: memref<2048x16xf32, #tpu.memory_space<hbm>>, %arg4: memref<2048x16xi32, #tpu.memory_space<hbm>>, %arg5: memref<2048x16xi32, #tpu.memory_space<hbm>>, %arg6: memref<16xf32, #tpu.memory_space<hbm>>, %arg7: memref<16x384xf32, #tpu.memory_space<hbm>>, %arg8: memref<128x16xf32, #tpu.memory_space<vmem>>, %arg9: memref<128x16xf32, #tpu.memory_space<vmem>>, %arg10: memref<128x16xi32, #tpu.memory_space<vmem>>, %arg11: memref<128x16xi32, #tpu.memory_space<vmem>>, %arg12: memref<4096xf32, #tpu.memory_space<vmem>>, %arg13: memref<384xf32, #tpu.memory_space<vmem>>, %arg14: memref<16x384xf32, #tpu.memory_space<vmem>>, %arg15: memref<16xf32, #tpu.memory_space<vmem>>) attributes {dimension_semantics = [#tpu.dimension_semantics<core_parallel>, #tpu.dimension_semantics<subcore_parallel>], iteration_bounds = array<i64: 1, 16>, scalar_prefetch = 0 : i64, scratch_operands = 8 : i64, tpu.core_type = #tpu.core_type<sc_vector_subcore>, window_params = [{transform_indices = #map}, {transform_indices = #map}, {transform_indices = #map}, {transform_indices = #map}, {transform_indices = #map1}, {transform_indices = #map}]} {
    %iota3A = tpu.iota {dimensions = array<i32: 0>} : vector<16xi32>
    %mul3A = arith.constant 64 : i32
    %mul3A_0 = vector.broadcast %mul3A : i32 to vector<16xi32>
    %mul3A_1 = arith.muli %iota3A, %mul3A_0 : vector<16xi32>
    %mul3A_2 = arith.constant 128 : i32
    %mul3A_3 = arith.muli %arg1, %mul3A_2 : i32
    "tpu.region"() ({
      %run_scoped3A = tpu.sem_alloc : memref<!tpu.dma_semaphore, #tpu.memory_space<semaphore_mem>>
      %dma_start3A = arith.constant 0 : i32
      %dma_start3A_1796 = tpu.memref_slice %arg2[%mul3A_3, %dma_start3A] : memref<2048x16xf32, #tpu.memory_space<hbm>> -> memref<128x16xf32, #tpu.memory_space<hbm>>
      %dma_start3A_1797 = arith.constant 0 : i32
      %dma_start3A_1798 = tpu.memref_slice %arg2[%mul3A_3, %dma_start3A_1797] : memref<2048x16xf32, #tpu.memory_space<hbm>> -> memref<128x16xf32, #tpu.memory_space<hbm>>
      tpu.enqueue_dma source(%dma_start3A_1798 : memref<128x16xf32, #tpu.memory_space<hbm>>) target(%arg8 : memref<128x16xf32, #tpu.memory_space<vmem>>) target_semaphore(%run_scoped3A : memref<!tpu.dma_semaphore, #tpu.memory_space<semaphore_mem>>)
      %dma_wait3A = arith.constant 0 : i32
      %dma_wait3A_1799 = tpu.memref_slice %arg2[%mul3A_3, %dma_wait3A] : memref<2048x16xf32, #tpu.memory_space<hbm>> -> memref<128x16xf32, #tpu.memory_space<hbm>>
      %dma_wait3A_1800 = arith.constant 0 : i32
      %dma_wait3A_1801 = tpu.memref_slice %arg2[%mul3A_3, %dma_wait3A_1800] : memref<2048x16xf32, #tpu.memory_space<hbm>> -> memref<128x16xf32, #tpu.memory_space<hbm>>
      tpu.wait_dma2 semaphore(%run_scoped3A : memref<!tpu.dma_semaphore, #tpu.memory_space<semaphore_mem>>) src(%dma_wait3A_1801 : memref<128x16xf32, #tpu.memory_space<hbm>>) dst(%arg8 : memref<128x16xf32, #tpu.memory_space<vmem>>)
      tpu.yield
    }) : () -> ()
    "tpu.region"() ({
      %run_scoped3A = tpu.sem_alloc : memref<!tpu.dma_semaphore, #tpu.memory_space<semaphore_mem>>
      %dma_start3A = arith.constant 0 : i32
      %dma_start3A_1796 = tpu.memref_slice %arg3[%mul3A_3, %dma_start3A] : memref<2048x16xf32, #tpu.memory_space<hbm>> -> memref<128x16xf32, #tpu.memory_space<hbm>>
      %dma_start3A_1797 = arith.constant 0 : i32
      %dma_start3A_1798 = tpu.memref_slice %arg3[%mul3A_3, %dma_start3A_1797] : memref<2048x16xf32, #tpu.memory_space<hbm>> -> memref<128x16xf32, #tpu.memory_space<hbm>>
      tpu.enqueue_dma source(%dma_start3A_1798 : memref<128x16xf32, #tpu.memory_space<hbm>>) target(%arg9 : memref<128x16xf32, #tpu.memory_space<vmem>>) target_semaphore(%run_scoped3A : memref<!tpu.dma_semaphore, #tpu.memory_space<semaphore_mem>>)
      %dma_wait3A = arith.constant 0 : i32
      %dma_wait3A_1799 = tpu.memref_slice %arg3[%mul3A_3, %dma_wait3A] : memref<2048x16xf32, #tpu.memory_space<hbm>> -> memref<128x16xf32, #tpu.memory_space<hbm>>
      %dma_wait3A_1800 = arith.constant 0 : i32
      %dma_wait3A_1801 = tpu.memref_slice %arg3[%mul3A_3, %dma_wait3A_1800] : memref<2048x16xf32, #tpu.memory_space<hbm>> -> memref<128x16xf32, #tpu.memory_space<hbm>>
      tpu.wait_dma2 semaphore(%run_scoped3A : memref<!tpu.dma_semaphore, #tpu.memory_space<semaphore_mem>>) src(%dma_wait3A_1801 : memref<128x16xf32, #tpu.memory_space<hbm>>) dst(%arg9 : memref<128x16xf32, #tpu.memory_space<vmem>>)
      tpu.yield
    }) : () -> ()
    "tpu.region"() ({
      %run_scoped3A = tpu.sem_alloc : memref<!tpu.dma_semaphore, #tpu.memory_space<semaphore_mem>>
      %dma_start3A = arith.constant 0 : i32
      %dma_start3A_1796 = tpu.memref_slice %arg4[%mul3A_3, %dma_start3A] : memref<2048x16xi32, #tpu.memory_space<hbm>> -> memref<128x16xi32, #tpu.memory_space<hbm>>
      %dma_start3A_1797 = arith.constant 0 : i32
      %dma_start3A_1798 = tpu.memref_slice %arg4[%mul3A_3, %dma_start3A_1797] : memref<2048x16xi32, #tpu.memory_space<hbm>> -> memref<128x16xi32, #tpu.memory_space<hbm>>
      tpu.enqueue_dma source(%dma_start3A_1798 : memref<128x16xi32, #tpu.memory_space<hbm>>) target(%arg10 : memref<128x16xi32, #tpu.memory_space<vmem>>) target_semaphore(%run_scoped3A : memref<!tpu.dma_semaphore, #tpu.memory_space<semaphore_mem>>)
      %dma_wait3A = arith.constant 0 : i32
      %dma_wait3A_1799 = tpu.memref_slice %arg4[%mul3A_3, %dma_wait3A] : memref<2048x16xi32, #tpu.memory_space<hbm>> -> memref<128x16xi32, #tpu.memory_space<hbm>>
      %dma_wait3A_1800 = arith.constant 0 : i32
      %dma_wait3A_1801 = tpu.memref_slice %arg4[%mul3A_3, %dma_wait3A_1800] : memref<2048x16xi32, #tpu.memory_space<hbm>> -> memref<128x16xi32, #tpu.memory_space<hbm>>
      tpu.wait_dma2 semaphore(%run_scoped3A : memref<!tpu.dma_semaphore, #tpu.memory_space<semaphore_mem>>) src(%dma_wait3A_1801 : memref<128x16xi32, #tpu.memory_space<hbm>>) dst(%arg10 : memref<128x16xi32, #tpu.memory_space<vmem>>)
      tpu.yield
    }) : () -> ()
    "tpu.region"() ({
      %run_scoped3A = tpu.sem_alloc : memref<!tpu.dma_semaphore, #tpu.memory_space<semaphore_mem>>
      %dma_start3A = arith.constant 0 : i32
      %dma_start3A_1796 = tpu.memref_slice %arg5[%mul3A_3, %dma_start3A] : memref<2048x16xi32, #tpu.memory_space<hbm>> -> memref<128x16xi32, #tpu.memory_space<hbm>>
      %dma_start3A_1797 = arith.constant 0 : i32
      %dma_start3A_1798 = tpu.memref_slice %arg5[%mul3A_3, %dma_start3A_1797] : memref<2048x16xi32, #tpu.memory_space<hbm>> -> memref<128x16xi32, #tpu.memory_space<hbm>>
      tpu.enqueue_dma source(%dma_start3A_1798 : memref<128x16xi32, #tpu.memory_space<hbm>>) target(%arg11 : memref<128x16xi32, #tpu.memory_space<vmem>>) target_semaphore(%run_scoped3A : memref<!tpu.dma_semaphore, #tpu.memory_space<semaphore_mem>>)
      %dma_wait3A = arith.constant 0 : i32
      %dma_wait3A_1799 = tpu.memref_slice %arg5[%mul3A_3, %dma_wait3A] : memref<2048x16xi32, #tpu.memory_space<hbm>> -> memref<128x16xi32, #tpu.memory_space<hbm>>
      %dma_wait3A_1800 = arith.constant 0 : i32
      %dma_wait3A_1801 = tpu.memref_slice %arg5[%mul3A_3, %dma_wait3A_1800] : memref<2048x16xi32, #tpu.memory_space<hbm>> -> memref<128x16xi32, #tpu.memory_space<hbm>>
      tpu.wait_dma2 semaphore(%run_scoped3A : memref<!tpu.dma_semaphore, #tpu.memory_space<semaphore_mem>>) src(%dma_wait3A_1801 : memref<128x16xi32, #tpu.memory_space<hbm>>) dst(%arg11 : memref<128x16xi32, #tpu.memory_space<vmem>>)
      tpu.yield
    }) : () -> ()
    %scan3A = arith.constant 0 : i32
    %scan3A_4 = arith.constant 0 : i32
    %scan3A_5 = arith.constant 256 : i32
    %scan3A_6 = arith.addi %scan3A_4, %scan3A_5 : i32
    %scan3A_7 = arith.constant 1 : i32
    scf.for %scan3A_1796 = %scan3A_4 to %scan3A_6 step %scan3A_7  : i32 {
      %broadcast_in_dim3A_1797 = arith.constant 0.000000e+00 : f32
      %broadcast_in_dim3A_1798 = vector.broadcast %broadcast_in_dim3A_1797 : f32 to vector<16xf32>
      %mul3A_1799 = arith.constant 16 : i32
      %mul3A_1800 = arith.muli %scan3A_1796, %mul3A_1799 : i32
      %swap3A_1801 = arith.index_cast %mul3A_1800 : i32 to index
      %swap3A_1802 = tpu.vector_load %arg12[%swap3A_1801] {strides = array<i32>} : memref<4096xf32, #tpu.memory_space<vmem>>, vector<16xf32>,
      tpu.vector_store %arg12[%swap3A_1801], %broadcast_in_dim3A_1798 {strides = array<i32>} : memref<4096xf32, #tpu.memory_space<vmem>>, vector<16xf32>,
    }
    %scan3A_8 = arith.constant 256 : i32
    %scan3A_9 = arith.constant 0 : i32
    %scan3A_10 = arith.constant 0 : i32
    %scan3A_11 = arith.constant 128 : i32
    %scan3A_12 = arith.addi %scan3A_10, %scan3A_11 : i32
    %scan3A_13 = arith.constant 1 : i32
    scf.for %scan3A_1796 = %scan3A_10 to %scan3A_12 step %scan3A_13  : i32 {
      %get3A = arith.index_cast %scan3A_1796 : i32 to index
      %get3A_1797 = arith.constant 0 : index
      %get3A_1798 = tpu.vector_load %arg11[%get3A, %get3A_1797] {strides = array<i32>} : memref<128x16xi32, #tpu.memory_space<vmem>>, vector<16xi32>,
      %get3A_1799 = arith.index_cast %scan3A_1796 : i32 to index
      %get3A_1800 = arith.constant 0 : index
      %get3A_1801 = tpu.vector_load %arg10[%get3A_1799, %get3A_1800] {strides = array<i32>} : memref<128x16xi32, #tpu.memory_space<vmem>>, vector<16xi32>,
      %add3A_1802 = arith.addi %get3A_1798, %iota3A : vector<16xi32>
      %and3A_1803 = arith.constant 63 : i32
      %and3A_1804 = vector.broadcast %and3A_1803 : i32 to vector<16xi32>
      %and3A_1805 = arith.andi %add3A_1802, %and3A_1804 : vector<16xi32>
      %add3A_1806 = arith.addi %mul3A_1, %and3A_1805 : vector<16xi32>
      %get3A_1807 = arith.index_cast %scan3A_1796 : i32 to index
      %get3A_1808 = arith.constant 0 : index
      %get3A_1809 = tpu.vector_load %arg9[%get3A_1807, %get3A_1808] {strides = array<i32>} : memref<128x16xf32, #tpu.memory_space<vmem>>, vector<16xf32>,
      %get3A_1810 = arith.index_cast %scan3A_1796 : i32 to index
      %get3A_1811 = arith.constant 0 : index
      %get3A_1812 = tpu.vector_load %arg8[%get3A_1810, %get3A_1811] {strides = array<i32>} : memref<128x16xf32, #tpu.memory_space<vmem>>, vector<16xf32>,
      %sub3A = arith.subf %get3A_1809, %get3A_1812 : vector<16xf32>
      %neg3A = arith.constant 0.000000e+00 : f32
      %neg3A_1813 = vector.broadcast %neg3A : f32 to vector<16xf32>
      %neg3A_1814 = arith.subf %neg3A_1813, %sub3A : vector<16xf32>
      %exp3A = math.exp %neg3A_1814 : vector<16xf32>
      %add3A_1815 = arith.constant 1.000000e+00 : f32
      %add3A_1816 = vector.broadcast %add3A_1815 : f32 to vector<16xf32>
      %add3A_1817 = arith.addf %add3A_1816, %exp3A : vector<16xf32>
      %div3A = arith.constant 1.000000e+00 : f32
      %div3A_1818 = vector.broadcast %div3A : f32 to vector<16xf32>
      %div3A_1819 = arith.divf %div3A_1818, %add3A_1817 : vector<16xf32>
      %shift_left3A = arith.constant 12 : i32
      %shift_left3A_1820 = vector.broadcast %shift_left3A : i32 to vector<16xi32>
      %shift_left3A_1821 = arith.shli %get3A_1801, %shift_left3A_1820 : vector<16xi32>
      %add3A_1822 = arith.constant 1 : i32
      %add3A_1823 = vector.broadcast %add3A_1822 : i32 to vector<16xi32>
      %add3A_1824 = arith.addi %shift_left3A_1821, %add3A_1823 : vector<16xi32>
      %convert_element_type3A_1825 = arith.sitofp %add3A_1824 : vector<16xi32> to vector<16xf32>
      tpu.vector_store_idx %arg12[%add3A_1806], %convert_element_type3A_1825 {add = true} : memref<4096xf32, #tpu.memory_space<vmem>>[vector<16xi32>], vector<16xf32>,
      %add3A_1826 = arith.constant 1024 : i32
      %add3A_1827 = vector.broadcast %add3A_1826 : i32 to vector<16xi32>
      %add3A_1828 = arith.addi %add3A_1806, %add3A_1827 : vector<16xi32>
      %exp3A_1829 = math.exp %div3A_1819 : vector<16xf32>
      tpu.vector_store_idx %arg12[%add3A_1828], %exp3A_1829 {add = true} : memref<4096xf32, #tpu.memory_space<vmem>>[vector<16xi32>], vector<16xf32>,
      %add3A_1830 = arith.constant 2048 : i32
      %add3A_1831 = vector.broadcast %add3A_1830 : i32 to vector<16xi32>
      %add3A_1832 = arith.addi %add3A_1806, %add3A_1831 : vector<16xi32>
      %shift_left3A_1833 = arith.constant 10 : i32
      %shift_left3A_1834 = vector.broadcast %shift_left3A_1833 : i32 to vector<16xi32>
      %shift_left3A_1835 = arith.shli %get3A_1801, %shift_left3A_1834 : vector<16xi32>
      %add3A_1836 = arith.addi %add3A_1832, %shift_left3A_1835 : vector<16xi32>
      tpu.vector_store_idx %arg12[%add3A_1836], %div3A_1819 {add = true} : memref<4096xf32, #tpu.memory_space<vmem>>[vector<16xi32>], vector<16xf32>,
    }
    %scan3A_14 = arith.constant 128 : i32
    %barrier3A = arith.constant 0 : index
    tpu.barrier barrier_id(%barrier3A)
    %add3A = arith.constant 0 : i32
    %add3A_15 = vector.broadcast %add3A : i32 to vector<16xi32>
    %add3A_16 = arith.addi %add3A_15, %iota3A : vector<16xi32>
    %broadcast_in_dim3A = arith.constant 0.000000e+00 : f32
    %broadcast_in_dim3A_17 = vector.broadcast %broadcast_in_dim3A : f32 to vector<16xf32>
    %broadcast_in_dim3A_18 = arith.constant 0.000000e+00 : f32
    %broadcast_in_dim3A_19 = vector.broadcast %broadcast_in_dim3A_18 : f32 to vector<16xf32>
    %broadcast_in_dim3A_20 = arith.constant 0.000000e+00 : f32
    %broadcast_in_dim3A_21 = vector.broadcast %broadcast_in_dim3A_20 : f32 to vector<16xf32>
    %broadcast_in_dim3A_22 = arith.constant 0.000000e+00 : f32
    %broadcast_in_dim3A_23 = vector.broadcast %broadcast_in_dim3A_22 : f32 to vector<16xf32>
    %add3A_24 = arith.constant 0 : i32
    %add3A_25 = vector.broadcast %add3A_24 : i32 to vector<16xi32>
    %add3A_26 = arith.addi %add3A_16, %add3A_25 : vector<16xi32>
    %and3A = arith.constant 63 : i32
    %and3A_27 = vector.broadcast %and3A : i32 to vector<16xi32>
    %and3A_28 = arith.andi %add3A_26, %and3A_27 : vector<16xi32>
    %add3A_29 = arith.constant 0 : i32
    %add3A_30 = vector.broadcast %add3A_29 : i32 to vector<16xi32>
    %add3A_31 = arith.addi %add3A_30, %and3A_28 : vector<16xi32>
    %gather3A = tpu.vector_load_idx %arg12[%add3A_31] : memref<4096xf32, #tpu.memory_space<vmem>>[vector<16xi32>], vector<16xf32>,
    %add3A_32 = arith.addf %broadcast_in_dim3A_17, %gather3A : vector<16xf32>
    %add3A_33 = arith.constant 1024 : i32
    %add3A_34 = vector.broadcast %add3A_33 : i32 to vector<16xi32>
    %add3A_35 = arith.addi %add3A_31, %add3A_34 : vector<16xi32>
    %gather3A_36 = tpu.vector_load_idx %arg12[%add3A_35] : memref<4096xf32, #tpu.memory_space<vmem>>[vector<16xi32>], vector<16xf32>,
    %add3A_37 = arith.addf %broadcast_in_dim3A_19, %gather3A_36 : vector<16xf32>
    %add3A_38 = arith.constant 2048 : i32
    %add3A_39 = vector.broadcast %add3A_38 : i32 to vector<16xi32>
    %add3A_40 = arith.addi %add3A_31, %add3A_39 : vector<16xi32>
    %gather3A_41 = tpu.vector_load_idx %arg12[%add3A_40] : memref<4096xf32, #tpu.memory_space<vmem>>[vector<16xi32>], vector<16xf32>,
    %add3A_42 = arith.addf %broadcast_in_dim3A_21, %gather3A_41 : vector<16xf32>
    %add3A_43 = arith.constant 3072 : i32
    %add3A_44 = vector.broadcast %add3A_43 : i32 to vector<16xi32>
    %add3A_45 = arith.addi %add3A_31, %add3A_44 : vector<16xi32>
    %gather3A_46 = tpu.vector_load_idx %arg12[%add3A_45] : memref<4096xf32, #tpu.memory_space<vmem>>[vector<16xi32>], vector<16xf32>,
    %add3A_47 = arith.addf %broadcast_in_dim3A_23, %gather3A_46 : vector<16xf32>
    %add3A_48 = arith.constant 1 : i32
    %add3A_49 = vector.broadcast %add3A_48 : i32 to vector<16xi32>
    %add3A_50 = arith.addi %add3A_16, %add3A_49 : vector<16xi32>
    %and3A_51 = arith.constant 63 : i32
    %and3A_52 = vector.broadcast %and3A_51 : i32 to vector<16xi32>
    %and3A_53 = arith.andi %add3A_50, %and3A_52 : vector<16xi32>
    %add3A_54 = arith.constant 64 : i32
    %add3A_55 = vector.broadcast %add3A_54 : i32 to vector<16xi32>
    %add3A_56 = arith.addi %add3A_55, %and3A_53 : vector<16xi32>
    %gather3A_57 = tpu.vector_load_idx %arg12[%add3A_56] : memref<4096xf32, #tpu.memory_space<vmem>>[vector<16xi32>], vector<16xf32>,
    %add3A_58 = arith.addf %add3A_32, %gather3A_57 : vector<16xf32>
    %add3A_59 = arith.constant 1024 : i32
    %add3A_60 = vector.broadcast %add3A_59 : i32 to vector<16xi32>
    %add3A_61 = arith.addi %add3A_56, %add3A_60 : vector<16xi32>
    %gather3A_62 = tpu.vector_load_idx %arg12[%add3A_61] : memref<4096xf32, #tpu.memory_space<vmem>>[vector<16xi32>], vector<16xf32>,
    %add3A_63 = arith.addf %add3A_37, %gather3A_62 : vector<16xf32>
    %add3A_64 = arith.constant 2048 : i32
    %add3A_65 = vector.broadcast %add3A_64 : i32 to vector<16xi32>
    %add3A_66 = arith.addi %add3A_56, %add3A_65 : vector<16xi32>
    %gather3A_67 = tpu.vector_load_idx %arg12[%add3A_66] : memref<4096xf32, #tpu.memory_space<vmem>>[vector<16xi32>], vector<16xf32>,
    %add3A_68 = arith.addf %add3A_42, %gather3A_67 : vector<16xf32>
    %add3A_69 = arith.constant 3072 : i32
    %add3A_70 = vector.broadcast %add3A_69 : i32 to vector<16xi32>
    %add3A_71 = arith.addi %add3A_56, %add3A_70 : vector<16xi32>
    %gather3A_72 = tpu.vector_load_idx %arg12[%add3A_71] : memref<4096xf32, #tpu.memory_space<vmem>>[vector<16xi32>], vector<16xf32>,
    %add3A_73 = arith.addf %add3A_47, %gather3A_72 : vector<16xf32>
    %add3A_74 = arith.constant 2 : i32
    %add3A_75 = vector.broadcast %add3A_74 : i32 to vector<16xi32>
    %add3A_76 = arith.addi %add3A_16, %add3A_75 : vector<16xi32>
    %and3A_77 = arith.constant 63 : i32
    %and3A_78 = vector.broadcast %and3A_77 : i32 to vector<16xi32>
    %and3A_79 = arith.andi %add3A_76, %and3A_78 : vector<16xi32>
    %add3A_80 = arith.constant 128 : i32
    %add3A_81 = vector.broadcast %add3A_80 : i32 to vector<16xi32>
    %add3A_82 = arith.addi %add3A_81, %and3A_79 : vector<16xi32>
    %gather3A_83 = tpu.vector_load_idx %arg12[%add3A_82] : memref<4096xf32, #tpu.memory_space<vmem>>[vector<16xi32>], vector<16xf32>,
    %add3A_84 = arith.addf %add3A_58, %gather3A_83 : vector<16xf32>
    %add3A_85 = arith.constant 1024 : i32
    %add3A_86 = vector.broadcast %add3A_85 : i32 to vector<16xi32>
    %add3A_87 = arith.addi %add3A_82, %add3A_86 : vector<16xi32>
    %gather3A_88 = tpu.vector_load_idx %arg12[%add3A_87] : memref<4096xf32, #tpu.memory_space<vmem>>[vector<16xi32>], vector<16xf32>,
    %add3A_89 = arith.addf %add3A_63, %gather3A_88 : vector<16xf32>
    %add3A_90 = arith.constant 2048 : i32
    %add3A_91 = vector.broadcast %add3A_90 : i32 to vector<16xi32>
    %add3A_92 = arith.addi %add3A_82, %add3A_91 : vector<16xi32>
    %gather3A_93 = tpu.vector_load_idx %arg12[%add3A_92] : memref<4096xf32, #tpu.memory_space<vmem>>[vector<16xi32>], vector<16xf32>,
    %add3A_94 = arith.addf %add3A_68, %gather3A_93 : vector<16xf32>
    %add3A_95 = arith.constant 3072 : i32
    %add3A_96 = vector.broadcast %add3A_95 : i32 to vector<16xi32>
    %add3A_97 = arith.addi %add3A_82, %add3A_96 : vector<16xi32>
    %gather3A_98 = tpu.vector_load_idx %arg12[%add3A_97] : memref<4096xf32, #tpu.memory_space<vmem>>[vector<16xi32>], vector<16xf32>,
    %add3A_99 = arith.addf %add3A_73, %gather3A_98 : vector<16xf32>
    %add3A_100 = arith.constant 3 : i32
    %add3A_101 = vector.broadcast %add3A_100 : i32 to vector<16xi32>
    %add3A_102 = arith.addi %add3A_16, %add3A_101 : vector<16xi32>
    %and3A_103 = arith.constant 63 : i32
    %and3A_104 = vector.broadcast %and3A_103 : i32 to vector<16xi32>
    %and3A_105 = arith.andi %add3A_102, %and3A_104 : vector<16xi32>
    %add3A_106 = arith.constant 192 : i32
    %add3A_107 = vector.broadcast %add3A_106 : i32 to vector<16xi32>
    %add3A_108 = arith.addi %add3A_107, %and3A_105 : vector<16xi32>
    %gather3A_109 = tpu.vector_load_idx %arg12[%add3A_108] : memref<4096xf32, #tpu.memory_space<vmem>>[vector<16xi32>], vector<16xf32>,
    %add3A_110 = arith.addf %add3A_84, %gather3A_109 : vector<16xf32>
    %add3A_111 = arith.constant 1024 : i32
    %add3A_112 = vector.broadcast %add3A_111 : i32 to vector<16xi32>
    %add3A_113 = arith.addi %add3A_108, %add3A_112 : vector<16xi32>
    %gather3A_114 = tpu.vector_load_idx %arg12[%add3A_113] : memref<4096xf32, #tpu.memory_space<vmem>>[vector<16xi32>], vector<16xf32>,
    %add3A_115 = arith.addf %add3A_89, %gather3A_114 : vector<16xf32>
    %add3A_116 = arith.constant 2048 : i32
    %add3A_117 = vector.broadcast %add3A_116 : i32 to vector<16xi32>
    %add3A_118 = arith.addi %add3A_108, %add3A_117 : vector<16xi32>
    %gather3A_119 = tpu.vector_load_idx %arg12[%add3A_118] : memref<4096xf32, #tpu.memory_space<vmem>>[vector<16xi32>], vector<16xf32>,
    %add3A_120 = arith.addf %add3A_94, %gather3A_119 : vector<16xf32>
    %add3A_121 = arith.constant 3072 : i32
    %add3A_122 = vector.broadcast %add3A_121 : i32 to vector<16xi32>
    %add3A_123 = arith.addi %add3A_108, %add3A_122 : vector<16xi32>
    %gather3A_124 = tpu.vector_load_idx %arg12[%add3A_123] : memref<4096xf32, #tpu.memory_space<vmem>>[vector<16xi32>], vector<16xf32>,
    %add3A_125 = arith.addf %add3A_99, %gather3A_124 : vector<16xf32>
    %add3A_126 = arith.constant 4 : i32
    %add3A_127 = vector.broadcast %add3A_126 : i32 to vector<16xi32>
    %add3A_128 = arith.addi %add3A_16, %add3A_127 : vector<16xi32>
    %and3A_129 = arith.constant 63 : i32
    %and3A_130 = vector.broadcast %and3A_129 : i32 to vector<16xi32>
    %and3A_131 = arith.andi %add3A_128, %and3A_130 : vector<16xi32>
    %add3A_132 = arith.constant 256 : i32
    %add3A_133 = vector.broadcast %add3A_132 : i32 to vector<16xi32>
    %add3A_134 = arith.addi %add3A_133, %and3A_131 : vector<16xi32>
    %gather3A_135 = tpu.vector_load_idx %arg12[%add3A_134] : memref<4096xf32, #tpu.memory_space<vmem>>[vector<16xi32>], vector<16xf32>,
    %add3A_136 = arith.addf %add3A_110, %gather3A_135 : vector<16xf32>
    %add3A_137 = arith.constant 1024 : i32
    %add3A_138 = vector.broadcast %add3A_137 : i32 to vector<16xi32>
    %add3A_139 = arith.addi %add3A_134, %add3A_138 : vector<16xi32>
    %gather3A_140 = tpu.vector_load_idx %arg12[%add3A_139] : memref<4096xf32, #tpu.memory_space<vmem>>[vector<16xi32>], vector<16xf32>,
    %add3A_141 = arith.addf %add3A_115, %gather3A_140 : vector<16xf32>
    %add3A_142 = arith.constant 2048 : i32
    %add3A_143 = vector.broadcast %add3A_142 : i32 to vector<16xi32>
    %add3A_144 = arith.addi %add3A_134, %add3A_143 : vector<16xi32>
    %gather3A_145 = tpu.vector_load_idx %arg12[%add3A_144] : memref<4096xf32, #tpu.memory_space<vmem>>[vector<16xi32>], vector<16xf32>,
    %add3A_146 = arith.addf %add3A_120, %gather3A_145 : vector<16xf32>
    %add3A_147 = arith.constant 3072 : i32
    %add3A_148 = vector.broadcast %add3A_147 : i32 to vector<16xi32>
    %add3A_149 = arith.addi %add3A_134, %add3A_148 : vector<16xi32>
    %gather3A_150 = tpu.vector_load_idx %arg12[%add3A_149] : memref<4096xf32, #tpu.memory_space<vmem>>[vector<16xi32>], vector<16xf32>,
    %add3A_151 = arith.addf %add3A_125, %gather3A_150 : vector<16xf32>
    %add3A_152 = arith.constant 5 : i32
    %add3A_153 = vector.broadcast %add3A_152 : i32 to vector<16xi32>
    %add3A_154 = arith.addi %add3A_16, %add3A_153 : vector<16xi32>
    %and3A_155 = arith.constant 63 : i32
    %and3A_156 = vector.broadcast %and3A_155 : i32 to vector<16xi32>
    %and3A_157 = arith.andi %add3A_154, %and3A_156 : vector<16xi32>
    %add3A_158 = arith.constant 320 : i32
    %add3A_159 = vector.broadcast %add3A_158 : i32 to vector<16xi32>
    %add3A_160 = arith.addi %add3A_159, %and3A_157 : vector<16xi32>
    %gather3A_161 = tpu.vector_load_idx %arg12[%add3A_160] : memref<4096xf32, #tpu.memory_space<vmem>>[vector<16xi32>], vector<16xf32>,
    %add3A_162 = arith.addf %add3A_136, %gather3A_161 : vector<16xf32>
    %add3A_163 = arith.constant 1024 : i32
    %add3A_164 = vector.broadcast %add3A_163 : i32 to vector<16xi32>
    %add3A_165 = arith.addi %add3A_160, %add3A_164 : vector<16xi32>
    %gather3A_166 = tpu.vector_load_idx %arg12[%add3A_165] : memref<4096xf32, #tpu.memory_space<vmem>>[vector<16xi32>], vector<16xf32>,
    %add3A_167 = arith.addf %add3A_141, %gather3A_166 : vector<16xf32>
    %add3A_168 = arith.constant 2048 : i32
    %add3A_169 = vector.broadcast %add3A_168 : i32 to vector<16xi32>
    %add3A_170 = arith.addi %add3A_160, %add3A_169 : vector<16xi32>
    %gather3A_171 = tpu.vector_load_idx %arg12[%add3A_170] : memref<4096xf32, #tpu.memory_space<vmem>>[vector<16xi32>], vector<16xf32>,
    %add3A_172 = arith.addf %add3A_146, %gather3A_171 : vector<16xf32>
    %add3A_173 = arith.constant 3072 : i32
    %add3A_174 = vector.broadcast %add3A_173 : i32 to vector<16xi32>
    %add3A_175 = arith.addi %add3A_160, %add3A_174 : vector<16xi32>
    %gather3A_176 = tpu.vector_load_idx %arg12[%add3A_175] : memref<4096xf32, #tpu.memory_space<vmem>>[vector<16xi32>], vector<16xf32>,
    %add3A_177 = arith.addf %add3A_151, %gather3A_176 : vector<16xf32>
    %add3A_178 = arith.constant 6 : i32
    %add3A_179 = vector.broadcast %add3A_178 : i32 to vector<16xi32>
    %add3A_180 = arith.addi %add3A_16, %add3A_179 : vector<16xi32>
    %and3A_181 = arith.constant 63 : i32
    %and3A_182 = vector.broadcast %and3A_181 : i32 to vector<16xi32>
    %and3A_183 = arith.andi %add3A_180, %and3A_182 : vector<16xi32>
    %add3A_184 = arith.constant 384 : i32
    %add3A_185 = vector.broadcast %add3A_184 : i32 to vector<16xi32>
    %add3A_186 = arith.addi %add3A_185, %and3A_183 : vector<16xi32>
    %gather3A_187 = tpu.vector_load_idx %arg12[%add3A_186] : memref<4096xf32, #tpu.memory_space<vmem>>[vector<16xi32>], vector<16xf32>,
    %add3A_188 = arith.addf %add3A_162, %gather3A_187 : vector<16xf32>
    %add3A_189 = arith.constant 1024 : i32
    %add3A_190 = vector.broadcast %add3A_189 : i32 to vector<16xi32>
    %add3A_191 = arith.addi %add3A_186, %add3A_190 : vector<16xi32>
    %gather3A_192 = tpu.vector_load_idx %arg12[%add3A_191] : memref<4096xf32, #tpu.memory_space<vmem>>[vector<16xi32>], vector<16xf32>,
    %add3A_193 = arith.addf %add3A_167, %gather3A_192 : vector<16xf32>
    %add3A_194 = arith.constant 2048 : i32
    %add3A_195 = vector.broadcast %add3A_194 : i32 to vector<16xi32>
    %add3A_196 = arith.addi %add3A_186, %add3A_195 : vector<16xi32>
    %gather3A_197 = tpu.vector_load_idx %arg12[%add3A_196] : memref<4096xf32, #tpu.memory_space<vmem>>[vector<16xi32>], vector<16xf32>,
    %add3A_198 = arith.addf %add3A_172, %gather3A_197 : vector<16xf32>
    %add3A_199 = arith.constant 3072 : i32
    %add3A_200 = vector.broadcast %add3A_199 : i32 to vector<16xi32>
    %add3A_201 = arith.addi %add3A_186, %add3A_200 : vector<16xi32>
    %gather3A_202 = tpu.vector_load_idx %arg12[%add3A_201] : memref<4096xf32, #tpu.memory_space<vmem>>[vector<16xi32>], vector<16xf32>,
    %add3A_203 = arith.addf %add3A_177, %gather3A_202 : vector<16xf32>
    %add3A_204 = arith.constant 7 : i32
    %add3A_205 = vector.broadcast %add3A_204 : i32 to vector<16xi32>
    %add3A_206 = arith.addi %add3A_16, %add3A_205 : vector<16xi32>
    %and3A_207 = arith.constant 63 : i32
    %and3A_208 = vector.broadcast %and3A_207 : i32 to vector<16xi32>
    %and3A_209 = arith.andi %add3A_206, %and3A_208 : vector<16xi32>
    %add3A_210 = arith.constant 448 : i32
    %add3A_211 = vector.broadcast %add3A_210 : i32 to vector<16xi32>
    %add3A_212 = arith.addi %add3A_211, %and3A_209 : vector<16xi32>
    %gather3A_213 = tpu.vector_load_idx %arg12[%add3A_212] : memref<4096xf32, #tpu.memory_space<vmem>>[vector<16xi32>], vector<16xf32>,
    %add3A_214 = arith.addf %add3A_188, %gather3A_213 : vector<16xf32>
    %add3A_215 = arith.constant 1024 : i32
    %add3A_216 = vector.broadcast %add3A_215 : i32 to vector<16xi32>
    %add3A_217 = arith.addi %add3A_212, %add3A_216 : vector<16xi32>
    %gather3A_218 = tpu.vector_load_idx %arg12[%add3A_217] : memref<4096xf32, #tpu.memory_space<vmem>>[vector<16xi32>], vector<16xf32>,
    %add3A_219 = arith.addf %add3A_193, %gather3A_218 : vector<16xf32>
    %add3A_220 = arith.constant 2048 : i32
    %add3A_221 = vector.broadcast %add3A_220 : i32 to vector<16xi32>
    %add3A_222 = arith.addi %add3A_212, %add3A_221 : vector<16xi32>
    %gather3A_223 = tpu.vector_load_idx %arg12[%add3A_222] : memref<4096xf32, #tpu.memory_space<vmem>>[vector<16xi32>], vector<16xf32>,
    %add3A_224 = arith.addf %add3A_198, %gather3A_223 : vector<16xf32>
    %add3A_225 = arith.constant 3072 : i32
    %add3A_226 = vector.broadcast %add3A_225 : i32 to vector<16xi32>
    %add3A_227 = arith.addi %add3A_212, %add3A_226 : vector<16xi32>
    %gather3A_228 = tpu.vector_load_idx %arg12[%add3A_227] : memref<4096xf32, #tpu.memory_space<vmem>>[vector<16xi32>], vector<16xf32>,
    %add3A_229 = arith.addf %add3A_203, %gather3A_228 : vector<16xf32>
    %add3A_230 = arith.constant 8 : i32
    %add3A_231 = vector.broadcast %add3A_230 : i32 to vector<16xi32>
    %add3A_232 = arith.addi %add3A_16, %add3A_231 : vector<16xi32>
    %and3A_233 = arith.constant 63 : i32
    %and3A_234 = vector.broadcast %and3A_233 : i32 to vector<16xi32>
    %and3A_235 = arith.andi %add3A_232, %and3A_234 : vector<16xi32>
    %add3A_236 = arith.constant 512 : i32
    %add3A_237 = vector.broadcast %add3A_236 : i32 to vector<16xi32>
    %add3A_238 = arith.addi %add3A_237, %and3A_235 : vector<16xi32>
    %gather3A_239 = tpu.vector_load_idx %arg12[%add3A_238] : memref<4096xf32, #tpu.memory_space<vmem>>[vector<16xi32>], vector<16xf32>,
    %add3A_240 = arith.addf %add3A_214, %gather3A_239 : vector<16xf32>
    %add3A_241 = arith.constant 1024 : i32
    %add3A_242 = vector.broadcast %add3A_241 : i32 to vector<16xi32>
    %add3A_243 = arith.addi %add3A_238, %add3A_242 : vector<16xi32>
    %gather3A_244 = tpu.vector_load_idx %arg12[%add3A_243] : memref<4096xf32, #tpu.memory_space<vmem>>[vector<16xi32>], vector<16xf32>,
    %add3A_245 = arith.addf %add3A_219, %gather3A_244 : vector<16xf32>
    %add3A_246 = arith.constant 2048 : i32
    %add3A_247 = vector.broadcast %add3A_246 : i32 to vector<16xi32>
    %add3A_248 = arith.addi %add3A_238, %add3A_247 : vector<16xi32>
    %gather3A_249 = tpu.vector_load_idx %arg12[%add3A_248] : memref<4096xf32, #tpu.memory_space<vmem>>[vector<16xi32>], vector<16xf32>,
    %add3A_250 = arith.addf %add3A_224, %gather3A_249 : vector<16xf32>
    %add3A_251 = arith.constant 3072 : i32
    %add3A_252 = vector.broadcast %add3A_251 : i32 to vector<16xi32>
    %add3A_253 = arith.addi %add3A_238, %add3A_252 : vector<16xi32>
    %gather3A_254 = tpu.vector_load_idx %arg12[%add3A_253] : memref<4096xf32, #tpu.memory_space<vmem>>[vector<16xi32>], vector<16xf32>,
    %add3A_255 = arith.addf %add3A_229, %gather3A_254 : vector<16xf32>
    %add3A_256 = arith.constant 9 : i32
    %add3A_257 = vector.broadcast %add3A_256 : i32 to vector<16xi32>
    %add3A_258 = arith.addi %add3A_16, %add3A_257 : vector<16xi32>
    %and3A_259 = arith.constant 63 : i32
    %and3A_260 = vector.broadcast %and3A_259 : i32 to vector<16xi32>
    %and3A_261 = arith.andi %add3A_258, %and3A_260 : vector<16xi32>
    %add3A_262 = arith.constant 576 : i32
    %add3A_263 = vector.broadcast %add3A_262 : i32 to vector<16xi32>
    %add3A_264 = arith.addi %add3A_263, %and3A_261 : vector<16xi32>
    %gather3A_265 = tpu.vector_load_idx %arg12[%add3A_264] : memref<4096xf32, #tpu.memory_space<vmem>>[vector<16xi32>], vector<16xf32>,
    %add3A_266 = arith.addf %add3A_240, %gather3A_265 : vector<16xf32>
    %add3A_267 = arith.constant 1024 : i32
    %add3A_268 = vector.broadcast %add3A_267 : i32 to vector<16xi32>
    %add3A_269 = arith.addi %add3A_264, %add3A_268 : vector<16xi32>
    %gather3A_270 = tpu.vector_load_idx %arg12[%add3A_269] : memref<4096xf32, #tpu.memory_space<vmem>>[vector<16xi32>], vector<16xf32>,
    %add3A_271 = arith.addf %add3A_245, %gather3A_270 : vector<16xf32>
    %add3A_272 = arith.constant 2048 : i32
    %add3A_273 = vector.broadcast %add3A_272 : i32 to vector<16xi32>
    %add3A_274 = arith.addi %add3A_264, %add3A_273 : vector<16xi32>
    %gather3A_275 = tpu.vector_load_idx %arg12[%add3A_274] : memref<4096xf32, #tpu.memory_space<vmem>>[vector<16xi32>], vector<16xf32>,
    %add3A_276 = arith.addf %add3A_250, %gather3A_275 : vector<16xf32>
    %add3A_277 = arith.constant 3072 : i32
    %add3A_278 = vector.broadcast %add3A_277 : i32 to vector<16xi32>
    %add3A_279 = arith.addi %add3A_264, %add3A_278 : vector<16xi32>
    %gather3A_280 = tpu.vector_load_idx %arg12[%add3A_279] : memref<4096xf32, #tpu.memory_space<vmem>>[vector<16xi32>], vector<16xf32>,
    %add3A_281 = arith.addf %add3A_255, %gather3A_280 : vector<16xf32>
    %add3A_282 = arith.constant 10 : i32
    %add3A_283 = vector.broadcast %add3A_282 : i32 to vector<16xi32>
    %add3A_284 = arith.addi %add3A_16, %add3A_283 : vector<16xi32>
    %and3A_285 = arith.constant 63 : i32
    %and3A_286 = vector.broadcast %and3A_285 : i32 to vector<16xi32>
    %and3A_287 = arith.andi %add3A_284, %and3A_286 : vector<16xi32>
    %add3A_288 = arith.constant 640 : i32
    %add3A_289 = vector.broadcast %add3A_288 : i32 to vector<16xi32>
    %add3A_290 = arith.addi %add3A_289, %and3A_287 : vector<16xi32>
    %gather3A_291 = tpu.vector_load_idx %arg12[%add3A_290] : memref<4096xf32, #tpu.memory_space<vmem>>[vector<16xi32>], vector<16xf32>,
    %add3A_292 = arith.addf %add3A_266, %gather3A_291 : vector<16xf32>
    %add3A_293 = arith.constant 1024 : i32
    %add3A_294 = vector.broadcast %add3A_293 : i32 to vector<16xi32>
    %add3A_295 = arith.addi %add3A_290, %add3A_294 : vector<16xi32>
    %gather3A_296 = tpu.vector_load_idx %arg12[%add3A_295] : memref<4096xf32, #tpu.memory_space<vmem>>[vector<16xi32>], vector<16xf32>,
    %add3A_297 = arith.addf %add3A_271, %gather3A_296 : vector<16xf32>
    %add3A_298 = arith.constant 2048 : i32
    %add3A_299 = vector.broadcast %add3A_298 : i32 to vector<16xi32>
    %add3A_300 = arith.addi %add3A_290, %add3A_299 : vector<16xi32>
    %gather3A_301 = tpu.vector_load_idx %arg12[%add3A_300] : memref<4096xf32, #tpu.memory_space<vmem>>[vector<16xi32>], vector<16xf32>,
    %add3A_302 = arith.addf %add3A_276, %gather3A_301 : vector<16xf32>
    %add3A_303 = arith.constant 3072 : i32
    %add3A_304 = vector.broadcast %add3A_303 : i32 to vector<16xi32>
    %add3A_305 = arith.addi %add3A_290, %add3A_304 : vector<16xi32>
    %gather3A_306 = tpu.vector_load_idx %arg12[%add3A_305] : memref<4096xf32, #tpu.memory_space<vmem>>[vector<16xi32>], vector<16xf32>,
    %add3A_307 = arith.addf %add3A_281, %gather3A_306 : vector<16xf32>
    %add3A_308 = arith.constant 11 : i32
    %add3A_309 = vector.broadcast %add3A_308 : i32 to vector<16xi32>
    %add3A_310 = arith.addi %add3A_16, %add3A_309 : vector<16xi32>
    %and3A_311 = arith.constant 63 : i32
    %and3A_312 = vector.broadcast %and3A_311 : i32 to vector<16xi32>
    %and3A_313 = arith.andi %add3A_310, %and3A_312 : vector<16xi32>
    %add3A_314 = arith.constant 704 : i32
    %add3A_315 = vector.broadcast %add3A_314 : i32 to vector<16xi32>
    %add3A_316 = arith.addi %add3A_315, %and3A_313 : vector<16xi32>
    %gather3A_317 = tpu.vector_load_idx %arg12[%add3A_316] : memref<4096xf32, #tpu.memory_space<vmem>>[vector<16xi32>], vector<16xf32>,
    %add3A_318 = arith.addf %add3A_292, %gather3A_317 : vector<16xf32>
    %add3A_319 = arith.constant 1024 : i32
    %add3A_320 = vector.broadcast %add3A_319 : i32 to vector<16xi32>
    %add3A_321 = arith.addi %add3A_316, %add3A_320 : vector<16xi32>
    %gather3A_322 = tpu.vector_load_idx %arg12[%add3A_321] : memref<4096xf32, #tpu.memory_space<vmem>>[vector<16xi32>], vector<16xf32>,
    %add3A_323 = arith.addf %add3A_297, %gather3A_322 : vector<16xf32>
    %add3A_324 = arith.constant 2048 : i32
    %add3A_325 = vector.broadcast %add3A_324 : i32 to vector<16xi32>
    %add3A_326 = arith.addi %add3A_316, %add3A_325 : vector<16xi32>
    %gather3A_327 = tpu.vector_load_idx %arg12[%add3A_326] : memref<4096xf32, #tpu.memory_space<vmem>>[vector<16xi32>], vector<16xf32>,
    %add3A_328 = arith.addf %add3A_302, %gather3A_327 : vector<16xf32>
    %add3A_329 = arith.constant 3072 : i32
    %add3A_330 = vector.broadcast %add3A_329 : i32 to vector<16xi32>
    %add3A_331 = arith.addi %add3A_316, %add3A_330 : vector<16xi32>
    %gather3A_332 = tpu.vector_load_idx %arg12[%add3A_331] : memref<4096xf32, #tpu.memory_space<vmem>>[vector<16xi32>], vector<16xf32>,
    %add3A_333 = arith.addf %add3A_307, %gather3A_332 : vector<16xf32>
    %add3A_334 = arith.constant 12 : i32
    %add3A_335 = vector.broadcast %add3A_334 : i32 to vector<16xi32>
    %add3A_336 = arith.addi %add3A_16, %add3A_335 : vector<16xi32>
    %and3A_337 = arith.constant 63 : i32
    %and3A_338 = vector.broadcast %and3A_337 : i32 to vector<16xi32>
    %and3A_339 = arith.andi %add3A_336, %and3A_338 : vector<16xi32>
    %add3A_340 = arith.constant 768 : i32
    %add3A_341 = vector.broadcast %add3A_340 : i32 to vector<16xi32>
    %add3A_342 = arith.addi %add3A_341, %and3A_339 : vector<16xi32>
    %gather3A_343 = tpu.vector_load_idx %arg12[%add3A_342] : memref<4096xf32, #tpu.memory_space<vmem>>[vector<16xi32>], vector<16xf32>,
    %add3A_344 = arith.addf %add3A_318, %gather3A_343 : vector<16xf32>
    %add3A_345 = arith.constant 1024 : i32
    %add3A_346 = vector.broadcast %add3A_345 : i32 to vector<16xi32>
    %add3A_347 = arith.addi %add3A_342, %add3A_346 : vector<16xi32>
    %gather3A_348 = tpu.vector_load_idx %arg12[%add3A_347] : memref<4096xf32, #tpu.memory_space<vmem>>[vector<16xi32>], vector<16xf32>,
    %add3A_349 = arith.addf %add3A_323, %gather3A_348 : vector<16xf32>
    %add3A_350 = arith.constant 2048 : i32
    %add3A_351 = vector.broadcast %add3A_350 : i32 to vector<16xi32>
    %add3A_352 = arith.addi %add3A_342, %add3A_351 : vector<16xi32>
    %gather3A_353 = tpu.vector_load_idx %arg12[%add3A_352] : memref<4096xf32, #tpu.memory_space<vmem>>[vector<16xi32>], vector<16xf32>,
    %add3A_354 = arith.addf %add3A_328, %gather3A_353 : vector<16xf32>
    %add3A_355 = arith.constant 3072 : i32
    %add3A_356 = vector.broadcast %add3A_355 : i32 to vector<16xi32>
    %add3A_357 = arith.addi %add3A_342, %add3A_356 : vector<16xi32>
    %gather3A_358 = tpu.vector_load_idx %arg12[%add3A_357] : memref<4096xf32, #tpu.memory_space<vmem>>[vector<16xi32>], vector<16xf32>,
    %add3A_359 = arith.addf %add3A_333, %gather3A_358 : vector<16xf32>
    %add3A_360 = arith.constant 13 : i32
    %add3A_361 = vector.broadcast %add3A_360 : i32 to vector<16xi32>
    %add3A_362 = arith.addi %add3A_16, %add3A_361 : vector<16xi32>
    %and3A_363 = arith.constant 63 : i32
    %and3A_364 = vector.broadcast %and3A_363 : i32 to vector<16xi32>
    %and3A_365 = arith.andi %add3A_362, %and3A_364 : vector<16xi32>
    %add3A_366 = arith.constant 832 : i32
    %add3A_367 = vector.broadcast %add3A_366 : i32 to vector<16xi32>
    %add3A_368 = arith.addi %add3A_367, %and3A_365 : vector<16xi32>
    %gather3A_369 = tpu.vector_load_idx %arg12[%add3A_368] : memref<4096xf32, #tpu.memory_space<vmem>>[vector<16xi32>], vector<16xf32>,
    %add3A_370 = arith.addf %add3A_344, %gather3A_369 : vector<16xf32>
    %add3A_371 = arith.constant 1024 : i32
    %add3A_372 = vector.broadcast %add3A_371 : i32 to vector<16xi32>
    %add3A_373 = arith.addi %add3A_368, %add3A_372 : vector<16xi32>
    %gather3A_374 = tpu.vector_load_idx %arg12[%add3A_373] : memref<4096xf32, #tpu.memory_space<vmem>>[vector<16xi32>], vector<16xf32>,
    %add3A_375 = arith.addf %add3A_349, %gather3A_374 : vector<16xf32>
    %add3A_376 = arith.constant 2048 : i32
    %add3A_377 = vector.broadcast %add3A_376 : i32 to vector<16xi32>
    %add3A_378 = arith.addi %add3A_368, %add3A_377 : vector<16xi32>
    %gather3A_379 = tpu.vector_load_idx %arg12[%add3A_378] : memref<4096xf32, #tpu.memory_space<vmem>>[vector<16xi32>], vector<16xf32>,
    %add3A_380 = arith.addf %add3A_354, %gather3A_379 : vector<16xf32>
    %add3A_381 = arith.constant 3072 : i32
    %add3A_382 = vector.broadcast %add3A_381 : i32 to vector<16xi32>
    %add3A_383 = arith.addi %add3A_368, %add3A_382 : vector<16xi32>
    %gather3A_384 = tpu.vector_load_idx %arg12[%add3A_383] : memref<4096xf32, #tpu.memory_space<vmem>>[vector<16xi32>], vector<16xf32>,
    %add3A_385 = arith.addf %add3A_359, %gather3A_384 : vector<16xf32>
    %add3A_386 = arith.constant 14 : i32
    %add3A_387 = vector.broadcast %add3A_386 : i32 to vector<16xi32>
    %add3A_388 = arith.addi %add3A_16, %add3A_387 : vector<16xi32>
    %and3A_389 = arith.constant 63 : i32
    %and3A_390 = vector.broadcast %and3A_389 : i32 to vector<16xi32>
    %and3A_391 = arith.andi %add3A_388, %and3A_390 : vector<16xi32>
    %add3A_392 = arith.constant 896 : i32
    %add3A_393 = vector.broadcast %add3A_392 : i32 to vector<16xi32>
    %add3A_394 = arith.addi %add3A_393, %and3A_391 : vector<16xi32>
    %gather3A_395 = tpu.vector_load_idx %arg12[%add3A_394] : memref<4096xf32, #tpu.memory_space<vmem>>[vector<16xi32>], vector<16xf32>,
    %add3A_396 = arith.addf %add3A_370, %gather3A_395 : vector<16xf32>
    %add3A_397 = arith.constant 1024 : i32
    %add3A_398 = vector.broadcast %add3A_397 : i32 to vector<16xi32>
    %add3A_399 = arith.addi %add3A_394, %add3A_398 : vector<16xi32>
    %gather3A_400 = tpu.vector_load_idx %arg12[%add3A_399] : memref<4096xf32, #tpu.memory_space<vmem>>[vector<16xi32>], vector<16xf32>,
    %add3A_401 = arith.addf %add3A_375, %gather3A_400 : vector<16xf32>
    %add3A_402 = arith.constant 2048 : i32
    %add3A_403 = vector.broadcast %add3A_402 : i32 to vector<16xi32>
    %add3A_404 = arith.addi %add3A_394, %add3A_403 : vector<16xi32>
    %gather3A_405 = tpu.vector_load_idx %arg12[%add3A_404] : memref<4096xf32, #tpu.memory_space<vmem>>[vector<16xi32>], vector<16xf32>,
    %add3A_406 = arith.addf %add3A_380, %gather3A_405 : vector<16xf32>
    %add3A_407 = arith.constant 3072 : i32
    %add3A_408 = vector.broadcast %add3A_407 : i32 to vector<16xi32>
    %add3A_409 = arith.addi %add3A_394, %add3A_408 : vector<16xi32>
    %gather3A_410 = tpu.vector_load_idx %arg12[%add3A_409] : memref<4096xf32, #tpu.memory_space<vmem>>[vector<16xi32>], vector<16xf32>,
    %add3A_411 = arith.addf %add3A_385, %gather3A_410 : vector<16xf32>
    %add3A_412 = arith.constant 15 : i32
    %add3A_413 = vector.broadcast %add3A_412 : i32 to vector<16xi32>
    %add3A_414 = arith.addi %add3A_16, %add3A_413 : vector<16xi32>
    %and3A_415 = arith.constant 63 : i32
    %and3A_416 = vector.broadcast %and3A_415 : i32 to vector<16xi32>
    %and3A_417 = arith.andi %add3A_414, %and3A_416 : vector<16xi32>
    %add3A_418 = arith.constant 960 : i32
    %add3A_419 = vector.broadcast %add3A_418 : i32 to vector<16xi32>
    %add3A_420 = arith.addi %add3A_419, %and3A_417 : vector<16xi32>
    %gather3A_421 = tpu.vector_load_idx %arg12[%add3A_420] : memref<4096xf32, #tpu.memory_space<vmem>>[vector<16xi32>], vector<16xf32>,
    %add3A_422 = arith.addf %add3A_396, %gather3A_421 : vector<16xf32>
    %add3A_423 = arith.constant 1024 : i32
    %add3A_424 = vector.broadcast %add3A_423 : i32 to vector<16xi32>
    %add3A_425 = arith.addi %add3A_420, %add3A_424 : vector<16xi32>
    %gather3A_426 = tpu.vector_load_idx %arg12[%add3A_425] : memref<4096xf32, #tpu.memory_space<vmem>>[vector<16xi32>], vector<16xf32>,
    %add3A_427 = arith.addf %add3A_401, %gather3A_426 : vector<16xf32>
    %add3A_428 = arith.constant 2048 : i32
    %add3A_429 = vector.broadcast %add3A_428 : i32 to vector<16xi32>
    %add3A_430 = arith.addi %add3A_420, %add3A_429 : vector<16xi32>
    %gather3A_431 = tpu.vector_load_idx %arg12[%add3A_430] : memref<4096xf32, #tpu.memory_space<vmem>>[vector<16xi32>], vector<16xf32>,
    %add3A_432 = arith.addf %add3A_406, %gather3A_431 : vector<16xf32>
    %add3A_433 = arith.constant 3072 : i32
    %add3A_434 = vector.broadcast %add3A_433 : i32 to vector<16xi32>
    %add3A_435 = arith.addi %add3A_420, %add3A_434 : vector<16xi32>
    %gather3A_436 = tpu.vector_load_idx %arg12[%add3A_435] : memref<4096xf32, #tpu.memory_space<vmem>>[vector<16xi32>], vector<16xf32>,
    %add3A_437 = arith.addf %add3A_411, %gather3A_436 : vector<16xf32>
    %convert_element_type3A = arith.fptosi %add3A_422 : vector<16xf32> to vector<16xi32>
    %and3A_438 = arith.constant 4095 : i32
    %and3A_439 = vector.broadcast %and3A_438 : i32 to vector<16xi32>
    %and3A_440 = arith.andi %convert_element_type3A, %and3A_439 : vector<16xi32>
    %convert_element_type3A_441 = arith.sitofp %and3A_440 : vector<16xi32> to vector<16xf32>
    %swap3A = arith.constant 0 : index
    %swap3A_442 = tpu.vector_load %arg13[%swap3A] {strides = array<i32>} : memref<384xf32, #tpu.memory_space<vmem>>, vector<16xf32>,
    tpu.vector_store %arg13[%swap3A], %convert_element_type3A_441 {strides = array<i32>} : memref<384xf32, #tpu.memory_space<vmem>>, vector<16xf32>,
    %shift_right_arithmetic3A = arith.constant 12 : i32
    %shift_right_arithmetic3A_443 = vector.broadcast %shift_right_arithmetic3A : i32 to vector<16xi32>
    %shift_right_arithmetic3A_444 = arith.shrsi %convert_element_type3A, %shift_right_arithmetic3A_443 : vector<16xi32>
    %convert_element_type3A_445 = arith.sitofp %shift_right_arithmetic3A_444 : vector<16xi32> to vector<16xf32>
    %swap3A_446 = arith.constant 64 : index
    %swap3A_447 = tpu.vector_load %arg13[%swap3A_446] {strides = array<i32>} : memref<384xf32, #tpu.memory_space<vmem>>, vector<16xf32>,
    tpu.vector_store %arg13[%swap3A_446], %convert_element_type3A_445 {strides = array<i32>} : memref<384xf32, #tpu.memory_space<vmem>>, vector<16xf32>,
    %swap3A_448 = arith.constant 128 : index
    %swap3A_449 = tpu.vector_load %arg13[%swap3A_448] {strides = array<i32>} : memref<384xf32, #tpu.memory_space<vmem>>, vector<16xf32>,
    tpu.vector_store %arg13[%swap3A_448], %add3A_427 {strides = array<i32>} : memref<384xf32, #tpu.memory_space<vmem>>, vector<16xf32>,
    %swap3A_450 = arith.constant 192 : index
    %swap3A_451 = tpu.vector_load %arg13[%swap3A_450] {strides = array<i32>} : memref<384xf32, #tpu.memory_space<vmem>>, vector<16xf32>,
    tpu.vector_store %arg13[%swap3A_450], %add3A_432 {strides = array<i32>} : memref<384xf32, #tpu.memory_space<vmem>>, vector<16xf32>,
    %swap3A_452 = arith.constant 256 : index
    %swap3A_453 = tpu.vector_load %arg13[%swap3A_452] {strides = array<i32>} : memref<384xf32, #tpu.memory_space<vmem>>, vector<16xf32>,
    tpu.vector_store %arg13[%swap3A_452], %add3A_437 {strides = array<i32>} : memref<384xf32, #tpu.memory_space<vmem>>, vector<16xf32>,
    %add3A_454 = arith.constant 16 : i32
    %add3A_455 = vector.broadcast %add3A_454 : i32 to vector<16xi32>
    %add3A_456 = arith.addi %add3A_455, %iota3A : vector<16xi32>
    %broadcast_in_dim3A_457 = arith.constant 0.000000e+00 : f32
    %broadcast_in_dim3A_458 = vector.broadcast %broadcast_in_dim3A_457 : f32 to vector<16xf32>
    %broadcast_in_dim3A_459 = arith.constant 0.000000e+00 : f32
    %broadcast_in_dim3A_460 = vector.broadcast %broadcast_in_dim3A_459 : f32 to vector<16xf32>
    %broadcast_in_dim3A_461 = arith.constant 0.000000e+00 : f32
    %broadcast_in_dim3A_462 = vector.broadcast %broadcast_in_dim3A_461 : f32 to vector<16xf32>
    %broadcast_in_dim3A_463 = arith.constant 0.000000e+00 : f32
    %broadcast_in_dim3A_464 = vector.broadcast %broadcast_in_dim3A_463 : f32 to vector<16xf32>
    %add3A_465 = arith.constant 0 : i32
    %add3A_466 = vector.broadcast %add3A_465 : i32 to vector<16xi32>
    %add3A_467 = arith.addi %add3A_456, %add3A_466 : vector<16xi32>
    %and3A_468 = arith.constant 63 : i32
    %and3A_469 = vector.broadcast %and3A_468 : i32 to vector<16xi32>
    %and3A_470 = arith.andi %add3A_467, %and3A_469 : vector<16xi32>
    %add3A_471 = arith.constant 0 : i32
    %add3A_472 = vector.broadcast %add3A_471 : i32 to vector<16xi32>
    %add3A_473 = arith.addi %add3A_472, %and3A_470 : vector<16xi32>
    %gather3A_474 = tpu.vector_load_idx %arg12[%add3A_473] : memref<4096xf32, #tpu.memory_space<vmem>>[vector<16xi32>], vector<16xf32>,
    %add3A_475 = arith.addf %broadcast_in_dim3A_458, %gather3A_474 : vector<16xf32>
    %add3A_476 = arith.constant 1024 : i32
    %add3A_477 = vector.broadcast %add3A_476 : i32 to vector<16xi32>
    %add3A_478 = arith.addi %add3A_473, %add3A_477 : vector<16xi32>
    %gather3A_479 = tpu.vector_load_idx %arg12[%add3A_478] : memref<4096xf32, #tpu.memory_space<vmem>>[vector<16xi32>], vector<16xf32>,
    %add3A_480 = arith.addf %broadcast_in_dim3A_460, %gather3A_479 : vector<16xf32>
    %add3A_481 = arith.constant 2048 : i32
    %add3A_482 = vector.broadcast %add3A_481 : i32 to vector<16xi32>
    %add3A_483 = arith.addi %add3A_473, %add3A_482 : vector<16xi32>
    %gather3A_484 = tpu.vector_load_idx %arg12[%add3A_483] : memref<4096xf32, #tpu.memory_space<vmem>>[vector<16xi32>], vector<16xf32>,
    %add3A_485 = arith.addf %broadcast_in_dim3A_462, %gather3A_484 : vector<16xf32>
    %add3A_486 = arith.constant 3072 : i32
    %add3A_487 = vector.broadcast %add3A_486 : i32 to vector<16xi32>
    %add3A_488 = arith.addi %add3A_473, %add3A_487 : vector<16xi32>
    %gather3A_489 = tpu.vector_load_idx %arg12[%add3A_488] : memref<4096xf32, #tpu.memory_space<vmem>>[vector<16xi32>], vector<16xf32>,
    %add3A_490 = arith.addf %broadcast_in_dim3A_464, %gather3A_489 : vector<16xf32>
    %add3A_491 = arith.constant 1 : i32
    %add3A_492 = vector.broadcast %add3A_491 : i32 to vector<16xi32>
    %add3A_493 = arith.addi %add3A_456, %add3A_492 : vector<16xi32>
    %and3A_494 = arith.constant 63 : i32
    %and3A_495 = vector.broadcast %and3A_494 : i32 to vector<16xi32>
    %and3A_496 = arith.andi %add3A_493, %and3A_495 : vector<16xi32>
    %add3A_497 = arith.constant 64 : i32
    %add3A_498 = vector.broadcast %add3A_497 : i32 to vector<16xi32>
    %add3A_499 = arith.addi %add3A_498, %and3A_496 : vector<16xi32>
    %gather3A_500 = tpu.vector_load_idx %arg12[%add3A_499] : memref<4096xf32, #tpu.memory_space<vmem>>[vector<16xi32>], vector<16xf32>,
    %add3A_501 = arith.addf %add3A_475, %gather3A_500 : vector<16xf32>
    %add3A_502 = arith.constant 1024 : i32
    %add3A_503 = vector.broadcast %add3A_502 : i32 to vector<16xi32>
    %add3A_504 = arith.addi %add3A_499, %add3A_503 : vector<16xi32>
    %gather3A_505 = tpu.vector_load_idx %arg12[%add3A_504] : memref<4096xf32, #tpu.memory_space<vmem>>[vector<16xi32>], vector<16xf32>,
    %add3A_506 = arith.addf %add3A_480, %gather3A_505 : vector<16xf32>
    %add3A_507 = arith.constant 2048 : i32
    %add3A_508 = vector.broadcast %add3A_507 : i32 to vector<16xi32>
    %add3A_509 = arith.addi %add3A_499, %add3A_508 : vector<16xi32>
    %gather3A_510 = tpu.vector_load_idx %arg12[%add3A_509] : memref<4096xf32, #tpu.memory_space<vmem>>[vector<16xi32>], vector<16xf32>,
    %add3A_511 = arith.addf %add3A_485, %gather3A_510 : vector<16xf32>
    %add3A_512 = arith.constant 3072 : i32
    %add3A_513 = vector.broadcast %add3A_512 : i32 to vector<16xi32>
    %add3A_514 = arith.addi %add3A_499, %add3A_513 : vector<16xi32>
    %gather3A_515 = tpu.vector_load_idx %arg12[%add3A_514] : memref<4096xf32, #tpu.memory_space<vmem>>[vector<16xi32>], vector<16xf32>,
    %add3A_516 = arith.addf %add3A_490, %gather3A_515 : vector<16xf32>
    %add3A_517 = arith.constant 2 : i32
    %add3A_518 = vector.broadcast %add3A_517 : i32 to vector<16xi32>
    %add3A_519 = arith.addi %add3A_456, %add3A_518 : vector<16xi32>
    %and3A_520 = arith.constant 63 : i32
    %and3A_521 = vector.broadcast %and3A_520 : i32 to vector<16xi32>
    %and3A_522 = arith.andi %add3A_519, %and3A_521 : vector<16xi32>
    %add3A_523 = arith.constant 128 : i32
    %add3A_524 = vector.broadcast %add3A_523 : i32 to vector<16xi32>
    %add3A_525 = arith.addi %add3A_524, %and3A_522 : vector<16xi32>
    %gather3A_526 = tpu.vector_load_idx %arg12[%add3A_525] : memref<4096xf32, #tpu.memory_space<vmem>>[vector<16xi32>], vector<16xf32>,
    %add3A_527 = arith.addf %add3A_501, %gather3A_526 : vector<16xf32>
    %add3A_528 = arith.constant 1024 : i32
    %add3A_529 = vector.broadcast %add3A_528 : i32 to vector<16xi32>
    %add3A_530 = arith.addi %add3A_525, %add3A_529 : vector<16xi32>
    %gather3A_531 = tpu.vector_load_idx %arg12[%add3A_530] : memref<4096xf32, #tpu.memory_space<vmem>>[vector<16xi32>], vector<16xf32>,
    %add3A_532 = arith.addf %add3A_506, %gather3A_531 : vector<16xf32>
    %add3A_533 = arith.constant 2048 : i32
    %add3A_534 = vector.broadcast %add3A_533 : i32 to vector<16xi32>
    %add3A_535 = arith.addi %add3A_525, %add3A_534 : vector<16xi32>
    %gather3A_536 = tpu.vector_load_idx %arg12[%add3A_535] : memref<4096xf32, #tpu.memory_space<vmem>>[vector<16xi32>], vector<16xf32>,
    %add3A_537 = arith.addf %add3A_511, %gather3A_536 : vector<16xf32>
    %add3A_538 = arith.constant 3072 : i32
    %add3A_539 = vector.broadcast %add3A_538 : i32 to vector<16xi32>
    %add3A_540 = arith.addi %add3A_525, %add3A_539 : vector<16xi32>
    %gather3A_541 = tpu.vector_load_idx %arg12[%add3A_540] : memref<4096xf32, #tpu.memory_space<vmem>>[vector<16xi32>], vector<16xf32>,
    %add3A_542 = arith.addf %add3A_516, %gather3A_541 : vector<16xf32>
    %add3A_543 = arith.constant 3 : i32
    %add3A_544 = vector.broadcast %add3A_543 : i32 to vector<16xi32>
    %add3A_545 = arith.addi %add3A_456, %add3A_544 : vector<16xi32>
    %and3A_546 = arith.constant 63 : i32
    %and3A_547 = vector.broadcast %and3A_546 : i32 to vector<16xi32>
    %and3A_548 = arith.andi %add3A_545, %and3A_547 : vector<16xi32>
    %add3A_549 = arith.constant 192 : i32
    %add3A_550 = vector.broadcast %add3A_549 : i32 to vector<16xi32>
    %add3A_551 = arith.addi %add3A_550, %and3A_548 : vector<16xi32>
    %gather3A_552 = tpu.vector_load_idx %arg12[%add3A_551] : memref<4096xf32, #tpu.memory_space<vmem>>[vector<16xi32>], vector<16xf32>,
    %add3A_553 = arith.addf %add3A_527, %gather3A_552 : vector<16xf32>
    %add3A_554 = arith.constant 1024 : i32
    %add3A_555 = vector.broadcast %add3A_554 : i32 to vector<16xi32>
    %add3A_556 = arith.addi %add3A_551, %add3A_555 : vector<16xi32>
    %gather3A_557 = tpu.vector_load_idx %arg12[%add3A_556] : memref<4096xf32, #tpu.memory_space<vmem>>[vector<16xi32>], vector<16xf32>,
    %add3A_558 = arith.addf %add3A_532, %gather3A_557 : vector<16xf32>
    %add3A_559 = arith.constant 2048 : i32
    %add3A_560 = vector.broadcast %add3A_559 : i32 to vector<16xi32>
    %add3A_561 = arith.addi %add3A_551, %add3A_560 : vector<16xi32>
    %gather3A_562 = tpu.vector_load_idx %arg12[%add3A_561] : memref<4096xf32, #tpu.memory_space<vmem>>[vector<16xi32>], vector<16xf32>,
    %add3A_563 = arith.addf %add3A_537, %gather3A_562 : vector<16xf32>
    %add3A_564 = arith.constant 3072 : i32
    %add3A_565 = vector.broadcast %add3A_564 : i32 to vector<16xi32>
    %add3A_566 = arith.addi %add3A_551, %add3A_565 : vector<16xi32>
    %gather3A_567 = tpu.vector_load_idx %arg12[%add3A_566] : memref<4096xf32, #tpu.memory_space<vmem>>[vector<16xi32>], vector<16xf32>,
    %add3A_568 = arith.addf %add3A_542, %gather3A_567 : vector<16xf32>
    %add3A_569 = arith.constant 4 : i32
    %add3A_570 = vector.broadcast %add3A_569 : i32 to vector<16xi32>
    %add3A_571 = arith.addi %add3A_456, %add3A_570 : vector<16xi32>
    %and3A_572 = arith.constant 63 : i32
    %and3A_573 = vector.broadcast %and3A_572 : i32 to vector<16xi32>
    %and3A_574 = arith.andi %add3A_571, %and3A_573 : vector<16xi32>
    %add3A_575 = arith.constant 256 : i32
    %add3A_576 = vector.broadcast %add3A_575 : i32 to vector<16xi32>
    %add3A_577 = arith.addi %add3A_576, %and3A_574 : vector<16xi32>
    %gather3A_578 = tpu.vector_load_idx %arg12[%add3A_577] : memref<4096xf32, #tpu.memory_space<vmem>>[vector<16xi32>], vector<16xf32>,
    %add3A_579 = arith.addf %add3A_553, %gather3A_578 : vector<16xf32>
    %add3A_580 = arith.constant 1024 : i32
    %add3A_581 = vector.broadcast %add3A_580 : i32 to vector<16xi32>
    %add3A_582 = arith.addi %add3A_577, %add3A_581 : vector<16xi32>
    %gather3A_583 = tpu.vector_load_idx %arg12[%add3A_582] : memref<4096xf32, #tpu.memory_space<vmem>>[vector<16xi32>], vector<16xf32>,
    %add3A_584 = arith.addf %add3A_558, %gather3A_583 : vector<16xf32>
    %add3A_585 = arith.constant 2048 : i32
    %add3A_586 = vector.broadcast %add3A_585 : i32 to vector<16xi32>
    %add3A_587 = arith.addi %add3A_577, %add3A_586 : vector<16xi32>
    %gather3A_588 = tpu.vector_load_idx %arg12[%add3A_587] : memref<4096xf32, #tpu.memory_space<vmem>>[vector<16xi32>], vector<16xf32>,
    %add3A_589 = arith.addf %add3A_563, %gather3A_588 : vector<16xf32>
    %add3A_590 = arith.constant 3072 : i32
    %add3A_591 = vector.broadcast %add3A_590 : i32 to vector<16xi32>
    %add3A_592 = arith.addi %add3A_577, %add3A_591 : vector<16xi32>
    %gather3A_593 = tpu.vector_load_idx %arg12[%add3A_592] : memref<4096xf32, #tpu.memory_space<vmem>>[vector<16xi32>], vector<16xf32>,
    %add3A_594 = arith.addf %add3A_568, %gather3A_593 : vector<16xf32>
    %add3A_595 = arith.constant 5 : i32
    %add3A_596 = vector.broadcast %add3A_595 : i32 to vector<16xi32>
    %add3A_597 = arith.addi %add3A_456, %add3A_596 : vector<16xi32>
    %and3A_598 = arith.constant 63 : i32
    %and3A_599 = vector.broadcast %and3A_598 : i32 to vector<16xi32>
    %and3A_600 = arith.andi %add3A_597, %and3A_599 : vector<16xi32>
    %add3A_601 = arith.constant 320 : i32
    %add3A_602 = vector.broadcast %add3A_601 : i32 to vector<16xi32>
    %add3A_603 = arith.addi %add3A_602, %and3A_600 : vector<16xi32>
    %gather3A_604 = tpu.vector_load_idx %arg12[%add3A_603] : memref<4096xf32, #tpu.memory_space<vmem>>[vector<16xi32>], vector<16xf32>,
    %add3A_605 = arith.addf %add3A_579, %gather3A_604 : vector<16xf32>
    %add3A_606 = arith.constant 1024 : i32
    %add3A_607 = vector.broadcast %add3A_606 : i32 to vector<16xi32>
    %add3A_608 = arith.addi %add3A_603, %add3A_607 : vector<16xi32>
    %gather3A_609 = tpu.vector_load_idx %arg12[%add3A_608] : memref<4096xf32, #tpu.memory_space<vmem>>[vector<16xi32>], vector<16xf32>,
    %add3A_610 = arith.addf %add3A_584, %gather3A_609 : vector<16xf32>
    %add3A_611 = arith.constant 2048 : i32
    %add3A_612 = vector.broadcast %add3A_611 : i32 to vector<16xi32>
    %add3A_613 = arith.addi %add3A_603, %add3A_612 : vector<16xi32>
    %gather3A_614 = tpu.vector_load_idx %arg12[%add3A_613] : memref<4096xf32, #tpu.memory_space<vmem>>[vector<16xi32>], vector<16xf32>,
    %add3A_615 = arith.addf %add3A_589, %gather3A_614 : vector<16xf32>
    %add3A_616 = arith.constant 3072 : i32
    %add3A_617 = vector.broadcast %add3A_616 : i32 to vector<16xi32>
    %add3A_618 = arith.addi %add3A_603, %add3A_617 : vector<16xi32>
    %gather3A_619 = tpu.vector_load_idx %arg12[%add3A_618] : memref<4096xf32, #tpu.memory_space<vmem>>[vector<16xi32>], vector<16xf32>,
    %add3A_620 = arith.addf %add3A_594, %gather3A_619 : vector<16xf32>
    %add3A_621 = arith.constant 6 : i32
    %add3A_622 = vector.broadcast %add3A_621 : i32 to vector<16xi32>
    %add3A_623 = arith.addi %add3A_456, %add3A_622 : vector<16xi32>
    %and3A_624 = arith.constant 63 : i32
    %and3A_625 = vector.broadcast %and3A_624 : i32 to vector<16xi32>
    %and3A_626 = arith.andi %add3A_623, %and3A_625 : vector<16xi32>
    %add3A_627 = arith.constant 384 : i32
    %add3A_628 = vector.broadcast %add3A_627 : i32 to vector<16xi32>
    %add3A_629 = arith.addi %add3A_628, %and3A_626 : vector<16xi32>
    %gather3A_630 = tpu.vector_load_idx %arg12[%add3A_629] : memref<4096xf32, #tpu.memory_space<vmem>>[vector<16xi32>], vector<16xf32>,
    %add3A_631 = arith.addf %add3A_605, %gather3A_630 : vector<16xf32>
    %add3A_632 = arith.constant 1024 : i32
    %add3A_633 = vector.broadcast %add3A_632 : i32 to vector<16xi32>
    %add3A_634 = arith.addi %add3A_629, %add3A_633 : vector<16xi32>
    %gather3A_635 = tpu.vector_load_idx %arg12[%add3A_634] : memref<4096xf32, #tpu.memory_space<vmem>>[vector<16xi32>], vector<16xf32>,
    %add3A_636 = arith.addf %add3A_610, %gather3A_635 : vector<16xf32>
    %add3A_637 = arith.constant 2048 : i32
    %add3A_638 = vector.broadcast %add3A_637 : i32 to vector<16xi32>
    %add3A_639 = arith.addi %add3A_629, %add3A_638 : vector<16xi32>
    %gather3A_640 = tpu.vector_load_idx %arg12[%add3A_639] : memref<4096xf32, #tpu.memory_space<vmem>>[vector<16xi32>], vector<16xf32>,
    %add3A_641 = arith.addf %add3A_615, %gather3A_640 : vector<16xf32>
    %add3A_642 = arith.constant 3072 : i32
    %add3A_643 = vector.broadcast %add3A_642 : i32 to vector<16xi32>
    %add3A_644 = arith.addi %add3A_629, %add3A_643 : vector<16xi32>
    %gather3A_645 = tpu.vector_load_idx %arg12[%add3A_644] : memref<4096xf32, #tpu.memory_space<vmem>>[vector<16xi32>], vector<16xf32>,
    %add3A_646 = arith.addf %add3A_620, %gather3A_645 : vector<16xf32>
    %add3A_647 = arith.constant 7 : i32
    %add3A_648 = vector.broadcast %add3A_647 : i32 to vector<16xi32>
    %add3A_649 = arith.addi %add3A_456, %add3A_648 : vector<16xi32>
    %and3A_650 = arith.constant 63 : i32
    %and3A_651 = vector.broadcast %and3A_650 : i32 to vector<16xi32>
    %and3A_652 = arith.andi %add3A_649, %and3A_651 : vector<16xi32>
    %add3A_653 = arith.constant 448 : i32
    %add3A_654 = vector.broadcast %add3A_653 : i32 to vector<16xi32>
    %add3A_655 = arith.addi %add3A_654, %and3A_652 : vector<16xi32>
    %gather3A_656 = tpu.vector_load_idx %arg12[%add3A_655] : memref<4096xf32, #tpu.memory_space<vmem>>[vector<16xi32>], vector<16xf32>,
    %add3A_657 = arith.addf %add3A_631, %gather3A_656 : vector<16xf32>
    %add3A_658 = arith.constant 1024 : i32
    %add3A_659 = vector.broadcast %add3A_658 : i32 to vector<16xi32>
    %add3A_660 = arith.addi %add3A_655, %add3A_659 : vector<16xi32>
    %gather3A_661 = tpu.vector_load_idx %arg12[%add3A_660] : memref<4096xf32, #tpu.memory_space<vmem>>[vector<16xi32>], vector<16xf32>,
    %add3A_662 = arith.addf %add3A_636, %gather3A_661 : vector<16xf32>
    %add3A_663 = arith.constant 2048 : i32
    %add3A_664 = vector.broadcast %add3A_663 : i32 to vector<16xi32>
    %add3A_665 = arith.addi %add3A_655, %add3A_664 : vector<16xi32>
    %gather3A_666 = tpu.vector_load_idx %arg12[%add3A_665] : memref<4096xf32, #tpu.memory_space<vmem>>[vector<16xi32>], vector<16xf32>,
    %add3A_667 = arith.addf %add3A_641, %gather3A_666 : vector<16xf32>
    %add3A_668 = arith.constant 3072 : i32
    %add3A_669 = vector.broadcast %add3A_668 : i32 to vector<16xi32>
    %add3A_670 = arith.addi %add3A_655, %add3A_669 : vector<16xi32>
    %gather3A_671 = tpu.vector_load_idx %arg12[%add3A_670] : memref<4096xf32, #tpu.memory_space<vmem>>[vector<16xi32>], vector<16xf32>,
    %add3A_672 = arith.addf %add3A_646, %gather3A_671 : vector<16xf32>
    %add3A_673 = arith.constant 8 : i32
    %add3A_674 = vector.broadcast %add3A_673 : i32 to vector<16xi32>
    %add3A_675 = arith.addi %add3A_456, %add3A_674 : vector<16xi32>
    %and3A_676 = arith.constant 63 : i32
    %and3A_677 = vector.broadcast %and3A_676 : i32 to vector<16xi32>
    %and3A_678 = arith.andi %add3A_675, %and3A_677 : vector<16xi32>
    %add3A_679 = arith.constant 512 : i32
    %add3A_680 = vector.broadcast %add3A_679 : i32 to vector<16xi32>
    %add3A_681 = arith.addi %add3A_680, %and3A_678 : vector<16xi32>
    %gather3A_682 = tpu.vector_load_idx %arg12[%add3A_681] : memref<4096xf32, #tpu.memory_space<vmem>>[vector<16xi32>], vector<16xf32>,
    %add3A_683 = arith.addf %add3A_657, %gather3A_682 : vector<16xf32>
    %add3A_684 = arith.constant 1024 : i32
    %add3A_685 = vector.broadcast %add3A_684 : i32 to vector<16xi32>
    %add3A_686 = arith.addi %add3A_681, %add3A_685 : vector<16xi32>
    %gather3A_687 = tpu.vector_load_idx %arg12[%add3A_686] : memref<4096xf32, #tpu.memory_space<vmem>>[vector<16xi32>], vector<16xf32>,
    %add3A_688 = arith.addf %add3A_662, %gather3A_687 : vector<16xf32>
    %add3A_689 = arith.constant 2048 : i32
    %add3A_690 = vector.broadcast %add3A_689 : i32 to vector<16xi32>
    %add3A_691 = arith.addi %add3A_681, %add3A_690 : vector<16xi32>
    %gather3A_692 = tpu.vector_load_idx %arg12[%add3A_691] : memref<4096xf32, #tpu.memory_space<vmem>>[vector<16xi32>], vector<16xf32>,
    %add3A_693 = arith.addf %add3A_667, %gather3A_692 : vector<16xf32>
    %add3A_694 = arith.constant 3072 : i32
    %add3A_695 = vector.broadcast %add3A_694 : i32 to vector<16xi32>
    %add3A_696 = arith.addi %add3A_681, %add3A_695 : vector<16xi32>
    %gather3A_697 = tpu.vector_load_idx %arg12[%add3A_696] : memref<4096xf32, #tpu.memory_space<vmem>>[vector<16xi32>], vector<16xf32>,
    %add3A_698 = arith.addf %add3A_672, %gather3A_697 : vector<16xf32>
    %add3A_699 = arith.constant 9 : i32
    %add3A_700 = vector.broadcast %add3A_699 : i32 to vector<16xi32>
    %add3A_701 = arith.addi %add3A_456, %add3A_700 : vector<16xi32>
    %and3A_702 = arith.constant 63 : i32
    %and3A_703 = vector.broadcast %and3A_702 : i32 to vector<16xi32>
    %and3A_704 = arith.andi %add3A_701, %and3A_703 : vector<16xi32>
    %add3A_705 = arith.constant 576 : i32
    %add3A_706 = vector.broadcast %add3A_705 : i32 to vector<16xi32>
    %add3A_707 = arith.addi %add3A_706, %and3A_704 : vector<16xi32>
    %gather3A_708 = tpu.vector_load_idx %arg12[%add3A_707] : memref<4096xf32, #tpu.memory_space<vmem>>[vector<16xi32>], vector<16xf32>,
    %add3A_709 = arith.addf %add3A_683, %gather3A_708 : vector<16xf32>
    %add3A_710 = arith.constant 1024 : i32
    %add3A_711 = vector.broadcast %add3A_710 : i32 to vector<16xi32>
    %add3A_712 = arith.addi %add3A_707, %add3A_711 : vector<16xi32>
    %gather3A_713 = tpu.vector_load_idx %arg12[%add3A_712] : memref<4096xf32, #tpu.memory_space<vmem>>[vector<16xi32>], vector<16xf32>,
    %add3A_714 = arith.addf %add3A_688, %gather3A_713 : vector<16xf32>
    %add3A_715 = arith.constant 2048 : i32
    %add3A_716 = vector.broadcast %add3A_715 : i32 to vector<16xi32>
    %add3A_717 = arith.addi %add3A_707, %add3A_716 : vector<16xi32>
    %gather3A_718 = tpu.vector_load_idx %arg12[%add3A_717] : memref<4096xf32, #tpu.memory_space<vmem>>[vector<16xi32>], vector<16xf32>,
    %add3A_719 = arith.addf %add3A_693, %gather3A_718 : vector<16xf32>
    %add3A_720 = arith.constant 3072 : i32
    %add3A_721 = vector.broadcast %add3A_720 : i32 to vector<16xi32>
    %add3A_722 = arith.addi %add3A_707, %add3A_721 : vector<16xi32>
    %gather3A_723 = tpu.vector_load_idx %arg12[%add3A_722] : memref<4096xf32, #tpu.memory_space<vmem>>[vector<16xi32>], vector<16xf32>,
    %add3A_724 = arith.addf %add3A_698, %gather3A_723 : vector<16xf32>
    %add3A_725 = arith.constant 10 : i32
    %add3A_726 = vector.broadcast %add3A_725 : i32 to vector<16xi32>
    %add3A_727 = arith.addi %add3A_456, %add3A_726 : vector<16xi32>
    %and3A_728 = arith.constant 63 : i32
    %and3A_729 = vector.broadcast %and3A_728 : i32 to vector<16xi32>
    %and3A_730 = arith.andi %add3A_727, %and3A_729 : vector<16xi32>
    %add3A_731 = arith.constant 640 : i32
    %add3A_732 = vector.broadcast %add3A_731 : i32 to vector<16xi32>
    %add3A_733 = arith.addi %add3A_732, %and3A_730 : vector<16xi32>
    %gather3A_734 = tpu.vector_load_idx %arg12[%add3A_733] : memref<4096xf32, #tpu.memory_space<vmem>>[vector<16xi32>], vector<16xf32>,
    %add3A_735 = arith.addf %add3A_709, %gather3A_734 : vector<16xf32>
    %add3A_736 = arith.constant 1024 : i32
    %add3A_737 = vector.broadcast %add3A_736 : i32 to vector<16xi32>
    %add3A_738 = arith.addi %add3A_733, %add3A_737 : vector<16xi32>
    %gather3A_739 = tpu.vector_load_idx %arg12[%add3A_738] : memref<4096xf32, #tpu.memory_space<vmem>>[vector<16xi32>], vector<16xf32>,
    %add3A_740 = arith.addf %add3A_714, %gather3A_739 : vector<16xf32>
    %add3A_741 = arith.constant 2048 : i32
    %add3A_742 = vector.broadcast %add3A_741 : i32 to vector<16xi32>
    %add3A_743 = arith.addi %add3A_733, %add3A_742 : vector<16xi32>
    %gather3A_744 = tpu.vector_load_idx %arg12[%add3A_743] : memref<4096xf32, #tpu.memory_space<vmem>>[vector<16xi32>], vector<16xf32>,
    %add3A_745 = arith.addf %add3A_719, %gather3A_744 : vector<16xf32>
    %add3A_746 = arith.constant 3072 : i32
    %add3A_747 = vector.broadcast %add3A_746 : i32 to vector<16xi32>
    %add3A_748 = arith.addi %add3A_733, %add3A_747 : vector<16xi32>
    %gather3A_749 = tpu.vector_load_idx %arg12[%add3A_748] : memref<4096xf32, #tpu.memory_space<vmem>>[vector<16xi32>], vector<16xf32>,
    %add3A_750 = arith.addf %add3A_724, %gather3A_749 : vector<16xf32>
    %add3A_751 = arith.constant 11 : i32
    %add3A_752 = vector.broadcast %add3A_751 : i32 to vector<16xi32>
    %add3A_753 = arith.addi %add3A_456, %add3A_752 : vector<16xi32>
    %and3A_754 = arith.constant 63 : i32
    %and3A_755 = vector.broadcast %and3A_754 : i32 to vector<16xi32>
    %and3A_756 = arith.andi %add3A_753, %and3A_755 : vector<16xi32>
    %add3A_757 = arith.constant 704 : i32
    %add3A_758 = vector.broadcast %add3A_757 : i32 to vector<16xi32>
    %add3A_759 = arith.addi %add3A_758, %and3A_756 : vector<16xi32>
    %gather3A_760 = tpu.vector_load_idx %arg12[%add3A_759] : memref<4096xf32, #tpu.memory_space<vmem>>[vector<16xi32>], vector<16xf32>,
    %add3A_761 = arith.addf %add3A_735, %gather3A_760 : vector<16xf32>
    %add3A_762 = arith.constant 1024 : i32
    %add3A_763 = vector.broadcast %add3A_762 : i32 to vector<16xi32>
    %add3A_764 = arith.addi %add3A_759, %add3A_763 : vector<16xi32>
    %gather3A_765 = tpu.vector_load_idx %arg12[%add3A_764] : memref<4096xf32, #tpu.memory_space<vmem>>[vector<16xi32>], vector<16xf32>,
    %add3A_766 = arith.addf %add3A_740, %gather3A_765 : vector<16xf32>
    %add3A_767 = arith.constant 2048 : i32
    %add3A_768 = vector.broadcast %add3A_767 : i32 to vector<16xi32>
    %add3A_769 = arith.addi %add3A_759, %add3A_768 : vector<16xi32>
    %gather3A_770 = tpu.vector_load_idx %arg12[%add3A_769] : memref<4096xf32, #tpu.memory_space<vmem>>[vector<16xi32>], vector<16xf32>,
    %add3A_771 = arith.addf %add3A_745, %gather3A_770 : vector<16xf32>
    %add3A_772 = arith.constant 3072 : i32
    %add3A_773 = vector.broadcast %add3A_772 : i32 to vector<16xi32>
    %add3A_774 = arith.addi %add3A_759, %add3A_773 : vector<16xi32>
    %gather3A_775 = tpu.vector_load_idx %arg12[%add3A_774] : memref<4096xf32, #tpu.memory_space<vmem>>[vector<16xi32>], vector<16xf32>,
    %add3A_776 = arith.addf %add3A_750, %gather3A_775 : vector<16xf32>
    %add3A_777 = arith.constant 12 : i32
    %add3A_778 = vector.broadcast %add3A_777 : i32 to vector<16xi32>
    %add3A_779 = arith.addi %add3A_456, %add3A_778 : vector<16xi32>
    %and3A_780 = arith.constant 63 : i32
    %and3A_781 = vector.broadcast %and3A_780 : i32 to vector<16xi32>
    %and3A_782 = arith.andi %add3A_779, %and3A_781 : vector<16xi32>
    %add3A_783 = arith.constant 768 : i32
    %add3A_784 = vector.broadcast %add3A_783 : i32 to vector<16xi32>
    %add3A_785 = arith.addi %add3A_784, %and3A_782 : vector<16xi32>
    %gather3A_786 = tpu.vector_load_idx %arg12[%add3A_785] : memref<4096xf32, #tpu.memory_space<vmem>>[vector<16xi32>], vector<16xf32>,
    %add3A_787 = arith.addf %add3A_761, %gather3A_786 : vector<16xf32>
    %add3A_788 = arith.constant 1024 : i32
    %add3A_789 = vector.broadcast %add3A_788 : i32 to vector<16xi32>
    %add3A_790 = arith.addi %add3A_785, %add3A_789 : vector<16xi32>
    %gather3A_791 = tpu.vector_load_idx %arg12[%add3A_790] : memref<4096xf32, #tpu.memory_space<vmem>>[vector<16xi32>], vector<16xf32>,
    %add3A_792 = arith.addf %add3A_766, %gather3A_791 : vector<16xf32>
    %add3A_793 = arith.constant 2048 : i32
    %add3A_794 = vector.broadcast %add3A_793 : i32 to vector<16xi32>
    %add3A_795 = arith.addi %add3A_785, %add3A_794 : vector<16xi32>
    %gather3A_796 = tpu.vector_load_idx %arg12[%add3A_795] : memref<4096xf32, #tpu.memory_space<vmem>>[vector<16xi32>], vector<16xf32>,
    %add3A_797 = arith.addf %add3A_771, %gather3A_796 : vector<16xf32>
    %add3A_798 = arith.constant 3072 : i32
    %add3A_799 = vector.broadcast %add3A_798 : i32 to vector<16xi32>
    %add3A_800 = arith.addi %add3A_785, %add3A_799 : vector<16xi32>
    %gather3A_801 = tpu.vector_load_idx %arg12[%add3A_800] : memref<4096xf32, #tpu.memory_space<vmem>>[vector<16xi32>], vector<16xf32>,
    %add3A_802 = arith.addf %add3A_776, %gather3A_801 : vector<16xf32>
    %add3A_803 = arith.constant 13 : i32
    %add3A_804 = vector.broadcast %add3A_803 : i32 to vector<16xi32>
    %add3A_805 = arith.addi %add3A_456, %add3A_804 : vector<16xi32>
    %and3A_806 = arith.constant 63 : i32
    %and3A_807 = vector.broadcast %and3A_806 : i32 to vector<16xi32>
    %and3A_808 = arith.andi %add3A_805, %and3A_807 : vector<16xi32>
    %add3A_809 = arith.constant 832 : i32
    %add3A_810 = vector.broadcast %add3A_809 : i32 to vector<16xi32>
    %add3A_811 = arith.addi %add3A_810, %and3A_808 : vector<16xi32>
    %gather3A_812 = tpu.vector_load_idx %arg12[%add3A_811] : memref<4096xf32, #tpu.memory_space<vmem>>[vector<16xi32>], vector<16xf32>,
    %add3A_813 = arith.addf %add3A_787, %gather3A_812 : vector<16xf32>
    %add3A_814 = arith.constant 1024 : i32
    %add3A_815 = vector.broadcast %add3A_814 : i32 to vector<16xi32>
    %add3A_816 = arith.addi %add3A_811, %add3A_815 : vector<16xi32>
    %gather3A_817 = tpu.vector_load_idx %arg12[%add3A_816] : memref<4096xf32, #tpu.memory_space<vmem>>[vector<16xi32>], vector<16xf32>,
    %add3A_818 = arith.addf %add3A_792, %gather3A_817 : vector<16xf32>
    %add3A_819 = arith.constant 2048 : i32
    %add3A_820 = vector.broadcast %add3A_819 : i32 to vector<16xi32>
    %add3A_821 = arith.addi %add3A_811, %add3A_820 : vector<16xi32>
    %gather3A_822 = tpu.vector_load_idx %arg12[%add3A_821] : memref<4096xf32, #tpu.memory_space<vmem>>[vector<16xi32>], vector<16xf32>,
    %add3A_823 = arith.addf %add3A_797, %gather3A_822 : vector<16xf32>
    %add3A_824 = arith.constant 3072 : i32
    %add3A_825 = vector.broadcast %add3A_824 : i32 to vector<16xi32>
    %add3A_826 = arith.addi %add3A_811, %add3A_825 : vector<16xi32>
    %gather3A_827 = tpu.vector_load_idx %arg12[%add3A_826] : memref<4096xf32, #tpu.memory_space<vmem>>[vector<16xi32>], vector<16xf32>,
    %add3A_828 = arith.addf %add3A_802, %gather3A_827 : vector<16xf32>
    %add3A_829 = arith.constant 14 : i32
    %add3A_830 = vector.broadcast %add3A_829 : i32 to vector<16xi32>
    %add3A_831 = arith.addi %add3A_456, %add3A_830 : vector<16xi32>
    %and3A_832 = arith.constant 63 : i32
    %and3A_833 = vector.broadcast %and3A_832 : i32 to vector<16xi32>
    %and3A_834 = arith.andi %add3A_831, %and3A_833 : vector<16xi32>
    %add3A_835 = arith.constant 896 : i32
    %add3A_836 = vector.broadcast %add3A_835 : i32 to vector<16xi32>
    %add3A_837 = arith.addi %add3A_836, %and3A_834 : vector<16xi32>
    %gather3A_838 = tpu.vector_load_idx %arg12[%add3A_837] : memref<4096xf32, #tpu.memory_space<vmem>>[vector<16xi32>], vector<16xf32>,
    %add3A_839 = arith.addf %add3A_813, %gather3A_838 : vector<16xf32>
    %add3A_840 = arith.constant 1024 : i32
    %add3A_841 = vector.broadcast %add3A_840 : i32 to vector<16xi32>
    %add3A_842 = arith.addi %add3A_837, %add3A_841 : vector<16xi32>
    %gather3A_843 = tpu.vector_load_idx %arg12[%add3A_842] : memref<4096xf32, #tpu.memory_space<vmem>>[vector<16xi32>], vector<16xf32>,
    %add3A_844 = arith.addf %add3A_818, %gather3A_843 : vector<16xf32>
    %add3A_845 = arith.constant 2048 : i32
    %add3A_846 = vector.broadcast %add3A_845 : i32 to vector<16xi32>
    %add3A_847 = arith.addi %add3A_837, %add3A_846 : vector<16xi32>
    %gather3A_848 = tpu.vector_load_idx %arg12[%add3A_847] : memref<4096xf32, #tpu.memory_space<vmem>>[vector<16xi32>], vector<16xf32>,
    %add3A_849 = arith.addf %add3A_823, %gather3A_848 : vector<16xf32>
    %add3A_850 = arith.constant 3072 : i32
    %add3A_851 = vector.broadcast %add3A_850 : i32 to vector<16xi32>
    %add3A_852 = arith.addi %add3A_837, %add3A_851 : vector<16xi32>
    %gather3A_853 = tpu.vector_load_idx %arg12[%add3A_852] : memref<4096xf32, #tpu.memory_space<vmem>>[vector<16xi32>], vector<16xf32>,
    %add3A_854 = arith.addf %add3A_828, %gather3A_853 : vector<16xf32>
    %add3A_855 = arith.constant 15 : i32
    %add3A_856 = vector.broadcast %add3A_855 : i32 to vector<16xi32>
    %add3A_857 = arith.addi %add3A_456, %add3A_856 : vector<16xi32>
    %and3A_858 = arith.constant 63 : i32
    %and3A_859 = vector.broadcast %and3A_858 : i32 to vector<16xi32>
    %and3A_860 = arith.andi %add3A_857, %and3A_859 : vector<16xi32>
    %add3A_861 = arith.constant 960 : i32
    %add3A_862 = vector.broadcast %add3A_861 : i32 to vector<16xi32>
    %add3A_863 = arith.addi %add3A_862, %and3A_860 : vector<16xi32>
    %gather3A_864 = tpu.vector_load_idx %arg12[%add3A_863] : memref<4096xf32, #tpu.memory_space<vmem>>[vector<16xi32>], vector<16xf32>,
    %add3A_865 = arith.addf %add3A_839, %gather3A_864 : vector<16xf32>
    %add3A_866 = arith.constant 1024 : i32
    %add3A_867 = vector.broadcast %add3A_866 : i32 to vector<16xi32>
    %add3A_868 = arith.addi %add3A_863, %add3A_867 : vector<16xi32>
    %gather3A_869 = tpu.vector_load_idx %arg12[%add3A_868] : memref<4096xf32, #tpu.memory_space<vmem>>[vector<16xi32>], vector<16xf32>,
    %add3A_870 = arith.addf %add3A_844, %gather3A_869 : vector<16xf32>
    %add3A_871 = arith.constant 2048 : i32
    %add3A_872 = vector.broadcast %add3A_871 : i32 to vector<16xi32>
    %add3A_873 = arith.addi %add3A_863, %add3A_872 : vector<16xi32>
    %gather3A_874 = tpu.vector_load_idx %arg12[%add3A_873] : memref<4096xf32, #tpu.memory_space<vmem>>[vector<16xi32>], vector<16xf32>,
    %add3A_875 = arith.addf %add3A_849, %gather3A_874 : vector<16xf32>
    %add3A_876 = arith.constant 3072 : i32
    %add3A_877 = vector.broadcast %add3A_876 : i32 to vector<16xi32>
    %add3A_878 = arith.addi %add3A_863, %add3A_877 : vector<16xi32>
    %gather3A_879 = tpu.vector_load_idx %arg12[%add3A_878] : memref<4096xf32, #tpu.memory_space<vmem>>[vector<16xi32>], vector<16xf32>,
    %add3A_880 = arith.addf %add3A_854, %gather3A_879 : vector<16xf32>
    %convert_element_type3A_881 = arith.fptosi %add3A_865 : vector<16xf32> to vector<16xi32>
    %and3A_882 = arith.constant 4095 : i32
    %and3A_883 = vector.broadcast %and3A_882 : i32 to vector<16xi32>
    %and3A_884 = arith.andi %convert_element_type3A_881, %and3A_883 : vector<16xi32>
    %convert_element_type3A_885 = arith.sitofp %and3A_884 : vector<16xi32> to vector<16xf32>
    %swap3A_886 = arith.constant 16 : index
    %swap3A_887 = tpu.vector_load %arg13[%swap3A_886] {strides = array<i32>} : memref<384xf32, #tpu.memory_space<vmem>>, vector<16xf32>,
    tpu.vector_store %arg13[%swap3A_886], %convert_element_type3A_885 {strides = array<i32>} : memref<384xf32, #tpu.memory_space<vmem>>, vector<16xf32>,
    %shift_right_arithmetic3A_888 = arith.constant 12 : i32
    %shift_right_arithmetic3A_889 = vector.broadcast %shift_right_arithmetic3A_888 : i32 to vector<16xi32>
    %shift_right_arithmetic3A_890 = arith.shrsi %convert_element_type3A_881, %shift_right_arithmetic3A_889 : vector<16xi32>
    %convert_element_type3A_891 = arith.sitofp %shift_right_arithmetic3A_890 : vector<16xi32> to vector<16xf32>
    %swap3A_892 = arith.constant 80 : index
    %swap3A_893 = tpu.vector_load %arg13[%swap3A_892] {strides = array<i32>} : memref<384xf32, #tpu.memory_space<vmem>>, vector<16xf32>,
    tpu.vector_store %arg13[%swap3A_892], %convert_element_type3A_891 {strides = array<i32>} : memref<384xf32, #tpu.memory_space<vmem>>, vector<16xf32>,
    %swap3A_894 = arith.constant 144 : index
    %swap3A_895 = tpu.vector_load %arg13[%swap3A_894] {strides = array<i32>} : memref<384xf32, #tpu.memory_space<vmem>>, vector<16xf32>,
    tpu.vector_store %arg13[%swap3A_894], %add3A_870 {strides = array<i32>} : memref<384xf32, #tpu.memory_space<vmem>>, vector<16xf32>,
    %swap3A_896 = arith.constant 208 : index
    %swap3A_897 = tpu.vector_load %arg13[%swap3A_896] {strides = array<i32>} : memref<384xf32, #tpu.memory_space<vmem>>, vector<16xf32>,
    tpu.vector_store %arg13[%swap3A_896], %add3A_875 {strides = array<i32>} : memref<384xf32, #tpu.memory_space<vmem>>, vector<16xf32>,
    %swap3A_898 = arith.constant 272 : index
    %swap3A_899 = tpu.vector_load %arg13[%swap3A_898] {strides = array<i32>} : memref<384xf32, #tpu.memory_space<vmem>>, vector<16xf32>,
    tpu.vector_store %arg13[%swap3A_898], %add3A_880 {strides = array<i32>} : memref<384xf32, #tpu.memory_space<vmem>>, vector<16xf32>,
    %add3A_900 = arith.constant 32 : i32
    %add3A_901 = vector.broadcast %add3A_900 : i32 to vector<16xi32>
    %add3A_902 = arith.addi %add3A_901, %iota3A : vector<16xi32>
    %broadcast_in_dim3A_903 = arith.constant 0.000000e+00 : f32
    %broadcast_in_dim3A_904 = vector.broadcast %broadcast_in_dim3A_903 : f32 to vector<16xf32>
    %broadcast_in_dim3A_905 = arith.constant 0.000000e+00 : f32
    %broadcast_in_dim3A_906 = vector.broadcast %broadcast_in_dim3A_905 : f32 to vector<16xf32>
    %broadcast_in_dim3A_907 = arith.constant 0.000000e+00 : f32
    %broadcast_in_dim3A_908 = vector.broadcast %broadcast_in_dim3A_907 : f32 to vector<16xf32>
    %broadcast_in_dim3A_909 = arith.constant 0.000000e+00 : f32
    %broadcast_in_dim3A_910 = vector.broadcast %broadcast_in_dim3A_909 : f32 to vector<16xf32>
    %add3A_911 = arith.constant 0 : i32
    %add3A_912 = vector.broadcast %add3A_911 : i32 to vector<16xi32>
    %add3A_913 = arith.addi %add3A_902, %add3A_912 : vector<16xi32>
    %and3A_914 = arith.constant 63 : i32
    %and3A_915 = vector.broadcast %and3A_914 : i32 to vector<16xi32>
    %and3A_916 = arith.andi %add3A_913, %and3A_915 : vector<16xi32>
    %add3A_917 = arith.constant 0 : i32
    %add3A_918 = vector.broadcast %add3A_917 : i32 to vector<16xi32>
    %add3A_919 = arith.addi %add3A_918, %and3A_916 : vector<16xi32>
    %gather3A_920 = tpu.vector_load_idx %arg12[%add3A_919] : memref<4096xf32, #tpu.memory_space<vmem>>[vector<16xi32>], vector<16xf32>,
    %add3A_921 = arith.addf %broadcast_in_dim3A_904, %gather3A_920 : vector<16xf32>
    %add3A_922 = arith.constant 1024 : i32
    %add3A_923 = vector.broadcast %add3A_922 : i32 to vector<16xi32>
    %add3A_924 = arith.addi %add3A_919, %add3A_923 : vector<16xi32>
    %gather3A_925 = tpu.vector_load_idx %arg12[%add3A_924] : memref<4096xf32, #tpu.memory_space<vmem>>[vector<16xi32>], vector<16xf32>,
    %add3A_926 = arith.addf %broadcast_in_dim3A_906, %gather3A_925 : vector<16xf32>
    %add3A_927 = arith.constant 2048 : i32
    %add3A_928 = vector.broadcast %add3A_927 : i32 to vector<16xi32>
    %add3A_929 = arith.addi %add3A_919, %add3A_928 : vector<16xi32>
    %gather3A_930 = tpu.vector_load_idx %arg12[%add3A_929] : memref<4096xf32, #tpu.memory_space<vmem>>[vector<16xi32>], vector<16xf32>,
    %add3A_931 = arith.addf %broadcast_in_dim3A_908, %gather3A_930 : vector<16xf32>
    %add3A_932 = arith.constant 3072 : i32
    %add3A_933 = vector.broadcast %add3A_932 : i32 to vector<16xi32>
    %add3A_934 = arith.addi %add3A_919, %add3A_933 : vector<16xi32>
    %gather3A_935 = tpu.vector_load_idx %arg12[%add3A_934] : memref<4096xf32, #tpu.memory_space<vmem>>[vector<16xi32>], vector<16xf32>,
    %add3A_936 = arith.addf %broadcast_in_dim3A_910, %gather3A_935 : vector<16xf32>
    %add3A_937 = arith.constant 1 : i32
    %add3A_938 = vector.broadcast %add3A_937 : i32 to vector<16xi32>
    %add3A_939 = arith.addi %add3A_902, %add3A_938 : vector<16xi32>
    %and3A_940 = arith.constant 63 : i32
    %and3A_941 = vector.broadcast %and3A_940 : i32 to vector<16xi32>
    %and3A_942 = arith.andi %add3A_939, %and3A_941 : vector<16xi32>
    %add3A_943 = arith.constant 64 : i32
    %add3A_944 = vector.broadcast %add3A_943 : i32 to vector<16xi32>
    %add3A_945 = arith.addi %add3A_944, %and3A_942 : vector<16xi32>
    %gather3A_946 = tpu.vector_load_idx %arg12[%add3A_945] : memref<4096xf32, #tpu.memory_space<vmem>>[vector<16xi32>], vector<16xf32>,
    %add3A_947 = arith.addf %add3A_921, %gather3A_946 : vector<16xf32>
    %add3A_948 = arith.constant 1024 : i32
    %add3A_949 = vector.broadcast %add3A_948 : i32 to vector<16xi32>
    %add3A_950 = arith.addi %add3A_945, %add3A_949 : vector<16xi32>
    %gather3A_951 = tpu.vector_load_idx %arg12[%add3A_950] : memref<4096xf32, #tpu.memory_space<vmem>>[vector<16xi32>], vector<16xf32>,
    %add3A_952 = arith.addf %add3A_926, %gather3A_951 : vector<16xf32>
    %add3A_953 = arith.constant 2048 : i32
    %add3A_954 = vector.broadcast %add3A_953 : i32 to vector<16xi32>
    %add3A_955 = arith.addi %add3A_945, %add3A_954 : vector<16xi32>
    %gather3A_956 = tpu.vector_load_idx %arg12[%add3A_955] : memref<4096xf32, #tpu.memory_space<vmem>>[vector<16xi32>], vector<16xf32>,
    %add3A_957 = arith.addf %add3A_931, %gather3A_956 : vector<16xf32>
    %add3A_958 = arith.constant 3072 : i32
    %add3A_959 = vector.broadcast %add3A_958 : i32 to vector<16xi32>
    %add3A_960 = arith.addi %add3A_945, %add3A_959 : vector<16xi32>
    %gather3A_961 = tpu.vector_load_idx %arg12[%add3A_960] : memref<4096xf32, #tpu.memory_space<vmem>>[vector<16xi32>], vector<16xf32>,
    %add3A_962 = arith.addf %add3A_936, %gather3A_961 : vector<16xf32>
    %add3A_963 = arith.constant 2 : i32
    %add3A_964 = vector.broadcast %add3A_963 : i32 to vector<16xi32>
    %add3A_965 = arith.addi %add3A_902, %add3A_964 : vector<16xi32>
    %and3A_966 = arith.constant 63 : i32
    %and3A_967 = vector.broadcast %and3A_966 : i32 to vector<16xi32>
    %and3A_968 = arith.andi %add3A_965, %and3A_967 : vector<16xi32>
    %add3A_969 = arith.constant 128 : i32
    %add3A_970 = vector.broadcast %add3A_969 : i32 to vector<16xi32>
    %add3A_971 = arith.addi %add3A_970, %and3A_968 : vector<16xi32>
    %gather3A_972 = tpu.vector_load_idx %arg12[%add3A_971] : memref<4096xf32, #tpu.memory_space<vmem>>[vector<16xi32>], vector<16xf32>,
    %add3A_973 = arith.addf %add3A_947, %gather3A_972 : vector<16xf32>
    %add3A_974 = arith.constant 1024 : i32
    %add3A_975 = vector.broadcast %add3A_974 : i32 to vector<16xi32>
    %add3A_976 = arith.addi %add3A_971, %add3A_975 : vector<16xi32>
    %gather3A_977 = tpu.vector_load_idx %arg12[%add3A_976] : memref<4096xf32, #tpu.memory_space<vmem>>[vector<16xi32>], vector<16xf32>,
    %add3A_978 = arith.addf %add3A_952, %gather3A_977 : vector<16xf32>
    %add3A_979 = arith.constant 2048 : i32
    %add3A_980 = vector.broadcast %add3A_979 : i32 to vector<16xi32>
    %add3A_981 = arith.addi %add3A_971, %add3A_980 : vector<16xi32>
    %gather3A_982 = tpu.vector_load_idx %arg12[%add3A_981] : memref<4096xf32, #tpu.memory_space<vmem>>[vector<16xi32>], vector<16xf32>,
    %add3A_983 = arith.addf %add3A_957, %gather3A_982 : vector<16xf32>
    %add3A_984 = arith.constant 3072 : i32
    %add3A_985 = vector.broadcast %add3A_984 : i32 to vector<16xi32>
    %add3A_986 = arith.addi %add3A_971, %add3A_985 : vector<16xi32>
    %gather3A_987 = tpu.vector_load_idx %arg12[%add3A_986] : memref<4096xf32, #tpu.memory_space<vmem>>[vector<16xi32>], vector<16xf32>,
    %add3A_988 = arith.addf %add3A_962, %gather3A_987 : vector<16xf32>
    %add3A_989 = arith.constant 3 : i32
    %add3A_990 = vector.broadcast %add3A_989 : i32 to vector<16xi32>
    %add3A_991 = arith.addi %add3A_902, %add3A_990 : vector<16xi32>
    %and3A_992 = arith.constant 63 : i32
    %and3A_993 = vector.broadcast %and3A_992 : i32 to vector<16xi32>
    %and3A_994 = arith.andi %add3A_991, %and3A_993 : vector<16xi32>
    %add3A_995 = arith.constant 192 : i32
    %add3A_996 = vector.broadcast %add3A_995 : i32 to vector<16xi32>
    %add3A_997 = arith.addi %add3A_996, %and3A_994 : vector<16xi32>
    %gather3A_998 = tpu.vector_load_idx %arg12[%add3A_997] : memref<4096xf32, #tpu.memory_space<vmem>>[vector<16xi32>], vector<16xf32>,
    %add3A_999 = arith.addf %add3A_973, %gather3A_998 : vector<16xf32>
    %add3A_1000 = arith.constant 1024 : i32
    %add3A_1001 = vector.broadcast %add3A_1000 : i32 to vector<16xi32>
    %add3A_1002 = arith.addi %add3A_997, %add3A_1001 : vector<16xi32>
    %gather3A_1003 = tpu.vector_load_idx %arg12[%add3A_1002] : memref<4096xf32, #tpu.memory_space<vmem>>[vector<16xi32>], vector<16xf32>,
    %add3A_1004 = arith.addf %add3A_978, %gather3A_1003 : vector<16xf32>
    %add3A_1005 = arith.constant 2048 : i32
    %add3A_1006 = vector.broadcast %add3A_1005 : i32 to vector<16xi32>
    %add3A_1007 = arith.addi %add3A_997, %add3A_1006 : vector<16xi32>
    %gather3A_1008 = tpu.vector_load_idx %arg12[%add3A_1007] : memref<4096xf32, #tpu.memory_space<vmem>>[vector<16xi32>], vector<16xf32>,
    %add3A_1009 = arith.addf %add3A_983, %gather3A_1008 : vector<16xf32>
    %add3A_1010 = arith.constant 3072 : i32
    %add3A_1011 = vector.broadcast %add3A_1010 : i32 to vector<16xi32>
    %add3A_1012 = arith.addi %add3A_997, %add3A_1011 : vector<16xi32>
    %gather3A_1013 = tpu.vector_load_idx %arg12[%add3A_1012] : memref<4096xf32, #tpu.memory_space<vmem>>[vector<16xi32>], vector<16xf32>,
    %add3A_1014 = arith.addf %add3A_988, %gather3A_1013 : vector<16xf32>
    %add3A_1015 = arith.constant 4 : i32
    %add3A_1016 = vector.broadcast %add3A_1015 : i32 to vector<16xi32>
    %add3A_1017 = arith.addi %add3A_902, %add3A_1016 : vector<16xi32>
    %and3A_1018 = arith.constant 63 : i32
    %and3A_1019 = vector.broadcast %and3A_1018 : i32 to vector<16xi32>
    %and3A_1020 = arith.andi %add3A_1017, %and3A_1019 : vector<16xi32>
    %add3A_1021 = arith.constant 256 : i32
    %add3A_1022 = vector.broadcast %add3A_1021 : i32 to vector<16xi32>
    %add3A_1023 = arith.addi %add3A_1022, %and3A_1020 : vector<16xi32>
    %gather3A_1024 = tpu.vector_load_idx %arg12[%add3A_1023] : memref<4096xf32, #tpu.memory_space<vmem>>[vector<16xi32>], vector<16xf32>,
    %add3A_1025 = arith.addf %add3A_999, %gather3A_1024 : vector<16xf32>
    %add3A_1026 = arith.constant 1024 : i32
    %add3A_1027 = vector.broadcast %add3A_1026 : i32 to vector<16xi32>
    %add3A_1028 = arith.addi %add3A_1023, %add3A_1027 : vector<16xi32>
    %gather3A_1029 = tpu.vector_load_idx %arg12[%add3A_1028] : memref<4096xf32, #tpu.memory_space<vmem>>[vector<16xi32>], vector<16xf32>,
    %add3A_1030 = arith.addf %add3A_1004, %gather3A_1029 : vector<16xf32>
    %add3A_1031 = arith.constant 2048 : i32
    %add3A_1032 = vector.broadcast %add3A_1031 : i32 to vector<16xi32>
    %add3A_1033 = arith.addi %add3A_1023, %add3A_1032 : vector<16xi32>
    %gather3A_1034 = tpu.vector_load_idx %arg12[%add3A_1033] : memref<4096xf32, #tpu.memory_space<vmem>>[vector<16xi32>], vector<16xf32>,
    %add3A_1035 = arith.addf %add3A_1009, %gather3A_1034 : vector<16xf32>
    %add3A_1036 = arith.constant 3072 : i32
    %add3A_1037 = vector.broadcast %add3A_1036 : i32 to vector<16xi32>
    %add3A_1038 = arith.addi %add3A_1023, %add3A_1037 : vector<16xi32>
    %gather3A_1039 = tpu.vector_load_idx %arg12[%add3A_1038] : memref<4096xf32, #tpu.memory_space<vmem>>[vector<16xi32>], vector<16xf32>,
    %add3A_1040 = arith.addf %add3A_1014, %gather3A_1039 : vector<16xf32>
    %add3A_1041 = arith.constant 5 : i32
    %add3A_1042 = vector.broadcast %add3A_1041 : i32 to vector<16xi32>
    %add3A_1043 = arith.addi %add3A_902, %add3A_1042 : vector<16xi32>
    %and3A_1044 = arith.constant 63 : i32
    %and3A_1045 = vector.broadcast %and3A_1044 : i32 to vector<16xi32>
    %and3A_1046 = arith.andi %add3A_1043, %and3A_1045 : vector<16xi32>
    %add3A_1047 = arith.constant 320 : i32
    %add3A_1048 = vector.broadcast %add3A_1047 : i32 to vector<16xi32>
    %add3A_1049 = arith.addi %add3A_1048, %and3A_1046 : vector<16xi32>
    %gather3A_1050 = tpu.vector_load_idx %arg12[%add3A_1049] : memref<4096xf32, #tpu.memory_space<vmem>>[vector<16xi32>], vector<16xf32>,
    %add3A_1051 = arith.addf %add3A_1025, %gather3A_1050 : vector<16xf32>
    %add3A_1052 = arith.constant 1024 : i32
    %add3A_1053 = vector.broadcast %add3A_1052 : i32 to vector<16xi32>
    %add3A_1054 = arith.addi %add3A_1049, %add3A_1053 : vector<16xi32>
    %gather3A_1055 = tpu.vector_load_idx %arg12[%add3A_1054] : memref<4096xf32, #tpu.memory_space<vmem>>[vector<16xi32>], vector<16xf32>,
    %add3A_1056 = arith.addf %add3A_1030, %gather3A_1055 : vector<16xf32>
    %add3A_1057 = arith.constant 2048 : i32
    %add3A_1058 = vector.broadcast %add3A_1057 : i32 to vector<16xi32>
    %add3A_1059 = arith.addi %add3A_1049, %add3A_1058 : vector<16xi32>
    %gather3A_1060 = tpu.vector_load_idx %arg12[%add3A_1059] : memref<4096xf32, #tpu.memory_space<vmem>>[vector<16xi32>], vector<16xf32>,
    %add3A_1061 = arith.addf %add3A_1035, %gather3A_1060 : vector<16xf32>
    %add3A_1062 = arith.constant 3072 : i32
    %add3A_1063 = vector.broadcast %add3A_1062 : i32 to vector<16xi32>
    %add3A_1064 = arith.addi %add3A_1049, %add3A_1063 : vector<16xi32>
    %gather3A_1065 = tpu.vector_load_idx %arg12[%add3A_1064] : memref<4096xf32, #tpu.memory_space<vmem>>[vector<16xi32>], vector<16xf32>,
    %add3A_1066 = arith.addf %add3A_1040, %gather3A_1065 : vector<16xf32>
    %add3A_1067 = arith.constant 6 : i32
    %add3A_1068 = vector.broadcast %add3A_1067 : i32 to vector<16xi32>
    %add3A_1069 = arith.addi %add3A_902, %add3A_1068 : vector<16xi32>
    %and3A_1070 = arith.constant 63 : i32
    %and3A_1071 = vector.broadcast %and3A_1070 : i32 to vector<16xi32>
    %and3A_1072 = arith.andi %add3A_1069, %and3A_1071 : vector<16xi32>
    %add3A_1073 = arith.constant 384 : i32
    %add3A_1074 = vector.broadcast %add3A_1073 : i32 to vector<16xi32>
    %add3A_1075 = arith.addi %add3A_1074, %and3A_1072 : vector<16xi32>
    %gather3A_1076 = tpu.vector_load_idx %arg12[%add3A_1075] : memref<4096xf32, #tpu.memory_space<vmem>>[vector<16xi32>], vector<16xf32>,
    %add3A_1077 = arith.addf %add3A_1051, %gather3A_1076 : vector<16xf32>
    %add3A_1078 = arith.constant 1024 : i32
    %add3A_1079 = vector.broadcast %add3A_1078 : i32 to vector<16xi32>
    %add3A_1080 = arith.addi %add3A_1075, %add3A_1079 : vector<16xi32>
    %gather3A_1081 = tpu.vector_load_idx %arg12[%add3A_1080] : memref<4096xf32, #tpu.memory_space<vmem>>[vector<16xi32>], vector<16xf32>,
    %add3A_1082 = arith.addf %add3A_1056, %gather3A_1081 : vector<16xf32>
    %add3A_1083 = arith.constant 2048 : i32
    %add3A_1084 = vector.broadcast %add3A_1083 : i32 to vector<16xi32>
    %add3A_1085 = arith.addi %add3A_1075, %add3A_1084 : vector<16xi32>
    %gather3A_1086 = tpu.vector_load_idx %arg12[%add3A_1085] : memref<4096xf32, #tpu.memory_space<vmem>>[vector<16xi32>], vector<16xf32>,
    %add3A_1087 = arith.addf %add3A_1061, %gather3A_1086 : vector<16xf32>
    %add3A_1088 = arith.constant 3072 : i32
    %add3A_1089 = vector.broadcast %add3A_1088 : i32 to vector<16xi32>
    %add3A_1090 = arith.addi %add3A_1075, %add3A_1089 : vector<16xi32>
    %gather3A_1091 = tpu.vector_load_idx %arg12[%add3A_1090] : memref<4096xf32, #tpu.memory_space<vmem>>[vector<16xi32>], vector<16xf32>,
    %add3A_1092 = arith.addf %add3A_1066, %gather3A_1091 : vector<16xf32>
    %add3A_1093 = arith.constant 7 : i32
    %add3A_1094 = vector.broadcast %add3A_1093 : i32 to vector<16xi32>
    %add3A_1095 = arith.addi %add3A_902, %add3A_1094 : vector<16xi32>
    %and3A_1096 = arith.constant 63 : i32
    %and3A_1097 = vector.broadcast %and3A_1096 : i32 to vector<16xi32>
    %and3A_1098 = arith.andi %add3A_1095, %and3A_1097 : vector<16xi32>
    %add3A_1099 = arith.constant 448 : i32
    %add3A_1100 = vector.broadcast %add3A_1099 : i32 to vector<16xi32>
    %add3A_1101 = arith.addi %add3A_1100, %and3A_1098 : vector<16xi32>
    %gather3A_1102 = tpu.vector_load_idx %arg12[%add3A_1101] : memref<4096xf32, #tpu.memory_space<vmem>>[vector<16xi32>], vector<16xf32>,
    %add3A_1103 = arith.addf %add3A_1077, %gather3A_1102 : vector<16xf32>
    %add3A_1104 = arith.constant 1024 : i32
    %add3A_1105 = vector.broadcast %add3A_1104 : i32 to vector<16xi32>
    %add3A_1106 = arith.addi %add3A_1101, %add3A_1105 : vector<16xi32>
    %gather3A_1107 = tpu.vector_load_idx %arg12[%add3A_1106] : memref<4096xf32, #tpu.memory_space<vmem>>[vector<16xi32>], vector<16xf32>,
    %add3A_1108 = arith.addf %add3A_1082, %gather3A_1107 : vector<16xf32>
    %add3A_1109 = arith.constant 2048 : i32
    %add3A_1110 = vector.broadcast %add3A_1109 : i32 to vector<16xi32>
    %add3A_1111 = arith.addi %add3A_1101, %add3A_1110 : vector<16xi32>
    %gather3A_1112 = tpu.vector_load_idx %arg12[%add3A_1111] : memref<4096xf32, #tpu.memory_space<vmem>>[vector<16xi32>], vector<16xf32>,
    %add3A_1113 = arith.addf %add3A_1087, %gather3A_1112 : vector<16xf32>
    %add3A_1114 = arith.constant 3072 : i32
    %add3A_1115 = vector.broadcast %add3A_1114 : i32 to vector<16xi32>
    %add3A_1116 = arith.addi %add3A_1101, %add3A_1115 : vector<16xi32>
    %gather3A_1117 = tpu.vector_load_idx %arg12[%add3A_1116] : memref<4096xf32, #tpu.memory_space<vmem>>[vector<16xi32>], vector<16xf32>,
    %add3A_1118 = arith.addf %add3A_1092, %gather3A_1117 : vector<16xf32>
    %add3A_1119 = arith.constant 8 : i32
    %add3A_1120 = vector.broadcast %add3A_1119 : i32 to vector<16xi32>
    %add3A_1121 = arith.addi %add3A_902, %add3A_1120 : vector<16xi32>
    %and3A_1122 = arith.constant 63 : i32
    %and3A_1123 = vector.broadcast %and3A_1122 : i32 to vector<16xi32>
    %and3A_1124 = arith.andi %add3A_1121, %and3A_1123 : vector<16xi32>
    %add3A_1125 = arith.constant 512 : i32
    %add3A_1126 = vector.broadcast %add3A_1125 : i32 to vector<16xi32>
    %add3A_1127 = arith.addi %add3A_1126, %and3A_1124 : vector<16xi32>
    %gather3A_1128 = tpu.vector_load_idx %arg12[%add3A_1127] : memref<4096xf32, #tpu.memory_space<vmem>>[vector<16xi32>], vector<16xf32>,
    %add3A_1129 = arith.addf %add3A_1103, %gather3A_1128 : vector<16xf32>
    %add3A_1130 = arith.constant 1024 : i32
    %add3A_1131 = vector.broadcast %add3A_1130 : i32 to vector<16xi32>
    %add3A_1132 = arith.addi %add3A_1127, %add3A_1131 : vector<16xi32>
    %gather3A_1133 = tpu.vector_load_idx %arg12[%add3A_1132] : memref<4096xf32, #tpu.memory_space<vmem>>[vector<16xi32>], vector<16xf32>,
    %add3A_1134 = arith.addf %add3A_1108, %gather3A_1133 : vector<16xf32>
    %add3A_1135 = arith.constant 2048 : i32
    %add3A_1136 = vector.broadcast %add3A_1135 : i32 to vector<16xi32>
    %add3A_1137 = arith.addi %add3A_1127, %add3A_1136 : vector<16xi32>
    %gather3A_1138 = tpu.vector_load_idx %arg12[%add3A_1137] : memref<4096xf32, #tpu.memory_space<vmem>>[vector<16xi32>], vector<16xf32>,
    %add3A_1139 = arith.addf %add3A_1113, %gather3A_1138 : vector<16xf32>
    %add3A_1140 = arith.constant 3072 : i32
    %add3A_1141 = vector.broadcast %add3A_1140 : i32 to vector<16xi32>
    %add3A_1142 = arith.addi %add3A_1127, %add3A_1141 : vector<16xi32>
    %gather3A_1143 = tpu.vector_load_idx %arg12[%add3A_1142] : memref<4096xf32, #tpu.memory_space<vmem>>[vector<16xi32>], vector<16xf32>,
    %add3A_1144 = arith.addf %add3A_1118, %gather3A_1143 : vector<16xf32>
    %add3A_1145 = arith.constant 9 : i32
    %add3A_1146 = vector.broadcast %add3A_1145 : i32 to vector<16xi32>
    %add3A_1147 = arith.addi %add3A_902, %add3A_1146 : vector<16xi32>
    %and3A_1148 = arith.constant 63 : i32
    %and3A_1149 = vector.broadcast %and3A_1148 : i32 to vector<16xi32>
    %and3A_1150 = arith.andi %add3A_1147, %and3A_1149 : vector<16xi32>
    %add3A_1151 = arith.constant 576 : i32
    %add3A_1152 = vector.broadcast %add3A_1151 : i32 to vector<16xi32>
    %add3A_1153 = arith.addi %add3A_1152, %and3A_1150 : vector<16xi32>
    %gather3A_1154 = tpu.vector_load_idx %arg12[%add3A_1153] : memref<4096xf32, #tpu.memory_space<vmem>>[vector<16xi32>], vector<16xf32>,
    %add3A_1155 = arith.addf %add3A_1129, %gather3A_1154 : vector<16xf32>
    %add3A_1156 = arith.constant 1024 : i32
    %add3A_1157 = vector.broadcast %add3A_1156 : i32 to vector<16xi32>
    %add3A_1158 = arith.addi %add3A_1153, %add3A_1157 : vector<16xi32>
    %gather3A_1159 = tpu.vector_load_idx %arg12[%add3A_1158] : memref<4096xf32, #tpu.memory_space<vmem>>[vector<16xi32>], vector<16xf32>,
    %add3A_1160 = arith.addf %add3A_1134, %gather3A_1159 : vector<16xf32>
    %add3A_1161 = arith.constant 2048 : i32
    %add3A_1162 = vector.broadcast %add3A_1161 : i32 to vector<16xi32>
    %add3A_1163 = arith.addi %add3A_1153, %add3A_1162 : vector<16xi32>
    %gather3A_1164 = tpu.vector_load_idx %arg12[%add3A_1163] : memref<4096xf32, #tpu.memory_space<vmem>>[vector<16xi32>], vector<16xf32>,
    %add3A_1165 = arith.addf %add3A_1139, %gather3A_1164 : vector<16xf32>
    %add3A_1166 = arith.constant 3072 : i32
    %add3A_1167 = vector.broadcast %add3A_1166 : i32 to vector<16xi32>
    %add3A_1168 = arith.addi %add3A_1153, %add3A_1167 : vector<16xi32>
    %gather3A_1169 = tpu.vector_load_idx %arg12[%add3A_1168] : memref<4096xf32, #tpu.memory_space<vmem>>[vector<16xi32>], vector<16xf32>,
    %add3A_1170 = arith.addf %add3A_1144, %gather3A_1169 : vector<16xf32>
    %add3A_1171 = arith.constant 10 : i32
    %add3A_1172 = vector.broadcast %add3A_1171 : i32 to vector<16xi32>
    %add3A_1173 = arith.addi %add3A_902, %add3A_1172 : vector<16xi32>
    %and3A_1174 = arith.constant 63 : i32
    %and3A_1175 = vector.broadcast %and3A_1174 : i32 to vector<16xi32>
    %and3A_1176 = arith.andi %add3A_1173, %and3A_1175 : vector<16xi32>
    %add3A_1177 = arith.constant 640 : i32
    %add3A_1178 = vector.broadcast %add3A_1177 : i32 to vector<16xi32>
    %add3A_1179 = arith.addi %add3A_1178, %and3A_1176 : vector<16xi32>
    %gather3A_1180 = tpu.vector_load_idx %arg12[%add3A_1179] : memref<4096xf32, #tpu.memory_space<vmem>>[vector<16xi32>], vector<16xf32>,
    %add3A_1181 = arith.addf %add3A_1155, %gather3A_1180 : vector<16xf32>
    %add3A_1182 = arith.constant 1024 : i32
    %add3A_1183 = vector.broadcast %add3A_1182 : i32 to vector<16xi32>
    %add3A_1184 = arith.addi %add3A_1179, %add3A_1183 : vector<16xi32>
    %gather3A_1185 = tpu.vector_load_idx %arg12[%add3A_1184] : memref<4096xf32, #tpu.memory_space<vmem>>[vector<16xi32>], vector<16xf32>,
    %add3A_1186 = arith.addf %add3A_1160, %gather3A_1185 : vector<16xf32>
    %add3A_1187 = arith.constant 2048 : i32
    %add3A_1188 = vector.broadcast %add3A_1187 : i32 to vector<16xi32>
    %add3A_1189 = arith.addi %add3A_1179, %add3A_1188 : vector<16xi32>
    %gather3A_1190 = tpu.vector_load_idx %arg12[%add3A_1189] : memref<4096xf32, #tpu.memory_space<vmem>>[vector<16xi32>], vector<16xf32>,
    %add3A_1191 = arith.addf %add3A_1165, %gather3A_1190 : vector<16xf32>
    %add3A_1192 = arith.constant 3072 : i32
    %add3A_1193 = vector.broadcast %add3A_1192 : i32 to vector<16xi32>
    %add3A_1194 = arith.addi %add3A_1179, %add3A_1193 : vector<16xi32>
    %gather3A_1195 = tpu.vector_load_idx %arg12[%add3A_1194] : memref<4096xf32, #tpu.memory_space<vmem>>[vector<16xi32>], vector<16xf32>,
    %add3A_1196 = arith.addf %add3A_1170, %gather3A_1195 : vector<16xf32>
    %add3A_1197 = arith.constant 11 : i32
    %add3A_1198 = vector.broadcast %add3A_1197 : i32 to vector<16xi32>
    %add3A_1199 = arith.addi %add3A_902, %add3A_1198 : vector<16xi32>
    %and3A_1200 = arith.constant 63 : i32
    %and3A_1201 = vector.broadcast %and3A_1200 : i32 to vector<16xi32>
    %and3A_1202 = arith.andi %add3A_1199, %and3A_1201 : vector<16xi32>
    %add3A_1203 = arith.constant 704 : i32
    %add3A_1204 = vector.broadcast %add3A_1203 : i32 to vector<16xi32>
    %add3A_1205 = arith.addi %add3A_1204, %and3A_1202 : vector<16xi32>
    %gather3A_1206 = tpu.vector_load_idx %arg12[%add3A_1205] : memref<4096xf32, #tpu.memory_space<vmem>>[vector<16xi32>], vector<16xf32>,
    %add3A_1207 = arith.addf %add3A_1181, %gather3A_1206 : vector<16xf32>
    %add3A_1208 = arith.constant 1024 : i32
    %add3A_1209 = vector.broadcast %add3A_1208 : i32 to vector<16xi32>
    %add3A_1210 = arith.addi %add3A_1205, %add3A_1209 : vector<16xi32>
    %gather3A_1211 = tpu.vector_load_idx %arg12[%add3A_1210] : memref<4096xf32, #tpu.memory_space<vmem>>[vector<16xi32>], vector<16xf32>,
    %add3A_1212 = arith.addf %add3A_1186, %gather3A_1211 : vector<16xf32>
    %add3A_1213 = arith.constant 2048 : i32
    %add3A_1214 = vector.broadcast %add3A_1213 : i32 to vector<16xi32>
    %add3A_1215 = arith.addi %add3A_1205, %add3A_1214 : vector<16xi32>
    %gather3A_1216 = tpu.vector_load_idx %arg12[%add3A_1215] : memref<4096xf32, #tpu.memory_space<vmem>>[vector<16xi32>], vector<16xf32>,
    %add3A_1217 = arith.addf %add3A_1191, %gather3A_1216 : vector<16xf32>
    %add3A_1218 = arith.constant 3072 : i32
    %add3A_1219 = vector.broadcast %add3A_1218 : i32 to vector<16xi32>
    %add3A_1220 = arith.addi %add3A_1205, %add3A_1219 : vector<16xi32>
    %gather3A_1221 = tpu.vector_load_idx %arg12[%add3A_1220] : memref<4096xf32, #tpu.memory_space<vmem>>[vector<16xi32>], vector<16xf32>,
    %add3A_1222 = arith.addf %add3A_1196, %gather3A_1221 : vector<16xf32>
    %add3A_1223 = arith.constant 12 : i32
    %add3A_1224 = vector.broadcast %add3A_1223 : i32 to vector<16xi32>
    %add3A_1225 = arith.addi %add3A_902, %add3A_1224 : vector<16xi32>
    %and3A_1226 = arith.constant 63 : i32
    %and3A_1227 = vector.broadcast %and3A_1226 : i32 to vector<16xi32>
    %and3A_1228 = arith.andi %add3A_1225, %and3A_1227 : vector<16xi32>
    %add3A_1229 = arith.constant 768 : i32
    %add3A_1230 = vector.broadcast %add3A_1229 : i32 to vector<16xi32>
    %add3A_1231 = arith.addi %add3A_1230, %and3A_1228 : vector<16xi32>
    %gather3A_1232 = tpu.vector_load_idx %arg12[%add3A_1231] : memref<4096xf32, #tpu.memory_space<vmem>>[vector<16xi32>], vector<16xf32>,
    %add3A_1233 = arith.addf %add3A_1207, %gather3A_1232 : vector<16xf32>
    %add3A_1234 = arith.constant 1024 : i32
    %add3A_1235 = vector.broadcast %add3A_1234 : i32 to vector<16xi32>
    %add3A_1236 = arith.addi %add3A_1231, %add3A_1235 : vector<16xi32>
    %gather3A_1237 = tpu.vector_load_idx %arg12[%add3A_1236] : memref<4096xf32, #tpu.memory_space<vmem>>[vector<16xi32>], vector<16xf32>,
    %add3A_1238 = arith.addf %add3A_1212, %gather3A_1237 : vector<16xf32>
    %add3A_1239 = arith.constant 2048 : i32
    %add3A_1240 = vector.broadcast %add3A_1239 : i32 to vector<16xi32>
    %add3A_1241 = arith.addi %add3A_1231, %add3A_1240 : vector<16xi32>
    %gather3A_1242 = tpu.vector_load_idx %arg12[%add3A_1241] : memref<4096xf32, #tpu.memory_space<vmem>>[vector<16xi32>], vector<16xf32>,
    %add3A_1243 = arith.addf %add3A_1217, %gather3A_1242 : vector<16xf32>
    %add3A_1244 = arith.constant 3072 : i32
    %add3A_1245 = vector.broadcast %add3A_1244 : i32 to vector<16xi32>
    %add3A_1246 = arith.addi %add3A_1231, %add3A_1245 : vector<16xi32>
    %gather3A_1247 = tpu.vector_load_idx %arg12[%add3A_1246] : memref<4096xf32, #tpu.memory_space<vmem>>[vector<16xi32>], vector<16xf32>,
    %add3A_1248 = arith.addf %add3A_1222, %gather3A_1247 : vector<16xf32>
    %add3A_1249 = arith.constant 13 : i32
    %add3A_1250 = vector.broadcast %add3A_1249 : i32 to vector<16xi32>
    %add3A_1251 = arith.addi %add3A_902, %add3A_1250 : vector<16xi32>
    %and3A_1252 = arith.constant 63 : i32
    %and3A_1253 = vector.broadcast %and3A_1252 : i32 to vector<16xi32>
    %and3A_1254 = arith.andi %add3A_1251, %and3A_1253 : vector<16xi32>
    %add3A_1255 = arith.constant 832 : i32
    %add3A_1256 = vector.broadcast %add3A_1255 : i32 to vector<16xi32>
    %add3A_1257 = arith.addi %add3A_1256, %and3A_1254 : vector<16xi32>
    %gather3A_1258 = tpu.vector_load_idx %arg12[%add3A_1257] : memref<4096xf32, #tpu.memory_space<vmem>>[vector<16xi32>], vector<16xf32>,
    %add3A_1259 = arith.addf %add3A_1233, %gather3A_1258 : vector<16xf32>
    %add3A_1260 = arith.constant 1024 : i32
    %add3A_1261 = vector.broadcast %add3A_1260 : i32 to vector<16xi32>
    %add3A_1262 = arith.addi %add3A_1257, %add3A_1261 : vector<16xi32>
    %gather3A_1263 = tpu.vector_load_idx %arg12[%add3A_1262] : memref<4096xf32, #tpu.memory_space<vmem>>[vector<16xi32>], vector<16xf32>,
    %add3A_1264 = arith.addf %add3A_1238, %gather3A_1263 : vector<16xf32>
    %add3A_1265 = arith.constant 2048 : i32
    %add3A_1266 = vector.broadcast %add3A_1265 : i32 to vector<16xi32>
    %add3A_1267 = arith.addi %add3A_1257, %add3A_1266 : vector<16xi32>
    %gather3A_1268 = tpu.vector_load_idx %arg12[%add3A_1267] : memref<4096xf32, #tpu.memory_space<vmem>>[vector<16xi32>], vector<16xf32>,
    %add3A_1269 = arith.addf %add3A_1243, %gather3A_1268 : vector<16xf32>
    %add3A_1270 = arith.constant 3072 : i32
    %add3A_1271 = vector.broadcast %add3A_1270 : i32 to vector<16xi32>
    %add3A_1272 = arith.addi %add3A_1257, %add3A_1271 : vector<16xi32>
    %gather3A_1273 = tpu.vector_load_idx %arg12[%add3A_1272] : memref<4096xf32, #tpu.memory_space<vmem>>[vector<16xi32>], vector<16xf32>,
    %add3A_1274 = arith.addf %add3A_1248, %gather3A_1273 : vector<16xf32>
    %add3A_1275 = arith.constant 14 : i32
    %add3A_1276 = vector.broadcast %add3A_1275 : i32 to vector<16xi32>
    %add3A_1277 = arith.addi %add3A_902, %add3A_1276 : vector<16xi32>
    %and3A_1278 = arith.constant 63 : i32
    %and3A_1279 = vector.broadcast %and3A_1278 : i32 to vector<16xi32>
    %and3A_1280 = arith.andi %add3A_1277, %and3A_1279 : vector<16xi32>
    %add3A_1281 = arith.constant 896 : i32
    %add3A_1282 = vector.broadcast %add3A_1281 : i32 to vector<16xi32>
    %add3A_1283 = arith.addi %add3A_1282, %and3A_1280 : vector<16xi32>
    %gather3A_1284 = tpu.vector_load_idx %arg12[%add3A_1283] : memref<4096xf32, #tpu.memory_space<vmem>>[vector<16xi32>], vector<16xf32>,
    %add3A_1285 = arith.addf %add3A_1259, %gather3A_1284 : vector<16xf32>
    %add3A_1286 = arith.constant 1024 : i32
    %add3A_1287 = vector.broadcast %add3A_1286 : i32 to vector<16xi32>
    %add3A_1288 = arith.addi %add3A_1283, %add3A_1287 : vector<16xi32>
    %gather3A_1289 = tpu.vector_load_idx %arg12[%add3A_1288] : memref<4096xf32, #tpu.memory_space<vmem>>[vector<16xi32>], vector<16xf32>,
    %add3A_1290 = arith.addf %add3A_1264, %gather3A_1289 : vector<16xf32>
    %add3A_1291 = arith.constant 2048 : i32
    %add3A_1292 = vector.broadcast %add3A_1291 : i32 to vector<16xi32>
    %add3A_1293 = arith.addi %add3A_1283, %add3A_1292 : vector<16xi32>
    %gather3A_1294 = tpu.vector_load_idx %arg12[%add3A_1293] : memref<4096xf32, #tpu.memory_space<vmem>>[vector<16xi32>], vector<16xf32>,
    %add3A_1295 = arith.addf %add3A_1269, %gather3A_1294 : vector<16xf32>
    %add3A_1296 = arith.constant 3072 : i32
    %add3A_1297 = vector.broadcast %add3A_1296 : i32 to vector<16xi32>
    %add3A_1298 = arith.addi %add3A_1283, %add3A_1297 : vector<16xi32>
    %gather3A_1299 = tpu.vector_load_idx %arg12[%add3A_1298] : memref<4096xf32, #tpu.memory_space<vmem>>[vector<16xi32>], vector<16xf32>,
    %add3A_1300 = arith.addf %add3A_1274, %gather3A_1299 : vector<16xf32>
    %add3A_1301 = arith.constant 15 : i32
    %add3A_1302 = vector.broadcast %add3A_1301 : i32 to vector<16xi32>
    %add3A_1303 = arith.addi %add3A_902, %add3A_1302 : vector<16xi32>
    %and3A_1304 = arith.constant 63 : i32
    %and3A_1305 = vector.broadcast %and3A_1304 : i32 to vector<16xi32>
    %and3A_1306 = arith.andi %add3A_1303, %and3A_1305 : vector<16xi32>
    %add3A_1307 = arith.constant 960 : i32
    %add3A_1308 = vector.broadcast %add3A_1307 : i32 to vector<16xi32>
    %add3A_1309 = arith.addi %add3A_1308, %and3A_1306 : vector<16xi32>
    %gather3A_1310 = tpu.vector_load_idx %arg12[%add3A_1309] : memref<4096xf32, #tpu.memory_space<vmem>>[vector<16xi32>], vector<16xf32>,
    %add3A_1311 = arith.addf %add3A_1285, %gather3A_1310 : vector<16xf32>
    %add3A_1312 = arith.constant 1024 : i32
    %add3A_1313 = vector.broadcast %add3A_1312 : i32 to vector<16xi32>
    %add3A_1314 = arith.addi %add3A_1309, %add3A_1313 : vector<16xi32>
    %gather3A_1315 = tpu.vector_load_idx %arg12[%add3A_1314] : memref<4096xf32, #tpu.memory_space<vmem>>[vector<16xi32>], vector<16xf32>,
    %add3A_1316 = arith.addf %add3A_1290, %gather3A_1315 : vector<16xf32>
    %add3A_1317 = arith.constant 2048 : i32
    %add3A_1318 = vector.broadcast %add3A_1317 : i32 to vector<16xi32>
    %add3A_1319 = arith.addi %add3A_1309, %add3A_1318 : vector<16xi32>
    %gather3A_1320 = tpu.vector_load_idx %arg12[%add3A_1319] : memref<4096xf32, #tpu.memory_space<vmem>>[vector<16xi32>], vector<16xf32>,
    %add3A_1321 = arith.addf %add3A_1295, %gather3A_1320 : vector<16xf32>
    %add3A_1322 = arith.constant 3072 : i32
    %add3A_1323 = vector.broadcast %add3A_1322 : i32 to vector<16xi32>
    %add3A_1324 = arith.addi %add3A_1309, %add3A_1323 : vector<16xi32>
    %gather3A_1325 = tpu.vector_load_idx %arg12[%add3A_1324] : memref<4096xf32, #tpu.memory_space<vmem>>[vector<16xi32>], vector<16xf32>,
    %add3A_1326 = arith.addf %add3A_1300, %gather3A_1325 : vector<16xf32>
    %convert_element_type3A_1327 = arith.fptosi %add3A_1311 : vector<16xf32> to vector<16xi32>
    %and3A_1328 = arith.constant 4095 : i32
    %and3A_1329 = vector.broadcast %and3A_1328 : i32 to vector<16xi32>
    %and3A_1330 = arith.andi %convert_element_type3A_1327, %and3A_1329 : vector<16xi32>
    %convert_element_type3A_1331 = arith.sitofp %and3A_1330 : vector<16xi32> to vector<16xf32>
    %swap3A_1332 = arith.constant 32 : index
    %swap3A_1333 = tpu.vector_load %arg13[%swap3A_1332] {strides = array<i32>} : memref<384xf32, #tpu.memory_space<vmem>>, vector<16xf32>,
    tpu.vector_store %arg13[%swap3A_1332], %convert_element_type3A_1331 {strides = array<i32>} : memref<384xf32, #tpu.memory_space<vmem>>, vector<16xf32>,
    %shift_right_arithmetic3A_1334 = arith.constant 12 : i32
    %shift_right_arithmetic3A_1335 = vector.broadcast %shift_right_arithmetic3A_1334 : i32 to vector<16xi32>
    %shift_right_arithmetic3A_1336 = arith.shrsi %convert_element_type3A_1327, %shift_right_arithmetic3A_1335 : vector<16xi32>
    %convert_element_type3A_1337 = arith.sitofp %shift_right_arithmetic3A_1336 : vector<16xi32> to vector<16xf32>
    %swap3A_1338 = arith.constant 96 : index
    %swap3A_1339 = tpu.vector_load %arg13[%swap3A_1338] {strides = array<i32>} : memref<384xf32, #tpu.memory_space<vmem>>, vector<16xf32>,
    tpu.vector_store %arg13[%swap3A_1338], %convert_element_type3A_1337 {strides = array<i32>} : memref<384xf32, #tpu.memory_space<vmem>>, vector<16xf32>,
    %swap3A_1340 = arith.constant 160 : index
    %swap3A_1341 = tpu.vector_load %arg13[%swap3A_1340] {strides = array<i32>} : memref<384xf32, #tpu.memory_space<vmem>>, vector<16xf32>,
    tpu.vector_store %arg13[%swap3A_1340], %add3A_1316 {strides = array<i32>} : memref<384xf32, #tpu.memory_space<vmem>>, vector<16xf32>,
    %swap3A_1342 = arith.constant 224 : index
    %swap3A_1343 = tpu.vector_load %arg13[%swap3A_1342] {strides = array<i32>} : memref<384xf32, #tpu.memory_space<vmem>>, vector<16xf32>,
    tpu.vector_store %arg13[%swap3A_1342], %add3A_1321 {strides = array<i32>} : memref<384xf32, #tpu.memory_space<vmem>>, vector<16xf32>,
    %swap3A_1344 = arith.constant 288 : index
    %swap3A_1345 = tpu.vector_load %arg13[%swap3A_1344] {strides = array<i32>} : memref<384xf32, #tpu.memory_space<vmem>>, vector<16xf32>,
    tpu.vector_store %arg13[%swap3A_1344], %add3A_1326 {strides = array<i32>} : memref<384xf32, #tpu.memory_space<vmem>>, vector<16xf32>,
    %add3A_1346 = arith.constant 48 : i32
    %add3A_1347 = vector.broadcast %add3A_1346 : i32 to vector<16xi32>
    %add3A_1348 = arith.addi %add3A_1347, %iota3A : vector<16xi32>
    %broadcast_in_dim3A_1349 = arith.constant 0.000000e+00 : f32
    %broadcast_in_dim3A_1350 = vector.broadcast %broadcast_in_dim3A_1349 : f32 to vector<16xf32>
    %broadcast_in_dim3A_1351 = arith.constant 0.000000e+00 : f32
    %broadcast_in_dim3A_1352 = vector.broadcast %broadcast_in_dim3A_1351 : f32 to vector<16xf32>
    %broadcast_in_dim3A_1353 = arith.constant 0.000000e+00 : f32
    %broadcast_in_dim3A_1354 = vector.broadcast %broadcast_in_dim3A_1353 : f32 to vector<16xf32>
    %broadcast_in_dim3A_1355 = arith.constant 0.000000e+00 : f32
    %broadcast_in_dim3A_1356 = vector.broadcast %broadcast_in_dim3A_1355 : f32 to vector<16xf32>
    %add3A_1357 = arith.constant 0 : i32
    %add3A_1358 = vector.broadcast %add3A_1357 : i32 to vector<16xi32>
    %add3A_1359 = arith.addi %add3A_1348, %add3A_1358 : vector<16xi32>
    %and3A_1360 = arith.constant 63 : i32
    %and3A_1361 = vector.broadcast %and3A_1360 : i32 to vector<16xi32>
    %and3A_1362 = arith.andi %add3A_1359, %and3A_1361 : vector<16xi32>
    %add3A_1363 = arith.constant 0 : i32
    %add3A_1364 = vector.broadcast %add3A_1363 : i32 to vector<16xi32>
    %add3A_1365 = arith.addi %add3A_1364, %and3A_1362 : vector<16xi32>
    %gather3A_1366 = tpu.vector_load_idx %arg12[%add3A_1365] : memref<4096xf32, #tpu.memory_space<vmem>>[vector<16xi32>], vector<16xf32>,
    %add3A_1367 = arith.addf %broadcast_in_dim3A_1350, %gather3A_1366 : vector<16xf32>
    %add3A_1368 = arith.constant 1024 : i32
    %add3A_1369 = vector.broadcast %add3A_1368 : i32 to vector<16xi32>
    %add3A_1370 = arith.addi %add3A_1365, %add3A_1369 : vector<16xi32>
    %gather3A_1371 = tpu.vector_load_idx %arg12[%add3A_1370] : memref<4096xf32, #tpu.memory_space<vmem>>[vector<16xi32>], vector<16xf32>,
    %add3A_1372 = arith.addf %broadcast_in_dim3A_1352, %gather3A_1371 : vector<16xf32>
    %add3A_1373 = arith.constant 2048 : i32
    %add3A_1374 = vector.broadcast %add3A_1373 : i32 to vector<16xi32>
    %add3A_1375 = arith.addi %add3A_1365, %add3A_1374 : vector<16xi32>
    %gather3A_1376 = tpu.vector_load_idx %arg12[%add3A_1375] : memref<4096xf32, #tpu.memory_space<vmem>>[vector<16xi32>], vector<16xf32>,
    %add3A_1377 = arith.addf %broadcast_in_dim3A_1354, %gather3A_1376 : vector<16xf32>
    %add3A_1378 = arith.constant 3072 : i32
    %add3A_1379 = vector.broadcast %add3A_1378 : i32 to vector<16xi32>
    %add3A_1380 = arith.addi %add3A_1365, %add3A_1379 : vector<16xi32>
    %gather3A_1381 = tpu.vector_load_idx %arg12[%add3A_1380] : memref<4096xf32, #tpu.memory_space<vmem>>[vector<16xi32>], vector<16xf32>,
    %add3A_1382 = arith.addf %broadcast_in_dim3A_1356, %gather3A_1381 : vector<16xf32>
    %add3A_1383 = arith.constant 1 : i32
    %add3A_1384 = vector.broadcast %add3A_1383 : i32 to vector<16xi32>
    %add3A_1385 = arith.addi %add3A_1348, %add3A_1384 : vector<16xi32>
    %and3A_1386 = arith.constant 63 : i32
    %and3A_1387 = vector.broadcast %and3A_1386 : i32 to vector<16xi32>
    %and3A_1388 = arith.andi %add3A_1385, %and3A_1387 : vector<16xi32>
    %add3A_1389 = arith.constant 64 : i32
    %add3A_1390 = vector.broadcast %add3A_1389 : i32 to vector<16xi32>
    %add3A_1391 = arith.addi %add3A_1390, %and3A_1388 : vector<16xi32>
    %gather3A_1392 = tpu.vector_load_idx %arg12[%add3A_1391] : memref<4096xf32, #tpu.memory_space<vmem>>[vector<16xi32>], vector<16xf32>,
    %add3A_1393 = arith.addf %add3A_1367, %gather3A_1392 : vector<16xf32>
    %add3A_1394 = arith.constant 1024 : i32
    %add3A_1395 = vector.broadcast %add3A_1394 : i32 to vector<16xi32>
    %add3A_1396 = arith.addi %add3A_1391, %add3A_1395 : vector<16xi32>
    %gather3A_1397 = tpu.vector_load_idx %arg12[%add3A_1396] : memref<4096xf32, #tpu.memory_space<vmem>>[vector<16xi32>], vector<16xf32>,
    %add3A_1398 = arith.addf %add3A_1372, %gather3A_1397 : vector<16xf32>
    %add3A_1399 = arith.constant 2048 : i32
    %add3A_1400 = vector.broadcast %add3A_1399 : i32 to vector<16xi32>
    %add3A_1401 = arith.addi %add3A_1391, %add3A_1400 : vector<16xi32>
    %gather3A_1402 = tpu.vector_load_idx %arg12[%add3A_1401] : memref<4096xf32, #tpu.memory_space<vmem>>[vector<16xi32>], vector<16xf32>,
    %add3A_1403 = arith.addf %add3A_1377, %gather3A_1402 : vector<16xf32>
    %add3A_1404 = arith.constant 3072 : i32
    %add3A_1405 = vector.broadcast %add3A_1404 : i32 to vector<16xi32>
    %add3A_1406 = arith.addi %add3A_1391, %add3A_1405 : vector<16xi32>
    %gather3A_1407 = tpu.vector_load_idx %arg12[%add3A_1406] : memref<4096xf32, #tpu.memory_space<vmem>>[vector<16xi32>], vector<16xf32>,
    %add3A_1408 = arith.addf %add3A_1382, %gather3A_1407 : vector<16xf32>
    %add3A_1409 = arith.constant 2 : i32
    %add3A_1410 = vector.broadcast %add3A_1409 : i32 to vector<16xi32>
    %add3A_1411 = arith.addi %add3A_1348, %add3A_1410 : vector<16xi32>
    %and3A_1412 = arith.constant 63 : i32
    %and3A_1413 = vector.broadcast %and3A_1412 : i32 to vector<16xi32>
    %and3A_1414 = arith.andi %add3A_1411, %and3A_1413 : vector<16xi32>
    %add3A_1415 = arith.constant 128 : i32
    %add3A_1416 = vector.broadcast %add3A_1415 : i32 to vector<16xi32>
    %add3A_1417 = arith.addi %add3A_1416, %and3A_1414 : vector<16xi32>
    %gather3A_1418 = tpu.vector_load_idx %arg12[%add3A_1417] : memref<4096xf32, #tpu.memory_space<vmem>>[vector<16xi32>], vector<16xf32>,
    %add3A_1419 = arith.addf %add3A_1393, %gather3A_1418 : vector<16xf32>
    %add3A_1420 = arith.constant 1024 : i32
    %add3A_1421 = vector.broadcast %add3A_1420 : i32 to vector<16xi32>
    %add3A_1422 = arith.addi %add3A_1417, %add3A_1421 : vector<16xi32>
    %gather3A_1423 = tpu.vector_load_idx %arg12[%add3A_1422] : memref<4096xf32, #tpu.memory_space<vmem>>[vector<16xi32>], vector<16xf32>,
    %add3A_1424 = arith.addf %add3A_1398, %gather3A_1423 : vector<16xf32>
    %add3A_1425 = arith.constant 2048 : i32
    %add3A_1426 = vector.broadcast %add3A_1425 : i32 to vector<16xi32>
    %add3A_1427 = arith.addi %add3A_1417, %add3A_1426 : vector<16xi32>
    %gather3A_1428 = tpu.vector_load_idx %arg12[%add3A_1427] : memref<4096xf32, #tpu.memory_space<vmem>>[vector<16xi32>], vector<16xf32>,
    %add3A_1429 = arith.addf %add3A_1403, %gather3A_1428 : vector<16xf32>
    %add3A_1430 = arith.constant 3072 : i32
    %add3A_1431 = vector.broadcast %add3A_1430 : i32 to vector<16xi32>
    %add3A_1432 = arith.addi %add3A_1417, %add3A_1431 : vector<16xi32>
    %gather3A_1433 = tpu.vector_load_idx %arg12[%add3A_1432] : memref<4096xf32, #tpu.memory_space<vmem>>[vector<16xi32>], vector<16xf32>,
    %add3A_1434 = arith.addf %add3A_1408, %gather3A_1433 : vector<16xf32>
    %add3A_1435 = arith.constant 3 : i32
    %add3A_1436 = vector.broadcast %add3A_1435 : i32 to vector<16xi32>
    %add3A_1437 = arith.addi %add3A_1348, %add3A_1436 : vector<16xi32>
    %and3A_1438 = arith.constant 63 : i32
    %and3A_1439 = vector.broadcast %and3A_1438 : i32 to vector<16xi32>
    %and3A_1440 = arith.andi %add3A_1437, %and3A_1439 : vector<16xi32>
    %add3A_1441 = arith.constant 192 : i32
    %add3A_1442 = vector.broadcast %add3A_1441 : i32 to vector<16xi32>
    %add3A_1443 = arith.addi %add3A_1442, %and3A_1440 : vector<16xi32>
    %gather3A_1444 = tpu.vector_load_idx %arg12[%add3A_1443] : memref<4096xf32, #tpu.memory_space<vmem>>[vector<16xi32>], vector<16xf32>,
    %add3A_1445 = arith.addf %add3A_1419, %gather3A_1444 : vector<16xf32>
    %add3A_1446 = arith.constant 1024 : i32
    %add3A_1447 = vector.broadcast %add3A_1446 : i32 to vector<16xi32>
    %add3A_1448 = arith.addi %add3A_1443, %add3A_1447 : vector<16xi32>
    %gather3A_1449 = tpu.vector_load_idx %arg12[%add3A_1448] : memref<4096xf32, #tpu.memory_space<vmem>>[vector<16xi32>], vector<16xf32>,
    %add3A_1450 = arith.addf %add3A_1424, %gather3A_1449 : vector<16xf32>
    %add3A_1451 = arith.constant 2048 : i32
    %add3A_1452 = vector.broadcast %add3A_1451 : i32 to vector<16xi32>
    %add3A_1453 = arith.addi %add3A_1443, %add3A_1452 : vector<16xi32>
    %gather3A_1454 = tpu.vector_load_idx %arg12[%add3A_1453] : memref<4096xf32, #tpu.memory_space<vmem>>[vector<16xi32>], vector<16xf32>,
    %add3A_1455 = arith.addf %add3A_1429, %gather3A_1454 : vector<16xf32>
    %add3A_1456 = arith.constant 3072 : i32
    %add3A_1457 = vector.broadcast %add3A_1456 : i32 to vector<16xi32>
    %add3A_1458 = arith.addi %add3A_1443, %add3A_1457 : vector<16xi32>
    %gather3A_1459 = tpu.vector_load_idx %arg12[%add3A_1458] : memref<4096xf32, #tpu.memory_space<vmem>>[vector<16xi32>], vector<16xf32>,
    %add3A_1460 = arith.addf %add3A_1434, %gather3A_1459 : vector<16xf32>
    %add3A_1461 = arith.constant 4 : i32
    %add3A_1462 = vector.broadcast %add3A_1461 : i32 to vector<16xi32>
    %add3A_1463 = arith.addi %add3A_1348, %add3A_1462 : vector<16xi32>
    %and3A_1464 = arith.constant 63 : i32
    %and3A_1465 = vector.broadcast %and3A_1464 : i32 to vector<16xi32>
    %and3A_1466 = arith.andi %add3A_1463, %and3A_1465 : vector<16xi32>
    %add3A_1467 = arith.constant 256 : i32
    %add3A_1468 = vector.broadcast %add3A_1467 : i32 to vector<16xi32>
    %add3A_1469 = arith.addi %add3A_1468, %and3A_1466 : vector<16xi32>
    %gather3A_1470 = tpu.vector_load_idx %arg12[%add3A_1469] : memref<4096xf32, #tpu.memory_space<vmem>>[vector<16xi32>], vector<16xf32>,
    %add3A_1471 = arith.addf %add3A_1445, %gather3A_1470 : vector<16xf32>
    %add3A_1472 = arith.constant 1024 : i32
    %add3A_1473 = vector.broadcast %add3A_1472 : i32 to vector<16xi32>
    %add3A_1474 = arith.addi %add3A_1469, %add3A_1473 : vector<16xi32>
    %gather3A_1475 = tpu.vector_load_idx %arg12[%add3A_1474] : memref<4096xf32, #tpu.memory_space<vmem>>[vector<16xi32>], vector<16xf32>,
    %add3A_1476 = arith.addf %add3A_1450, %gather3A_1475 : vector<16xf32>
    %add3A_1477 = arith.constant 2048 : i32
    %add3A_1478 = vector.broadcast %add3A_1477 : i32 to vector<16xi32>
    %add3A_1479 = arith.addi %add3A_1469, %add3A_1478 : vector<16xi32>
    %gather3A_1480 = tpu.vector_load_idx %arg12[%add3A_1479] : memref<4096xf32, #tpu.memory_space<vmem>>[vector<16xi32>], vector<16xf32>,
    %add3A_1481 = arith.addf %add3A_1455, %gather3A_1480 : vector<16xf32>
    %add3A_1482 = arith.constant 3072 : i32
    %add3A_1483 = vector.broadcast %add3A_1482 : i32 to vector<16xi32>
    %add3A_1484 = arith.addi %add3A_1469, %add3A_1483 : vector<16xi32>
    %gather3A_1485 = tpu.vector_load_idx %arg12[%add3A_1484] : memref<4096xf32, #tpu.memory_space<vmem>>[vector<16xi32>], vector<16xf32>,
    %add3A_1486 = arith.addf %add3A_1460, %gather3A_1485 : vector<16xf32>
    %add3A_1487 = arith.constant 5 : i32
    %add3A_1488 = vector.broadcast %add3A_1487 : i32 to vector<16xi32>
    %add3A_1489 = arith.addi %add3A_1348, %add3A_1488 : vector<16xi32>
    %and3A_1490 = arith.constant 63 : i32
    %and3A_1491 = vector.broadcast %and3A_1490 : i32 to vector<16xi32>
    %and3A_1492 = arith.andi %add3A_1489, %and3A_1491 : vector<16xi32>
    %add3A_1493 = arith.constant 320 : i32
    %add3A_1494 = vector.broadcast %add3A_1493 : i32 to vector<16xi32>
    %add3A_1495 = arith.addi %add3A_1494, %and3A_1492 : vector<16xi32>
    %gather3A_1496 = tpu.vector_load_idx %arg12[%add3A_1495] : memref<4096xf32, #tpu.memory_space<vmem>>[vector<16xi32>], vector<16xf32>,
    %add3A_1497 = arith.addf %add3A_1471, %gather3A_1496 : vector<16xf32>
    %add3A_1498 = arith.constant 1024 : i32
    %add3A_1499 = vector.broadcast %add3A_1498 : i32 to vector<16xi32>
    %add3A_1500 = arith.addi %add3A_1495, %add3A_1499 : vector<16xi32>
    %gather3A_1501 = tpu.vector_load_idx %arg12[%add3A_1500] : memref<4096xf32, #tpu.memory_space<vmem>>[vector<16xi32>], vector<16xf32>,
    %add3A_1502 = arith.addf %add3A_1476, %gather3A_1501 : vector<16xf32>
    %add3A_1503 = arith.constant 2048 : i32
    %add3A_1504 = vector.broadcast %add3A_1503 : i32 to vector<16xi32>
    %add3A_1505 = arith.addi %add3A_1495, %add3A_1504 : vector<16xi32>
    %gather3A_1506 = tpu.vector_load_idx %arg12[%add3A_1505] : memref<4096xf32, #tpu.memory_space<vmem>>[vector<16xi32>], vector<16xf32>,
    %add3A_1507 = arith.addf %add3A_1481, %gather3A_1506 : vector<16xf32>
    %add3A_1508 = arith.constant 3072 : i32
    %add3A_1509 = vector.broadcast %add3A_1508 : i32 to vector<16xi32>
    %add3A_1510 = arith.addi %add3A_1495, %add3A_1509 : vector<16xi32>
    %gather3A_1511 = tpu.vector_load_idx %arg12[%add3A_1510] : memref<4096xf32, #tpu.memory_space<vmem>>[vector<16xi32>], vector<16xf32>,
    %add3A_1512 = arith.addf %add3A_1486, %gather3A_1511 : vector<16xf32>
    %add3A_1513 = arith.constant 6 : i32
    %add3A_1514 = vector.broadcast %add3A_1513 : i32 to vector<16xi32>
    %add3A_1515 = arith.addi %add3A_1348, %add3A_1514 : vector<16xi32>
    %and3A_1516 = arith.constant 63 : i32
    %and3A_1517 = vector.broadcast %and3A_1516 : i32 to vector<16xi32>
    %and3A_1518 = arith.andi %add3A_1515, %and3A_1517 : vector<16xi32>
    %add3A_1519 = arith.constant 384 : i32
    %add3A_1520 = vector.broadcast %add3A_1519 : i32 to vector<16xi32>
    %add3A_1521 = arith.addi %add3A_1520, %and3A_1518 : vector<16xi32>
    %gather3A_1522 = tpu.vector_load_idx %arg12[%add3A_1521] : memref<4096xf32, #tpu.memory_space<vmem>>[vector<16xi32>], vector<16xf32>,
    %add3A_1523 = arith.addf %add3A_1497, %gather3A_1522 : vector<16xf32>
    %add3A_1524 = arith.constant 1024 : i32
    %add3A_1525 = vector.broadcast %add3A_1524 : i32 to vector<16xi32>
    %add3A_1526 = arith.addi %add3A_1521, %add3A_1525 : vector<16xi32>
    %gather3A_1527 = tpu.vector_load_idx %arg12[%add3A_1526] : memref<4096xf32, #tpu.memory_space<vmem>>[vector<16xi32>], vector<16xf32>,
    %add3A_1528 = arith.addf %add3A_1502, %gather3A_1527 : vector<16xf32>
    %add3A_1529 = arith.constant 2048 : i32
    %add3A_1530 = vector.broadcast %add3A_1529 : i32 to vector<16xi32>
    %add3A_1531 = arith.addi %add3A_1521, %add3A_1530 : vector<16xi32>
    %gather3A_1532 = tpu.vector_load_idx %arg12[%add3A_1531] : memref<4096xf32, #tpu.memory_space<vmem>>[vector<16xi32>], vector<16xf32>,
    %add3A_1533 = arith.addf %add3A_1507, %gather3A_1532 : vector<16xf32>
    %add3A_1534 = arith.constant 3072 : i32
    %add3A_1535 = vector.broadcast %add3A_1534 : i32 to vector<16xi32>
    %add3A_1536 = arith.addi %add3A_1521, %add3A_1535 : vector<16xi32>
    %gather3A_1537 = tpu.vector_load_idx %arg12[%add3A_1536] : memref<4096xf32, #tpu.memory_space<vmem>>[vector<16xi32>], vector<16xf32>,
    %add3A_1538 = arith.addf %add3A_1512, %gather3A_1537 : vector<16xf32>
    %add3A_1539 = arith.constant 7 : i32
    %add3A_1540 = vector.broadcast %add3A_1539 : i32 to vector<16xi32>
    %add3A_1541 = arith.addi %add3A_1348, %add3A_1540 : vector<16xi32>
    %and3A_1542 = arith.constant 63 : i32
    %and3A_1543 = vector.broadcast %and3A_1542 : i32 to vector<16xi32>
    %and3A_1544 = arith.andi %add3A_1541, %and3A_1543 : vector<16xi32>
    %add3A_1545 = arith.constant 448 : i32
    %add3A_1546 = vector.broadcast %add3A_1545 : i32 to vector<16xi32>
    %add3A_1547 = arith.addi %add3A_1546, %and3A_1544 : vector<16xi32>
    %gather3A_1548 = tpu.vector_load_idx %arg12[%add3A_1547] : memref<4096xf32, #tpu.memory_space<vmem>>[vector<16xi32>], vector<16xf32>,
    %add3A_1549 = arith.addf %add3A_1523, %gather3A_1548 : vector<16xf32>
    %add3A_1550 = arith.constant 1024 : i32
    %add3A_1551 = vector.broadcast %add3A_1550 : i32 to vector<16xi32>
    %add3A_1552 = arith.addi %add3A_1547, %add3A_1551 : vector<16xi32>
    %gather3A_1553 = tpu.vector_load_idx %arg12[%add3A_1552] : memref<4096xf32, #tpu.memory_space<vmem>>[vector<16xi32>], vector<16xf32>,
    %add3A_1554 = arith.addf %add3A_1528, %gather3A_1553 : vector<16xf32>
    %add3A_1555 = arith.constant 2048 : i32
    %add3A_1556 = vector.broadcast %add3A_1555 : i32 to vector<16xi32>
    %add3A_1557 = arith.addi %add3A_1547, %add3A_1556 : vector<16xi32>
    %gather3A_1558 = tpu.vector_load_idx %arg12[%add3A_1557] : memref<4096xf32, #tpu.memory_space<vmem>>[vector<16xi32>], vector<16xf32>,
    %add3A_1559 = arith.addf %add3A_1533, %gather3A_1558 : vector<16xf32>
    %add3A_1560 = arith.constant 3072 : i32
    %add3A_1561 = vector.broadcast %add3A_1560 : i32 to vector<16xi32>
    %add3A_1562 = arith.addi %add3A_1547, %add3A_1561 : vector<16xi32>
    %gather3A_1563 = tpu.vector_load_idx %arg12[%add3A_1562] : memref<4096xf32, #tpu.memory_space<vmem>>[vector<16xi32>], vector<16xf32>,
    %add3A_1564 = arith.addf %add3A_1538, %gather3A_1563 : vector<16xf32>
    %add3A_1565 = arith.constant 8 : i32
    %add3A_1566 = vector.broadcast %add3A_1565 : i32 to vector<16xi32>
    %add3A_1567 = arith.addi %add3A_1348, %add3A_1566 : vector<16xi32>
    %and3A_1568 = arith.constant 63 : i32
    %and3A_1569 = vector.broadcast %and3A_1568 : i32 to vector<16xi32>
    %and3A_1570 = arith.andi %add3A_1567, %and3A_1569 : vector<16xi32>
    %add3A_1571 = arith.constant 512 : i32
    %add3A_1572 = vector.broadcast %add3A_1571 : i32 to vector<16xi32>
    %add3A_1573 = arith.addi %add3A_1572, %and3A_1570 : vector<16xi32>
    %gather3A_1574 = tpu.vector_load_idx %arg12[%add3A_1573] : memref<4096xf32, #tpu.memory_space<vmem>>[vector<16xi32>], vector<16xf32>,
    %add3A_1575 = arith.addf %add3A_1549, %gather3A_1574 : vector<16xf32>
    %add3A_1576 = arith.constant 1024 : i32
    %add3A_1577 = vector.broadcast %add3A_1576 : i32 to vector<16xi32>
    %add3A_1578 = arith.addi %add3A_1573, %add3A_1577 : vector<16xi32>
    %gather3A_1579 = tpu.vector_load_idx %arg12[%add3A_1578] : memref<4096xf32, #tpu.memory_space<vmem>>[vector<16xi32>], vector<16xf32>,
    %add3A_1580 = arith.addf %add3A_1554, %gather3A_1579 : vector<16xf32>
    %add3A_1581 = arith.constant 2048 : i32
    %add3A_1582 = vector.broadcast %add3A_1581 : i32 to vector<16xi32>
    %add3A_1583 = arith.addi %add3A_1573, %add3A_1582 : vector<16xi32>
    %gather3A_1584 = tpu.vector_load_idx %arg12[%add3A_1583] : memref<4096xf32, #tpu.memory_space<vmem>>[vector<16xi32>], vector<16xf32>,
    %add3A_1585 = arith.addf %add3A_1559, %gather3A_1584 : vector<16xf32>
    %add3A_1586 = arith.constant 3072 : i32
    %add3A_1587 = vector.broadcast %add3A_1586 : i32 to vector<16xi32>
    %add3A_1588 = arith.addi %add3A_1573, %add3A_1587 : vector<16xi32>
    %gather3A_1589 = tpu.vector_load_idx %arg12[%add3A_1588] : memref<4096xf32, #tpu.memory_space<vmem>>[vector<16xi32>], vector<16xf32>,
    %add3A_1590 = arith.addf %add3A_1564, %gather3A_1589 : vector<16xf32>
    %add3A_1591 = arith.constant 9 : i32
    %add3A_1592 = vector.broadcast %add3A_1591 : i32 to vector<16xi32>
    %add3A_1593 = arith.addi %add3A_1348, %add3A_1592 : vector<16xi32>
    %and3A_1594 = arith.constant 63 : i32
    %and3A_1595 = vector.broadcast %and3A_1594 : i32 to vector<16xi32>
    %and3A_1596 = arith.andi %add3A_1593, %and3A_1595 : vector<16xi32>
    %add3A_1597 = arith.constant 576 : i32
    %add3A_1598 = vector.broadcast %add3A_1597 : i32 to vector<16xi32>
    %add3A_1599 = arith.addi %add3A_1598, %and3A_1596 : vector<16xi32>
    %gather3A_1600 = tpu.vector_load_idx %arg12[%add3A_1599] : memref<4096xf32, #tpu.memory_space<vmem>>[vector<16xi32>], vector<16xf32>,
    %add3A_1601 = arith.addf %add3A_1575, %gather3A_1600 : vector<16xf32>
    %add3A_1602 = arith.constant 1024 : i32
    %add3A_1603 = vector.broadcast %add3A_1602 : i32 to vector<16xi32>
    %add3A_1604 = arith.addi %add3A_1599, %add3A_1603 : vector<16xi32>
    %gather3A_1605 = tpu.vector_load_idx %arg12[%add3A_1604] : memref<4096xf32, #tpu.memory_space<vmem>>[vector<16xi32>], vector<16xf32>,
    %add3A_1606 = arith.addf %add3A_1580, %gather3A_1605 : vector<16xf32>
    %add3A_1607 = arith.constant 2048 : i32
    %add3A_1608 = vector.broadcast %add3A_1607 : i32 to vector<16xi32>
    %add3A_1609 = arith.addi %add3A_1599, %add3A_1608 : vector<16xi32>
    %gather3A_1610 = tpu.vector_load_idx %arg12[%add3A_1609] : memref<4096xf32, #tpu.memory_space<vmem>>[vector<16xi32>], vector<16xf32>,
    %add3A_1611 = arith.addf %add3A_1585, %gather3A_1610 : vector<16xf32>
    %add3A_1612 = arith.constant 3072 : i32
    %add3A_1613 = vector.broadcast %add3A_1612 : i32 to vector<16xi32>
    %add3A_1614 = arith.addi %add3A_1599, %add3A_1613 : vector<16xi32>
    %gather3A_1615 = tpu.vector_load_idx %arg12[%add3A_1614] : memref<4096xf32, #tpu.memory_space<vmem>>[vector<16xi32>], vector<16xf32>,
    %add3A_1616 = arith.addf %add3A_1590, %gather3A_1615 : vector<16xf32>
    %add3A_1617 = arith.constant 10 : i32
    %add3A_1618 = vector.broadcast %add3A_1617 : i32 to vector<16xi32>
    %add3A_1619 = arith.addi %add3A_1348, %add3A_1618 : vector<16xi32>
    %and3A_1620 = arith.constant 63 : i32
    %and3A_1621 = vector.broadcast %and3A_1620 : i32 to vector<16xi32>
    %and3A_1622 = arith.andi %add3A_1619, %and3A_1621 : vector<16xi32>
    %add3A_1623 = arith.constant 640 : i32
    %add3A_1624 = vector.broadcast %add3A_1623 : i32 to vector<16xi32>
    %add3A_1625 = arith.addi %add3A_1624, %and3A_1622 : vector<16xi32>
    %gather3A_1626 = tpu.vector_load_idx %arg12[%add3A_1625] : memref<4096xf32, #tpu.memory_space<vmem>>[vector<16xi32>], vector<16xf32>,
    %add3A_1627 = arith.addf %add3A_1601, %gather3A_1626 : vector<16xf32>
    %add3A_1628 = arith.constant 1024 : i32
    %add3A_1629 = vector.broadcast %add3A_1628 : i32 to vector<16xi32>
    %add3A_1630 = arith.addi %add3A_1625, %add3A_1629 : vector<16xi32>
    %gather3A_1631 = tpu.vector_load_idx %arg12[%add3A_1630] : memref<4096xf32, #tpu.memory_space<vmem>>[vector<16xi32>], vector<16xf32>,
    %add3A_1632 = arith.addf %add3A_1606, %gather3A_1631 : vector<16xf32>
    %add3A_1633 = arith.constant 2048 : i32
    %add3A_1634 = vector.broadcast %add3A_1633 : i32 to vector<16xi32>
    %add3A_1635 = arith.addi %add3A_1625, %add3A_1634 : vector<16xi32>
    %gather3A_1636 = tpu.vector_load_idx %arg12[%add3A_1635] : memref<4096xf32, #tpu.memory_space<vmem>>[vector<16xi32>], vector<16xf32>,
    %add3A_1637 = arith.addf %add3A_1611, %gather3A_1636 : vector<16xf32>
    %add3A_1638 = arith.constant 3072 : i32
    %add3A_1639 = vector.broadcast %add3A_1638 : i32 to vector<16xi32>
    %add3A_1640 = arith.addi %add3A_1625, %add3A_1639 : vector<16xi32>
    %gather3A_1641 = tpu.vector_load_idx %arg12[%add3A_1640] : memref<4096xf32, #tpu.memory_space<vmem>>[vector<16xi32>], vector<16xf32>,
    %add3A_1642 = arith.addf %add3A_1616, %gather3A_1641 : vector<16xf32>
    %add3A_1643 = arith.constant 11 : i32
    %add3A_1644 = vector.broadcast %add3A_1643 : i32 to vector<16xi32>
    %add3A_1645 = arith.addi %add3A_1348, %add3A_1644 : vector<16xi32>
    %and3A_1646 = arith.constant 63 : i32
    %and3A_1647 = vector.broadcast %and3A_1646 : i32 to vector<16xi32>
    %and3A_1648 = arith.andi %add3A_1645, %and3A_1647 : vector<16xi32>
    %add3A_1649 = arith.constant 704 : i32
    %add3A_1650 = vector.broadcast %add3A_1649 : i32 to vector<16xi32>
    %add3A_1651 = arith.addi %add3A_1650, %and3A_1648 : vector<16xi32>
    %gather3A_1652 = tpu.vector_load_idx %arg12[%add3A_1651] : memref<4096xf32, #tpu.memory_space<vmem>>[vector<16xi32>], vector<16xf32>,
    %add3A_1653 = arith.addf %add3A_1627, %gather3A_1652 : vector<16xf32>
    %add3A_1654 = arith.constant 1024 : i32
    %add3A_1655 = vector.broadcast %add3A_1654 : i32 to vector<16xi32>
    %add3A_1656 = arith.addi %add3A_1651, %add3A_1655 : vector<16xi32>
    %gather3A_1657 = tpu.vector_load_idx %arg12[%add3A_1656] : memref<4096xf32, #tpu.memory_space<vmem>>[vector<16xi32>], vector<16xf32>,
    %add3A_1658 = arith.addf %add3A_1632, %gather3A_1657 : vector<16xf32>
    %add3A_1659 = arith.constant 2048 : i32
    %add3A_1660 = vector.broadcast %add3A_1659 : i32 to vector<16xi32>
    %add3A_1661 = arith.addi %add3A_1651, %add3A_1660 : vector<16xi32>
    %gather3A_1662 = tpu.vector_load_idx %arg12[%add3A_1661] : memref<4096xf32, #tpu.memory_space<vmem>>[vector<16xi32>], vector<16xf32>,
    %add3A_1663 = arith.addf %add3A_1637, %gather3A_1662 : vector<16xf32>
    %add3A_1664 = arith.constant 3072 : i32
    %add3A_1665 = vector.broadcast %add3A_1664 : i32 to vector<16xi32>
    %add3A_1666 = arith.addi %add3A_1651, %add3A_1665 : vector<16xi32>
    %gather3A_1667 = tpu.vector_load_idx %arg12[%add3A_1666] : memref<4096xf32, #tpu.memory_space<vmem>>[vector<16xi32>], vector<16xf32>,
    %add3A_1668 = arith.addf %add3A_1642, %gather3A_1667 : vector<16xf32>
    %add3A_1669 = arith.constant 12 : i32
    %add3A_1670 = vector.broadcast %add3A_1669 : i32 to vector<16xi32>
    %add3A_1671 = arith.addi %add3A_1348, %add3A_1670 : vector<16xi32>
    %and3A_1672 = arith.constant 63 : i32
    %and3A_1673 = vector.broadcast %and3A_1672 : i32 to vector<16xi32>
    %and3A_1674 = arith.andi %add3A_1671, %and3A_1673 : vector<16xi32>
    %add3A_1675 = arith.constant 768 : i32
    %add3A_1676 = vector.broadcast %add3A_1675 : i32 to vector<16xi32>
    %add3A_1677 = arith.addi %add3A_1676, %and3A_1674 : vector<16xi32>
    %gather3A_1678 = tpu.vector_load_idx %arg12[%add3A_1677] : memref<4096xf32, #tpu.memory_space<vmem>>[vector<16xi32>], vector<16xf32>,
    %add3A_1679 = arith.addf %add3A_1653, %gather3A_1678 : vector<16xf32>
    %add3A_1680 = arith.constant 1024 : i32
    %add3A_1681 = vector.broadcast %add3A_1680 : i32 to vector<16xi32>
    %add3A_1682 = arith.addi %add3A_1677, %add3A_1681 : vector<16xi32>
    %gather3A_1683 = tpu.vector_load_idx %arg12[%add3A_1682] : memref<4096xf32, #tpu.memory_space<vmem>>[vector<16xi32>], vector<16xf32>,
    %add3A_1684 = arith.addf %add3A_1658, %gather3A_1683 : vector<16xf32>
    %add3A_1685 = arith.constant 2048 : i32
    %add3A_1686 = vector.broadcast %add3A_1685 : i32 to vector<16xi32>
    %add3A_1687 = arith.addi %add3A_1677, %add3A_1686 : vector<16xi32>
    %gather3A_1688 = tpu.vector_load_idx %arg12[%add3A_1687] : memref<4096xf32, #tpu.memory_space<vmem>>[vector<16xi32>], vector<16xf32>,
    %add3A_1689 = arith.addf %add3A_1663, %gather3A_1688 : vector<16xf32>
    %add3A_1690 = arith.constant 3072 : i32
    %add3A_1691 = vector.broadcast %add3A_1690 : i32 to vector<16xi32>
    %add3A_1692 = arith.addi %add3A_1677, %add3A_1691 : vector<16xi32>
    %gather3A_1693 = tpu.vector_load_idx %arg12[%add3A_1692] : memref<4096xf32, #tpu.memory_space<vmem>>[vector<16xi32>], vector<16xf32>,
    %add3A_1694 = arith.addf %add3A_1668, %gather3A_1693 : vector<16xf32>
    %add3A_1695 = arith.constant 13 : i32
    %add3A_1696 = vector.broadcast %add3A_1695 : i32 to vector<16xi32>
    %add3A_1697 = arith.addi %add3A_1348, %add3A_1696 : vector<16xi32>
    %and3A_1698 = arith.constant 63 : i32
    %and3A_1699 = vector.broadcast %and3A_1698 : i32 to vector<16xi32>
    %and3A_1700 = arith.andi %add3A_1697, %and3A_1699 : vector<16xi32>
    %add3A_1701 = arith.constant 832 : i32
    %add3A_1702 = vector.broadcast %add3A_1701 : i32 to vector<16xi32>
    %add3A_1703 = arith.addi %add3A_1702, %and3A_1700 : vector<16xi32>
    %gather3A_1704 = tpu.vector_load_idx %arg12[%add3A_1703] : memref<4096xf32, #tpu.memory_space<vmem>>[vector<16xi32>], vector<16xf32>,
    %add3A_1705 = arith.addf %add3A_1679, %gather3A_1704 : vector<16xf32>
    %add3A_1706 = arith.constant 1024 : i32
    %add3A_1707 = vector.broadcast %add3A_1706 : i32 to vector<16xi32>
    %add3A_1708 = arith.addi %add3A_1703, %add3A_1707 : vector<16xi32>
    %gather3A_1709 = tpu.vector_load_idx %arg12[%add3A_1708] : memref<4096xf32, #tpu.memory_space<vmem>>[vector<16xi32>], vector<16xf32>,
    %add3A_1710 = arith.addf %add3A_1684, %gather3A_1709 : vector<16xf32>
    %add3A_1711 = arith.constant 2048 : i32
    %add3A_1712 = vector.broadcast %add3A_1711 : i32 to vector<16xi32>
    %add3A_1713 = arith.addi %add3A_1703, %add3A_1712 : vector<16xi32>
    %gather3A_1714 = tpu.vector_load_idx %arg12[%add3A_1713] : memref<4096xf32, #tpu.memory_space<vmem>>[vector<16xi32>], vector<16xf32>,
    %add3A_1715 = arith.addf %add3A_1689, %gather3A_1714 : vector<16xf32>
    %add3A_1716 = arith.constant 3072 : i32
    %add3A_1717 = vector.broadcast %add3A_1716 : i32 to vector<16xi32>
    %add3A_1718 = arith.addi %add3A_1703, %add3A_1717 : vector<16xi32>
    %gather3A_1719 = tpu.vector_load_idx %arg12[%add3A_1718] : memref<4096xf32, #tpu.memory_space<vmem>>[vector<16xi32>], vector<16xf32>,
    %add3A_1720 = arith.addf %add3A_1694, %gather3A_1719 : vector<16xf32>
    %add3A_1721 = arith.constant 14 : i32
    %add3A_1722 = vector.broadcast %add3A_1721 : i32 to vector<16xi32>
    %add3A_1723 = arith.addi %add3A_1348, %add3A_1722 : vector<16xi32>
    %and3A_1724 = arith.constant 63 : i32
    %and3A_1725 = vector.broadcast %and3A_1724 : i32 to vector<16xi32>
    %and3A_1726 = arith.andi %add3A_1723, %and3A_1725 : vector<16xi32>
    %add3A_1727 = arith.constant 896 : i32
    %add3A_1728 = vector.broadcast %add3A_1727 : i32 to vector<16xi32>
    %add3A_1729 = arith.addi %add3A_1728, %and3A_1726 : vector<16xi32>
    %gather3A_1730 = tpu.vector_load_idx %arg12[%add3A_1729] : memref<4096xf32, #tpu.memory_space<vmem>>[vector<16xi32>], vector<16xf32>,
    %add3A_1731 = arith.addf %add3A_1705, %gather3A_1730 : vector<16xf32>
    %add3A_1732 = arith.constant 1024 : i32
    %add3A_1733 = vector.broadcast %add3A_1732 : i32 to vector<16xi32>
    %add3A_1734 = arith.addi %add3A_1729, %add3A_1733 : vector<16xi32>
    %gather3A_1735 = tpu.vector_load_idx %arg12[%add3A_1734] : memref<4096xf32, #tpu.memory_space<vmem>>[vector<16xi32>], vector<16xf32>,
    %add3A_1736 = arith.addf %add3A_1710, %gather3A_1735 : vector<16xf32>
    %add3A_1737 = arith.constant 2048 : i32
    %add3A_1738 = vector.broadcast %add3A_1737 : i32 to vector<16xi32>
    %add3A_1739 = arith.addi %add3A_1729, %add3A_1738 : vector<16xi32>
    %gather3A_1740 = tpu.vector_load_idx %arg12[%add3A_1739] : memref<4096xf32, #tpu.memory_space<vmem>>[vector<16xi32>], vector<16xf32>,
    %add3A_1741 = arith.addf %add3A_1715, %gather3A_1740 : vector<16xf32>
    %add3A_1742 = arith.constant 3072 : i32
    %add3A_1743 = vector.broadcast %add3A_1742 : i32 to vector<16xi32>
    %add3A_1744 = arith.addi %add3A_1729, %add3A_1743 : vector<16xi32>
    %gather3A_1745 = tpu.vector_load_idx %arg12[%add3A_1744] : memref<4096xf32, #tpu.memory_space<vmem>>[vector<16xi32>], vector<16xf32>,
    %add3A_1746 = arith.addf %add3A_1720, %gather3A_1745 : vector<16xf32>
    %add3A_1747 = arith.constant 15 : i32
    %add3A_1748 = vector.broadcast %add3A_1747 : i32 to vector<16xi32>
    %add3A_1749 = arith.addi %add3A_1348, %add3A_1748 : vector<16xi32>
    %and3A_1750 = arith.constant 63 : i32
    %and3A_1751 = vector.broadcast %and3A_1750 : i32 to vector<16xi32>
    %and3A_1752 = arith.andi %add3A_1749, %and3A_1751 : vector<16xi32>
    %add3A_1753 = arith.constant 960 : i32
    %add3A_1754 = vector.broadcast %add3A_1753 : i32 to vector<16xi32>
    %add3A_1755 = arith.addi %add3A_1754, %and3A_1752 : vector<16xi32>
    %gather3A_1756 = tpu.vector_load_idx %arg12[%add3A_1755] : memref<4096xf32, #tpu.memory_space<vmem>>[vector<16xi32>], vector<16xf32>,
    %add3A_1757 = arith.addf %add3A_1731, %gather3A_1756 : vector<16xf32>
    %add3A_1758 = arith.constant 1024 : i32
    %add3A_1759 = vector.broadcast %add3A_1758 : i32 to vector<16xi32>
    %add3A_1760 = arith.addi %add3A_1755, %add3A_1759 : vector<16xi32>
    %gather3A_1761 = tpu.vector_load_idx %arg12[%add3A_1760] : memref<4096xf32, #tpu.memory_space<vmem>>[vector<16xi32>], vector<16xf32>,
    %add3A_1762 = arith.addf %add3A_1736, %gather3A_1761 : vector<16xf32>
    %add3A_1763 = arith.constant 2048 : i32
    %add3A_1764 = vector.broadcast %add3A_1763 : i32 to vector<16xi32>
    %add3A_1765 = arith.addi %add3A_1755, %add3A_1764 : vector<16xi32>
    %gather3A_1766 = tpu.vector_load_idx %arg12[%add3A_1765] : memref<4096xf32, #tpu.memory_space<vmem>>[vector<16xi32>], vector<16xf32>,
    %add3A_1767 = arith.addf %add3A_1741, %gather3A_1766 : vector<16xf32>
    %add3A_1768 = arith.constant 3072 : i32
    %add3A_1769 = vector.broadcast %add3A_1768 : i32 to vector<16xi32>
    %add3A_1770 = arith.addi %add3A_1755, %add3A_1769 : vector<16xi32>
    %gather3A_1771 = tpu.vector_load_idx %arg12[%add3A_1770] : memref<4096xf32, #tpu.memory_space<vmem>>[vector<16xi32>], vector<16xf32>,
    %add3A_1772 = arith.addf %add3A_1746, %gather3A_1771 : vector<16xf32>
    %convert_element_type3A_1773 = arith.fptosi %add3A_1757 : vector<16xf32> to vector<16xi32>
    %and3A_1774 = arith.constant 4095 : i32
    %and3A_1775 = vector.broadcast %and3A_1774 : i32 to vector<16xi32>
    %and3A_1776 = arith.andi %convert_element_type3A_1773, %and3A_1775 : vector<16xi32>
    %convert_element_type3A_1777 = arith.sitofp %and3A_1776 : vector<16xi32> to vector<16xf32>
    %swap3A_1778 = arith.constant 48 : index
    %swap3A_1779 = tpu.vector_load %arg13[%swap3A_1778] {strides = array<i32>} : memref<384xf32, #tpu.memory_space<vmem>>, vector<16xf32>,
    tpu.vector_store %arg13[%swap3A_1778], %convert_element_type3A_1777 {strides = array<i32>} : memref<384xf32, #tpu.memory_space<vmem>>, vector<16xf32>,
    %shift_right_arithmetic3A_1780 = arith.constant 12 : i32
    %shift_right_arithmetic3A_1781 = vector.broadcast %shift_right_arithmetic3A_1780 : i32 to vector<16xi32>
    %shift_right_arithmetic3A_1782 = arith.shrsi %convert_element_type3A_1773, %shift_right_arithmetic3A_1781 : vector<16xi32>
    %convert_element_type3A_1783 = arith.sitofp %shift_right_arithmetic3A_1782 : vector<16xi32> to vector<16xf32>
    %swap3A_1784 = arith.constant 112 : index
    %swap3A_1785 = tpu.vector_load %arg13[%swap3A_1784] {strides = array<i32>} : memref<384xf32, #tpu.memory_space<vmem>>, vector<16xf32>,
    tpu.vector_store %arg13[%swap3A_1784], %convert_element_type3A_1783 {strides = array<i32>} : memref<384xf32, #tpu.memory_space<vmem>>, vector<16xf32>,
    %swap3A_1786 = arith.constant 176 : index
    %swap3A_1787 = tpu.vector_load %arg13[%swap3A_1786] {strides = array<i32>} : memref<384xf32, #tpu.memory_space<vmem>>, vector<16xf32>,
    tpu.vector_store %arg13[%swap3A_1786], %add3A_1762 {strides = array<i32>} : memref<384xf32, #tpu.memory_space<vmem>>, vector<16xf32>,
    %swap3A_1788 = arith.constant 240 : index
    %swap3A_1789 = tpu.vector_load %arg13[%swap3A_1788] {strides = array<i32>} : memref<384xf32, #tpu.memory_space<vmem>>, vector<16xf32>,
    tpu.vector_store %arg13[%swap3A_1788], %add3A_1767 {strides = array<i32>} : memref<384xf32, #tpu.memory_space<vmem>>, vector<16xf32>,
    %swap3A_1790 = arith.constant 304 : index
    %swap3A_1791 = tpu.vector_load %arg13[%swap3A_1790] {strides = array<i32>} : memref<384xf32, #tpu.memory_space<vmem>>, vector<16xf32>,
    tpu.vector_store %arg13[%swap3A_1790], %add3A_1772 {strides = array<i32>} : memref<384xf32, #tpu.memory_space<vmem>>, vector<16xf32>,
    "tpu.region"() ({
      %run_scoped3A = tpu.sem_alloc : memref<!tpu.dma_semaphore, #tpu.memory_space<semaphore_mem>>
      %dma_start3A = arith.constant 0 : i32
      %dma_start3A_1796 = tpu.memref_slice %arg7[%arg1, %dma_start3A] : memref<16x384xf32, #tpu.memory_space<hbm>> -> memref<1x384xf32, #tpu.memory_space<hbm>>
      %dma_start3A_1797 = tpu.memref_squeeze %dma_start3A_1796 : memref<1x384xf32, #tpu.memory_space<hbm>> -> memref<384xf32, #tpu.memory_space<hbm>>
      %dma_start3A_1798 = arith.constant 0 : i32
      %dma_start3A_1799 = tpu.memref_slice %arg7[%arg1, %dma_start3A_1798] : memref<16x384xf32, #tpu.memory_space<hbm>> -> memref<1x384xf32, #tpu.memory_space<hbm>>
      %dma_start3A_1800 = tpu.memref_squeeze %dma_start3A_1799 : memref<1x384xf32, #tpu.memory_space<hbm>> -> memref<384xf32, #tpu.memory_space<hbm>>
      tpu.enqueue_dma source(%arg13 : memref<384xf32, #tpu.memory_space<vmem>>) target(%dma_start3A_1800 : memref<384xf32, #tpu.memory_space<hbm>>) target_semaphore(%run_scoped3A : memref<!tpu.dma_semaphore, #tpu.memory_space<semaphore_mem>>)
      %dma_wait3A = arith.constant 0 : i32
      %dma_wait3A_1801 = tpu.memref_slice %arg7[%arg1, %dma_wait3A] : memref<16x384xf32, #tpu.memory_space<hbm>> -> memref<1x384xf32, #tpu.memory_space<hbm>>
      %dma_wait3A_1802 = tpu.memref_squeeze %dma_wait3A_1801 : memref<1x384xf32, #tpu.memory_space<hbm>> -> memref<384xf32, #tpu.memory_space<hbm>>
      %dma_wait3A_1803 = arith.constant 0 : i32
      %dma_wait3A_1804 = tpu.memref_slice %arg7[%arg1, %dma_wait3A_1803] : memref<16x384xf32, #tpu.memory_space<hbm>> -> memref<1x384xf32, #tpu.memory_space<hbm>>
      %dma_wait3A_1805 = tpu.memref_squeeze %dma_wait3A_1804 : memref<1x384xf32, #tpu.memory_space<hbm>> -> memref<384xf32, #tpu.memory_space<hbm>>
      tpu.wait_dma2 semaphore(%run_scoped3A : memref<!tpu.dma_semaphore, #tpu.memory_space<semaphore_mem>>) src(%arg13 : memref<384xf32, #tpu.memory_space<vmem>>) dst(%dma_wait3A_1805 : memref<384xf32, #tpu.memory_space<hbm>>)
      tpu.yield
    }) : () -> ()
    %barrier3A_1792 = arith.constant 0 : index
    tpu.barrier barrier_id(%barrier3A_1792)
    %eq3A = arith.constant 0 : i32
    %eq3A_1793 = arith.cmpi eq, %arg1, %eq3A : i32
    %convert_element_type3A_1794 = arith.extui %eq3A_1793 : i1 to i32
    %cond3A = arith.constant 0 : i32
    %cond3A_1795 = arith.cmpi ne, %convert_element_type3A_1794, %cond3A : i32
    scf.if %cond3A_1795 {
      "tpu.region"() ({
        %run_scoped3A = tpu.sem_alloc : memref<!tpu.dma_semaphore, #tpu.memory_space<semaphore_mem>>
        tpu.enqueue_dma source(%arg7 : memref<16x384xf32, #tpu.memory_space<hbm>>) target(%arg14 : memref<16x384xf32, #tpu.memory_space<vmem>>) target_semaphore(%run_scoped3A : memref<!tpu.dma_semaphore, #tpu.memory_space<semaphore_mem>>)
        tpu.wait_dma2 semaphore(%run_scoped3A : memref<!tpu.dma_semaphore, #tpu.memory_space<semaphore_mem>>) src(%arg7 : memref<16x384xf32, #tpu.memory_space<hbm>>) dst(%arg14 : memref<16x384xf32, #tpu.memory_space<vmem>>)
        tpu.yield
      }) : () -> ()
      %broadcast_in_dim3A_1796 = arith.constant 0.000000e+00 : f32
      %broadcast_in_dim3A_1797 = vector.broadcast %broadcast_in_dim3A_1796 : f32 to vector<16xf32>
      %get3A = arith.constant 0 : i32
      %get3A_1798 = arith.index_cast %get3A : i32 to index
      %get3A_1799 = arith.constant 0 : index
      %get3A_1800 = tpu.vector_load %arg14[%get3A_1798, %get3A_1799] {strides = array<i32>} : memref<16x384xf32, #tpu.memory_space<vmem>>, vector<16xf32>,
      %get3A_1801 = arith.constant 0 : i32
      %get3A_1802 = arith.index_cast %get3A_1801 : i32 to index
      %get3A_1803 = arith.constant 64 : index
      %get3A_1804 = tpu.vector_load %arg14[%get3A_1802, %get3A_1803] {strides = array<i32>} : memref<16x384xf32, #tpu.memory_space<vmem>>, vector<16xf32>,
      %get3A_1805 = arith.constant 0 : i32
      %get3A_1806 = arith.index_cast %get3A_1805 : i32 to index
      %get3A_1807 = arith.constant 128 : index
      %get3A_1808 = tpu.vector_load %arg14[%get3A_1806, %get3A_1807] {strides = array<i32>} : memref<16x384xf32, #tpu.memory_space<vmem>>, vector<16xf32>,
      %get3A_1809 = arith.constant 0 : i32
      %get3A_1810 = arith.index_cast %get3A_1809 : i32 to index
      %get3A_1811 = arith.constant 192 : index
      %get3A_1812 = tpu.vector_load %arg14[%get3A_1810, %get3A_1811] {strides = array<i32>} : memref<16x384xf32, #tpu.memory_space<vmem>>, vector<16xf32>,
      %get3A_1813 = arith.constant 0 : i32
      %get3A_1814 = arith.index_cast %get3A_1813 : i32 to index
      %get3A_1815 = arith.constant 256 : index
      %get3A_1816 = tpu.vector_load %arg14[%get3A_1814, %get3A_1815] {strides = array<i32>} : memref<16x384xf32, #tpu.memory_space<vmem>>, vector<16xf32>,
      %get3A_1817 = arith.constant 1 : i32
      %get3A_1818 = arith.index_cast %get3A_1817 : i32 to index
      %get3A_1819 = arith.constant 0 : index
      %get3A_1820 = tpu.vector_load %arg14[%get3A_1818, %get3A_1819] {strides = array<i32>} : memref<16x384xf32, #tpu.memory_space<vmem>>, vector<16xf32>,
      %add3A_1821 = arith.addf %get3A_1800, %get3A_1820 : vector<16xf32>
      %get3A_1822 = arith.constant 1 : i32
      %get3A_1823 = arith.index_cast %get3A_1822 : i32 to index
      %get3A_1824 = arith.constant 64 : index
      %get3A_1825 = tpu.vector_load %arg14[%get3A_1823, %get3A_1824] {strides = array<i32>} : memref<16x384xf32, #tpu.memory_space<vmem>>, vector<16xf32>,
      %add3A_1826 = arith.addf %get3A_1804, %get3A_1825 : vector<16xf32>
      %get3A_1827 = arith.constant 1 : i32
      %get3A_1828 = arith.index_cast %get3A_1827 : i32 to index
      %get3A_1829 = arith.constant 128 : index
      %get3A_1830 = tpu.vector_load %arg14[%get3A_1828, %get3A_1829] {strides = array<i32>} : memref<16x384xf32, #tpu.memory_space<vmem>>, vector<16xf32>,
      %add3A_1831 = arith.addf %get3A_1808, %get3A_1830 : vector<16xf32>
      %get3A_1832 = arith.constant 1 : i32
      %get3A_1833 = arith.index_cast %get3A_1832 : i32 to index
      %get3A_1834 = arith.constant 192 : index
      %get3A_1835 = tpu.vector_load %arg14[%get3A_1833, %get3A_1834] {strides = array<i32>} : memref<16x384xf32, #tpu.memory_space<vmem>>, vector<16xf32>,
      %add3A_1836 = arith.addf %get3A_1812, %get3A_1835 : vector<16xf32>
      %get3A_1837 = arith.constant 1 : i32
      %get3A_1838 = arith.index_cast %get3A_1837 : i32 to index
      %get3A_1839 = arith.constant 256 : index
      %get3A_1840 = tpu.vector_load %arg14[%get3A_1838, %get3A_1839] {strides = array<i32>} : memref<16x384xf32, #tpu.memory_space<vmem>>, vector<16xf32>,
      %add3A_1841 = arith.addf %get3A_1816, %get3A_1840 : vector<16xf32>
      %get3A_1842 = arith.constant 2 : i32
      %get3A_1843 = arith.index_cast %get3A_1842 : i32 to index
      %get3A_1844 = arith.constant 0 : index
      %get3A_1845 = tpu.vector_load %arg14[%get3A_1843, %get3A_1844] {strides = array<i32>} : memref<16x384xf32, #tpu.memory_space<vmem>>, vector<16xf32>,
      %add3A_1846 = arith.addf %add3A_1821, %get3A_1845 : vector<16xf32>
      %get3A_1847 = arith.constant 2 : i32
      %get3A_1848 = arith.index_cast %get3A_1847 : i32 to index
      %get3A_1849 = arith.constant 64 : index
      %get3A_1850 = tpu.vector_load %arg14[%get3A_1848, %get3A_1849] {strides = array<i32>} : memref<16x384xf32, #tpu.memory_space<vmem>>, vector<16xf32>,
      %add3A_1851 = arith.addf %add3A_1826, %get3A_1850 : vector<16xf32>
      %get3A_1852 = arith.constant 2 : i32
      %get3A_1853 = arith.index_cast %get3A_1852 : i32 to index
      %get3A_1854 = arith.constant 128 : index
      %get3A_1855 = tpu.vector_load %arg14[%get3A_1853, %get3A_1854] {strides = array<i32>} : memref<16x384xf32, #tpu.memory_space<vmem>>, vector<16xf32>,
      %add3A_1856 = arith.addf %add3A_1831, %get3A_1855 : vector<16xf32>
      %get3A_1857 = arith.constant 2 : i32
      %get3A_1858 = arith.index_cast %get3A_1857 : i32 to index
      %get3A_1859 = arith.constant 192 : index
      %get3A_1860 = tpu.vector_load %arg14[%get3A_1858, %get3A_1859] {strides = array<i32>} : memref<16x384xf32, #tpu.memory_space<vmem>>, vector<16xf32>,
      %add3A_1861 = arith.addf %add3A_1836, %get3A_1860 : vector<16xf32>
      %get3A_1862 = arith.constant 2 : i32
      %get3A_1863 = arith.index_cast %get3A_1862 : i32 to index
      %get3A_1864 = arith.constant 256 : index
      %get3A_1865 = tpu.vector_load %arg14[%get3A_1863, %get3A_1864] {strides = array<i32>} : memref<16x384xf32, #tpu.memory_space<vmem>>, vector<16xf32>,
      %add3A_1866 = arith.addf %add3A_1841, %get3A_1865 : vector<16xf32>
      %get3A_1867 = arith.constant 3 : i32
      %get3A_1868 = arith.index_cast %get3A_1867 : i32 to index
      %get3A_1869 = arith.constant 0 : index
      %get3A_1870 = tpu.vector_load %arg14[%get3A_1868, %get3A_1869] {strides = array<i32>} : memref<16x384xf32, #tpu.memory_space<vmem>>, vector<16xf32>,
      %add3A_1871 = arith.addf %add3A_1846, %get3A_1870 : vector<16xf32>
      %get3A_1872 = arith.constant 3 : i32
      %get3A_1873 = arith.index_cast %get3A_1872 : i32 to index
      %get3A_1874 = arith.constant 64 : index
      %get3A_1875 = tpu.vector_load %arg14[%get3A_1873, %get3A_1874] {strides = array<i32>} : memref<16x384xf32, #tpu.memory_space<vmem>>, vector<16xf32>,
      %add3A_1876 = arith.addf %add3A_1851, %get3A_1875 : vector<16xf32>
      %get3A_1877 = arith.constant 3 : i32
      %get3A_1878 = arith.index_cast %get3A_1877 : i32 to index
      %get3A_1879 = arith.constant 128 : index
      %get3A_1880 = tpu.vector_load %arg14[%get3A_1878, %get3A_1879] {strides = array<i32>} : memref<16x384xf32, #tpu.memory_space<vmem>>, vector<16xf32>,
      %add3A_1881 = arith.addf %add3A_1856, %get3A_1880 : vector<16xf32>
      %get3A_1882 = arith.constant 3 : i32
      %get3A_1883 = arith.index_cast %get3A_1882 : i32 to index
      %get3A_1884 = arith.constant 192 : index
      %get3A_1885 = tpu.vector_load %arg14[%get3A_1883, %get3A_1884] {strides = array<i32>} : memref<16x384xf32, #tpu.memory_space<vmem>>, vector<16xf32>,
      %add3A_1886 = arith.addf %add3A_1861, %get3A_1885 : vector<16xf32>
      %get3A_1887 = arith.constant 3 : i32
      %get3A_1888 = arith.index_cast %get3A_1887 : i32 to index
      %get3A_1889 = arith.constant 256 : index
      %get3A_1890 = tpu.vector_load %arg14[%get3A_1888, %get3A_1889] {strides = array<i32>} : memref<16x384xf32, #tpu.memory_space<vmem>>, vector<16xf32>,
      %add3A_1891 = arith.addf %add3A_1866, %get3A_1890 : vector<16xf32>
      %get3A_1892 = arith.constant 4 : i32
      %get3A_1893 = arith.index_cast %get3A_1892 : i32 to index
      %get3A_1894 = arith.constant 0 : index
      %get3A_1895 = tpu.vector_load %arg14[%get3A_1893, %get3A_1894] {strides = array<i32>} : memref<16x384xf32, #tpu.memory_space<vmem>>, vector<16xf32>,
      %add3A_1896 = arith.addf %add3A_1871, %get3A_1895 : vector<16xf32>
      %get3A_1897 = arith.constant 4 : i32
      %get3A_1898 = arith.index_cast %get3A_1897 : i32 to index
      %get3A_1899 = arith.constant 64 : index
      %get3A_1900 = tpu.vector_load %arg14[%get3A_1898, %get3A_1899] {strides = array<i32>} : memref<16x384xf32, #tpu.memory_space<vmem>>, vector<16xf32>,
      %add3A_1901 = arith.addf %add3A_1876, %get3A_1900 : vector<16xf32>
      %get3A_1902 = arith.constant 4 : i32
      %get3A_1903 = arith.index_cast %get3A_1902 : i32 to index
      %get3A_1904 = arith.constant 128 : index
      %get3A_1905 = tpu.vector_load %arg14[%get3A_1903, %get3A_1904] {strides = array<i32>} : memref<16x384xf32, #tpu.memory_space<vmem>>, vector<16xf32>,
      %add3A_1906 = arith.addf %add3A_1881, %get3A_1905 : vector<16xf32>
      %get3A_1907 = arith.constant 4 : i32
      %get3A_1908 = arith.index_cast %get3A_1907 : i32 to index
      %get3A_1909 = arith.constant 192 : index
      %get3A_1910 = tpu.vector_load %arg14[%get3A_1908, %get3A_1909] {strides = array<i32>} : memref<16x384xf32, #tpu.memory_space<vmem>>, vector<16xf32>,
      %add3A_1911 = arith.addf %add3A_1886, %get3A_1910 : vector<16xf32>
      %get3A_1912 = arith.constant 4 : i32
      %get3A_1913 = arith.index_cast %get3A_1912 : i32 to index
      %get3A_1914 = arith.constant 256 : index
      %get3A_1915 = tpu.vector_load %arg14[%get3A_1913, %get3A_1914] {strides = array<i32>} : memref<16x384xf32, #tpu.memory_space<vmem>>, vector<16xf32>,
      %add3A_1916 = arith.addf %add3A_1891, %get3A_1915 : vector<16xf32>
      %get3A_1917 = arith.constant 5 : i32
      %get3A_1918 = arith.index_cast %get3A_1917 : i32 to index
      %get3A_1919 = arith.constant 0 : index
      %get3A_1920 = tpu.vector_load %arg14[%get3A_1918, %get3A_1919] {strides = array<i32>} : memref<16x384xf32, #tpu.memory_space<vmem>>, vector<16xf32>,
      %add3A_1921 = arith.addf %add3A_1896, %get3A_1920 : vector<16xf32>
      %get3A_1922 = arith.constant 5 : i32
      %get3A_1923 = arith.index_cast %get3A_1922 : i32 to index
      %get3A_1924 = arith.constant 64 : index
      %get3A_1925 = tpu.vector_load %arg14[%get3A_1923, %get3A_1924] {strides = array<i32>} : memref<16x384xf32, #tpu.memory_space<vmem>>, vector<16xf32>,
      %add3A_1926 = arith.addf %add3A_1901, %get3A_1925 : vector<16xf32>
      %get3A_1927 = arith.constant 5 : i32
      %get3A_1928 = arith.index_cast %get3A_1927 : i32 to index
      %get3A_1929 = arith.constant 128 : index
      %get3A_1930 = tpu.vector_load %arg14[%get3A_1928, %get3A_1929] {strides = array<i32>} : memref<16x384xf32, #tpu.memory_space<vmem>>, vector<16xf32>,
      %add3A_1931 = arith.addf %add3A_1906, %get3A_1930 : vector<16xf32>
      %get3A_1932 = arith.constant 5 : i32
      %get3A_1933 = arith.index_cast %get3A_1932 : i32 to index
      %get3A_1934 = arith.constant 192 : index
      %get3A_1935 = tpu.vector_load %arg14[%get3A_1933, %get3A_1934] {strides = array<i32>} : memref<16x384xf32, #tpu.memory_space<vmem>>, vector<16xf32>,
      %add3A_1936 = arith.addf %add3A_1911, %get3A_1935 : vector<16xf32>
      %get3A_1937 = arith.constant 5 : i32
      %get3A_1938 = arith.index_cast %get3A_1937 : i32 to index
      %get3A_1939 = arith.constant 256 : index
      %get3A_1940 = tpu.vector_load %arg14[%get3A_1938, %get3A_1939] {strides = array<i32>} : memref<16x384xf32, #tpu.memory_space<vmem>>, vector<16xf32>,
      %add3A_1941 = arith.addf %add3A_1916, %get3A_1940 : vector<16xf32>
      %get3A_1942 = arith.constant 6 : i32
      %get3A_1943 = arith.index_cast %get3A_1942 : i32 to index
      %get3A_1944 = arith.constant 0 : index
      %get3A_1945 = tpu.vector_load %arg14[%get3A_1943, %get3A_1944] {strides = array<i32>} : memref<16x384xf32, #tpu.memory_space<vmem>>, vector<16xf32>,
      %add3A_1946 = arith.addf %add3A_1921, %get3A_1945 : vector<16xf32>
      %get3A_1947 = arith.constant 6 : i32
      %get3A_1948 = arith.index_cast %get3A_1947 : i32 to index
      %get3A_1949 = arith.constant 64 : index
      %get3A_1950 = tpu.vector_load %arg14[%get3A_1948, %get3A_1949] {strides = array<i32>} : memref<16x384xf32, #tpu.memory_space<vmem>>, vector<16xf32>,
      %add3A_1951 = arith.addf %add3A_1926, %get3A_1950 : vector<16xf32>
      %get3A_1952 = arith.constant 6 : i32
      %get3A_1953 = arith.index_cast %get3A_1952 : i32 to index
      %get3A_1954 = arith.constant 128 : index
      %get3A_1955 = tpu.vector_load %arg14[%get3A_1953, %get3A_1954] {strides = array<i32>} : memref<16x384xf32, #tpu.memory_space<vmem>>, vector<16xf32>,
      %add3A_1956 = arith.addf %add3A_1931, %get3A_1955 : vector<16xf32>
      %get3A_1957 = arith.constant 6 : i32
      %get3A_1958 = arith.index_cast %get3A_1957 : i32 to index
      %get3A_1959 = arith.constant 192 : index
      %get3A_1960 = tpu.vector_load %arg14[%get3A_1958, %get3A_1959] {strides = array<i32>} : memref<16x384xf32, #tpu.memory_space<vmem>>, vector<16xf32>,
      %add3A_1961 = arith.addf %add3A_1936, %get3A_1960 : vector<16xf32>
      %get3A_1962 = arith.constant 6 : i32
      %get3A_1963 = arith.index_cast %get3A_1962 : i32 to index
      %get3A_1964 = arith.constant 256 : index
      %get3A_1965 = tpu.vector_load %arg14[%get3A_1963, %get3A_1964] {strides = array<i32>} : memref<16x384xf32, #tpu.memory_space<vmem>>, vector<16xf32>,
      %add3A_1966 = arith.addf %add3A_1941, %get3A_1965 : vector<16xf32>
      %get3A_1967 = arith.constant 7 : i32
      %get3A_1968 = arith.index_cast %get3A_1967 : i32 to index
      %get3A_1969 = arith.constant 0 : index
      %get3A_1970 = tpu.vector_load %arg14[%get3A_1968, %get3A_1969] {strides = array<i32>} : memref<16x384xf32, #tpu.memory_space<vmem>>, vector<16xf32>,
      %add3A_1971 = arith.addf %add3A_1946, %get3A_1970 : vector<16xf32>
      %get3A_1972 = arith.constant 7 : i32
      %get3A_1973 = arith.index_cast %get3A_1972 : i32 to index
      %get3A_1974 = arith.constant 64 : index
      %get3A_1975 = tpu.vector_load %arg14[%get3A_1973, %get3A_1974] {strides = array<i32>} : memref<16x384xf32, #tpu.memory_space<vmem>>, vector<16xf32>,
      %add3A_1976 = arith.addf %add3A_1951, %get3A_1975 : vector<16xf32>
      %get3A_1977 = arith.constant 7 : i32
      %get3A_1978 = arith.index_cast %get3A_1977 : i32 to index
      %get3A_1979 = arith.constant 128 : index
      %get3A_1980 = tpu.vector_load %arg14[%get3A_1978, %get3A_1979] {strides = array<i32>} : memref<16x384xf32, #tpu.memory_space<vmem>>, vector<16xf32>,
      %add3A_1981 = arith.addf %add3A_1956, %get3A_1980 : vector<16xf32>
      %get3A_1982 = arith.constant 7 : i32
      %get3A_1983 = arith.index_cast %get3A_1982 : i32 to index
      %get3A_1984 = arith.constant 192 : index
      %get3A_1985 = tpu.vector_load %arg14[%get3A_1983, %get3A_1984] {strides = array<i32>} : memref<16x384xf32, #tpu.memory_space<vmem>>, vector<16xf32>,
      %add3A_1986 = arith.addf %add3A_1961, %get3A_1985 : vector<16xf32>
      %get3A_1987 = arith.constant 7 : i32
      %get3A_1988 = arith.index_cast %get3A_1987 : i32 to index
      %get3A_1989 = arith.constant 256 : index
      %get3A_1990 = tpu.vector_load %arg14[%get3A_1988, %get3A_1989] {strides = array<i32>} : memref<16x384xf32, #tpu.memory_space<vmem>>, vector<16xf32>,
      %add3A_1991 = arith.addf %add3A_1966, %get3A_1990 : vector<16xf32>
      %get3A_1992 = arith.constant 8 : i32
      %get3A_1993 = arith.index_cast %get3A_1992 : i32 to index
      %get3A_1994 = arith.constant 0 : index
      %get3A_1995 = tpu.vector_load %arg14[%get3A_1993, %get3A_1994] {strides = array<i32>} : memref<16x384xf32, #tpu.memory_space<vmem>>, vector<16xf32>,
      %add3A_1996 = arith.addf %add3A_1971, %get3A_1995 : vector<16xf32>
      %get3A_1997 = arith.constant 8 : i32
      %get3A_1998 = arith.index_cast %get3A_1997 : i32 to index
      %get3A_1999 = arith.constant 64 : index
      %get3A_2000 = tpu.vector_load %arg14[%get3A_1998, %get3A_1999] {strides = array<i32>} : memref<16x384xf32, #tpu.memory_space<vmem>>, vector<16xf32>,
      %add3A_2001 = arith.addf %add3A_1976, %get3A_2000 : vector<16xf32>
      %get3A_2002 = arith.constant 8 : i32
      %get3A_2003 = arith.index_cast %get3A_2002 : i32 to index
      %get3A_2004 = arith.constant 128 : index
      %get3A_2005 = tpu.vector_load %arg14[%get3A_2003, %get3A_2004] {strides = array<i32>} : memref<16x384xf32, #tpu.memory_space<vmem>>, vector<16xf32>,
      %add3A_2006 = arith.addf %add3A_1981, %get3A_2005 : vector<16xf32>
      %get3A_2007 = arith.constant 8 : i32
      %get3A_2008 = arith.index_cast %get3A_2007 : i32 to index
      %get3A_2009 = arith.constant 192 : index
      %get3A_2010 = tpu.vector_load %arg14[%get3A_2008, %get3A_2009] {strides = array<i32>} : memref<16x384xf32, #tpu.memory_space<vmem>>, vector<16xf32>,
      %add3A_2011 = arith.addf %add3A_1986, %get3A_2010 : vector<16xf32>
      %get3A_2012 = arith.constant 8 : i32
      %get3A_2013 = arith.index_cast %get3A_2012 : i32 to index
      %get3A_2014 = arith.constant 256 : index
      %get3A_2015 = tpu.vector_load %arg14[%get3A_2013, %get3A_2014] {strides = array<i32>} : memref<16x384xf32, #tpu.memory_space<vmem>>, vector<16xf32>,
      %add3A_2016 = arith.addf %add3A_1991, %get3A_2015 : vector<16xf32>
      %get3A_2017 = arith.constant 9 : i32
      %get3A_2018 = arith.index_cast %get3A_2017 : i32 to index
      %get3A_2019 = arith.constant 0 : index
      %get3A_2020 = tpu.vector_load %arg14[%get3A_2018, %get3A_2019] {strides = array<i32>} : memref<16x384xf32, #tpu.memory_space<vmem>>, vector<16xf32>,
      %add3A_2021 = arith.addf %add3A_1996, %get3A_2020 : vector<16xf32>
      %get3A_2022 = arith.constant 9 : i32
      %get3A_2023 = arith.index_cast %get3A_2022 : i32 to index
      %get3A_2024 = arith.constant 64 : index
      %get3A_2025 = tpu.vector_load %arg14[%get3A_2023, %get3A_2024] {strides = array<i32>} : memref<16x384xf32, #tpu.memory_space<vmem>>, vector<16xf32>,
      %add3A_2026 = arith.addf %add3A_2001, %get3A_2025 : vector<16xf32>
      %get3A_2027 = arith.constant 9 : i32
      %get3A_2028 = arith.index_cast %get3A_2027 : i32 to index
      %get3A_2029 = arith.constant 128 : index
      %get3A_2030 = tpu.vector_load %arg14[%get3A_2028, %get3A_2029] {strides = array<i32>} : memref<16x384xf32, #tpu.memory_space<vmem>>, vector<16xf32>,
      %add3A_2031 = arith.addf %add3A_2006, %get3A_2030 : vector<16xf32>
      %get3A_2032 = arith.constant 9 : i32
      %get3A_2033 = arith.index_cast %get3A_2032 : i32 to index
      %get3A_2034 = arith.constant 192 : index
      %get3A_2035 = tpu.vector_load %arg14[%get3A_2033, %get3A_2034] {strides = array<i32>} : memref<16x384xf32, #tpu.memory_space<vmem>>, vector<16xf32>,
      %add3A_2036 = arith.addf %add3A_2011, %get3A_2035 : vector<16xf32>
      %get3A_2037 = arith.constant 9 : i32
      %get3A_2038 = arith.index_cast %get3A_2037 : i32 to index
      %get3A_2039 = arith.constant 256 : index
      %get3A_2040 = tpu.vector_load %arg14[%get3A_2038, %get3A_2039] {strides = array<i32>} : memref<16x384xf32, #tpu.memory_space<vmem>>, vector<16xf32>,
      %add3A_2041 = arith.addf %add3A_2016, %get3A_2040 : vector<16xf32>
      %get3A_2042 = arith.constant 10 : i32
      %get3A_2043 = arith.index_cast %get3A_2042 : i32 to index
      %get3A_2044 = arith.constant 0 : index
      %get3A_2045 = tpu.vector_load %arg14[%get3A_2043, %get3A_2044] {strides = array<i32>} : memref<16x384xf32, #tpu.memory_space<vmem>>, vector<16xf32>,
      %add3A_2046 = arith.addf %add3A_2021, %get3A_2045 : vector<16xf32>
      %get3A_2047 = arith.constant 10 : i32
      %get3A_2048 = arith.index_cast %get3A_2047 : i32 to index
      %get3A_2049 = arith.constant 64 : index
      %get3A_2050 = tpu.vector_load %arg14[%get3A_2048, %get3A_2049] {strides = array<i32>} : memref<16x384xf32, #tpu.memory_space<vmem>>, vector<16xf32>,
      %add3A_2051 = arith.addf %add3A_2026, %get3A_2050 : vector<16xf32>
      %get3A_2052 = arith.constant 10 : i32
      %get3A_2053 = arith.index_cast %get3A_2052 : i32 to index
      %get3A_2054 = arith.constant 128 : index
      %get3A_2055 = tpu.vector_load %arg14[%get3A_2053, %get3A_2054] {strides = array<i32>} : memref<16x384xf32, #tpu.memory_space<vmem>>, vector<16xf32>,
      %add3A_2056 = arith.addf %add3A_2031, %get3A_2055 : vector<16xf32>
      %get3A_2057 = arith.constant 10 : i32
      %get3A_2058 = arith.index_cast %get3A_2057 : i32 to index
      %get3A_2059 = arith.constant 192 : index
      %get3A_2060 = tpu.vector_load %arg14[%get3A_2058, %get3A_2059] {strides = array<i32>} : memref<16x384xf32, #tpu.memory_space<vmem>>, vector<16xf32>,
      %add3A_2061 = arith.addf %add3A_2036, %get3A_2060 : vector<16xf32>
      %get3A_2062 = arith.constant 10 : i32
      %get3A_2063 = arith.index_cast %get3A_2062 : i32 to index
      %get3A_2064 = arith.constant 256 : index
      %get3A_2065 = tpu.vector_load %arg14[%get3A_2063, %get3A_2064] {strides = array<i32>} : memref<16x384xf32, #tpu.memory_space<vmem>>, vector<16xf32>,
      %add3A_2066 = arith.addf %add3A_2041, %get3A_2065 : vector<16xf32>
      %get3A_2067 = arith.constant 11 : i32
      %get3A_2068 = arith.index_cast %get3A_2067 : i32 to index
      %get3A_2069 = arith.constant 0 : index
      %get3A_2070 = tpu.vector_load %arg14[%get3A_2068, %get3A_2069] {strides = array<i32>} : memref<16x384xf32, #tpu.memory_space<vmem>>, vector<16xf32>,
      %add3A_2071 = arith.addf %add3A_2046, %get3A_2070 : vector<16xf32>
      %get3A_2072 = arith.constant 11 : i32
      %get3A_2073 = arith.index_cast %get3A_2072 : i32 to index
      %get3A_2074 = arith.constant 64 : index
      %get3A_2075 = tpu.vector_load %arg14[%get3A_2073, %get3A_2074] {strides = array<i32>} : memref<16x384xf32, #tpu.memory_space<vmem>>, vector<16xf32>,
      %add3A_2076 = arith.addf %add3A_2051, %get3A_2075 : vector<16xf32>
      %get3A_2077 = arith.constant 11 : i32
      %get3A_2078 = arith.index_cast %get3A_2077 : i32 to index
      %get3A_2079 = arith.constant 128 : index
      %get3A_2080 = tpu.vector_load %arg14[%get3A_2078, %get3A_2079] {strides = array<i32>} : memref<16x384xf32, #tpu.memory_space<vmem>>, vector<16xf32>,
      %add3A_2081 = arith.addf %add3A_2056, %get3A_2080 : vector<16xf32>
      %get3A_2082 = arith.constant 11 : i32
      %get3A_2083 = arith.index_cast %get3A_2082 : i32 to index
      %get3A_2084 = arith.constant 192 : index
      %get3A_2085 = tpu.vector_load %arg14[%get3A_2083, %get3A_2084] {strides = array<i32>} : memref<16x384xf32, #tpu.memory_space<vmem>>, vector<16xf32>,
      %add3A_2086 = arith.addf %add3A_2061, %get3A_2085 : vector<16xf32>
      %get3A_2087 = arith.constant 11 : i32
      %get3A_2088 = arith.index_cast %get3A_2087 : i32 to index
      %get3A_2089 = arith.constant 256 : index
      %get3A_2090 = tpu.vector_load %arg14[%get3A_2088, %get3A_2089] {strides = array<i32>} : memref<16x384xf32, #tpu.memory_space<vmem>>, vector<16xf32>,
      %add3A_2091 = arith.addf %add3A_2066, %get3A_2090 : vector<16xf32>
      %get3A_2092 = arith.constant 12 : i32
      %get3A_2093 = arith.index_cast %get3A_2092 : i32 to index
      %get3A_2094 = arith.constant 0 : index
      %get3A_2095 = tpu.vector_load %arg14[%get3A_2093, %get3A_2094] {strides = array<i32>} : memref<16x384xf32, #tpu.memory_space<vmem>>, vector<16xf32>,
      %add3A_2096 = arith.addf %add3A_2071, %get3A_2095 : vector<16xf32>
      %get3A_2097 = arith.constant 12 : i32
      %get3A_2098 = arith.index_cast %get3A_2097 : i32 to index
      %get3A_2099 = arith.constant 64 : index
      %get3A_2100 = tpu.vector_load %arg14[%get3A_2098, %get3A_2099] {strides = array<i32>} : memref<16x384xf32, #tpu.memory_space<vmem>>, vector<16xf32>,
      %add3A_2101 = arith.addf %add3A_2076, %get3A_2100 : vector<16xf32>
      %get3A_2102 = arith.constant 12 : i32
      %get3A_2103 = arith.index_cast %get3A_2102 : i32 to index
      %get3A_2104 = arith.constant 128 : index
      %get3A_2105 = tpu.vector_load %arg14[%get3A_2103, %get3A_2104] {strides = array<i32>} : memref<16x384xf32, #tpu.memory_space<vmem>>, vector<16xf32>,
      %add3A_2106 = arith.addf %add3A_2081, %get3A_2105 : vector<16xf32>
      %get3A_2107 = arith.constant 12 : i32
      %get3A_2108 = arith.index_cast %get3A_2107 : i32 to index
      %get3A_2109 = arith.constant 192 : index
      %get3A_2110 = tpu.vector_load %arg14[%get3A_2108, %get3A_2109] {strides = array<i32>} : memref<16x384xf32, #tpu.memory_space<vmem>>, vector<16xf32>,
      %add3A_2111 = arith.addf %add3A_2086, %get3A_2110 : vector<16xf32>
      %get3A_2112 = arith.constant 12 : i32
      %get3A_2113 = arith.index_cast %get3A_2112 : i32 to index
      %get3A_2114 = arith.constant 256 : index
      %get3A_2115 = tpu.vector_load %arg14[%get3A_2113, %get3A_2114] {strides = array<i32>} : memref<16x384xf32, #tpu.memory_space<vmem>>, vector<16xf32>,
      %add3A_2116 = arith.addf %add3A_2091, %get3A_2115 : vector<16xf32>
      %get3A_2117 = arith.constant 13 : i32
      %get3A_2118 = arith.index_cast %get3A_2117 : i32 to index
      %get3A_2119 = arith.constant 0 : index
      %get3A_2120 = tpu.vector_load %arg14[%get3A_2118, %get3A_2119] {strides = array<i32>} : memref<16x384xf32, #tpu.memory_space<vmem>>, vector<16xf32>,
      %add3A_2121 = arith.addf %add3A_2096, %get3A_2120 : vector<16xf32>
      %get3A_2122 = arith.constant 13 : i32
      %get3A_2123 = arith.index_cast %get3A_2122 : i32 to index
      %get3A_2124 = arith.constant 64 : index
      %get3A_2125 = tpu.vector_load %arg14[%get3A_2123, %get3A_2124] {strides = array<i32>} : memref<16x384xf32, #tpu.memory_space<vmem>>, vector<16xf32>,
      %add3A_2126 = arith.addf %add3A_2101, %get3A_2125 : vector<16xf32>
      %get3A_2127 = arith.constant 13 : i32
      %get3A_2128 = arith.index_cast %get3A_2127 : i32 to index
      %get3A_2129 = arith.constant 128 : index
      %get3A_2130 = tpu.vector_load %arg14[%get3A_2128, %get3A_2129] {strides = array<i32>} : memref<16x384xf32, #tpu.memory_space<vmem>>, vector<16xf32>,
      %add3A_2131 = arith.addf %add3A_2106, %get3A_2130 : vector<16xf32>
      %get3A_2132 = arith.constant 13 : i32
      %get3A_2133 = arith.index_cast %get3A_2132 : i32 to index
      %get3A_2134 = arith.constant 192 : index
      %get3A_2135 = tpu.vector_load %arg14[%get3A_2133, %get3A_2134] {strides = array<i32>} : memref<16x384xf32, #tpu.memory_space<vmem>>, vector<16xf32>,
      %add3A_2136 = arith.addf %add3A_2111, %get3A_2135 : vector<16xf32>
      %get3A_2137 = arith.constant 13 : i32
      %get3A_2138 = arith.index_cast %get3A_2137 : i32 to index
      %get3A_2139 = arith.constant 256 : index
      %get3A_2140 = tpu.vector_load %arg14[%get3A_2138, %get3A_2139] {strides = array<i32>} : memref<16x384xf32, #tpu.memory_space<vmem>>, vector<16xf32>,
      %add3A_2141 = arith.addf %add3A_2116, %get3A_2140 : vector<16xf32>
      %get3A_2142 = arith.constant 14 : i32
      %get3A_2143 = arith.index_cast %get3A_2142 : i32 to index
      %get3A_2144 = arith.constant 0 : index
      %get3A_2145 = tpu.vector_load %arg14[%get3A_2143, %get3A_2144] {strides = array<i32>} : memref<16x384xf32, #tpu.memory_space<vmem>>, vector<16xf32>,
      %add3A_2146 = arith.addf %add3A_2121, %get3A_2145 : vector<16xf32>
      %get3A_2147 = arith.constant 14 : i32
      %get3A_2148 = arith.index_cast %get3A_2147 : i32 to index
      %get3A_2149 = arith.constant 64 : index
      %get3A_2150 = tpu.vector_load %arg14[%get3A_2148, %get3A_2149] {strides = array<i32>} : memref<16x384xf32, #tpu.memory_space<vmem>>, vector<16xf32>,
      %add3A_2151 = arith.addf %add3A_2126, %get3A_2150 : vector<16xf32>
      %get3A_2152 = arith.constant 14 : i32
      %get3A_2153 = arith.index_cast %get3A_2152 : i32 to index
      %get3A_2154 = arith.constant 128 : index
      %get3A_2155 = tpu.vector_load %arg14[%get3A_2153, %get3A_2154] {strides = array<i32>} : memref<16x384xf32, #tpu.memory_space<vmem>>, vector<16xf32>,
      %add3A_2156 = arith.addf %add3A_2131, %get3A_2155 : vector<16xf32>
      %get3A_2157 = arith.constant 14 : i32
      %get3A_2158 = arith.index_cast %get3A_2157 : i32 to index
      %get3A_2159 = arith.constant 192 : index
      %get3A_2160 = tpu.vector_load %arg14[%get3A_2158, %get3A_2159] {strides = array<i32>} : memref<16x384xf32, #tpu.memory_space<vmem>>, vector<16xf32>,
      %add3A_2161 = arith.addf %add3A_2136, %get3A_2160 : vector<16xf32>
      %get3A_2162 = arith.constant 14 : i32
      %get3A_2163 = arith.index_cast %get3A_2162 : i32 to index
      %get3A_2164 = arith.constant 256 : index
      %get3A_2165 = tpu.vector_load %arg14[%get3A_2163, %get3A_2164] {strides = array<i32>} : memref<16x384xf32, #tpu.memory_space<vmem>>, vector<16xf32>,
      %add3A_2166 = arith.addf %add3A_2141, %get3A_2165 : vector<16xf32>
      %get3A_2167 = arith.constant 15 : i32
      %get3A_2168 = arith.index_cast %get3A_2167 : i32 to index
      %get3A_2169 = arith.constant 0 : index
      %get3A_2170 = tpu.vector_load %arg14[%get3A_2168, %get3A_2169] {strides = array<i32>} : memref<16x384xf32, #tpu.memory_space<vmem>>, vector<16xf32>,
      %add3A_2171 = arith.addf %add3A_2146, %get3A_2170 : vector<16xf32>
      %get3A_2172 = arith.constant 15 : i32
      %get3A_2173 = arith.index_cast %get3A_2172 : i32 to index
      %get3A_2174 = arith.constant 64 : index
      %get3A_2175 = tpu.vector_load %arg14[%get3A_2173, %get3A_2174] {strides = array<i32>} : memref<16x384xf32, #tpu.memory_space<vmem>>, vector<16xf32>,
      %add3A_2176 = arith.addf %add3A_2151, %get3A_2175 : vector<16xf32>
      %get3A_2177 = arith.constant 15 : i32
      %get3A_2178 = arith.index_cast %get3A_2177 : i32 to index
      %get3A_2179 = arith.constant 128 : index
      %get3A_2180 = tpu.vector_load %arg14[%get3A_2178, %get3A_2179] {strides = array<i32>} : memref<16x384xf32, #tpu.memory_space<vmem>>, vector<16xf32>,
      %add3A_2181 = arith.addf %add3A_2156, %get3A_2180 : vector<16xf32>
      %get3A_2182 = arith.constant 15 : i32
      %get3A_2183 = arith.index_cast %get3A_2182 : i32 to index
      %get3A_2184 = arith.constant 192 : index
      %get3A_2185 = tpu.vector_load %arg14[%get3A_2183, %get3A_2184] {strides = array<i32>} : memref<16x384xf32, #tpu.memory_space<vmem>>, vector<16xf32>,
      %add3A_2186 = arith.addf %add3A_2161, %get3A_2185 : vector<16xf32>
      %get3A_2187 = arith.constant 15 : i32
      %get3A_2188 = arith.index_cast %get3A_2187 : i32 to index
      %get3A_2189 = arith.constant 256 : index
      %get3A_2190 = tpu.vector_load %arg14[%get3A_2188, %get3A_2189] {strides = array<i32>} : memref<16x384xf32, #tpu.memory_space<vmem>>, vector<16xf32>,
      %add3A_2191 = arith.addf %add3A_2166, %get3A_2190 : vector<16xf32>
      %ge3A = arith.constant 2.000000e+00 : f32
      %ge3A_2192 = vector.broadcast %ge3A : f32 to vector<16xf32>
      %ge3A_2193 = arith.cmpf oge, %add3A_2171, %ge3A_2192 : vector<16xf32>
      %gt3A = arith.constant 5.000000e-01 : f32
      %gt3A_2194 = vector.broadcast %gt3A : f32 to vector<16xf32>
      %gt3A_2195 = arith.cmpf ogt, %add3A_2176, %gt3A_2194 : vector<16xf32>
      %sub3A = arith.subf %add3A_2171, %add3A_2176 : vector<16xf32>
      %mul3A_2196 = arith.constant 0.006737947 : f32
      %mul3A_2197 = vector.broadcast %mul3A_2196 : f32 to vector<16xf32>
      %mul3A_2198 = arith.mulf %sub3A, %mul3A_2197 : vector<16xf32>
      %add3A_2199 = arith.addf %add3A_2176, %mul3A_2198 : vector<16xf32>
      %select_n3A = arith.select %gt3A_2195, %add3A_2199, %add3A_2171 : vector<16xi1>, vector<16xf32>
      %max3A = arith.constant 1.000000e-30 : f32
      %max3A_2200 = vector.broadcast %max3A : f32 to vector<16xf32>
      %max3A_2201 = arith.maximumf %select_n3A, %max3A_2200 : vector<16xf32>
      %jit3A = arith.constant 0.006737947 : f32
      %jit3A_2202 = arith.constant 1.000000e+00 : f32
      %broadcast_in_dim3A_2203 = vector.broadcast %jit3A : f32 to vector<16xf32>
      %broadcast_in_dim3A_2204 = vector.broadcast %jit3A_2202 : f32 to vector<16xf32>
      %select_n3A_2205 = arith.select %gt3A_2195, %broadcast_in_dim3A_2203, %broadcast_in_dim3A_2204 : vector<16xi1>, vector<16xf32>
      %div3A = arith.divf %select_n3A_2205, %max3A_2201 : vector<16xf32>
      %div3A_2206 = arith.constant 1.000000e+00 : f32
      %div3A_2207 = vector.broadcast %div3A_2206 : f32 to vector<16xf32>
      %div3A_2208 = arith.divf %div3A_2207, %max3A_2201 : vector<16xf32>
      %max3A_2209 = arith.constant 1.000000e-30 : f32
      %max3A_2210 = vector.broadcast %max3A_2209 : f32 to vector<16xf32>
      %max3A_2211 = arith.maximumf %add3A_2181, %max3A_2210 : vector<16xf32>
      %bitcast3A = vector.bitcast %max3A_2211 : vector<16xf32> to vector<16xi32>
      %shift_right_arithmetic3A_2212 = arith.constant 23 : i32
      %shift_right_arithmetic3A_2213 = vector.broadcast %shift_right_arithmetic3A_2212 : i32 to vector<16xi32>
      %shift_right_arithmetic3A_2214 = arith.shrsi %bitcast3A, %shift_right_arithmetic3A_2213 : vector<16xi32>
      %and3A_2215 = arith.constant 255 : i32
      %and3A_2216 = vector.broadcast %and3A_2215 : i32 to vector<16xi32>
      %and3A_2217 = arith.andi %shift_right_arithmetic3A_2214, %and3A_2216 : vector<16xi32>
      %and3A_2218 = arith.constant 8388607 : i32
      %and3A_2219 = vector.broadcast %and3A_2218 : i32 to vector<16xi32>
      %and3A_2220 = arith.andi %bitcast3A, %and3A_2219 : vector<16xi32>
      %or3A = arith.constant 1065353216 : i32
      %or3A_2221 = vector.broadcast %or3A : i32 to vector<16xi32>
      %or3A_2222 = arith.ori %and3A_2220, %or3A_2221 : vector<16xi32>
      %bitcast3A_2223 = vector.bitcast %or3A_2222 : vector<16xi32> to vector<16xf32>
      %gt3A_2224 = arith.constant 1.41421354 : f32
      %gt3A_2225 = vector.broadcast %gt3A_2224 : f32 to vector<16xf32>
      %gt3A_2226 = arith.cmpf ogt, %bitcast3A_2223, %gt3A_2225 : vector<16xf32>
      %mul3A_2227 = arith.constant 5.000000e-01 : f32
      %mul3A_2228 = vector.broadcast %mul3A_2227 : f32 to vector<16xf32>
      %mul3A_2229 = arith.mulf %bitcast3A_2223, %mul3A_2228 : vector<16xf32>
      %select_n3A_2230 = arith.select %gt3A_2226, %mul3A_2229, %bitcast3A_2223 : vector<16xi1>, vector<16xf32>
      %jit3A_2231 = arith.constant 126 : i32
      %jit3A_2232 = arith.constant 127 : i32
      %broadcast_in_dim3A_2233 = vector.broadcast %jit3A_2231 : i32 to vector<16xi32>
      %broadcast_in_dim3A_2234 = vector.broadcast %jit3A_2232 : i32 to vector<16xi32>
      %select_n3A_2235 = arith.select %gt3A_2226, %broadcast_in_dim3A_2233, %broadcast_in_dim3A_2234 : vector<16xi1>, vector<16xi32>
      %sub3A_2236 = arith.subi %and3A_2217, %select_n3A_2235 : vector<16xi32>
      %convert_element_type3A_2237 = arith.sitofp %sub3A_2236 : vector<16xi32> to vector<16xf32>
      %sub3A_2238 = arith.constant 1.000000e+00 : f32
      %sub3A_2239 = vector.broadcast %sub3A_2238 : f32 to vector<16xf32>
      %sub3A_2240 = arith.subf %select_n3A_2230, %sub3A_2239 : vector<16xf32>
      %add3A_2241 = arith.constant 1.000000e+00 : f32
      %add3A_2242 = vector.broadcast %add3A_2241 : f32 to vector<16xf32>
      %add3A_2243 = arith.addf %select_n3A_2230, %add3A_2242 : vector<16xf32>
      %div3A_2244 = arith.divf %sub3A_2240, %add3A_2243 : vector<16xf32>
      %mul3A_2245 = arith.mulf %div3A_2244, %div3A_2244 : vector<16xf32>
      %mul3A_2246 = arith.constant 0.111111112 : f32
      %mul3A_2247 = vector.broadcast %mul3A_2246 : f32 to vector<16xf32>
      %mul3A_2248 = arith.mulf %mul3A_2245, %mul3A_2247 : vector<16xf32>
      %add3A_2249 = arith.constant 0.142857149 : f32
      %add3A_2250 = vector.broadcast %add3A_2249 : f32 to vector<16xf32>
      %add3A_2251 = arith.addf %add3A_2250, %mul3A_2248 : vector<16xf32>
      %mul3A_2252 = arith.mulf %mul3A_2245, %add3A_2251 : vector<16xf32>
      %add3A_2253 = arith.constant 2.000000e-01 : f32
      %add3A_2254 = vector.broadcast %add3A_2253 : f32 to vector<16xf32>
      %add3A_2255 = arith.addf %add3A_2254, %mul3A_2252 : vector<16xf32>
      %mul3A_2256 = arith.mulf %mul3A_2245, %add3A_2255 : vector<16xf32>
      %add3A_2257 = arith.constant 0.333333343 : f32
      %add3A_2258 = vector.broadcast %add3A_2257 : f32 to vector<16xf32>
      %add3A_2259 = arith.addf %add3A_2258, %mul3A_2256 : vector<16xf32>
      %mul3A_2260 = arith.mulf %mul3A_2245, %add3A_2259 : vector<16xf32>
      %add3A_2261 = arith.constant 1.000000e+00 : f32
      %add3A_2262 = vector.broadcast %add3A_2261 : f32 to vector<16xf32>
      %add3A_2263 = arith.addf %add3A_2262, %mul3A_2260 : vector<16xf32>
      %mul3A_2264 = arith.constant 0.693147182 : f32
      %mul3A_2265 = vector.broadcast %mul3A_2264 : f32 to vector<16xf32>
      %mul3A_2266 = arith.mulf %convert_element_type3A_2237, %mul3A_2265 : vector<16xf32>
      %mul3A_2267 = arith.constant 2.000000e+00 : f32
      %mul3A_2268 = vector.broadcast %mul3A_2267 : f32 to vector<16xf32>
      %mul3A_2269 = arith.mulf %mul3A_2268, %div3A_2244 : vector<16xf32>
      %mul3A_2270 = arith.mulf %mul3A_2269, %add3A_2263 : vector<16xf32>
      %add3A_2271 = arith.addf %mul3A_2266, %mul3A_2270 : vector<16xf32>
      %mul3A_2272 = arith.mulf %div3A, %add3A_2186 : vector<16xf32>
      %sub3A_2273 = arith.subf %add3A_2271, %mul3A_2272 : vector<16xf32>
      %mul3A_2274 = arith.mulf %div3A_2208, %add3A_2191 : vector<16xf32>
      %sub3A_2275 = arith.subf %sub3A_2273, %mul3A_2274 : vector<16xf32>
      %jit3A_2276 = arith.constant 0.000000e+00 : f32
      %broadcast_in_dim3A_2277 = vector.broadcast %jit3A_2276 : f32 to vector<16xf32>
      %select_n3A_2278 = arith.select %ge3A_2193, %sub3A_2275, %broadcast_in_dim3A_2277 : vector<16xi1>, vector<16xf32>
      %add3A_2279 = arith.addf %broadcast_in_dim3A_1797, %select_n3A_2278 : vector<16xf32>
      %jit3A_2280 = arith.constant 1.000000e+00 : f32
      %jit3A_2281 = arith.constant 0.000000e+00 : f32
      %broadcast_in_dim3A_2282 = vector.broadcast %jit3A_2280 : f32 to vector<16xf32>
      %broadcast_in_dim3A_2283 = vector.broadcast %jit3A_2281 : f32 to vector<16xf32>
      %select_n3A_2284 = arith.select %ge3A_2193, %broadcast_in_dim3A_2282, %broadcast_in_dim3A_2283 : vector<16xi1>, vector<16xf32>
      %reduce_sum3A = arith.constant true
      %reduce_sum3A_2285 = vector.broadcast %reduce_sum3A : i1 to vector<16xi1>
      %reduce_sum3A_2286 = tpu.scan <sum>, %select_n3A_2284 masked %reduce_sum3A_2285 : vector<16xf32>, vector<16xi1> -> vector<16xf32>
      %reduce_sum3A_2287 = vector.extract %reduce_sum3A_2286[15] : f32 from vector<16xf32>
      %add3A_2288 = arith.constant 0.000000e+00 : f32
      %add3A_2289 = arith.addf %add3A_2288, %reduce_sum3A_2287 : f32
      %get3A_2290 = arith.constant 0 : i32
      %get3A_2291 = arith.index_cast %get3A_2290 : i32 to index
      %get3A_2292 = arith.constant 16 : index
      %get3A_2293 = tpu.vector_load %arg14[%get3A_2291, %get3A_2292] {strides = array<i32>} : memref<16x384xf32, #tpu.memory_space<vmem>>, vector<16xf32>,
      %get3A_2294 = arith.constant 0 : i32
      %get3A_2295 = arith.index_cast %get3A_2294 : i32 to index
      %get3A_2296 = arith.constant 80 : index
      %get3A_2297 = tpu.vector_load %arg14[%get3A_2295, %get3A_2296] {strides = array<i32>} : memref<16x384xf32, #tpu.memory_space<vmem>>, vector<16xf32>,
      %get3A_2298 = arith.constant 0 : i32
      %get3A_2299 = arith.index_cast %get3A_2298 : i32 to index
      %get3A_2300 = arith.constant 144 : index
      %get3A_2301 = tpu.vector_load %arg14[%get3A_2299, %get3A_2300] {strides = array<i32>} : memref<16x384xf32, #tpu.memory_space<vmem>>, vector<16xf32>,
      %get3A_2302 = arith.constant 0 : i32
      %get3A_2303 = arith.index_cast %get3A_2302 : i32 to index
      %get3A_2304 = arith.constant 208 : index
      %get3A_2305 = tpu.vector_load %arg14[%get3A_2303, %get3A_2304] {strides = array<i32>} : memref<16x384xf32, #tpu.memory_space<vmem>>, vector<16xf32>,
      %get3A_2306 = arith.constant 0 : i32
      %get3A_2307 = arith.index_cast %get3A_2306 : i32 to index
      %get3A_2308 = arith.constant 272 : index
      %get3A_2309 = tpu.vector_load %arg14[%get3A_2307, %get3A_2308] {strides = array<i32>} : memref<16x384xf32, #tpu.memory_space<vmem>>, vector<16xf32>,
      %get3A_2310 = arith.constant 1 : i32
      %get3A_2311 = arith.index_cast %get3A_2310 : i32 to index
      %get3A_2312 = arith.constant 16 : index
      %get3A_2313 = tpu.vector_load %arg14[%get3A_2311, %get3A_2312] {strides = array<i32>} : memref<16x384xf32, #tpu.memory_space<vmem>>, vector<16xf32>,
      %add3A_2314 = arith.addf %get3A_2293, %get3A_2313 : vector<16xf32>
      %get3A_2315 = arith.constant 1 : i32
      %get3A_2316 = arith.index_cast %get3A_2315 : i32 to index
      %get3A_2317 = arith.constant 80 : index
      %get3A_2318 = tpu.vector_load %arg14[%get3A_2316, %get3A_2317] {strides = array<i32>} : memref<16x384xf32, #tpu.memory_space<vmem>>, vector<16xf32>,
      %add3A_2319 = arith.addf %get3A_2297, %get3A_2318 : vector<16xf32>
      %get3A_2320 = arith.constant 1 : i32
      %get3A_2321 = arith.index_cast %get3A_2320 : i32 to index
      %get3A_2322 = arith.constant 144 : index
      %get3A_2323 = tpu.vector_load %arg14[%get3A_2321, %get3A_2322] {strides = array<i32>} : memref<16x384xf32, #tpu.memory_space<vmem>>, vector<16xf32>,
      %add3A_2324 = arith.addf %get3A_2301, %get3A_2323 : vector<16xf32>
      %get3A_2325 = arith.constant 1 : i32
      %get3A_2326 = arith.index_cast %get3A_2325 : i32 to index
      %get3A_2327 = arith.constant 208 : index
      %get3A_2328 = tpu.vector_load %arg14[%get3A_2326, %get3A_2327] {strides = array<i32>} : memref<16x384xf32, #tpu.memory_space<vmem>>, vector<16xf32>,
      %add3A_2329 = arith.addf %get3A_2305, %get3A_2328 : vector<16xf32>
      %get3A_2330 = arith.constant 1 : i32
      %get3A_2331 = arith.index_cast %get3A_2330 : i32 to index
      %get3A_2332 = arith.constant 272 : index
      %get3A_2333 = tpu.vector_load %arg14[%get3A_2331, %get3A_2332] {strides = array<i32>} : memref<16x384xf32, #tpu.memory_space<vmem>>, vector<16xf32>,
      %add3A_2334 = arith.addf %get3A_2309, %get3A_2333 : vector<16xf32>
      %get3A_2335 = arith.constant 2 : i32
      %get3A_2336 = arith.index_cast %get3A_2335 : i32 to index
      %get3A_2337 = arith.constant 16 : index
      %get3A_2338 = tpu.vector_load %arg14[%get3A_2336, %get3A_2337] {strides = array<i32>} : memref<16x384xf32, #tpu.memory_space<vmem>>, vector<16xf32>,
      %add3A_2339 = arith.addf %add3A_2314, %get3A_2338 : vector<16xf32>
      %get3A_2340 = arith.constant 2 : i32
      %get3A_2341 = arith.index_cast %get3A_2340 : i32 to index
      %get3A_2342 = arith.constant 80 : index
      %get3A_2343 = tpu.vector_load %arg14[%get3A_2341, %get3A_2342] {strides = array<i32>} : memref<16x384xf32, #tpu.memory_space<vmem>>, vector<16xf32>,
      %add3A_2344 = arith.addf %add3A_2319, %get3A_2343 : vector<16xf32>
      %get3A_2345 = arith.constant 2 : i32
      %get3A_2346 = arith.index_cast %get3A_2345 : i32 to index
      %get3A_2347 = arith.constant 144 : index
      %get3A_2348 = tpu.vector_load %arg14[%get3A_2346, %get3A_2347] {strides = array<i32>} : memref<16x384xf32, #tpu.memory_space<vmem>>, vector<16xf32>,
      %add3A_2349 = arith.addf %add3A_2324, %get3A_2348 : vector<16xf32>
      %get3A_2350 = arith.constant 2 : i32
      %get3A_2351 = arith.index_cast %get3A_2350 : i32 to index
      %get3A_2352 = arith.constant 208 : index
      %get3A_2353 = tpu.vector_load %arg14[%get3A_2351, %get3A_2352] {strides = array<i32>} : memref<16x384xf32, #tpu.memory_space<vmem>>, vector<16xf32>,
      %add3A_2354 = arith.addf %add3A_2329, %get3A_2353 : vector<16xf32>
      %get3A_2355 = arith.constant 2 : i32
      %get3A_2356 = arith.index_cast %get3A_2355 : i32 to index
      %get3A_2357 = arith.constant 272 : index
      %get3A_2358 = tpu.vector_load %arg14[%get3A_2356, %get3A_2357] {strides = array<i32>} : memref<16x384xf32, #tpu.memory_space<vmem>>, vector<16xf32>,
      %add3A_2359 = arith.addf %add3A_2334, %get3A_2358 : vector<16xf32>
      %get3A_2360 = arith.constant 3 : i32
      %get3A_2361 = arith.index_cast %get3A_2360 : i32 to index
      %get3A_2362 = arith.constant 16 : index
      %get3A_2363 = tpu.vector_load %arg14[%get3A_2361, %get3A_2362] {strides = array<i32>} : memref<16x384xf32, #tpu.memory_space<vmem>>, vector<16xf32>,
      %add3A_2364 = arith.addf %add3A_2339, %get3A_2363 : vector<16xf32>
      %get3A_2365 = arith.constant 3 : i32
      %get3A_2366 = arith.index_cast %get3A_2365 : i32 to index
      %get3A_2367 = arith.constant 80 : index
      %get3A_2368 = tpu.vector_load %arg14[%get3A_2366, %get3A_2367] {strides = array<i32>} : memref<16x384xf32, #tpu.memory_space<vmem>>, vector<16xf32>,
      %add3A_2369 = arith.addf %add3A_2344, %get3A_2368 : vector<16xf32>
      %get3A_2370 = arith.constant 3 : i32
      %get3A_2371 = arith.index_cast %get3A_2370 : i32 to index
      %get3A_2372 = arith.constant 144 : index
      %get3A_2373 = tpu.vector_load %arg14[%get3A_2371, %get3A_2372] {strides = array<i32>} : memref<16x384xf32, #tpu.memory_space<vmem>>, vector<16xf32>,
      %add3A_2374 = arith.addf %add3A_2349, %get3A_2373 : vector<16xf32>
      %get3A_2375 = arith.constant 3 : i32
      %get3A_2376 = arith.index_cast %get3A_2375 : i32 to index
      %get3A_2377 = arith.constant 208 : index
      %get3A_2378 = tpu.vector_load %arg14[%get3A_2376, %get3A_2377] {strides = array<i32>} : memref<16x384xf32, #tpu.memory_space<vmem>>, vector<16xf32>,
      %add3A_2379 = arith.addf %add3A_2354, %get3A_2378 : vector<16xf32>
      %get3A_2380 = arith.constant 3 : i32
      %get3A_2381 = arith.index_cast %get3A_2380 : i32 to index
      %get3A_2382 = arith.constant 272 : index
      %get3A_2383 = tpu.vector_load %arg14[%get3A_2381, %get3A_2382] {strides = array<i32>} : memref<16x384xf32, #tpu.memory_space<vmem>>, vector<16xf32>,
      %add3A_2384 = arith.addf %add3A_2359, %get3A_2383 : vector<16xf32>
      %get3A_2385 = arith.constant 4 : i32
      %get3A_2386 = arith.index_cast %get3A_2385 : i32 to index
      %get3A_2387 = arith.constant 16 : index
      %get3A_2388 = tpu.vector_load %arg14[%get3A_2386, %get3A_2387] {strides = array<i32>} : memref<16x384xf32, #tpu.memory_space<vmem>>, vector<16xf32>,
      %add3A_2389 = arith.addf %add3A_2364, %get3A_2388 : vector<16xf32>
      %get3A_2390 = arith.constant 4 : i32
      %get3A_2391 = arith.index_cast %get3A_2390 : i32 to index
      %get3A_2392 = arith.constant 80 : index
      %get3A_2393 = tpu.vector_load %arg14[%get3A_2391, %get3A_2392] {strides = array<i32>} : memref<16x384xf32, #tpu.memory_space<vmem>>, vector<16xf32>,
      %add3A_2394 = arith.addf %add3A_2369, %get3A_2393 : vector<16xf32>
      %get3A_2395 = arith.constant 4 : i32
      %get3A_2396 = arith.index_cast %get3A_2395 : i32 to index
      %get3A_2397 = arith.constant 144 : index
      %get3A_2398 = tpu.vector_load %arg14[%get3A_2396, %get3A_2397] {strides = array<i32>} : memref<16x384xf32, #tpu.memory_space<vmem>>, vector<16xf32>,
      %add3A_2399 = arith.addf %add3A_2374, %get3A_2398 : vector<16xf32>
      %get3A_2400 = arith.constant 4 : i32
      %get3A_2401 = arith.index_cast %get3A_2400 : i32 to index
      %get3A_2402 = arith.constant 208 : index
      %get3A_2403 = tpu.vector_load %arg14[%get3A_2401, %get3A_2402] {strides = array<i32>} : memref<16x384xf32, #tpu.memory_space<vmem>>, vector<16xf32>,
      %add3A_2404 = arith.addf %add3A_2379, %get3A_2403 : vector<16xf32>
      %get3A_2405 = arith.constant 4 : i32
      %get3A_2406 = arith.index_cast %get3A_2405 : i32 to index
      %get3A_2407 = arith.constant 272 : index
      %get3A_2408 = tpu.vector_load %arg14[%get3A_2406, %get3A_2407] {strides = array<i32>} : memref<16x384xf32, #tpu.memory_space<vmem>>, vector<16xf32>,
      %add3A_2409 = arith.addf %add3A_2384, %get3A_2408 : vector<16xf32>
      %get3A_2410 = arith.constant 5 : i32
      %get3A_2411 = arith.index_cast %get3A_2410 : i32 to index
      %get3A_2412 = arith.constant 16 : index
      %get3A_2413 = tpu.vector_load %arg14[%get3A_2411, %get3A_2412] {strides = array<i32>} : memref<16x384xf32, #tpu.memory_space<vmem>>, vector<16xf32>,
      %add3A_2414 = arith.addf %add3A_2389, %get3A_2413 : vector<16xf32>
      %get3A_2415 = arith.constant 5 : i32
      %get3A_2416 = arith.index_cast %get3A_2415 : i32 to index
      %get3A_2417 = arith.constant 80 : index
      %get3A_2418 = tpu.vector_load %arg14[%get3A_2416, %get3A_2417] {strides = array<i32>} : memref<16x384xf32, #tpu.memory_space<vmem>>, vector<16xf32>,
      %add3A_2419 = arith.addf %add3A_2394, %get3A_2418 : vector<16xf32>
      %get3A_2420 = arith.constant 5 : i32
      %get3A_2421 = arith.index_cast %get3A_2420 : i32 to index
      %get3A_2422 = arith.constant 144 : index
      %get3A_2423 = tpu.vector_load %arg14[%get3A_2421, %get3A_2422] {strides = array<i32>} : memref<16x384xf32, #tpu.memory_space<vmem>>, vector<16xf32>,
      %add3A_2424 = arith.addf %add3A_2399, %get3A_2423 : vector<16xf32>
      %get3A_2425 = arith.constant 5 : i32
      %get3A_2426 = arith.index_cast %get3A_2425 : i32 to index
      %get3A_2427 = arith.constant 208 : index
      %get3A_2428 = tpu.vector_load %arg14[%get3A_2426, %get3A_2427] {strides = array<i32>} : memref<16x384xf32, #tpu.memory_space<vmem>>, vector<16xf32>,
      %add3A_2429 = arith.addf %add3A_2404, %get3A_2428 : vector<16xf32>
      %get3A_2430 = arith.constant 5 : i32
      %get3A_2431 = arith.index_cast %get3A_2430 : i32 to index
      %get3A_2432 = arith.constant 272 : index
      %get3A_2433 = tpu.vector_load %arg14[%get3A_2431, %get3A_2432] {strides = array<i32>} : memref<16x384xf32, #tpu.memory_space<vmem>>, vector<16xf32>,
      %add3A_2434 = arith.addf %add3A_2409, %get3A_2433 : vector<16xf32>
      %get3A_2435 = arith.constant 6 : i32
      %get3A_2436 = arith.index_cast %get3A_2435 : i32 to index
      %get3A_2437 = arith.constant 16 : index
      %get3A_2438 = tpu.vector_load %arg14[%get3A_2436, %get3A_2437] {strides = array<i32>} : memref<16x384xf32, #tpu.memory_space<vmem>>, vector<16xf32>,
      %add3A_2439 = arith.addf %add3A_2414, %get3A_2438 : vector<16xf32>
      %get3A_2440 = arith.constant 6 : i32
      %get3A_2441 = arith.index_cast %get3A_2440 : i32 to index
      %get3A_2442 = arith.constant 80 : index
      %get3A_2443 = tpu.vector_load %arg14[%get3A_2441, %get3A_2442] {strides = array<i32>} : memref<16x384xf32, #tpu.memory_space<vmem>>, vector<16xf32>,
      %add3A_2444 = arith.addf %add3A_2419, %get3A_2443 : vector<16xf32>
      %get3A_2445 = arith.constant 6 : i32
      %get3A_2446 = arith.index_cast %get3A_2445 : i32 to index
      %get3A_2447 = arith.constant 144 : index
      %get3A_2448 = tpu.vector_load %arg14[%get3A_2446, %get3A_2447] {strides = array<i32>} : memref<16x384xf32, #tpu.memory_space<vmem>>, vector<16xf32>,
      %add3A_2449 = arith.addf %add3A_2424, %get3A_2448 : vector<16xf32>
      %get3A_2450 = arith.constant 6 : i32
      %get3A_2451 = arith.index_cast %get3A_2450 : i32 to index
      %get3A_2452 = arith.constant 208 : index
      %get3A_2453 = tpu.vector_load %arg14[%get3A_2451, %get3A_2452] {strides = array<i32>} : memref<16x384xf32, #tpu.memory_space<vmem>>, vector<16xf32>,
      %add3A_2454 = arith.addf %add3A_2429, %get3A_2453 : vector<16xf32>
      %get3A_2455 = arith.constant 6 : i32
      %get3A_2456 = arith.index_cast %get3A_2455 : i32 to index
      %get3A_2457 = arith.constant 272 : index
      %get3A_2458 = tpu.vector_load %arg14[%get3A_2456, %get3A_2457] {strides = array<i32>} : memref<16x384xf32, #tpu.memory_space<vmem>>, vector<16xf32>,
      %add3A_2459 = arith.addf %add3A_2434, %get3A_2458 : vector<16xf32>
      %get3A_2460 = arith.constant 7 : i32
      %get3A_2461 = arith.index_cast %get3A_2460 : i32 to index
      %get3A_2462 = arith.constant 16 : index
      %get3A_2463 = tpu.vector_load %arg14[%get3A_2461, %get3A_2462] {strides = array<i32>} : memref<16x384xf32, #tpu.memory_space<vmem>>, vector<16xf32>,
      %add3A_2464 = arith.addf %add3A_2439, %get3A_2463 : vector<16xf32>
      %get3A_2465 = arith.constant 7 : i32
      %get3A_2466 = arith.index_cast %get3A_2465 : i32 to index
      %get3A_2467 = arith.constant 80 : index
      %get3A_2468 = tpu.vector_load %arg14[%get3A_2466, %get3A_2467] {strides = array<i32>} : memref<16x384xf32, #tpu.memory_space<vmem>>, vector<16xf32>,
      %add3A_2469 = arith.addf %add3A_2444, %get3A_2468 : vector<16xf32>
      %get3A_2470 = arith.constant 7 : i32
      %get3A_2471 = arith.index_cast %get3A_2470 : i32 to index
      %get3A_2472 = arith.constant 144 : index
      %get3A_2473 = tpu.vector_load %arg14[%get3A_2471, %get3A_2472] {strides = array<i32>} : memref<16x384xf32, #tpu.memory_space<vmem>>, vector<16xf32>,
      %add3A_2474 = arith.addf %add3A_2449, %get3A_2473 : vector<16xf32>
      %get3A_2475 = arith.constant 7 : i32
      %get3A_2476 = arith.index_cast %get3A_2475 : i32 to index
      %get3A_2477 = arith.constant 208 : index
      %get3A_2478 = tpu.vector_load %arg14[%get3A_2476, %get3A_2477] {strides = array<i32>} : memref<16x384xf32, #tpu.memory_space<vmem>>, vector<16xf32>,
      %add3A_2479 = arith.addf %add3A_2454, %get3A_2478 : vector<16xf32>
      %get3A_2480 = arith.constant 7 : i32
      %get3A_2481 = arith.index_cast %get3A_2480 : i32 to index
      %get3A_2482 = arith.constant 272 : index
      %get3A_2483 = tpu.vector_load %arg14[%get3A_2481, %get3A_2482] {strides = array<i32>} : memref<16x384xf32, #tpu.memory_space<vmem>>, vector<16xf32>,
      %add3A_2484 = arith.addf %add3A_2459, %get3A_2483 : vector<16xf32>
      %get3A_2485 = arith.constant 8 : i32
      %get3A_2486 = arith.index_cast %get3A_2485 : i32 to index
      %get3A_2487 = arith.constant 16 : index
      %get3A_2488 = tpu.vector_load %arg14[%get3A_2486, %get3A_2487] {strides = array<i32>} : memref<16x384xf32, #tpu.memory_space<vmem>>, vector<16xf32>,
      %add3A_2489 = arith.addf %add3A_2464, %get3A_2488 : vector<16xf32>
      %get3A_2490 = arith.constant 8 : i32
      %get3A_2491 = arith.index_cast %get3A_2490 : i32 to index
      %get3A_2492 = arith.constant 80 : index
      %get3A_2493 = tpu.vector_load %arg14[%get3A_2491, %get3A_2492] {strides = array<i32>} : memref<16x384xf32, #tpu.memory_space<vmem>>, vector<16xf32>,
      %add3A_2494 = arith.addf %add3A_2469, %get3A_2493 : vector<16xf32>
      %get3A_2495 = arith.constant 8 : i32
      %get3A_2496 = arith.index_cast %get3A_2495 : i32 to index
      %get3A_2497 = arith.constant 144 : index
      %get3A_2498 = tpu.vector_load %arg14[%get3A_2496, %get3A_2497] {strides = array<i32>} : memref<16x384xf32, #tpu.memory_space<vmem>>, vector<16xf32>,
      %add3A_2499 = arith.addf %add3A_2474, %get3A_2498 : vector<16xf32>
      %get3A_2500 = arith.constant 8 : i32
      %get3A_2501 = arith.index_cast %get3A_2500 : i32 to index
      %get3A_2502 = arith.constant 208 : index
      %get3A_2503 = tpu.vector_load %arg14[%get3A_2501, %get3A_2502] {strides = array<i32>} : memref<16x384xf32, #tpu.memory_space<vmem>>, vector<16xf32>,
      %add3A_2504 = arith.addf %add3A_2479, %get3A_2503 : vector<16xf32>
      %get3A_2505 = arith.constant 8 : i32
      %get3A_2506 = arith.index_cast %get3A_2505 : i32 to index
      %get3A_2507 = arith.constant 272 : index
      %get3A_2508 = tpu.vector_load %arg14[%get3A_2506, %get3A_2507] {strides = array<i32>} : memref<16x384xf32, #tpu.memory_space<vmem>>, vector<16xf32>,
      %add3A_2509 = arith.addf %add3A_2484, %get3A_2508 : vector<16xf32>
      %get3A_2510 = arith.constant 9 : i32
      %get3A_2511 = arith.index_cast %get3A_2510 : i32 to index
      %get3A_2512 = arith.constant 16 : index
      %get3A_2513 = tpu.vector_load %arg14[%get3A_2511, %get3A_2512] {strides = array<i32>} : memref<16x384xf32, #tpu.memory_space<vmem>>, vector<16xf32>,
      %add3A_2514 = arith.addf %add3A_2489, %get3A_2513 : vector<16xf32>
      %get3A_2515 = arith.constant 9 : i32
      %get3A_2516 = arith.index_cast %get3A_2515 : i32 to index
      %get3A_2517 = arith.constant 80 : index
      %get3A_2518 = tpu.vector_load %arg14[%get3A_2516, %get3A_2517] {strides = array<i32>} : memref<16x384xf32, #tpu.memory_space<vmem>>, vector<16xf32>,
      %add3A_2519 = arith.addf %add3A_2494, %get3A_2518 : vector<16xf32>
      %get3A_2520 = arith.constant 9 : i32
      %get3A_2521 = arith.index_cast %get3A_2520 : i32 to index
      %get3A_2522 = arith.constant 144 : index
      %get3A_2523 = tpu.vector_load %arg14[%get3A_2521, %get3A_2522] {strides = array<i32>} : memref<16x384xf32, #tpu.memory_space<vmem>>, vector<16xf32>,
      %add3A_2524 = arith.addf %add3A_2499, %get3A_2523 : vector<16xf32>
      %get3A_2525 = arith.constant 9 : i32
      %get3A_2526 = arith.index_cast %get3A_2525 : i32 to index
      %get3A_2527 = arith.constant 208 : index
      %get3A_2528 = tpu.vector_load %arg14[%get3A_2526, %get3A_2527] {strides = array<i32>} : memref<16x384xf32, #tpu.memory_space<vmem>>, vector<16xf32>,
      %add3A_2529 = arith.addf %add3A_2504, %get3A_2528 : vector<16xf32>
      %get3A_2530 = arith.constant 9 : i32
      %get3A_2531 = arith.index_cast %get3A_2530 : i32 to index
      %get3A_2532 = arith.constant 272 : index
      %get3A_2533 = tpu.vector_load %arg14[%get3A_2531, %get3A_2532] {strides = array<i32>} : memref<16x384xf32, #tpu.memory_space<vmem>>, vector<16xf32>,
      %add3A_2534 = arith.addf %add3A_2509, %get3A_2533 : vector<16xf32>
      %get3A_2535 = arith.constant 10 : i32
      %get3A_2536 = arith.index_cast %get3A_2535 : i32 to index
      %get3A_2537 = arith.constant 16 : index
      %get3A_2538 = tpu.vector_load %arg14[%get3A_2536, %get3A_2537] {strides = array<i32>} : memref<16x384xf32, #tpu.memory_space<vmem>>, vector<16xf32>,
      %add3A_2539 = arith.addf %add3A_2514, %get3A_2538 : vector<16xf32>
      %get3A_2540 = arith.constant 10 : i32
      %get3A_2541 = arith.index_cast %get3A_2540 : i32 to index
      %get3A_2542 = arith.constant 80 : index
      %get3A_2543 = tpu.vector_load %arg14[%get3A_2541, %get3A_2542] {strides = array<i32>} : memref<16x384xf32, #tpu.memory_space<vmem>>, vector<16xf32>,
      %add3A_2544 = arith.addf %add3A_2519, %get3A_2543 : vector<16xf32>
      %get3A_2545 = arith.constant 10 : i32
      %get3A_2546 = arith.index_cast %get3A_2545 : i32 to index
      %get3A_2547 = arith.constant 144 : index
      %get3A_2548 = tpu.vector_load %arg14[%get3A_2546, %get3A_2547] {strides = array<i32>} : memref<16x384xf32, #tpu.memory_space<vmem>>, vector<16xf32>,
      %add3A_2549 = arith.addf %add3A_2524, %get3A_2548 : vector<16xf32>
      %get3A_2550 = arith.constant 10 : i32
      %get3A_2551 = arith.index_cast %get3A_2550 : i32 to index
      %get3A_2552 = arith.constant 208 : index
      %get3A_2553 = tpu.vector_load %arg14[%get3A_2551, %get3A_2552] {strides = array<i32>} : memref<16x384xf32, #tpu.memory_space<vmem>>, vector<16xf32>,
      %add3A_2554 = arith.addf %add3A_2529, %get3A_2553 : vector<16xf32>
      %get3A_2555 = arith.constant 10 : i32
      %get3A_2556 = arith.index_cast %get3A_2555 : i32 to index
      %get3A_2557 = arith.constant 272 : index
      %get3A_2558 = tpu.vector_load %arg14[%get3A_2556, %get3A_2557] {strides = array<i32>} : memref<16x384xf32, #tpu.memory_space<vmem>>, vector<16xf32>,
      %add3A_2559 = arith.addf %add3A_2534, %get3A_2558 : vector<16xf32>
      %get3A_2560 = arith.constant 11 : i32
      %get3A_2561 = arith.index_cast %get3A_2560 : i32 to index
      %get3A_2562 = arith.constant 16 : index
      %get3A_2563 = tpu.vector_load %arg14[%get3A_2561, %get3A_2562] {strides = array<i32>} : memref<16x384xf32, #tpu.memory_space<vmem>>, vector<16xf32>,
      %add3A_2564 = arith.addf %add3A_2539, %get3A_2563 : vector<16xf32>
      %get3A_2565 = arith.constant 11 : i32
      %get3A_2566 = arith.index_cast %get3A_2565 : i32 to index
      %get3A_2567 = arith.constant 80 : index
      %get3A_2568 = tpu.vector_load %arg14[%get3A_2566, %get3A_2567] {strides = array<i32>} : memref<16x384xf32, #tpu.memory_space<vmem>>, vector<16xf32>,
      %add3A_2569 = arith.addf %add3A_2544, %get3A_2568 : vector<16xf32>
      %get3A_2570 = arith.constant 11 : i32
      %get3A_2571 = arith.index_cast %get3A_2570 : i32 to index
      %get3A_2572 = arith.constant 144 : index
      %get3A_2573 = tpu.vector_load %arg14[%get3A_2571, %get3A_2572] {strides = array<i32>} : memref<16x384xf32, #tpu.memory_space<vmem>>, vector<16xf32>,
      %add3A_2574 = arith.addf %add3A_2549, %get3A_2573 : vector<16xf32>
      %get3A_2575 = arith.constant 11 : i32
      %get3A_2576 = arith.index_cast %get3A_2575 : i32 to index
      %get3A_2577 = arith.constant 208 : index
      %get3A_2578 = tpu.vector_load %arg14[%get3A_2576, %get3A_2577] {strides = array<i32>} : memref<16x384xf32, #tpu.memory_space<vmem>>, vector<16xf32>,
      %add3A_2579 = arith.addf %add3A_2554, %get3A_2578 : vector<16xf32>
      %get3A_2580 = arith.constant 11 : i32
      %get3A_2581 = arith.index_cast %get3A_2580 : i32 to index
      %get3A_2582 = arith.constant 272 : index
      %get3A_2583 = tpu.vector_load %arg14[%get3A_2581, %get3A_2582] {strides = array<i32>} : memref<16x384xf32, #tpu.memory_space<vmem>>, vector<16xf32>,
      %add3A_2584 = arith.addf %add3A_2559, %get3A_2583 : vector<16xf32>
      %get3A_2585 = arith.constant 12 : i32
      %get3A_2586 = arith.index_cast %get3A_2585 : i32 to index
      %get3A_2587 = arith.constant 16 : index
      %get3A_2588 = tpu.vector_load %arg14[%get3A_2586, %get3A_2587] {strides = array<i32>} : memref<16x384xf32, #tpu.memory_space<vmem>>, vector<16xf32>,
      %add3A_2589 = arith.addf %add3A_2564, %get3A_2588 : vector<16xf32>
      %get3A_2590 = arith.constant 12 : i32
      %get3A_2591 = arith.index_cast %get3A_2590 : i32 to index
      %get3A_2592 = arith.constant 80 : index
      %get3A_2593 = tpu.vector_load %arg14[%get3A_2591, %get3A_2592] {strides = array<i32>} : memref<16x384xf32, #tpu.memory_space<vmem>>, vector<16xf32>,
      %add3A_2594 = arith.addf %add3A_2569, %get3A_2593 : vector<16xf32>
      %get3A_2595 = arith.constant 12 : i32
      %get3A_2596 = arith.index_cast %get3A_2595 : i32 to index
      %get3A_2597 = arith.constant 144 : index
      %get3A_2598 = tpu.vector_load %arg14[%get3A_2596, %get3A_2597] {strides = array<i32>} : memref<16x384xf32, #tpu.memory_space<vmem>>, vector<16xf32>,
      %add3A_2599 = arith.addf %add3A_2574, %get3A_2598 : vector<16xf32>
      %get3A_2600 = arith.constant 12 : i32
      %get3A_2601 = arith.index_cast %get3A_2600 : i32 to index
      %get3A_2602 = arith.constant 208 : index
      %get3A_2603 = tpu.vector_load %arg14[%get3A_2601, %get3A_2602] {strides = array<i32>} : memref<16x384xf32, #tpu.memory_space<vmem>>, vector<16xf32>,
      %add3A_2604 = arith.addf %add3A_2579, %get3A_2603 : vector<16xf32>
      %get3A_2605 = arith.constant 12 : i32
      %get3A_2606 = arith.index_cast %get3A_2605 : i32 to index
      %get3A_2607 = arith.constant 272 : index
      %get3A_2608 = tpu.vector_load %arg14[%get3A_2606, %get3A_2607] {strides = array<i32>} : memref<16x384xf32, #tpu.memory_space<vmem>>, vector<16xf32>,
      %add3A_2609 = arith.addf %add3A_2584, %get3A_2608 : vector<16xf32>
      %get3A_2610 = arith.constant 13 : i32
      %get3A_2611 = arith.index_cast %get3A_2610 : i32 to index
      %get3A_2612 = arith.constant 16 : index
      %get3A_2613 = tpu.vector_load %arg14[%get3A_2611, %get3A_2612] {strides = array<i32>} : memref<16x384xf32, #tpu.memory_space<vmem>>, vector<16xf32>,
      %add3A_2614 = arith.addf %add3A_2589, %get3A_2613 : vector<16xf32>
      %get3A_2615 = arith.constant 13 : i32
      %get3A_2616 = arith.index_cast %get3A_2615 : i32 to index
      %get3A_2617 = arith.constant 80 : index
      %get3A_2618 = tpu.vector_load %arg14[%get3A_2616, %get3A_2617] {strides = array<i32>} : memref<16x384xf32, #tpu.memory_space<vmem>>, vector<16xf32>,
      %add3A_2619 = arith.addf %add3A_2594, %get3A_2618 : vector<16xf32>
      %get3A_2620 = arith.constant 13 : i32
      %get3A_2621 = arith.index_cast %get3A_2620 : i32 to index
      %get3A_2622 = arith.constant 144 : index
      %get3A_2623 = tpu.vector_load %arg14[%get3A_2621, %get3A_2622] {strides = array<i32>} : memref<16x384xf32, #tpu.memory_space<vmem>>, vector<16xf32>,
      %add3A_2624 = arith.addf %add3A_2599, %get3A_2623 : vector<16xf32>
      %get3A_2625 = arith.constant 13 : i32
      %get3A_2626 = arith.index_cast %get3A_2625 : i32 to index
      %get3A_2627 = arith.constant 208 : index
      %get3A_2628 = tpu.vector_load %arg14[%get3A_2626, %get3A_2627] {strides = array<i32>} : memref<16x384xf32, #tpu.memory_space<vmem>>, vector<16xf32>,
      %add3A_2629 = arith.addf %add3A_2604, %get3A_2628 : vector<16xf32>
      %get3A_2630 = arith.constant 13 : i32
      %get3A_2631 = arith.index_cast %get3A_2630 : i32 to index
      %get3A_2632 = arith.constant 272 : index
      %get3A_2633 = tpu.vector_load %arg14[%get3A_2631, %get3A_2632] {strides = array<i32>} : memref<16x384xf32, #tpu.memory_space<vmem>>, vector<16xf32>,
      %add3A_2634 = arith.addf %add3A_2609, %get3A_2633 : vector<16xf32>
      %get3A_2635 = arith.constant 14 : i32
      %get3A_2636 = arith.index_cast %get3A_2635 : i32 to index
      %get3A_2637 = arith.constant 16 : index
      %get3A_2638 = tpu.vector_load %arg14[%get3A_2636, %get3A_2637] {strides = array<i32>} : memref<16x384xf32, #tpu.memory_space<vmem>>, vector<16xf32>,
      %add3A_2639 = arith.addf %add3A_2614, %get3A_2638 : vector<16xf32>
      %get3A_2640 = arith.constant 14 : i32
      %get3A_2641 = arith.index_cast %get3A_2640 : i32 to index
      %get3A_2642 = arith.constant 80 : index
      %get3A_2643 = tpu.vector_load %arg14[%get3A_2641, %get3A_2642] {strides = array<i32>} : memref<16x384xf32, #tpu.memory_space<vmem>>, vector<16xf32>,
      %add3A_2644 = arith.addf %add3A_2619, %get3A_2643 : vector<16xf32>
      %get3A_2645 = arith.constant 14 : i32
      %get3A_2646 = arith.index_cast %get3A_2645 : i32 to index
      %get3A_2647 = arith.constant 144 : index
      %get3A_2648 = tpu.vector_load %arg14[%get3A_2646, %get3A_2647] {strides = array<i32>} : memref<16x384xf32, #tpu.memory_space<vmem>>, vector<16xf32>,
      %add3A_2649 = arith.addf %add3A_2624, %get3A_2648 : vector<16xf32>
      %get3A_2650 = arith.constant 14 : i32
      %get3A_2651 = arith.index_cast %get3A_2650 : i32 to index
      %get3A_2652 = arith.constant 208 : index
      %get3A_2653 = tpu.vector_load %arg14[%get3A_2651, %get3A_2652] {strides = array<i32>} : memref<16x384xf32, #tpu.memory_space<vmem>>, vector<16xf32>,
      %add3A_2654 = arith.addf %add3A_2629, %get3A_2653 : vector<16xf32>
      %get3A_2655 = arith.constant 14 : i32
      %get3A_2656 = arith.index_cast %get3A_2655 : i32 to index
      %get3A_2657 = arith.constant 272 : index
      %get3A_2658 = tpu.vector_load %arg14[%get3A_2656, %get3A_2657] {strides = array<i32>} : memref<16x384xf32, #tpu.memory_space<vmem>>, vector<16xf32>,
      %add3A_2659 = arith.addf %add3A_2634, %get3A_2658 : vector<16xf32>
      %get3A_2660 = arith.constant 15 : i32
      %get3A_2661 = arith.index_cast %get3A_2660 : i32 to index
      %get3A_2662 = arith.constant 16 : index
      %get3A_2663 = tpu.vector_load %arg14[%get3A_2661, %get3A_2662] {strides = array<i32>} : memref<16x384xf32, #tpu.memory_space<vmem>>, vector<16xf32>,
      %add3A_2664 = arith.addf %add3A_2639, %get3A_2663 : vector<16xf32>
      %get3A_2665 = arith.constant 15 : i32
      %get3A_2666 = arith.index_cast %get3A_2665 : i32 to index
      %get3A_2667 = arith.constant 80 : index
      %get3A_2668 = tpu.vector_load %arg14[%get3A_2666, %get3A_2667] {strides = array<i32>} : memref<16x384xf32, #tpu.memory_space<vmem>>, vector<16xf32>,
      %add3A_2669 = arith.addf %add3A_2644, %get3A_2668 : vector<16xf32>
      %get3A_2670 = arith.constant 15 : i32
      %get3A_2671 = arith.index_cast %get3A_2670 : i32 to index
      %get3A_2672 = arith.constant 144 : index
      %get3A_2673 = tpu.vector_load %arg14[%get3A_2671, %get3A_2672] {strides = array<i32>} : memref<16x384xf32, #tpu.memory_space<vmem>>, vector<16xf32>,
      %add3A_2674 = arith.addf %add3A_2649, %get3A_2673 : vector<16xf32>
      %get3A_2675 = arith.constant 15 : i32
      %get3A_2676 = arith.index_cast %get3A_2675 : i32 to index
      %get3A_2677 = arith.constant 208 : index
      %get3A_2678 = tpu.vector_load %arg14[%get3A_2676, %get3A_2677] {strides = array<i32>} : memref<16x384xf32, #tpu.memory_space<vmem>>, vector<16xf32>,
      %add3A_2679 = arith.addf %add3A_2654, %get3A_2678 : vector<16xf32>
      %get3A_2680 = arith.constant 15 : i32
      %get3A_2681 = arith.index_cast %get3A_2680 : i32 to index
      %get3A_2682 = arith.constant 272 : index
      %get3A_2683 = tpu.vector_load %arg14[%get3A_2681, %get3A_2682] {strides = array<i32>} : memref<16x384xf32, #tpu.memory_space<vmem>>, vector<16xf32>,
      %add3A_2684 = arith.addf %add3A_2659, %get3A_2683 : vector<16xf32>
      %ge3A_2685 = arith.constant 2.000000e+00 : f32
      %ge3A_2686 = vector.broadcast %ge3A_2685 : f32 to vector<16xf32>
      %ge3A_2687 = arith.cmpf oge, %add3A_2664, %ge3A_2686 : vector<16xf32>
      %gt3A_2688 = arith.constant 5.000000e-01 : f32
      %gt3A_2689 = vector.broadcast %gt3A_2688 : f32 to vector<16xf32>
      %gt3A_2690 = arith.cmpf ogt, %add3A_2669, %gt3A_2689 : vector<16xf32>
      %sub3A_2691 = arith.subf %add3A_2664, %add3A_2669 : vector<16xf32>
      %mul3A_2692 = arith.constant 0.006737947 : f32
      %mul3A_2693 = vector.broadcast %mul3A_2692 : f32 to vector<16xf32>
      %mul3A_2694 = arith.mulf %sub3A_2691, %mul3A_2693 : vector<16xf32>
      %add3A_2695 = arith.addf %add3A_2669, %mul3A_2694 : vector<16xf32>
      %select_n3A_2696 = arith.select %gt3A_2690, %add3A_2695, %add3A_2664 : vector<16xi1>, vector<16xf32>
      %max3A_2697 = arith.constant 1.000000e-30 : f32
      %max3A_2698 = vector.broadcast %max3A_2697 : f32 to vector<16xf32>
      %max3A_2699 = arith.maximumf %select_n3A_2696, %max3A_2698 : vector<16xf32>
      %jit3A_2700 = arith.constant 0.006737947 : f32
      %jit3A_2701 = arith.constant 1.000000e+00 : f32
      %broadcast_in_dim3A_2702 = vector.broadcast %jit3A_2700 : f32 to vector<16xf32>
      %broadcast_in_dim3A_2703 = vector.broadcast %jit3A_2701 : f32 to vector<16xf32>
      %select_n3A_2704 = arith.select %gt3A_2690, %broadcast_in_dim3A_2702, %broadcast_in_dim3A_2703 : vector<16xi1>, vector<16xf32>
      %div3A_2705 = arith.divf %select_n3A_2704, %max3A_2699 : vector<16xf32>
      %div3A_2706 = arith.constant 1.000000e+00 : f32
      %div3A_2707 = vector.broadcast %div3A_2706 : f32 to vector<16xf32>
      %div3A_2708 = arith.divf %div3A_2707, %max3A_2699 : vector<16xf32>
      %max3A_2709 = arith.constant 1.000000e-30 : f32
      %max3A_2710 = vector.broadcast %max3A_2709 : f32 to vector<16xf32>
      %max3A_2711 = arith.maximumf %add3A_2674, %max3A_2710 : vector<16xf32>
      %bitcast3A_2712 = vector.bitcast %max3A_2711 : vector<16xf32> to vector<16xi32>
      %shift_right_arithmetic3A_2713 = arith.constant 23 : i32
      %shift_right_arithmetic3A_2714 = vector.broadcast %shift_right_arithmetic3A_2713 : i32 to vector<16xi32>
      %shift_right_arithmetic3A_2715 = arith.shrsi %bitcast3A_2712, %shift_right_arithmetic3A_2714 : vector<16xi32>
      %and3A_2716 = arith.constant 255 : i32
      %and3A_2717 = vector.broadcast %and3A_2716 : i32 to vector<16xi32>
      %and3A_2718 = arith.andi %shift_right_arithmetic3A_2715, %and3A_2717 : vector<16xi32>
      %and3A_2719 = arith.constant 8388607 : i32
      %and3A_2720 = vector.broadcast %and3A_2719 : i32 to vector<16xi32>
      %and3A_2721 = arith.andi %bitcast3A_2712, %and3A_2720 : vector<16xi32>
      %or3A_2722 = arith.constant 1065353216 : i32
      %or3A_2723 = vector.broadcast %or3A_2722 : i32 to vector<16xi32>
      %or3A_2724 = arith.ori %and3A_2721, %or3A_2723 : vector<16xi32>
      %bitcast3A_2725 = vector.bitcast %or3A_2724 : vector<16xi32> to vector<16xf32>
      %gt3A_2726 = arith.constant 1.41421354 : f32
      %gt3A_2727 = vector.broadcast %gt3A_2726 : f32 to vector<16xf32>
      %gt3A_2728 = arith.cmpf ogt, %bitcast3A_2725, %gt3A_2727 : vector<16xf32>
      %mul3A_2729 = arith.constant 5.000000e-01 : f32
      %mul3A_2730 = vector.broadcast %mul3A_2729 : f32 to vector<16xf32>
      %mul3A_2731 = arith.mulf %bitcast3A_2725, %mul3A_2730 : vector<16xf32>
      %select_n3A_2732 = arith.select %gt3A_2728, %mul3A_2731, %bitcast3A_2725 : vector<16xi1>, vector<16xf32>
      %jit3A_2733 = arith.constant 126 : i32
      %jit3A_2734 = arith.constant 127 : i32
      %broadcast_in_dim3A_2735 = vector.broadcast %jit3A_2733 : i32 to vector<16xi32>
      %broadcast_in_dim3A_2736 = vector.broadcast %jit3A_2734 : i32 to vector<16xi32>
      %select_n3A_2737 = arith.select %gt3A_2728, %broadcast_in_dim3A_2735, %broadcast_in_dim3A_2736 : vector<16xi1>, vector<16xi32>
      %sub3A_2738 = arith.subi %and3A_2718, %select_n3A_2737 : vector<16xi32>
      %convert_element_type3A_2739 = arith.sitofp %sub3A_2738 : vector<16xi32> to vector<16xf32>
      %sub3A_2740 = arith.constant 1.000000e+00 : f32
      %sub3A_2741 = vector.broadcast %sub3A_2740 : f32 to vector<16xf32>
      %sub3A_2742 = arith.subf %select_n3A_2732, %sub3A_2741 : vector<16xf32>
      %add3A_2743 = arith.constant 1.000000e+00 : f32
      %add3A_2744 = vector.broadcast %add3A_2743 : f32 to vector<16xf32>
      %add3A_2745 = arith.addf %select_n3A_2732, %add3A_2744 : vector<16xf32>
      %div3A_2746 = arith.divf %sub3A_2742, %add3A_2745 : vector<16xf32>
      %mul3A_2747 = arith.mulf %div3A_2746, %div3A_2746 : vector<16xf32>
      %mul3A_2748 = arith.constant 0.111111112 : f32
      %mul3A_2749 = vector.broadcast %mul3A_2748 : f32 to vector<16xf32>
      %mul3A_2750 = arith.mulf %mul3A_2747, %mul3A_2749 : vector<16xf32>
      %add3A_2751 = arith.constant 0.142857149 : f32
      %add3A_2752 = vector.broadcast %add3A_2751 : f32 to vector<16xf32>
      %add3A_2753 = arith.addf %add3A_2752, %mul3A_2750 : vector<16xf32>
      %mul3A_2754 = arith.mulf %mul3A_2747, %add3A_2753 : vector<16xf32>
      %add3A_2755 = arith.constant 2.000000e-01 : f32
      %add3A_2756 = vector.broadcast %add3A_2755 : f32 to vector<16xf32>
      %add3A_2757 = arith.addf %add3A_2756, %mul3A_2754 : vector<16xf32>
      %mul3A_2758 = arith.mulf %mul3A_2747, %add3A_2757 : vector<16xf32>
      %add3A_2759 = arith.constant 0.333333343 : f32
      %add3A_2760 = vector.broadcast %add3A_2759 : f32 to vector<16xf32>
      %add3A_2761 = arith.addf %add3A_2760, %mul3A_2758 : vector<16xf32>
      %mul3A_2762 = arith.mulf %mul3A_2747, %add3A_2761 : vector<16xf32>
      %add3A_2763 = arith.constant 1.000000e+00 : f32
      %add3A_2764 = vector.broadcast %add3A_2763 : f32 to vector<16xf32>
      %add3A_2765 = arith.addf %add3A_2764, %mul3A_2762 : vector<16xf32>
      %mul3A_2766 = arith.constant 0.693147182 : f32
      %mul3A_2767 = vector.broadcast %mul3A_2766 : f32 to vector<16xf32>
      %mul3A_2768 = arith.mulf %convert_element_type3A_2739, %mul3A_2767 : vector<16xf32>
      %mul3A_2769 = arith.constant 2.000000e+00 : f32
      %mul3A_2770 = vector.broadcast %mul3A_2769 : f32 to vector<16xf32>
      %mul3A_2771 = arith.mulf %mul3A_2770, %div3A_2746 : vector<16xf32>
      %mul3A_2772 = arith.mulf %mul3A_2771, %add3A_2765 : vector<16xf32>
      %add3A_2773 = arith.addf %mul3A_2768, %mul3A_2772 : vector<16xf32>
      %mul3A_2774 = arith.mulf %div3A_2705, %add3A_2679 : vector<16xf32>
      %sub3A_2775 = arith.subf %add3A_2773, %mul3A_2774 : vector<16xf32>
      %mul3A_2776 = arith.mulf %div3A_2708, %add3A_2684 : vector<16xf32>
      %sub3A_2777 = arith.subf %sub3A_2775, %mul3A_2776 : vector<16xf32>
      %jit3A_2778 = arith.constant 0.000000e+00 : f32
      %broadcast_in_dim3A_2779 = vector.broadcast %jit3A_2778 : f32 to vector<16xf32>
      %select_n3A_2780 = arith.select %ge3A_2687, %sub3A_2777, %broadcast_in_dim3A_2779 : vector<16xi1>, vector<16xf32>
      %add3A_2781 = arith.addf %add3A_2279, %select_n3A_2780 : vector<16xf32>
      %jit3A_2782 = arith.constant 1.000000e+00 : f32
      %jit3A_2783 = arith.constant 0.000000e+00 : f32
      %broadcast_in_dim3A_2784 = vector.broadcast %jit3A_2782 : f32 to vector<16xf32>
      %broadcast_in_dim3A_2785 = vector.broadcast %jit3A_2783 : f32 to vector<16xf32>
      %select_n3A_2786 = arith.select %ge3A_2687, %broadcast_in_dim3A_2784, %broadcast_in_dim3A_2785 : vector<16xi1>, vector<16xf32>
      %reduce_sum3A_2787 = arith.constant true
      %reduce_sum3A_2788 = vector.broadcast %reduce_sum3A_2787 : i1 to vector<16xi1>
      %reduce_sum3A_2789 = tpu.scan <sum>, %select_n3A_2786 masked %reduce_sum3A_2788 : vector<16xf32>, vector<16xi1> -> vector<16xf32>
      %reduce_sum3A_2790 = vector.extract %reduce_sum3A_2789[15] : f32 from vector<16xf32>
      %add3A_2791 = arith.addf %add3A_2289, %reduce_sum3A_2790 : f32
      %get3A_2792 = arith.constant 0 : i32
      %get3A_2793 = arith.index_cast %get3A_2792 : i32 to index
      %get3A_2794 = arith.constant 32 : index
      %get3A_2795 = tpu.vector_load %arg14[%get3A_2793, %get3A_2794] {strides = array<i32>} : memref<16x384xf32, #tpu.memory_space<vmem>>, vector<16xf32>,
      %get3A_2796 = arith.constant 0 : i32
      %get3A_2797 = arith.index_cast %get3A_2796 : i32 to index
      %get3A_2798 = arith.constant 96 : index
      %get3A_2799 = tpu.vector_load %arg14[%get3A_2797, %get3A_2798] {strides = array<i32>} : memref<16x384xf32, #tpu.memory_space<vmem>>, vector<16xf32>,
      %get3A_2800 = arith.constant 0 : i32
      %get3A_2801 = arith.index_cast %get3A_2800 : i32 to index
      %get3A_2802 = arith.constant 160 : index
      %get3A_2803 = tpu.vector_load %arg14[%get3A_2801, %get3A_2802] {strides = array<i32>} : memref<16x384xf32, #tpu.memory_space<vmem>>, vector<16xf32>,
      %get3A_2804 = arith.constant 0 : i32
      %get3A_2805 = arith.index_cast %get3A_2804 : i32 to index
      %get3A_2806 = arith.constant 224 : index
      %get3A_2807 = tpu.vector_load %arg14[%get3A_2805, %get3A_2806] {strides = array<i32>} : memref<16x384xf32, #tpu.memory_space<vmem>>, vector<16xf32>,
      %get3A_2808 = arith.constant 0 : i32
      %get3A_2809 = arith.index_cast %get3A_2808 : i32 to index
      %get3A_2810 = arith.constant 288 : index
      %get3A_2811 = tpu.vector_load %arg14[%get3A_2809, %get3A_2810] {strides = array<i32>} : memref<16x384xf32, #tpu.memory_space<vmem>>, vector<16xf32>,
      %get3A_2812 = arith.constant 1 : i32
      %get3A_2813 = arith.index_cast %get3A_2812 : i32 to index
      %get3A_2814 = arith.constant 32 : index
      %get3A_2815 = tpu.vector_load %arg14[%get3A_2813, %get3A_2814] {strides = array<i32>} : memref<16x384xf32, #tpu.memory_space<vmem>>, vector<16xf32>,
      %add3A_2816 = arith.addf %get3A_2795, %get3A_2815 : vector<16xf32>
      %get3A_2817 = arith.constant 1 : i32
      %get3A_2818 = arith.index_cast %get3A_2817 : i32 to index
      %get3A_2819 = arith.constant 96 : index
      %get3A_2820 = tpu.vector_load %arg14[%get3A_2818, %get3A_2819] {strides = array<i32>} : memref<16x384xf32, #tpu.memory_space<vmem>>, vector<16xf32>,
      %add3A_2821 = arith.addf %get3A_2799, %get3A_2820 : vector<16xf32>
      %get3A_2822 = arith.constant 1 : i32
      %get3A_2823 = arith.index_cast %get3A_2822 : i32 to index
      %get3A_2824 = arith.constant 160 : index
      %get3A_2825 = tpu.vector_load %arg14[%get3A_2823, %get3A_2824] {strides = array<i32>} : memref<16x384xf32, #tpu.memory_space<vmem>>, vector<16xf32>,
      %add3A_2826 = arith.addf %get3A_2803, %get3A_2825 : vector<16xf32>
      %get3A_2827 = arith.constant 1 : i32
      %get3A_2828 = arith.index_cast %get3A_2827 : i32 to index
      %get3A_2829 = arith.constant 224 : index
      %get3A_2830 = tpu.vector_load %arg14[%get3A_2828, %get3A_2829] {strides = array<i32>} : memref<16x384xf32, #tpu.memory_space<vmem>>, vector<16xf32>,
      %add3A_2831 = arith.addf %get3A_2807, %get3A_2830 : vector<16xf32>
      %get3A_2832 = arith.constant 1 : i32
      %get3A_2833 = arith.index_cast %get3A_2832 : i32 to index
      %get3A_2834 = arith.constant 288 : index
      %get3A_2835 = tpu.vector_load %arg14[%get3A_2833, %get3A_2834] {strides = array<i32>} : memref<16x384xf32, #tpu.memory_space<vmem>>, vector<16xf32>,
      %add3A_2836 = arith.addf %get3A_2811, %get3A_2835 : vector<16xf32>
      %get3A_2837 = arith.constant 2 : i32
      %get3A_2838 = arith.index_cast %get3A_2837 : i32 to index
      %get3A_2839 = arith.constant 32 : index
      %get3A_2840 = tpu.vector_load %arg14[%get3A_2838, %get3A_2839] {strides = array<i32>} : memref<16x384xf32, #tpu.memory_space<vmem>>, vector<16xf32>,
      %add3A_2841 = arith.addf %add3A_2816, %get3A_2840 : vector<16xf32>
      %get3A_2842 = arith.constant 2 : i32
      %get3A_2843 = arith.index_cast %get3A_2842 : i32 to index
      %get3A_2844 = arith.constant 96 : index
      %get3A_2845 = tpu.vector_load %arg14[%get3A_2843, %get3A_2844] {strides = array<i32>} : memref<16x384xf32, #tpu.memory_space<vmem>>, vector<16xf32>,
      %add3A_2846 = arith.addf %add3A_2821, %get3A_2845 : vector<16xf32>
      %get3A_2847 = arith.constant 2 : i32
      %get3A_2848 = arith.index_cast %get3A_2847 : i32 to index
      %get3A_2849 = arith.constant 160 : index
      %get3A_2850 = tpu.vector_load %arg14[%get3A_2848, %get3A_2849] {strides = array<i32>} : memref<16x384xf32, #tpu.memory_space<vmem>>, vector<16xf32>,
      %add3A_2851 = arith.addf %add3A_2826, %get3A_2850 : vector<16xf32>
      %get3A_2852 = arith.constant 2 : i32
      %get3A_2853 = arith.index_cast %get3A_2852 : i32 to index
      %get3A_2854 = arith.constant 224 : index
      %get3A_2855 = tpu.vector_load %arg14[%get3A_2853, %get3A_2854] {strides = array<i32>} : memref<16x384xf32, #tpu.memory_space<vmem>>, vector<16xf32>,
      %add3A_2856 = arith.addf %add3A_2831, %get3A_2855 : vector<16xf32>
      %get3A_2857 = arith.constant 2 : i32
      %get3A_2858 = arith.index_cast %get3A_2857 : i32 to index
      %get3A_2859 = arith.constant 288 : index
      %get3A_2860 = tpu.vector_load %arg14[%get3A_2858, %get3A_2859] {strides = array<i32>} : memref<16x384xf32, #tpu.memory_space<vmem>>, vector<16xf32>,
      %add3A_2861 = arith.addf %add3A_2836, %get3A_2860 : vector<16xf32>
      %get3A_2862 = arith.constant 3 : i32
      %get3A_2863 = arith.index_cast %get3A_2862 : i32 to index
      %get3A_2864 = arith.constant 32 : index
      %get3A_2865 = tpu.vector_load %arg14[%get3A_2863, %get3A_2864] {strides = array<i32>} : memref<16x384xf32, #tpu.memory_space<vmem>>, vector<16xf32>,
      %add3A_2866 = arith.addf %add3A_2841, %get3A_2865 : vector<16xf32>
      %get3A_2867 = arith.constant 3 : i32
      %get3A_2868 = arith.index_cast %get3A_2867 : i32 to index
      %get3A_2869 = arith.constant 96 : index
      %get3A_2870 = tpu.vector_load %arg14[%get3A_2868, %get3A_2869] {strides = array<i32>} : memref<16x384xf32, #tpu.memory_space<vmem>>, vector<16xf32>,
      %add3A_2871 = arith.addf %add3A_2846, %get3A_2870 : vector<16xf32>
      %get3A_2872 = arith.constant 3 : i32
      %get3A_2873 = arith.index_cast %get3A_2872 : i32 to index
      %get3A_2874 = arith.constant 160 : index
      %get3A_2875 = tpu.vector_load %arg14[%get3A_2873, %get3A_2874] {strides = array<i32>} : memref<16x384xf32, #tpu.memory_space<vmem>>, vector<16xf32>,
      %add3A_2876 = arith.addf %add3A_2851, %get3A_2875 : vector<16xf32>
      %get3A_2877 = arith.constant 3 : i32
      %get3A_2878 = arith.index_cast %get3A_2877 : i32 to index
      %get3A_2879 = arith.constant 224 : index
      %get3A_2880 = tpu.vector_load %arg14[%get3A_2878, %get3A_2879] {strides = array<i32>} : memref<16x384xf32, #tpu.memory_space<vmem>>, vector<16xf32>,
      %add3A_2881 = arith.addf %add3A_2856, %get3A_2880 : vector<16xf32>
      %get3A_2882 = arith.constant 3 : i32
      %get3A_2883 = arith.index_cast %get3A_2882 : i32 to index
      %get3A_2884 = arith.constant 288 : index
      %get3A_2885 = tpu.vector_load %arg14[%get3A_2883, %get3A_2884] {strides = array<i32>} : memref<16x384xf32, #tpu.memory_space<vmem>>, vector<16xf32>,
      %add3A_2886 = arith.addf %add3A_2861, %get3A_2885 : vector<16xf32>
      %get3A_2887 = arith.constant 4 : i32
      %get3A_2888 = arith.index_cast %get3A_2887 : i32 to index
      %get3A_2889 = arith.constant 32 : index
      %get3A_2890 = tpu.vector_load %arg14[%get3A_2888, %get3A_2889] {strides = array<i32>} : memref<16x384xf32, #tpu.memory_space<vmem>>, vector<16xf32>,
      %add3A_2891 = arith.addf %add3A_2866, %get3A_2890 : vector<16xf32>
      %get3A_2892 = arith.constant 4 : i32
      %get3A_2893 = arith.index_cast %get3A_2892 : i32 to index
      %get3A_2894 = arith.constant 96 : index
      %get3A_2895 = tpu.vector_load %arg14[%get3A_2893, %get3A_2894] {strides = array<i32>} : memref<16x384xf32, #tpu.memory_space<vmem>>, vector<16xf32>,
      %add3A_2896 = arith.addf %add3A_2871, %get3A_2895 : vector<16xf32>
      %get3A_2897 = arith.constant 4 : i32
      %get3A_2898 = arith.index_cast %get3A_2897 : i32 to index
      %get3A_2899 = arith.constant 160 : index
      %get3A_2900 = tpu.vector_load %arg14[%get3A_2898, %get3A_2899] {strides = array<i32>} : memref<16x384xf32, #tpu.memory_space<vmem>>, vector<16xf32>,
      %add3A_2901 = arith.addf %add3A_2876, %get3A_2900 : vector<16xf32>
      %get3A_2902 = arith.constant 4 : i32
      %get3A_2903 = arith.index_cast %get3A_2902 : i32 to index
      %get3A_2904 = arith.constant 224 : index
      %get3A_2905 = tpu.vector_load %arg14[%get3A_2903, %get3A_2904] {strides = array<i32>} : memref<16x384xf32, #tpu.memory_space<vmem>>, vector<16xf32>,
      %add3A_2906 = arith.addf %add3A_2881, %get3A_2905 : vector<16xf32>
      %get3A_2907 = arith.constant 4 : i32
      %get3A_2908 = arith.index_cast %get3A_2907 : i32 to index
      %get3A_2909 = arith.constant 288 : index
      %get3A_2910 = tpu.vector_load %arg14[%get3A_2908, %get3A_2909] {strides = array<i32>} : memref<16x384xf32, #tpu.memory_space<vmem>>, vector<16xf32>,
      %add3A_2911 = arith.addf %add3A_2886, %get3A_2910 : vector<16xf32>
      %get3A_2912 = arith.constant 5 : i32
      %get3A_2913 = arith.index_cast %get3A_2912 : i32 to index
      %get3A_2914 = arith.constant 32 : index
      %get3A_2915 = tpu.vector_load %arg14[%get3A_2913, %get3A_2914] {strides = array<i32>} : memref<16x384xf32, #tpu.memory_space<vmem>>, vector<16xf32>,
      %add3A_2916 = arith.addf %add3A_2891, %get3A_2915 : vector<16xf32>
      %get3A_2917 = arith.constant 5 : i32
      %get3A_2918 = arith.index_cast %get3A_2917 : i32 to index
      %get3A_2919 = arith.constant 96 : index
      %get3A_2920 = tpu.vector_load %arg14[%get3A_2918, %get3A_2919] {strides = array<i32>} : memref<16x384xf32, #tpu.memory_space<vmem>>, vector<16xf32>,
      %add3A_2921 = arith.addf %add3A_2896, %get3A_2920 : vector<16xf32>
      %get3A_2922 = arith.constant 5 : i32
      %get3A_2923 = arith.index_cast %get3A_2922 : i32 to index
      %get3A_2924 = arith.constant 160 : index
      %get3A_2925 = tpu.vector_load %arg14[%get3A_2923, %get3A_2924] {strides = array<i32>} : memref<16x384xf32, #tpu.memory_space<vmem>>, vector<16xf32>,
      %add3A_2926 = arith.addf %add3A_2901, %get3A_2925 : vector<16xf32>
      %get3A_2927 = arith.constant 5 : i32
      %get3A_2928 = arith.index_cast %get3A_2927 : i32 to index
      %get3A_2929 = arith.constant 224 : index
      %get3A_2930 = tpu.vector_load %arg14[%get3A_2928, %get3A_2929] {strides = array<i32>} : memref<16x384xf32, #tpu.memory_space<vmem>>, vector<16xf32>,
      %add3A_2931 = arith.addf %add3A_2906, %get3A_2930 : vector<16xf32>
      %get3A_2932 = arith.constant 5 : i32
      %get3A_2933 = arith.index_cast %get3A_2932 : i32 to index
      %get3A_2934 = arith.constant 288 : index
      %get3A_2935 = tpu.vector_load %arg14[%get3A_2933, %get3A_2934] {strides = array<i32>} : memref<16x384xf32, #tpu.memory_space<vmem>>, vector<16xf32>,
      %add3A_2936 = arith.addf %add3A_2911, %get3A_2935 : vector<16xf32>
      %get3A_2937 = arith.constant 6 : i32
      %get3A_2938 = arith.index_cast %get3A_2937 : i32 to index
      %get3A_2939 = arith.constant 32 : index
      %get3A_2940 = tpu.vector_load %arg14[%get3A_2938, %get3A_2939] {strides = array<i32>} : memref<16x384xf32, #tpu.memory_space<vmem>>, vector<16xf32>,
      %add3A_2941 = arith.addf %add3A_2916, %get3A_2940 : vector<16xf32>
      %get3A_2942 = arith.constant 6 : i32
      %get3A_2943 = arith.index_cast %get3A_2942 : i32 to index
      %get3A_2944 = arith.constant 96 : index
      %get3A_2945 = tpu.vector_load %arg14[%get3A_2943, %get3A_2944] {strides = array<i32>} : memref<16x384xf32, #tpu.memory_space<vmem>>, vector<16xf32>,
      %add3A_2946 = arith.addf %add3A_2921, %get3A_2945 : vector<16xf32>
      %get3A_2947 = arith.constant 6 : i32
      %get3A_2948 = arith.index_cast %get3A_2947 : i32 to index
      %get3A_2949 = arith.constant 160 : index
      %get3A_2950 = tpu.vector_load %arg14[%get3A_2948, %get3A_2949] {strides = array<i32>} : memref<16x384xf32, #tpu.memory_space<vmem>>, vector<16xf32>,
      %add3A_2951 = arith.addf %add3A_2926, %get3A_2950 : vector<16xf32>
      %get3A_2952 = arith.constant 6 : i32
      %get3A_2953 = arith.index_cast %get3A_2952 : i32 to index
      %get3A_2954 = arith.constant 224 : index
      %get3A_2955 = tpu.vector_load %arg14[%get3A_2953, %get3A_2954] {strides = array<i32>} : memref<16x384xf32, #tpu.memory_space<vmem>>, vector<16xf32>,
      %add3A_2956 = arith.addf %add3A_2931, %get3A_2955 : vector<16xf32>
      %get3A_2957 = arith.constant 6 : i32
      %get3A_2958 = arith.index_cast %get3A_2957 : i32 to index
      %get3A_2959 = arith.constant 288 : index
      %get3A_2960 = tpu.vector_load %arg14[%get3A_2958, %get3A_2959] {strides = array<i32>} : memref<16x384xf32, #tpu.memory_space<vmem>>, vector<16xf32>,
      %add3A_2961 = arith.addf %add3A_2936, %get3A_2960 : vector<16xf32>
      %get3A_2962 = arith.constant 7 : i32
      %get3A_2963 = arith.index_cast %get3A_2962 : i32 to index
      %get3A_2964 = arith.constant 32 : index
      %get3A_2965 = tpu.vector_load %arg14[%get3A_2963, %get3A_2964] {strides = array<i32>} : memref<16x384xf32, #tpu.memory_space<vmem>>, vector<16xf32>,
      %add3A_2966 = arith.addf %add3A_2941, %get3A_2965 : vector<16xf32>
      %get3A_2967 = arith.constant 7 : i32
      %get3A_2968 = arith.index_cast %get3A_2967 : i32 to index
      %get3A_2969 = arith.constant 96 : index
      %get3A_2970 = tpu.vector_load %arg14[%get3A_2968, %get3A_2969] {strides = array<i32>} : memref<16x384xf32, #tpu.memory_space<vmem>>, vector<16xf32>,
      %add3A_2971 = arith.addf %add3A_2946, %get3A_2970 : vector<16xf32>
      %get3A_2972 = arith.constant 7 : i32
      %get3A_2973 = arith.index_cast %get3A_2972 : i32 to index
      %get3A_2974 = arith.constant 160 : index
      %get3A_2975 = tpu.vector_load %arg14[%get3A_2973, %get3A_2974] {strides = array<i32>} : memref<16x384xf32, #tpu.memory_space<vmem>>, vector<16xf32>,
      %add3A_2976 = arith.addf %add3A_2951, %get3A_2975 : vector<16xf32>
      %get3A_2977 = arith.constant 7 : i32
      %get3A_2978 = arith.index_cast %get3A_2977 : i32 to index
      %get3A_2979 = arith.constant 224 : index
      %get3A_2980 = tpu.vector_load %arg14[%get3A_2978, %get3A_2979] {strides = array<i32>} : memref<16x384xf32, #tpu.memory_space<vmem>>, vector<16xf32>,
      %add3A_2981 = arith.addf %add3A_2956, %get3A_2980 : vector<16xf32>
      %get3A_2982 = arith.constant 7 : i32
      %get3A_2983 = arith.index_cast %get3A_2982 : i32 to index
      %get3A_2984 = arith.constant 288 : index
      %get3A_2985 = tpu.vector_load %arg14[%get3A_2983, %get3A_2984] {strides = array<i32>} : memref<16x384xf32, #tpu.memory_space<vmem>>, vector<16xf32>,
      %add3A_2986 = arith.addf %add3A_2961, %get3A_2985 : vector<16xf32>
      %get3A_2987 = arith.constant 8 : i32
      %get3A_2988 = arith.index_cast %get3A_2987 : i32 to index
      %get3A_2989 = arith.constant 32 : index
      %get3A_2990 = tpu.vector_load %arg14[%get3A_2988, %get3A_2989] {strides = array<i32>} : memref<16x384xf32, #tpu.memory_space<vmem>>, vector<16xf32>,
      %add3A_2991 = arith.addf %add3A_2966, %get3A_2990 : vector<16xf32>
      %get3A_2992 = arith.constant 8 : i32
      %get3A_2993 = arith.index_cast %get3A_2992 : i32 to index
      %get3A_2994 = arith.constant 96 : index
      %get3A_2995 = tpu.vector_load %arg14[%get3A_2993, %get3A_2994] {strides = array<i32>} : memref<16x384xf32, #tpu.memory_space<vmem>>, vector<16xf32>,
      %add3A_2996 = arith.addf %add3A_2971, %get3A_2995 : vector<16xf32>
      %get3A_2997 = arith.constant 8 : i32
      %get3A_2998 = arith.index_cast %get3A_2997 : i32 to index
      %get3A_2999 = arith.constant 160 : index
      %get3A_3000 = tpu.vector_load %arg14[%get3A_2998, %get3A_2999] {strides = array<i32>} : memref<16x384xf32, #tpu.memory_space<vmem>>, vector<16xf32>,
      %add3A_3001 = arith.addf %add3A_2976, %get3A_3000 : vector<16xf32>
      %get3A_3002 = arith.constant 8 : i32
      %get3A_3003 = arith.index_cast %get3A_3002 : i32 to index
      %get3A_3004 = arith.constant 224 : index
      %get3A_3005 = tpu.vector_load %arg14[%get3A_3003, %get3A_3004] {strides = array<i32>} : memref<16x384xf32, #tpu.memory_space<vmem>>, vector<16xf32>,
      %add3A_3006 = arith.addf %add3A_2981, %get3A_3005 : vector<16xf32>
      %get3A_3007 = arith.constant 8 : i32
      %get3A_3008 = arith.index_cast %get3A_3007 : i32 to index
      %get3A_3009 = arith.constant 288 : index
      %get3A_3010 = tpu.vector_load %arg14[%get3A_3008, %get3A_3009] {strides = array<i32>} : memref<16x384xf32, #tpu.memory_space<vmem>>, vector<16xf32>,
      %add3A_3011 = arith.addf %add3A_2986, %get3A_3010 : vector<16xf32>
      %get3A_3012 = arith.constant 9 : i32
      %get3A_3013 = arith.index_cast %get3A_3012 : i32 to index
      %get3A_3014 = arith.constant 32 : index
      %get3A_3015 = tpu.vector_load %arg14[%get3A_3013, %get3A_3014] {strides = array<i32>} : memref<16x384xf32, #tpu.memory_space<vmem>>, vector<16xf32>,
      %add3A_3016 = arith.addf %add3A_2991, %get3A_3015 : vector<16xf32>
      %get3A_3017 = arith.constant 9 : i32
      %get3A_3018 = arith.index_cast %get3A_3017 : i32 to index
      %get3A_3019 = arith.constant 96 : index
      %get3A_3020 = tpu.vector_load %arg14[%get3A_3018, %get3A_3019] {strides = array<i32>} : memref<16x384xf32, #tpu.memory_space<vmem>>, vector<16xf32>,
      %add3A_3021 = arith.addf %add3A_2996, %get3A_3020 : vector<16xf32>
      %get3A_3022 = arith.constant 9 : i32
      %get3A_3023 = arith.index_cast %get3A_3022 : i32 to index
      %get3A_3024 = arith.constant 160 : index
      %get3A_3025 = tpu.vector_load %arg14[%get3A_3023, %get3A_3024] {strides = array<i32>} : memref<16x384xf32, #tpu.memory_space<vmem>>, vector<16xf32>,
      %add3A_3026 = arith.addf %add3A_3001, %get3A_3025 : vector<16xf32>
      %get3A_3027 = arith.constant 9 : i32
      %get3A_3028 = arith.index_cast %get3A_3027 : i32 to index
      %get3A_3029 = arith.constant 224 : index
      %get3A_3030 = tpu.vector_load %arg14[%get3A_3028, %get3A_3029] {strides = array<i32>} : memref<16x384xf32, #tpu.memory_space<vmem>>, vector<16xf32>,
      %add3A_3031 = arith.addf %add3A_3006, %get3A_3030 : vector<16xf32>
      %get3A_3032 = arith.constant 9 : i32
      %get3A_3033 = arith.index_cast %get3A_3032 : i32 to index
      %get3A_3034 = arith.constant 288 : index
      %get3A_3035 = tpu.vector_load %arg14[%get3A_3033, %get3A_3034] {strides = array<i32>} : memref<16x384xf32, #tpu.memory_space<vmem>>, vector<16xf32>,
      %add3A_3036 = arith.addf %add3A_3011, %get3A_3035 : vector<16xf32>
      %get3A_3037 = arith.constant 10 : i32
      %get3A_3038 = arith.index_cast %get3A_3037 : i32 to index
      %get3A_3039 = arith.constant 32 : index
      %get3A_3040 = tpu.vector_load %arg14[%get3A_3038, %get3A_3039] {strides = array<i32>} : memref<16x384xf32, #tpu.memory_space<vmem>>, vector<16xf32>,
      %add3A_3041 = arith.addf %add3A_3016, %get3A_3040 : vector<16xf32>
      %get3A_3042 = arith.constant 10 : i32
      %get3A_3043 = arith.index_cast %get3A_3042 : i32 to index
      %get3A_3044 = arith.constant 96 : index
      %get3A_3045 = tpu.vector_load %arg14[%get3A_3043, %get3A_3044] {strides = array<i32>} : memref<16x384xf32, #tpu.memory_space<vmem>>, vector<16xf32>,
      %add3A_3046 = arith.addf %add3A_3021, %get3A_3045 : vector<16xf32>
      %get3A_3047 = arith.constant 10 : i32
      %get3A_3048 = arith.index_cast %get3A_3047 : i32 to index
      %get3A_3049 = arith.constant 160 : index
      %get3A_3050 = tpu.vector_load %arg14[%get3A_3048, %get3A_3049] {strides = array<i32>} : memref<16x384xf32, #tpu.memory_space<vmem>>, vector<16xf32>,
      %add3A_3051 = arith.addf %add3A_3026, %get3A_3050 : vector<16xf32>
      %get3A_3052 = arith.constant 10 : i32
      %get3A_3053 = arith.index_cast %get3A_3052 : i32 to index
      %get3A_3054 = arith.constant 224 : index
      %get3A_3055 = tpu.vector_load %arg14[%get3A_3053, %get3A_3054] {strides = array<i32>} : memref<16x384xf32, #tpu.memory_space<vmem>>, vector<16xf32>,
      %add3A_3056 = arith.addf %add3A_3031, %get3A_3055 : vector<16xf32>
      %get3A_3057 = arith.constant 10 : i32
      %get3A_3058 = arith.index_cast %get3A_3057 : i32 to index
      %get3A_3059 = arith.constant 288 : index
      %get3A_3060 = tpu.vector_load %arg14[%get3A_3058, %get3A_3059] {strides = array<i32>} : memref<16x384xf32, #tpu.memory_space<vmem>>, vector<16xf32>,
      %add3A_3061 = arith.addf %add3A_3036, %get3A_3060 : vector<16xf32>
      %get3A_3062 = arith.constant 11 : i32
      %get3A_3063 = arith.index_cast %get3A_3062 : i32 to index
      %get3A_3064 = arith.constant 32 : index
      %get3A_3065 = tpu.vector_load %arg14[%get3A_3063, %get3A_3064] {strides = array<i32>} : memref<16x384xf32, #tpu.memory_space<vmem>>, vector<16xf32>,
      %add3A_3066 = arith.addf %add3A_3041, %get3A_3065 : vector<16xf32>
      %get3A_3067 = arith.constant 11 : i32
      %get3A_3068 = arith.index_cast %get3A_3067 : i32 to index
      %get3A_3069 = arith.constant 96 : index
      %get3A_3070 = tpu.vector_load %arg14[%get3A_3068, %get3A_3069] {strides = array<i32>} : memref<16x384xf32, #tpu.memory_space<vmem>>, vector<16xf32>,
      %add3A_3071 = arith.addf %add3A_3046, %get3A_3070 : vector<16xf32>
      %get3A_3072 = arith.constant 11 : i32
      %get3A_3073 = arith.index_cast %get3A_3072 : i32 to index
      %get3A_3074 = arith.constant 160 : index
      %get3A_3075 = tpu.vector_load %arg14[%get3A_3073, %get3A_3074] {strides = array<i32>} : memref<16x384xf32, #tpu.memory_space<vmem>>, vector<16xf32>,
      %add3A_3076 = arith.addf %add3A_3051, %get3A_3075 : vector<16xf32>
      %get3A_3077 = arith.constant 11 : i32
      %get3A_3078 = arith.index_cast %get3A_3077 : i32 to index
      %get3A_3079 = arith.constant 224 : index
      %get3A_3080 = tpu.vector_load %arg14[%get3A_3078, %get3A_3079] {strides = array<i32>} : memref<16x384xf32, #tpu.memory_space<vmem>>, vector<16xf32>,
      %add3A_3081 = arith.addf %add3A_3056, %get3A_3080 : vector<16xf32>
      %get3A_3082 = arith.constant 11 : i32
      %get3A_3083 = arith.index_cast %get3A_3082 : i32 to index
      %get3A_3084 = arith.constant 288 : index
      %get3A_3085 = tpu.vector_load %arg14[%get3A_3083, %get3A_3084] {strides = array<i32>} : memref<16x384xf32, #tpu.memory_space<vmem>>, vector<16xf32>,
      %add3A_3086 = arith.addf %add3A_3061, %get3A_3085 : vector<16xf32>
      %get3A_3087 = arith.constant 12 : i32
      %get3A_3088 = arith.index_cast %get3A_3087 : i32 to index
      %get3A_3089 = arith.constant 32 : index
      %get3A_3090 = tpu.vector_load %arg14[%get3A_3088, %get3A_3089] {strides = array<i32>} : memref<16x384xf32, #tpu.memory_space<vmem>>, vector<16xf32>,
      %add3A_3091 = arith.addf %add3A_3066, %get3A_3090 : vector<16xf32>
      %get3A_3092 = arith.constant 12 : i32
      %get3A_3093 = arith.index_cast %get3A_3092 : i32 to index
      %get3A_3094 = arith.constant 96 : index
      %get3A_3095 = tpu.vector_load %arg14[%get3A_3093, %get3A_3094] {strides = array<i32>} : memref<16x384xf32, #tpu.memory_space<vmem>>, vector<16xf32>,
      %add3A_3096 = arith.addf %add3A_3071, %get3A_3095 : vector<16xf32>
      %get3A_3097 = arith.constant 12 : i32
      %get3A_3098 = arith.index_cast %get3A_3097 : i32 to index
      %get3A_3099 = arith.constant 160 : index
      %get3A_3100 = tpu.vector_load %arg14[%get3A_3098, %get3A_3099] {strides = array<i32>} : memref<16x384xf32, #tpu.memory_space<vmem>>, vector<16xf32>,
      %add3A_3101 = arith.addf %add3A_3076, %get3A_3100 : vector<16xf32>
      %get3A_3102 = arith.constant 12 : i32
      %get3A_3103 = arith.index_cast %get3A_3102 : i32 to index
      %get3A_3104 = arith.constant 224 : index
      %get3A_3105 = tpu.vector_load %arg14[%get3A_3103, %get3A_3104] {strides = array<i32>} : memref<16x384xf32, #tpu.memory_space<vmem>>, vector<16xf32>,
      %add3A_3106 = arith.addf %add3A_3081, %get3A_3105 : vector<16xf32>
      %get3A_3107 = arith.constant 12 : i32
      %get3A_3108 = arith.index_cast %get3A_3107 : i32 to index
      %get3A_3109 = arith.constant 288 : index
      %get3A_3110 = tpu.vector_load %arg14[%get3A_3108, %get3A_3109] {strides = array<i32>} : memref<16x384xf32, #tpu.memory_space<vmem>>, vector<16xf32>,
      %add3A_3111 = arith.addf %add3A_3086, %get3A_3110 : vector<16xf32>
      %get3A_3112 = arith.constant 13 : i32
      %get3A_3113 = arith.index_cast %get3A_3112 : i32 to index
      %get3A_3114 = arith.constant 32 : index
      %get3A_3115 = tpu.vector_load %arg14[%get3A_3113, %get3A_3114] {strides = array<i32>} : memref<16x384xf32, #tpu.memory_space<vmem>>, vector<16xf32>,
      %add3A_3116 = arith.addf %add3A_3091, %get3A_3115 : vector<16xf32>
      %get3A_3117 = arith.constant 13 : i32
      %get3A_3118 = arith.index_cast %get3A_3117 : i32 to index
      %get3A_3119 = arith.constant 96 : index
      %get3A_3120 = tpu.vector_load %arg14[%get3A_3118, %get3A_3119] {strides = array<i32>} : memref<16x384xf32, #tpu.memory_space<vmem>>, vector<16xf32>,
      %add3A_3121 = arith.addf %add3A_3096, %get3A_3120 : vector<16xf32>
      %get3A_3122 = arith.constant 13 : i32
      %get3A_3123 = arith.index_cast %get3A_3122 : i32 to index
      %get3A_3124 = arith.constant 160 : index
      %get3A_3125 = tpu.vector_load %arg14[%get3A_3123, %get3A_3124] {strides = array<i32>} : memref<16x384xf32, #tpu.memory_space<vmem>>, vector<16xf32>,
      %add3A_3126 = arith.addf %add3A_3101, %get3A_3125 : vector<16xf32>
      %get3A_3127 = arith.constant 13 : i32
      %get3A_3128 = arith.index_cast %get3A_3127 : i32 to index
      %get3A_3129 = arith.constant 224 : index
      %get3A_3130 = tpu.vector_load %arg14[%get3A_3128, %get3A_3129] {strides = array<i32>} : memref<16x384xf32, #tpu.memory_space<vmem>>, vector<16xf32>,
      %add3A_3131 = arith.addf %add3A_3106, %get3A_3130 : vector<16xf32>
      %get3A_3132 = arith.constant 13 : i32
      %get3A_3133 = arith.index_cast %get3A_3132 : i32 to index
      %get3A_3134 = arith.constant 288 : index
      %get3A_3135 = tpu.vector_load %arg14[%get3A_3133, %get3A_3134] {strides = array<i32>} : memref<16x384xf32, #tpu.memory_space<vmem>>, vector<16xf32>,
      %add3A_3136 = arith.addf %add3A_3111, %get3A_3135 : vector<16xf32>
      %get3A_3137 = arith.constant 14 : i32
      %get3A_3138 = arith.index_cast %get3A_3137 : i32 to index
      %get3A_3139 = arith.constant 32 : index
      %get3A_3140 = tpu.vector_load %arg14[%get3A_3138, %get3A_3139] {strides = array<i32>} : memref<16x384xf32, #tpu.memory_space<vmem>>, vector<16xf32>,
      %add3A_3141 = arith.addf %add3A_3116, %get3A_3140 : vector<16xf32>
      %get3A_3142 = arith.constant 14 : i32
      %get3A_3143 = arith.index_cast %get3A_3142 : i32 to index
      %get3A_3144 = arith.constant 96 : index
      %get3A_3145 = tpu.vector_load %arg14[%get3A_3143, %get3A_3144] {strides = array<i32>} : memref<16x384xf32, #tpu.memory_space<vmem>>, vector<16xf32>,
      %add3A_3146 = arith.addf %add3A_3121, %get3A_3145 : vector<16xf32>
      %get3A_3147 = arith.constant 14 : i32
      %get3A_3148 = arith.index_cast %get3A_3147 : i32 to index
      %get3A_3149 = arith.constant 160 : index
      %get3A_3150 = tpu.vector_load %arg14[%get3A_3148, %get3A_3149] {strides = array<i32>} : memref<16x384xf32, #tpu.memory_space<vmem>>, vector<16xf32>,
      %add3A_3151 = arith.addf %add3A_3126, %get3A_3150 : vector<16xf32>
      %get3A_3152 = arith.constant 14 : i32
      %get3A_3153 = arith.index_cast %get3A_3152 : i32 to index
      %get3A_3154 = arith.constant 224 : index
      %get3A_3155 = tpu.vector_load %arg14[%get3A_3153, %get3A_3154] {strides = array<i32>} : memref<16x384xf32, #tpu.memory_space<vmem>>, vector<16xf32>,
      %add3A_3156 = arith.addf %add3A_3131, %get3A_3155 : vector<16xf32>
      %get3A_3157 = arith.constant 14 : i32
      %get3A_3158 = arith.index_cast %get3A_3157 : i32 to index
      %get3A_3159 = arith.constant 288 : index
      %get3A_3160 = tpu.vector_load %arg14[%get3A_3158, %get3A_3159] {strides = array<i32>} : memref<16x384xf32, #tpu.memory_space<vmem>>, vector<16xf32>,
      %add3A_3161 = arith.addf %add3A_3136, %get3A_3160 : vector<16xf32>
      %get3A_3162 = arith.constant 15 : i32
      %get3A_3163 = arith.index_cast %get3A_3162 : i32 to index
      %get3A_3164 = arith.constant 32 : index
      %get3A_3165 = tpu.vector_load %arg14[%get3A_3163, %get3A_3164] {strides = array<i32>} : memref<16x384xf32, #tpu.memory_space<vmem>>, vector<16xf32>,
      %add3A_3166 = arith.addf %add3A_3141, %get3A_3165 : vector<16xf32>
      %get3A_3167 = arith.constant 15 : i32
      %get3A_3168 = arith.index_cast %get3A_3167 : i32 to index
      %get3A_3169 = arith.constant 96 : index
      %get3A_3170 = tpu.vector_load %arg14[%get3A_3168, %get3A_3169] {strides = array<i32>} : memref<16x384xf32, #tpu.memory_space<vmem>>, vector<16xf32>,
      %add3A_3171 = arith.addf %add3A_3146, %get3A_3170 : vector<16xf32>
      %get3A_3172 = arith.constant 15 : i32
      %get3A_3173 = arith.index_cast %get3A_3172 : i32 to index
      %get3A_3174 = arith.constant 160 : index
      %get3A_3175 = tpu.vector_load %arg14[%get3A_3173, %get3A_3174] {strides = array<i32>} : memref<16x384xf32, #tpu.memory_space<vmem>>, vector<16xf32>,
      %add3A_3176 = arith.addf %add3A_3151, %get3A_3175 : vector<16xf32>
      %get3A_3177 = arith.constant 15 : i32
      %get3A_3178 = arith.index_cast %get3A_3177 : i32 to index
      %get3A_3179 = arith.constant 224 : index
      %get3A_3180 = tpu.vector_load %arg14[%get3A_3178, %get3A_3179] {strides = array<i32>} : memref<16x384xf32, #tpu.memory_space<vmem>>, vector<16xf32>,
      %add3A_3181 = arith.addf %add3A_3156, %get3A_3180 : vector<16xf32>
      %get3A_3182 = arith.constant 15 : i32
      %get3A_3183 = arith.index_cast %get3A_3182 : i32 to index
      %get3A_3184 = arith.constant 288 : index
      %get3A_3185 = tpu.vector_load %arg14[%get3A_3183, %get3A_3184] {strides = array<i32>} : memref<16x384xf32, #tpu.memory_space<vmem>>, vector<16xf32>,
      %add3A_3186 = arith.addf %add3A_3161, %get3A_3185 : vector<16xf32>
      %ge3A_3187 = arith.constant 2.000000e+00 : f32
      %ge3A_3188 = vector.broadcast %ge3A_3187 : f32 to vector<16xf32>
      %ge3A_3189 = arith.cmpf oge, %add3A_3166, %ge3A_3188 : vector<16xf32>
      %gt3A_3190 = arith.constant 5.000000e-01 : f32
      %gt3A_3191 = vector.broadcast %gt3A_3190 : f32 to vector<16xf32>
      %gt3A_3192 = arith.cmpf ogt, %add3A_3171, %gt3A_3191 : vector<16xf32>
      %sub3A_3193 = arith.subf %add3A_3166, %add3A_3171 : vector<16xf32>
      %mul3A_3194 = arith.constant 0.006737947 : f32
      %mul3A_3195 = vector.broadcast %mul3A_3194 : f32 to vector<16xf32>
      %mul3A_3196 = arith.mulf %sub3A_3193, %mul3A_3195 : vector<16xf32>
      %add3A_3197 = arith.addf %add3A_3171, %mul3A_3196 : vector<16xf32>
      %select_n3A_3198 = arith.select %gt3A_3192, %add3A_3197, %add3A_3166 : vector<16xi1>, vector<16xf32>
      %max3A_3199 = arith.constant 1.000000e-30 : f32
      %max3A_3200 = vector.broadcast %max3A_3199 : f32 to vector<16xf32>
      %max3A_3201 = arith.maximumf %select_n3A_3198, %max3A_3200 : vector<16xf32>
      %jit3A_3202 = arith.constant 0.006737947 : f32
      %jit3A_3203 = arith.constant 1.000000e+00 : f32
      %broadcast_in_dim3A_3204 = vector.broadcast %jit3A_3202 : f32 to vector<16xf32>
      %broadcast_in_dim3A_3205 = vector.broadcast %jit3A_3203 : f32 to vector<16xf32>
      %select_n3A_3206 = arith.select %gt3A_3192, %broadcast_in_dim3A_3204, %broadcast_in_dim3A_3205 : vector<16xi1>, vector<16xf32>
      %div3A_3207 = arith.divf %select_n3A_3206, %max3A_3201 : vector<16xf32>
      %div3A_3208 = arith.constant 1.000000e+00 : f32
      %div3A_3209 = vector.broadcast %div3A_3208 : f32 to vector<16xf32>
      %div3A_3210 = arith.divf %div3A_3209, %max3A_3201 : vector<16xf32>
      %max3A_3211 = arith.constant 1.000000e-30 : f32
      %max3A_3212 = vector.broadcast %max3A_3211 : f32 to vector<16xf32>
      %max3A_3213 = arith.maximumf %add3A_3176, %max3A_3212 : vector<16xf32>
      %bitcast3A_3214 = vector.bitcast %max3A_3213 : vector<16xf32> to vector<16xi32>
      %shift_right_arithmetic3A_3215 = arith.constant 23 : i32
      %shift_right_arithmetic3A_3216 = vector.broadcast %shift_right_arithmetic3A_3215 : i32 to vector<16xi32>
      %shift_right_arithmetic3A_3217 = arith.shrsi %bitcast3A_3214, %shift_right_arithmetic3A_3216 : vector<16xi32>
      %and3A_3218 = arith.constant 255 : i32
      %and3A_3219 = vector.broadcast %and3A_3218 : i32 to vector<16xi32>
      %and3A_3220 = arith.andi %shift_right_arithmetic3A_3217, %and3A_3219 : vector<16xi32>
      %and3A_3221 = arith.constant 8388607 : i32
      %and3A_3222 = vector.broadcast %and3A_3221 : i32 to vector<16xi32>
      %and3A_3223 = arith.andi %bitcast3A_3214, %and3A_3222 : vector<16xi32>
      %or3A_3224 = arith.constant 1065353216 : i32
      %or3A_3225 = vector.broadcast %or3A_3224 : i32 to vector<16xi32>
      %or3A_3226 = arith.ori %and3A_3223, %or3A_3225 : vector<16xi32>
      %bitcast3A_3227 = vector.bitcast %or3A_3226 : vector<16xi32> to vector<16xf32>
      %gt3A_3228 = arith.constant 1.41421354 : f32
      %gt3A_3229 = vector.broadcast %gt3A_3228 : f32 to vector<16xf32>
      %gt3A_3230 = arith.cmpf ogt, %bitcast3A_3227, %gt3A_3229 : vector<16xf32>
      %mul3A_3231 = arith.constant 5.000000e-01 : f32
      %mul3A_3232 = vector.broadcast %mul3A_3231 : f32 to vector<16xf32>
      %mul3A_3233 = arith.mulf %bitcast3A_3227, %mul3A_3232 : vector<16xf32>
      %select_n3A_3234 = arith.select %gt3A_3230, %mul3A_3233, %bitcast3A_3227 : vector<16xi1>, vector<16xf32>
      %jit3A_3235 = arith.constant 126 : i32
      %jit3A_3236 = arith.constant 127 : i32
      %broadcast_in_dim3A_3237 = vector.broadcast %jit3A_3235 : i32 to vector<16xi32>
      %broadcast_in_dim3A_3238 = vector.broadcast %jit3A_3236 : i32 to vector<16xi32>
      %select_n3A_3239 = arith.select %gt3A_3230, %broadcast_in_dim3A_3237, %broadcast_in_dim3A_3238 : vector<16xi1>, vector<16xi32>
      %sub3A_3240 = arith.subi %and3A_3220, %select_n3A_3239 : vector<16xi32>
      %convert_element_type3A_3241 = arith.sitofp %sub3A_3240 : vector<16xi32> to vector<16xf32>
      %sub3A_3242 = arith.constant 1.000000e+00 : f32
      %sub3A_3243 = vector.broadcast %sub3A_3242 : f32 to vector<16xf32>
      %sub3A_3244 = arith.subf %select_n3A_3234, %sub3A_3243 : vector<16xf32>
      %add3A_3245 = arith.constant 1.000000e+00 : f32
      %add3A_3246 = vector.broadcast %add3A_3245 : f32 to vector<16xf32>
      %add3A_3247 = arith.addf %select_n3A_3234, %add3A_3246 : vector<16xf32>
      %div3A_3248 = arith.divf %sub3A_3244, %add3A_3247 : vector<16xf32>
      %mul3A_3249 = arith.mulf %div3A_3248, %div3A_3248 : vector<16xf32>
      %mul3A_3250 = arith.constant 0.111111112 : f32
      %mul3A_3251 = vector.broadcast %mul3A_3250 : f32 to vector<16xf32>
      %mul3A_3252 = arith.mulf %mul3A_3249, %mul3A_3251 : vector<16xf32>
      %add3A_3253 = arith.constant 0.142857149 : f32
      %add3A_3254 = vector.broadcast %add3A_3253 : f32 to vector<16xf32>
      %add3A_3255 = arith.addf %add3A_3254, %mul3A_3252 : vector<16xf32>
      %mul3A_3256 = arith.mulf %mul3A_3249, %add3A_3255 : vector<16xf32>
      %add3A_3257 = arith.constant 2.000000e-01 : f32
      %add3A_3258 = vector.broadcast %add3A_3257 : f32 to vector<16xf32>
      %add3A_3259 = arith.addf %add3A_3258, %mul3A_3256 : vector<16xf32>
      %mul3A_3260 = arith.mulf %mul3A_3249, %add3A_3259 : vector<16xf32>
      %add3A_3261 = arith.constant 0.333333343 : f32
      %add3A_3262 = vector.broadcast %add3A_3261 : f32 to vector<16xf32>
      %add3A_3263 = arith.addf %add3A_3262, %mul3A_3260 : vector<16xf32>
      %mul3A_3264 = arith.mulf %mul3A_3249, %add3A_3263 : vector<16xf32>
      %add3A_3265 = arith.constant 1.000000e+00 : f32
      %add3A_3266 = vector.broadcast %add3A_3265 : f32 to vector<16xf32>
      %add3A_3267 = arith.addf %add3A_3266, %mul3A_3264 : vector<16xf32>
      %mul3A_3268 = arith.constant 0.693147182 : f32
      %mul3A_3269 = vector.broadcast %mul3A_3268 : f32 to vector<16xf32>
      %mul3A_3270 = arith.mulf %convert_element_type3A_3241, %mul3A_3269 : vector<16xf32>
      %mul3A_3271 = arith.constant 2.000000e+00 : f32
      %mul3A_3272 = vector.broadcast %mul3A_3271 : f32 to vector<16xf32>
      %mul3A_3273 = arith.mulf %mul3A_3272, %div3A_3248 : vector<16xf32>
      %mul3A_3274 = arith.mulf %mul3A_3273, %add3A_3267 : vector<16xf32>
      %add3A_3275 = arith.addf %mul3A_3270, %mul3A_3274 : vector<16xf32>
      %mul3A_3276 = arith.mulf %div3A_3207, %add3A_3181 : vector<16xf32>
      %sub3A_3277 = arith.subf %add3A_3275, %mul3A_3276 : vector<16xf32>
      %mul3A_3278 = arith.mulf %div3A_3210, %add3A_3186 : vector<16xf32>
      %sub3A_3279 = arith.subf %sub3A_3277, %mul3A_3278 : vector<16xf32>
      %jit3A_3280 = arith.constant 0.000000e+00 : f32
      %broadcast_in_dim3A_3281 = vector.broadcast %jit3A_3280 : f32 to vector<16xf32>
      %select_n3A_3282 = arith.select %ge3A_3189, %sub3A_3279, %broadcast_in_dim3A_3281 : vector<16xi1>, vector<16xf32>
      %add3A_3283 = arith.addf %add3A_2781, %select_n3A_3282 : vector<16xf32>
      %jit3A_3284 = arith.constant 1.000000e+00 : f32
      %jit3A_3285 = arith.constant 0.000000e+00 : f32
      %broadcast_in_dim3A_3286 = vector.broadcast %jit3A_3284 : f32 to vector<16xf32>
      %broadcast_in_dim3A_3287 = vector.broadcast %jit3A_3285 : f32 to vector<16xf32>
      %select_n3A_3288 = arith.select %ge3A_3189, %broadcast_in_dim3A_3286, %broadcast_in_dim3A_3287 : vector<16xi1>, vector<16xf32>
      %reduce_sum3A_3289 = arith.constant true
      %reduce_sum3A_3290 = vector.broadcast %reduce_sum3A_3289 : i1 to vector<16xi1>
      %reduce_sum3A_3291 = tpu.scan <sum>, %select_n3A_3288 masked %reduce_sum3A_3290 : vector<16xf32>, vector<16xi1> -> vector<16xf32>
      %reduce_sum3A_3292 = vector.extract %reduce_sum3A_3291[15] : f32 from vector<16xf32>
      %add3A_3293 = arith.addf %add3A_2791, %reduce_sum3A_3292 : f32
      %get3A_3294 = arith.constant 0 : i32
      %get3A_3295 = arith.index_cast %get3A_3294 : i32 to index
      %get3A_3296 = arith.constant 48 : index
      %get3A_3297 = tpu.vector_load %arg14[%get3A_3295, %get3A_3296] {strides = array<i32>} : memref<16x384xf32, #tpu.memory_space<vmem>>, vector<16xf32>,
      %get3A_3298 = arith.constant 0 : i32
      %get3A_3299 = arith.index_cast %get3A_3298 : i32 to index
      %get3A_3300 = arith.constant 112 : index
      %get3A_3301 = tpu.vector_load %arg14[%get3A_3299, %get3A_3300] {strides = array<i32>} : memref<16x384xf32, #tpu.memory_space<vmem>>, vector<16xf32>,
      %get3A_3302 = arith.constant 0 : i32
      %get3A_3303 = arith.index_cast %get3A_3302 : i32 to index
      %get3A_3304 = arith.constant 176 : index
      %get3A_3305 = tpu.vector_load %arg14[%get3A_3303, %get3A_3304] {strides = array<i32>} : memref<16x384xf32, #tpu.memory_space<vmem>>, vector<16xf32>,
      %get3A_3306 = arith.constant 0 : i32
      %get3A_3307 = arith.index_cast %get3A_3306 : i32 to index
      %get3A_3308 = arith.constant 240 : index
      %get3A_3309 = tpu.vector_load %arg14[%get3A_3307, %get3A_3308] {strides = array<i32>} : memref<16x384xf32, #tpu.memory_space<vmem>>, vector<16xf32>,
      %get3A_3310 = arith.constant 0 : i32
      %get3A_3311 = arith.index_cast %get3A_3310 : i32 to index
      %get3A_3312 = arith.constant 304 : index
      %get3A_3313 = tpu.vector_load %arg14[%get3A_3311, %get3A_3312] {strides = array<i32>} : memref<16x384xf32, #tpu.memory_space<vmem>>, vector<16xf32>,
      %get3A_3314 = arith.constant 1 : i32
      %get3A_3315 = arith.index_cast %get3A_3314 : i32 to index
      %get3A_3316 = arith.constant 48 : index
      %get3A_3317 = tpu.vector_load %arg14[%get3A_3315, %get3A_3316] {strides = array<i32>} : memref<16x384xf32, #tpu.memory_space<vmem>>, vector<16xf32>,
      %add3A_3318 = arith.addf %get3A_3297, %get3A_3317 : vector<16xf32>
      %get3A_3319 = arith.constant 1 : i32
      %get3A_3320 = arith.index_cast %get3A_3319 : i32 to index
      %get3A_3321 = arith.constant 112 : index
      %get3A_3322 = tpu.vector_load %arg14[%get3A_3320, %get3A_3321] {strides = array<i32>} : memref<16x384xf32, #tpu.memory_space<vmem>>, vector<16xf32>,
      %add3A_3323 = arith.addf %get3A_3301, %get3A_3322 : vector<16xf32>
      %get3A_3324 = arith.constant 1 : i32
      %get3A_3325 = arith.index_cast %get3A_3324 : i32 to index
      %get3A_3326 = arith.constant 176 : index
      %get3A_3327 = tpu.vector_load %arg14[%get3A_3325, %get3A_3326] {strides = array<i32>} : memref<16x384xf32, #tpu.memory_space<vmem>>, vector<16xf32>,
      %add3A_3328 = arith.addf %get3A_3305, %get3A_3327 : vector<16xf32>
      %get3A_3329 = arith.constant 1 : i32
      %get3A_3330 = arith.index_cast %get3A_3329 : i32 to index
      %get3A_3331 = arith.constant 240 : index
      %get3A_3332 = tpu.vector_load %arg14[%get3A_3330, %get3A_3331] {strides = array<i32>} : memref<16x384xf32, #tpu.memory_space<vmem>>, vector<16xf32>,
      %add3A_3333 = arith.addf %get3A_3309, %get3A_3332 : vector<16xf32>
      %get3A_3334 = arith.constant 1 : i32
      %get3A_3335 = arith.index_cast %get3A_3334 : i32 to index
      %get3A_3336 = arith.constant 304 : index
      %get3A_3337 = tpu.vector_load %arg14[%get3A_3335, %get3A_3336] {strides = array<i32>} : memref<16x384xf32, #tpu.memory_space<vmem>>, vector<16xf32>,
      %add3A_3338 = arith.addf %get3A_3313, %get3A_3337 : vector<16xf32>
      %get3A_3339 = arith.constant 2 : i32
      %get3A_3340 = arith.index_cast %get3A_3339 : i32 to index
      %get3A_3341 = arith.constant 48 : index
      %get3A_3342 = tpu.vector_load %arg14[%get3A_3340, %get3A_3341] {strides = array<i32>} : memref<16x384xf32, #tpu.memory_space<vmem>>, vector<16xf32>,
      %add3A_3343 = arith.addf %add3A_3318, %get3A_3342 : vector<16xf32>
      %get3A_3344 = arith.constant 2 : i32
      %get3A_3345 = arith.index_cast %get3A_3344 : i32 to index
      %get3A_3346 = arith.constant 112 : index
      %get3A_3347 = tpu.vector_load %arg14[%get3A_3345, %get3A_3346] {strides = array<i32>} : memref<16x384xf32, #tpu.memory_space<vmem>>, vector<16xf32>,
      %add3A_3348 = arith.addf %add3A_3323, %get3A_3347 : vector<16xf32>
      %get3A_3349 = arith.constant 2 : i32
      %get3A_3350 = arith.index_cast %get3A_3349 : i32 to index
      %get3A_3351 = arith.constant 176 : index
      %get3A_3352 = tpu.vector_load %arg14[%get3A_3350, %get3A_3351] {strides = array<i32>} : memref<16x384xf32, #tpu.memory_space<vmem>>, vector<16xf32>,
      %add3A_3353 = arith.addf %add3A_3328, %get3A_3352 : vector<16xf32>
      %get3A_3354 = arith.constant 2 : i32
      %get3A_3355 = arith.index_cast %get3A_3354 : i32 to index
      %get3A_3356 = arith.constant 240 : index
      %get3A_3357 = tpu.vector_load %arg14[%get3A_3355, %get3A_3356] {strides = array<i32>} : memref<16x384xf32, #tpu.memory_space<vmem>>, vector<16xf32>,
      %add3A_3358 = arith.addf %add3A_3333, %get3A_3357 : vector<16xf32>
      %get3A_3359 = arith.constant 2 : i32
      %get3A_3360 = arith.index_cast %get3A_3359 : i32 to index
      %get3A_3361 = arith.constant 304 : index
      %get3A_3362 = tpu.vector_load %arg14[%get3A_3360, %get3A_3361] {strides = array<i32>} : memref<16x384xf32, #tpu.memory_space<vmem>>, vector<16xf32>,
      %add3A_3363 = arith.addf %add3A_3338, %get3A_3362 : vector<16xf32>
      %get3A_3364 = arith.constant 3 : i32
      %get3A_3365 = arith.index_cast %get3A_3364 : i32 to index
      %get3A_3366 = arith.constant 48 : index
      %get3A_3367 = tpu.vector_load %arg14[%get3A_3365, %get3A_3366] {strides = array<i32>} : memref<16x384xf32, #tpu.memory_space<vmem>>, vector<16xf32>,
      %add3A_3368 = arith.addf %add3A_3343, %get3A_3367 : vector<16xf32>
      %get3A_3369 = arith.constant 3 : i32
      %get3A_3370 = arith.index_cast %get3A_3369 : i32 to index
      %get3A_3371 = arith.constant 112 : index
      %get3A_3372 = tpu.vector_load %arg14[%get3A_3370, %get3A_3371] {strides = array<i32>} : memref<16x384xf32, #tpu.memory_space<vmem>>, vector<16xf32>,
      %add3A_3373 = arith.addf %add3A_3348, %get3A_3372 : vector<16xf32>
      %get3A_3374 = arith.constant 3 : i32
      %get3A_3375 = arith.index_cast %get3A_3374 : i32 to index
      %get3A_3376 = arith.constant 176 : index
      %get3A_3377 = tpu.vector_load %arg14[%get3A_3375, %get3A_3376] {strides = array<i32>} : memref<16x384xf32, #tpu.memory_space<vmem>>, vector<16xf32>,
      %add3A_3378 = arith.addf %add3A_3353, %get3A_3377 : vector<16xf32>
      %get3A_3379 = arith.constant 3 : i32
      %get3A_3380 = arith.index_cast %get3A_3379 : i32 to index
      %get3A_3381 = arith.constant 240 : index
      %get3A_3382 = tpu.vector_load %arg14[%get3A_3380, %get3A_3381] {strides = array<i32>} : memref<16x384xf32, #tpu.memory_space<vmem>>, vector<16xf32>,
      %add3A_3383 = arith.addf %add3A_3358, %get3A_3382 : vector<16xf32>
      %get3A_3384 = arith.constant 3 : i32
      %get3A_3385 = arith.index_cast %get3A_3384 : i32 to index
      %get3A_3386 = arith.constant 304 : index
      %get3A_3387 = tpu.vector_load %arg14[%get3A_3385, %get3A_3386] {strides = array<i32>} : memref<16x384xf32, #tpu.memory_space<vmem>>, vector<16xf32>,
      %add3A_3388 = arith.addf %add3A_3363, %get3A_3387 : vector<16xf32>
      %get3A_3389 = arith.constant 4 : i32
      %get3A_3390 = arith.index_cast %get3A_3389 : i32 to index
      %get3A_3391 = arith.constant 48 : index
      %get3A_3392 = tpu.vector_load %arg14[%get3A_3390, %get3A_3391] {strides = array<i32>} : memref<16x384xf32, #tpu.memory_space<vmem>>, vector<16xf32>,
      %add3A_3393 = arith.addf %add3A_3368, %get3A_3392 : vector<16xf32>
      %get3A_3394 = arith.constant 4 : i32
      %get3A_3395 = arith.index_cast %get3A_3394 : i32 to index
      %get3A_3396 = arith.constant 112 : index
      %get3A_3397 = tpu.vector_load %arg14[%get3A_3395, %get3A_3396] {strides = array<i32>} : memref<16x384xf32, #tpu.memory_space<vmem>>, vector<16xf32>,
      %add3A_3398 = arith.addf %add3A_3373, %get3A_3397 : vector<16xf32>
      %get3A_3399 = arith.constant 4 : i32
      %get3A_3400 = arith.index_cast %get3A_3399 : i32 to index
      %get3A_3401 = arith.constant 176 : index
      %get3A_3402 = tpu.vector_load %arg14[%get3A_3400, %get3A_3401] {strides = array<i32>} : memref<16x384xf32, #tpu.memory_space<vmem>>, vector<16xf32>,
      %add3A_3403 = arith.addf %add3A_3378, %get3A_3402 : vector<16xf32>
      %get3A_3404 = arith.constant 4 : i32
      %get3A_3405 = arith.index_cast %get3A_3404 : i32 to index
      %get3A_3406 = arith.constant 240 : index
      %get3A_3407 = tpu.vector_load %arg14[%get3A_3405, %get3A_3406] {strides = array<i32>} : memref<16x384xf32, #tpu.memory_space<vmem>>, vector<16xf32>,
      %add3A_3408 = arith.addf %add3A_3383, %get3A_3407 : vector<16xf32>
      %get3A_3409 = arith.constant 4 : i32
      %get3A_3410 = arith.index_cast %get3A_3409 : i32 to index
      %get3A_3411 = arith.constant 304 : index
      %get3A_3412 = tpu.vector_load %arg14[%get3A_3410, %get3A_3411] {strides = array<i32>} : memref<16x384xf32, #tpu.memory_space<vmem>>, vector<16xf32>,
      %add3A_3413 = arith.addf %add3A_3388, %get3A_3412 : vector<16xf32>
      %get3A_3414 = arith.constant 5 : i32
      %get3A_3415 = arith.index_cast %get3A_3414 : i32 to index
      %get3A_3416 = arith.constant 48 : index
      %get3A_3417 = tpu.vector_load %arg14[%get3A_3415, %get3A_3416] {strides = array<i32>} : memref<16x384xf32, #tpu.memory_space<vmem>>, vector<16xf32>,
      %add3A_3418 = arith.addf %add3A_3393, %get3A_3417 : vector<16xf32>
      %get3A_3419 = arith.constant 5 : i32
      %get3A_3420 = arith.index_cast %get3A_3419 : i32 to index
      %get3A_3421 = arith.constant 112 : index
      %get3A_3422 = tpu.vector_load %arg14[%get3A_3420, %get3A_3421] {strides = array<i32>} : memref<16x384xf32, #tpu.memory_space<vmem>>, vector<16xf32>,
      %add3A_3423 = arith.addf %add3A_3398, %get3A_3422 : vector<16xf32>
      %get3A_3424 = arith.constant 5 : i32
      %get3A_3425 = arith.index_cast %get3A_3424 : i32 to index
      %get3A_3426 = arith.constant 176 : index
      %get3A_3427 = tpu.vector_load %arg14[%get3A_3425, %get3A_3426] {strides = array<i32>} : memref<16x384xf32, #tpu.memory_space<vmem>>, vector<16xf32>,
      %add3A_3428 = arith.addf %add3A_3403, %get3A_3427 : vector<16xf32>
      %get3A_3429 = arith.constant 5 : i32
      %get3A_3430 = arith.index_cast %get3A_3429 : i32 to index
      %get3A_3431 = arith.constant 240 : index
      %get3A_3432 = tpu.vector_load %arg14[%get3A_3430, %get3A_3431] {strides = array<i32>} : memref<16x384xf32, #tpu.memory_space<vmem>>, vector<16xf32>,
      %add3A_3433 = arith.addf %add3A_3408, %get3A_3432 : vector<16xf32>
      %get3A_3434 = arith.constant 5 : i32
      %get3A_3435 = arith.index_cast %get3A_3434 : i32 to index
      %get3A_3436 = arith.constant 304 : index
      %get3A_3437 = tpu.vector_load %arg14[%get3A_3435, %get3A_3436] {strides = array<i32>} : memref<16x384xf32, #tpu.memory_space<vmem>>, vector<16xf32>,
      %add3A_3438 = arith.addf %add3A_3413, %get3A_3437 : vector<16xf32>
      %get3A_3439 = arith.constant 6 : i32
      %get3A_3440 = arith.index_cast %get3A_3439 : i32 to index
      %get3A_3441 = arith.constant 48 : index
      %get3A_3442 = tpu.vector_load %arg14[%get3A_3440, %get3A_3441] {strides = array<i32>} : memref<16x384xf32, #tpu.memory_space<vmem>>, vector<16xf32>,
      %add3A_3443 = arith.addf %add3A_3418, %get3A_3442 : vector<16xf32>
      %get3A_3444 = arith.constant 6 : i32
      %get3A_3445 = arith.index_cast %get3A_3444 : i32 to index
      %get3A_3446 = arith.constant 112 : index
      %get3A_3447 = tpu.vector_load %arg14[%get3A_3445, %get3A_3446] {strides = array<i32>} : memref<16x384xf32, #tpu.memory_space<vmem>>, vector<16xf32>,
      %add3A_3448 = arith.addf %add3A_3423, %get3A_3447 : vector<16xf32>
      %get3A_3449 = arith.constant 6 : i32
      %get3A_3450 = arith.index_cast %get3A_3449 : i32 to index
      %get3A_3451 = arith.constant 176 : index
      %get3A_3452 = tpu.vector_load %arg14[%get3A_3450, %get3A_3451] {strides = array<i32>} : memref<16x384xf32, #tpu.memory_space<vmem>>, vector<16xf32>,
      %add3A_3453 = arith.addf %add3A_3428, %get3A_3452 : vector<16xf32>
      %get3A_3454 = arith.constant 6 : i32
      %get3A_3455 = arith.index_cast %get3A_3454 : i32 to index
      %get3A_3456 = arith.constant 240 : index
      %get3A_3457 = tpu.vector_load %arg14[%get3A_3455, %get3A_3456] {strides = array<i32>} : memref<16x384xf32, #tpu.memory_space<vmem>>, vector<16xf32>,
      %add3A_3458 = arith.addf %add3A_3433, %get3A_3457 : vector<16xf32>
      %get3A_3459 = arith.constant 6 : i32
      %get3A_3460 = arith.index_cast %get3A_3459 : i32 to index
      %get3A_3461 = arith.constant 304 : index
      %get3A_3462 = tpu.vector_load %arg14[%get3A_3460, %get3A_3461] {strides = array<i32>} : memref<16x384xf32, #tpu.memory_space<vmem>>, vector<16xf32>,
      %add3A_3463 = arith.addf %add3A_3438, %get3A_3462 : vector<16xf32>
      %get3A_3464 = arith.constant 7 : i32
      %get3A_3465 = arith.index_cast %get3A_3464 : i32 to index
      %get3A_3466 = arith.constant 48 : index
      %get3A_3467 = tpu.vector_load %arg14[%get3A_3465, %get3A_3466] {strides = array<i32>} : memref<16x384xf32, #tpu.memory_space<vmem>>, vector<16xf32>,
      %add3A_3468 = arith.addf %add3A_3443, %get3A_3467 : vector<16xf32>
      %get3A_3469 = arith.constant 7 : i32
      %get3A_3470 = arith.index_cast %get3A_3469 : i32 to index
      %get3A_3471 = arith.constant 112 : index
      %get3A_3472 = tpu.vector_load %arg14[%get3A_3470, %get3A_3471] {strides = array<i32>} : memref<16x384xf32, #tpu.memory_space<vmem>>, vector<16xf32>,
      %add3A_3473 = arith.addf %add3A_3448, %get3A_3472 : vector<16xf32>
      %get3A_3474 = arith.constant 7 : i32
      %get3A_3475 = arith.index_cast %get3A_3474 : i32 to index
      %get3A_3476 = arith.constant 176 : index
      %get3A_3477 = tpu.vector_load %arg14[%get3A_3475, %get3A_3476] {strides = array<i32>} : memref<16x384xf32, #tpu.memory_space<vmem>>, vector<16xf32>,
      %add3A_3478 = arith.addf %add3A_3453, %get3A_3477 : vector<16xf32>
      %get3A_3479 = arith.constant 7 : i32
      %get3A_3480 = arith.index_cast %get3A_3479 : i32 to index
      %get3A_3481 = arith.constant 240 : index
      %get3A_3482 = tpu.vector_load %arg14[%get3A_3480, %get3A_3481] {strides = array<i32>} : memref<16x384xf32, #tpu.memory_space<vmem>>, vector<16xf32>,
      %add3A_3483 = arith.addf %add3A_3458, %get3A_3482 : vector<16xf32>
      %get3A_3484 = arith.constant 7 : i32
      %get3A_3485 = arith.index_cast %get3A_3484 : i32 to index
      %get3A_3486 = arith.constant 304 : index
      %get3A_3487 = tpu.vector_load %arg14[%get3A_3485, %get3A_3486] {strides = array<i32>} : memref<16x384xf32, #tpu.memory_space<vmem>>, vector<16xf32>,
      %add3A_3488 = arith.addf %add3A_3463, %get3A_3487 : vector<16xf32>
      %get3A_3489 = arith.constant 8 : i32
      %get3A_3490 = arith.index_cast %get3A_3489 : i32 to index
      %get3A_3491 = arith.constant 48 : index
      %get3A_3492 = tpu.vector_load %arg14[%get3A_3490, %get3A_3491] {strides = array<i32>} : memref<16x384xf32, #tpu.memory_space<vmem>>, vector<16xf32>,
      %add3A_3493 = arith.addf %add3A_3468, %get3A_3492 : vector<16xf32>
      %get3A_3494 = arith.constant 8 : i32
      %get3A_3495 = arith.index_cast %get3A_3494 : i32 to index
      %get3A_3496 = arith.constant 112 : index
      %get3A_3497 = tpu.vector_load %arg14[%get3A_3495, %get3A_3496] {strides = array<i32>} : memref<16x384xf32, #tpu.memory_space<vmem>>, vector<16xf32>,
      %add3A_3498 = arith.addf %add3A_3473, %get3A_3497 : vector<16xf32>
      %get3A_3499 = arith.constant 8 : i32
      %get3A_3500 = arith.index_cast %get3A_3499 : i32 to index
      %get3A_3501 = arith.constant 176 : index
      %get3A_3502 = tpu.vector_load %arg14[%get3A_3500, %get3A_3501] {strides = array<i32>} : memref<16x384xf32, #tpu.memory_space<vmem>>, vector<16xf32>,
      %add3A_3503 = arith.addf %add3A_3478, %get3A_3502 : vector<16xf32>
      %get3A_3504 = arith.constant 8 : i32
      %get3A_3505 = arith.index_cast %get3A_3504 : i32 to index
      %get3A_3506 = arith.constant 240 : index
      %get3A_3507 = tpu.vector_load %arg14[%get3A_3505, %get3A_3506] {strides = array<i32>} : memref<16x384xf32, #tpu.memory_space<vmem>>, vector<16xf32>,
      %add3A_3508 = arith.addf %add3A_3483, %get3A_3507 : vector<16xf32>
      %get3A_3509 = arith.constant 8 : i32
      %get3A_3510 = arith.index_cast %get3A_3509 : i32 to index
      %get3A_3511 = arith.constant 304 : index
      %get3A_3512 = tpu.vector_load %arg14[%get3A_3510, %get3A_3511] {strides = array<i32>} : memref<16x384xf32, #tpu.memory_space<vmem>>, vector<16xf32>,
      %add3A_3513 = arith.addf %add3A_3488, %get3A_3512 : vector<16xf32>
      %get3A_3514 = arith.constant 9 : i32
      %get3A_3515 = arith.index_cast %get3A_3514 : i32 to index
      %get3A_3516 = arith.constant 48 : index
      %get3A_3517 = tpu.vector_load %arg14[%get3A_3515, %get3A_3516] {strides = array<i32>} : memref<16x384xf32, #tpu.memory_space<vmem>>, vector<16xf32>,
      %add3A_3518 = arith.addf %add3A_3493, %get3A_3517 : vector<16xf32>
      %get3A_3519 = arith.constant 9 : i32
      %get3A_3520 = arith.index_cast %get3A_3519 : i32 to index
      %get3A_3521 = arith.constant 112 : index
      %get3A_3522 = tpu.vector_load %arg14[%get3A_3520, %get3A_3521] {strides = array<i32>} : memref<16x384xf32, #tpu.memory_space<vmem>>, vector<16xf32>,
      %add3A_3523 = arith.addf %add3A_3498, %get3A_3522 : vector<16xf32>
      %get3A_3524 = arith.constant 9 : i32
      %get3A_3525 = arith.index_cast %get3A_3524 : i32 to index
      %get3A_3526 = arith.constant 176 : index
      %get3A_3527 = tpu.vector_load %arg14[%get3A_3525, %get3A_3526] {strides = array<i32>} : memref<16x384xf32, #tpu.memory_space<vmem>>, vector<16xf32>,
      %add3A_3528 = arith.addf %add3A_3503, %get3A_3527 : vector<16xf32>
      %get3A_3529 = arith.constant 9 : i32
      %get3A_3530 = arith.index_cast %get3A_3529 : i32 to index
      %get3A_3531 = arith.constant 240 : index
      %get3A_3532 = tpu.vector_load %arg14[%get3A_3530, %get3A_3531] {strides = array<i32>} : memref<16x384xf32, #tpu.memory_space<vmem>>, vector<16xf32>,
      %add3A_3533 = arith.addf %add3A_3508, %get3A_3532 : vector<16xf32>
      %get3A_3534 = arith.constant 9 : i32
      %get3A_3535 = arith.index_cast %get3A_3534 : i32 to index
      %get3A_3536 = arith.constant 304 : index
      %get3A_3537 = tpu.vector_load %arg14[%get3A_3535, %get3A_3536] {strides = array<i32>} : memref<16x384xf32, #tpu.memory_space<vmem>>, vector<16xf32>,
      %add3A_3538 = arith.addf %add3A_3513, %get3A_3537 : vector<16xf32>
      %get3A_3539 = arith.constant 10 : i32
      %get3A_3540 = arith.index_cast %get3A_3539 : i32 to index
      %get3A_3541 = arith.constant 48 : index
      %get3A_3542 = tpu.vector_load %arg14[%get3A_3540, %get3A_3541] {strides = array<i32>} : memref<16x384xf32, #tpu.memory_space<vmem>>, vector<16xf32>,
      %add3A_3543 = arith.addf %add3A_3518, %get3A_3542 : vector<16xf32>
      %get3A_3544 = arith.constant 10 : i32
      %get3A_3545 = arith.index_cast %get3A_3544 : i32 to index
      %get3A_3546 = arith.constant 112 : index
      %get3A_3547 = tpu.vector_load %arg14[%get3A_3545, %get3A_3546] {strides = array<i32>} : memref<16x384xf32, #tpu.memory_space<vmem>>, vector<16xf32>,
      %add3A_3548 = arith.addf %add3A_3523, %get3A_3547 : vector<16xf32>
      %get3A_3549 = arith.constant 10 : i32
      %get3A_3550 = arith.index_cast %get3A_3549 : i32 to index
      %get3A_3551 = arith.constant 176 : index
      %get3A_3552 = tpu.vector_load %arg14[%get3A_3550, %get3A_3551] {strides = array<i32>} : memref<16x384xf32, #tpu.memory_space<vmem>>, vector<16xf32>,
      %add3A_3553 = arith.addf %add3A_3528, %get3A_3552 : vector<16xf32>
      %get3A_3554 = arith.constant 10 : i32
      %get3A_3555 = arith.index_cast %get3A_3554 : i32 to index
      %get3A_3556 = arith.constant 240 : index
      %get3A_3557 = tpu.vector_load %arg14[%get3A_3555, %get3A_3556] {strides = array<i32>} : memref<16x384xf32, #tpu.memory_space<vmem>>, vector<16xf32>,
      %add3A_3558 = arith.addf %add3A_3533, %get3A_3557 : vector<16xf32>
      %get3A_3559 = arith.constant 10 : i32
      %get3A_3560 = arith.index_cast %get3A_3559 : i32 to index
      %get3A_3561 = arith.constant 304 : index
      %get3A_3562 = tpu.vector_load %arg14[%get3A_3560, %get3A_3561] {strides = array<i32>} : memref<16x384xf32, #tpu.memory_space<vmem>>, vector<16xf32>,
      %add3A_3563 = arith.addf %add3A_3538, %get3A_3562 : vector<16xf32>
      %get3A_3564 = arith.constant 11 : i32
      %get3A_3565 = arith.index_cast %get3A_3564 : i32 to index
      %get3A_3566 = arith.constant 48 : index
      %get3A_3567 = tpu.vector_load %arg14[%get3A_3565, %get3A_3566] {strides = array<i32>} : memref<16x384xf32, #tpu.memory_space<vmem>>, vector<16xf32>,
      %add3A_3568 = arith.addf %add3A_3543, %get3A_3567 : vector<16xf32>
      %get3A_3569 = arith.constant 11 : i32
      %get3A_3570 = arith.index_cast %get3A_3569 : i32 to index
      %get3A_3571 = arith.constant 112 : index
      %get3A_3572 = tpu.vector_load %arg14[%get3A_3570, %get3A_3571] {strides = array<i32>} : memref<16x384xf32, #tpu.memory_space<vmem>>, vector<16xf32>,
      %add3A_3573 = arith.addf %add3A_3548, %get3A_3572 : vector<16xf32>
      %get3A_3574 = arith.constant 11 : i32
      %get3A_3575 = arith.index_cast %get3A_3574 : i32 to index
      %get3A_3576 = arith.constant 176 : index
      %get3A_3577 = tpu.vector_load %arg14[%get3A_3575, %get3A_3576] {strides = array<i32>} : memref<16x384xf32, #tpu.memory_space<vmem>>, vector<16xf32>,
      %add3A_3578 = arith.addf %add3A_3553, %get3A_3577 : vector<16xf32>
      %get3A_3579 = arith.constant 11 : i32
      %get3A_3580 = arith.index_cast %get3A_3579 : i32 to index
      %get3A_3581 = arith.constant 240 : index
      %get3A_3582 = tpu.vector_load %arg14[%get3A_3580, %get3A_3581] {strides = array<i32>} : memref<16x384xf32, #tpu.memory_space<vmem>>, vector<16xf32>,
      %add3A_3583 = arith.addf %add3A_3558, %get3A_3582 : vector<16xf32>
      %get3A_3584 = arith.constant 11 : i32
      %get3A_3585 = arith.index_cast %get3A_3584 : i32 to index
      %get3A_3586 = arith.constant 304 : index
      %get3A_3587 = tpu.vector_load %arg14[%get3A_3585, %get3A_3586] {strides = array<i32>} : memref<16x384xf32, #tpu.memory_space<vmem>>, vector<16xf32>,
      %add3A_3588 = arith.addf %add3A_3563, %get3A_3587 : vector<16xf32>
      %get3A_3589 = arith.constant 12 : i32
      %get3A_3590 = arith.index_cast %get3A_3589 : i32 to index
      %get3A_3591 = arith.constant 48 : index
      %get3A_3592 = tpu.vector_load %arg14[%get3A_3590, %get3A_3591] {strides = array<i32>} : memref<16x384xf32, #tpu.memory_space<vmem>>, vector<16xf32>,
      %add3A_3593 = arith.addf %add3A_3568, %get3A_3592 : vector<16xf32>
      %get3A_3594 = arith.constant 12 : i32
      %get3A_3595 = arith.index_cast %get3A_3594 : i32 to index
      %get3A_3596 = arith.constant 112 : index
      %get3A_3597 = tpu.vector_load %arg14[%get3A_3595, %get3A_3596] {strides = array<i32>} : memref<16x384xf32, #tpu.memory_space<vmem>>, vector<16xf32>,
      %add3A_3598 = arith.addf %add3A_3573, %get3A_3597 : vector<16xf32>
      %get3A_3599 = arith.constant 12 : i32
      %get3A_3600 = arith.index_cast %get3A_3599 : i32 to index
      %get3A_3601 = arith.constant 176 : index
      %get3A_3602 = tpu.vector_load %arg14[%get3A_3600, %get3A_3601] {strides = array<i32>} : memref<16x384xf32, #tpu.memory_space<vmem>>, vector<16xf32>,
      %add3A_3603 = arith.addf %add3A_3578, %get3A_3602 : vector<16xf32>
      %get3A_3604 = arith.constant 12 : i32
      %get3A_3605 = arith.index_cast %get3A_3604 : i32 to index
      %get3A_3606 = arith.constant 240 : index
      %get3A_3607 = tpu.vector_load %arg14[%get3A_3605, %get3A_3606] {strides = array<i32>} : memref<16x384xf32, #tpu.memory_space<vmem>>, vector<16xf32>,
      %add3A_3608 = arith.addf %add3A_3583, %get3A_3607 : vector<16xf32>
      %get3A_3609 = arith.constant 12 : i32
      %get3A_3610 = arith.index_cast %get3A_3609 : i32 to index
      %get3A_3611 = arith.constant 304 : index
      %get3A_3612 = tpu.vector_load %arg14[%get3A_3610, %get3A_3611] {strides = array<i32>} : memref<16x384xf32, #tpu.memory_space<vmem>>, vector<16xf32>,
      %add3A_3613 = arith.addf %add3A_3588, %get3A_3612 : vector<16xf32>
      %get3A_3614 = arith.constant 13 : i32
      %get3A_3615 = arith.index_cast %get3A_3614 : i32 to index
      %get3A_3616 = arith.constant 48 : index
      %get3A_3617 = tpu.vector_load %arg14[%get3A_3615, %get3A_3616] {strides = array<i32>} : memref<16x384xf32, #tpu.memory_space<vmem>>, vector<16xf32>,
      %add3A_3618 = arith.addf %add3A_3593, %get3A_3617 : vector<16xf32>
      %get3A_3619 = arith.constant 13 : i32
      %get3A_3620 = arith.index_cast %get3A_3619 : i32 to index
      %get3A_3621 = arith.constant 112 : index
      %get3A_3622 = tpu.vector_load %arg14[%get3A_3620, %get3A_3621] {strides = array<i32>} : memref<16x384xf32, #tpu.memory_space<vmem>>, vector<16xf32>,
      %add3A_3623 = arith.addf %add3A_3598, %get3A_3622 : vector<16xf32>
      %get3A_3624 = arith.constant 13 : i32
      %get3A_3625 = arith.index_cast %get3A_3624 : i32 to index
      %get3A_3626 = arith.constant 176 : index
      %get3A_3627 = tpu.vector_load %arg14[%get3A_3625, %get3A_3626] {strides = array<i32>} : memref<16x384xf32, #tpu.memory_space<vmem>>, vector<16xf32>,
      %add3A_3628 = arith.addf %add3A_3603, %get3A_3627 : vector<16xf32>
      %get3A_3629 = arith.constant 13 : i32
      %get3A_3630 = arith.index_cast %get3A_3629 : i32 to index
      %get3A_3631 = arith.constant 240 : index
      %get3A_3632 = tpu.vector_load %arg14[%get3A_3630, %get3A_3631] {strides = array<i32>} : memref<16x384xf32, #tpu.memory_space<vmem>>, vector<16xf32>,
      %add3A_3633 = arith.addf %add3A_3608, %get3A_3632 : vector<16xf32>
      %get3A_3634 = arith.constant 13 : i32
      %get3A_3635 = arith.index_cast %get3A_3634 : i32 to index
      %get3A_3636 = arith.constant 304 : index
      %get3A_3637 = tpu.vector_load %arg14[%get3A_3635, %get3A_3636] {strides = array<i32>} : memref<16x384xf32, #tpu.memory_space<vmem>>, vector<16xf32>,
      %add3A_3638 = arith.addf %add3A_3613, %get3A_3637 : vector<16xf32>
      %get3A_3639 = arith.constant 14 : i32
      %get3A_3640 = arith.index_cast %get3A_3639 : i32 to index
      %get3A_3641 = arith.constant 48 : index
      %get3A_3642 = tpu.vector_load %arg14[%get3A_3640, %get3A_3641] {strides = array<i32>} : memref<16x384xf32, #tpu.memory_space<vmem>>, vector<16xf32>,
      %add3A_3643 = arith.addf %add3A_3618, %get3A_3642 : vector<16xf32>
      %get3A_3644 = arith.constant 14 : i32
      %get3A_3645 = arith.index_cast %get3A_3644 : i32 to index
      %get3A_3646 = arith.constant 112 : index
      %get3A_3647 = tpu.vector_load %arg14[%get3A_3645, %get3A_3646] {strides = array<i32>} : memref<16x384xf32, #tpu.memory_space<vmem>>, vector<16xf32>,
      %add3A_3648 = arith.addf %add3A_3623, %get3A_3647 : vector<16xf32>
      %get3A_3649 = arith.constant 14 : i32
      %get3A_3650 = arith.index_cast %get3A_3649 : i32 to index
      %get3A_3651 = arith.constant 176 : index
      %get3A_3652 = tpu.vector_load %arg14[%get3A_3650, %get3A_3651] {strides = array<i32>} : memref<16x384xf32, #tpu.memory_space<vmem>>, vector<16xf32>,
      %add3A_3653 = arith.addf %add3A_3628, %get3A_3652 : vector<16xf32>
      %get3A_3654 = arith.constant 14 : i32
      %get3A_3655 = arith.index_cast %get3A_3654 : i32 to index
      %get3A_3656 = arith.constant 240 : index
      %get3A_3657 = tpu.vector_load %arg14[%get3A_3655, %get3A_3656] {strides = array<i32>} : memref<16x384xf32, #tpu.memory_space<vmem>>, vector<16xf32>,
      %add3A_3658 = arith.addf %add3A_3633, %get3A_3657 : vector<16xf32>
      %get3A_3659 = arith.constant 14 : i32
      %get3A_3660 = arith.index_cast %get3A_3659 : i32 to index
      %get3A_3661 = arith.constant 304 : index
      %get3A_3662 = tpu.vector_load %arg14[%get3A_3660, %get3A_3661] {strides = array<i32>} : memref<16x384xf32, #tpu.memory_space<vmem>>, vector<16xf32>,
      %add3A_3663 = arith.addf %add3A_3638, %get3A_3662 : vector<16xf32>
      %get3A_3664 = arith.constant 15 : i32
      %get3A_3665 = arith.index_cast %get3A_3664 : i32 to index
      %get3A_3666 = arith.constant 48 : index
      %get3A_3667 = tpu.vector_load %arg14[%get3A_3665, %get3A_3666] {strides = array<i32>} : memref<16x384xf32, #tpu.memory_space<vmem>>, vector<16xf32>,
      %add3A_3668 = arith.addf %add3A_3643, %get3A_3667 : vector<16xf32>
      %get3A_3669 = arith.constant 15 : i32
      %get3A_3670 = arith.index_cast %get3A_3669 : i32 to index
      %get3A_3671 = arith.constant 112 : index
      %get3A_3672 = tpu.vector_load %arg14[%get3A_3670, %get3A_3671] {strides = array<i32>} : memref<16x384xf32, #tpu.memory_space<vmem>>, vector<16xf32>,
      %add3A_3673 = arith.addf %add3A_3648, %get3A_3672 : vector<16xf32>
      %get3A_3674 = arith.constant 15 : i32
      %get3A_3675 = arith.index_cast %get3A_3674 : i32 to index
      %get3A_3676 = arith.constant 176 : index
      %get3A_3677 = tpu.vector_load %arg14[%get3A_3675, %get3A_3676] {strides = array<i32>} : memref<16x384xf32, #tpu.memory_space<vmem>>, vector<16xf32>,
      %add3A_3678 = arith.addf %add3A_3653, %get3A_3677 : vector<16xf32>
      %get3A_3679 = arith.constant 15 : i32
      %get3A_3680 = arith.index_cast %get3A_3679 : i32 to index
      %get3A_3681 = arith.constant 240 : index
      %get3A_3682 = tpu.vector_load %arg14[%get3A_3680, %get3A_3681] {strides = array<i32>} : memref<16x384xf32, #tpu.memory_space<vmem>>, vector<16xf32>,
      %add3A_3683 = arith.addf %add3A_3658, %get3A_3682 : vector<16xf32>
      %get3A_3684 = arith.constant 15 : i32
      %get3A_3685 = arith.index_cast %get3A_3684 : i32 to index
      %get3A_3686 = arith.constant 304 : index
      %get3A_3687 = tpu.vector_load %arg14[%get3A_3685, %get3A_3686] {strides = array<i32>} : memref<16x384xf32, #tpu.memory_space<vmem>>, vector<16xf32>,
      %add3A_3688 = arith.addf %add3A_3663, %get3A_3687 : vector<16xf32>
      %ge3A_3689 = arith.constant 2.000000e+00 : f32
      %ge3A_3690 = vector.broadcast %ge3A_3689 : f32 to vector<16xf32>
      %ge3A_3691 = arith.cmpf oge, %add3A_3668, %ge3A_3690 : vector<16xf32>
      %gt3A_3692 = arith.constant 5.000000e-01 : f32
      %gt3A_3693 = vector.broadcast %gt3A_3692 : f32 to vector<16xf32>
      %gt3A_3694 = arith.cmpf ogt, %add3A_3673, %gt3A_3693 : vector<16xf32>
      %sub3A_3695 = arith.subf %add3A_3668, %add3A_3673 : vector<16xf32>
      %mul3A_3696 = arith.constant 0.006737947 : f32
      %mul3A_3697 = vector.broadcast %mul3A_3696 : f32 to vector<16xf32>
      %mul3A_3698 = arith.mulf %sub3A_3695, %mul3A_3697 : vector<16xf32>
      %add3A_3699 = arith.addf %add3A_3673, %mul3A_3698 : vector<16xf32>
      %select_n3A_3700 = arith.select %gt3A_3694, %add3A_3699, %add3A_3668 : vector<16xi1>, vector<16xf32>
      %max3A_3701 = arith.constant 1.000000e-30 : f32
      %max3A_3702 = vector.broadcast %max3A_3701 : f32 to vector<16xf32>
      %max3A_3703 = arith.maximumf %select_n3A_3700, %max3A_3702 : vector<16xf32>
      %jit3A_3704 = arith.constant 0.006737947 : f32
      %jit3A_3705 = arith.constant 1.000000e+00 : f32
      %broadcast_in_dim3A_3706 = vector.broadcast %jit3A_3704 : f32 to vector<16xf32>
      %broadcast_in_dim3A_3707 = vector.broadcast %jit3A_3705 : f32 to vector<16xf32>
      %select_n3A_3708 = arith.select %gt3A_3694, %broadcast_in_dim3A_3706, %broadcast_in_dim3A_3707 : vector<16xi1>, vector<16xf32>
      %div3A_3709 = arith.divf %select_n3A_3708, %max3A_3703 : vector<16xf32>
      %div3A_3710 = arith.constant 1.000000e+00 : f32
      %div3A_3711 = vector.broadcast %div3A_3710 : f32 to vector<16xf32>
      %div3A_3712 = arith.divf %div3A_3711, %max3A_3703 : vector<16xf32>
      %max3A_3713 = arith.constant 1.000000e-30 : f32
      %max3A_3714 = vector.broadcast %max3A_3713 : f32 to vector<16xf32>
      %max3A_3715 = arith.maximumf %add3A_3678, %max3A_3714 : vector<16xf32>
      %bitcast3A_3716 = vector.bitcast %max3A_3715 : vector<16xf32> to vector<16xi32>
      %shift_right_arithmetic3A_3717 = arith.constant 23 : i32
      %shift_right_arithmetic3A_3718 = vector.broadcast %shift_right_arithmetic3A_3717 : i32 to vector<16xi32>
      %shift_right_arithmetic3A_3719 = arith.shrsi %bitcast3A_3716, %shift_right_arithmetic3A_3718 : vector<16xi32>
      %and3A_3720 = arith.constant 255 : i32
      %and3A_3721 = vector.broadcast %and3A_3720 : i32 to vector<16xi32>
      %and3A_3722 = arith.andi %shift_right_arithmetic3A_3719, %and3A_3721 : vector<16xi32>
      %and3A_3723 = arith.constant 8388607 : i32
      %and3A_3724 = vector.broadcast %and3A_3723 : i32 to vector<16xi32>
      %and3A_3725 = arith.andi %bitcast3A_3716, %and3A_3724 : vector<16xi32>
      %or3A_3726 = arith.constant 1065353216 : i32
      %or3A_3727 = vector.broadcast %or3A_3726 : i32 to vector<16xi32>
      %or3A_3728 = arith.ori %and3A_3725, %or3A_3727 : vector<16xi32>
      %bitcast3A_3729 = vector.bitcast %or3A_3728 : vector<16xi32> to vector<16xf32>
      %gt3A_3730 = arith.constant 1.41421354 : f32
      %gt3A_3731 = vector.broadcast %gt3A_3730 : f32 to vector<16xf32>
      %gt3A_3732 = arith.cmpf ogt, %bitcast3A_3729, %gt3A_3731 : vector<16xf32>
      %mul3A_3733 = arith.constant 5.000000e-01 : f32
      %mul3A_3734 = vector.broadcast %mul3A_3733 : f32 to vector<16xf32>
      %mul3A_3735 = arith.mulf %bitcast3A_3729, %mul3A_3734 : vector<16xf32>
      %select_n3A_3736 = arith.select %gt3A_3732, %mul3A_3735, %bitcast3A_3729 : vector<16xi1>, vector<16xf32>
      %jit3A_3737 = arith.constant 126 : i32
      %jit3A_3738 = arith.constant 127 : i32
      %broadcast_in_dim3A_3739 = vector.broadcast %jit3A_3737 : i32 to vector<16xi32>
      %broadcast_in_dim3A_3740 = vector.broadcast %jit3A_3738 : i32 to vector<16xi32>
      %select_n3A_3741 = arith.select %gt3A_3732, %broadcast_in_dim3A_3739, %broadcast_in_dim3A_3740 : vector<16xi1>, vector<16xi32>
      %sub3A_3742 = arith.subi %and3A_3722, %select_n3A_3741 : vector<16xi32>
      %convert_element_type3A_3743 = arith.sitofp %sub3A_3742 : vector<16xi32> to vector<16xf32>
      %sub3A_3744 = arith.constant 1.000000e+00 : f32
      %sub3A_3745 = vector.broadcast %sub3A_3744 : f32 to vector<16xf32>
      %sub3A_3746 = arith.subf %select_n3A_3736, %sub3A_3745 : vector<16xf32>
      %add3A_3747 = arith.constant 1.000000e+00 : f32
      %add3A_3748 = vector.broadcast %add3A_3747 : f32 to vector<16xf32>
      %add3A_3749 = arith.addf %select_n3A_3736, %add3A_3748 : vector<16xf32>
      %div3A_3750 = arith.divf %sub3A_3746, %add3A_3749 : vector<16xf32>
      %mul3A_3751 = arith.mulf %div3A_3750, %div3A_3750 : vector<16xf32>
      %mul3A_3752 = arith.constant 0.111111112 : f32
      %mul3A_3753 = vector.broadcast %mul3A_3752 : f32 to vector<16xf32>
      %mul3A_3754 = arith.mulf %mul3A_3751, %mul3A_3753 : vector<16xf32>
      %add3A_3755 = arith.constant 0.142857149 : f32
      %add3A_3756 = vector.broadcast %add3A_3755 : f32 to vector<16xf32>
      %add3A_3757 = arith.addf %add3A_3756, %mul3A_3754 : vector<16xf32>
      %mul3A_3758 = arith.mulf %mul3A_3751, %add3A_3757 : vector<16xf32>
      %add3A_3759 = arith.constant 2.000000e-01 : f32
      %add3A_3760 = vector.broadcast %add3A_3759 : f32 to vector<16xf32>
      %add3A_3761 = arith.addf %add3A_3760, %mul3A_3758 : vector<16xf32>
      %mul3A_3762 = arith.mulf %mul3A_3751, %add3A_3761 : vector<16xf32>
      %add3A_3763 = arith.constant 0.333333343 : f32
      %add3A_3764 = vector.broadcast %add3A_3763 : f32 to vector<16xf32>
      %add3A_3765 = arith.addf %add3A_3764, %mul3A_3762 : vector<16xf32>
      %mul3A_3766 = arith.mulf %mul3A_3751, %add3A_3765 : vector<16xf32>
      %add3A_3767 = arith.constant 1.000000e+00 : f32
      %add3A_3768 = vector.broadcast %add3A_3767 : f32 to vector<16xf32>
      %add3A_3769 = arith.addf %add3A_3768, %mul3A_3766 : vector<16xf32>
      %mul3A_3770 = arith.constant 0.693147182 : f32
      %mul3A_3771 = vector.broadcast %mul3A_3770 : f32 to vector<16xf32>
      %mul3A_3772 = arith.mulf %convert_element_type3A_3743, %mul3A_3771 : vector<16xf32>
      %mul3A_3773 = arith.constant 2.000000e+00 : f32
      %mul3A_3774 = vector.broadcast %mul3A_3773 : f32 to vector<16xf32>
      %mul3A_3775 = arith.mulf %mul3A_3774, %div3A_3750 : vector<16xf32>
      %mul3A_3776 = arith.mulf %mul3A_3775, %add3A_3769 : vector<16xf32>
      %add3A_3777 = arith.addf %mul3A_3772, %mul3A_3776 : vector<16xf32>
      %mul3A_3778 = arith.mulf %div3A_3709, %add3A_3683 : vector<16xf32>
      %sub3A_3779 = arith.subf %add3A_3777, %mul3A_3778 : vector<16xf32>
      %mul3A_3780 = arith.mulf %div3A_3712, %add3A_3688 : vector<16xf32>
      %sub3A_3781 = arith.subf %sub3A_3779, %mul3A_3780 : vector<16xf32>
      %jit3A_3782 = arith.constant 0.000000e+00 : f32
      %broadcast_in_dim3A_3783 = vector.broadcast %jit3A_3782 : f32 to vector<16xf32>
      %select_n3A_3784 = arith.select %ge3A_3691, %sub3A_3781, %broadcast_in_dim3A_3783 : vector<16xi1>, vector<16xf32>
      %add3A_3785 = arith.addf %add3A_3283, %select_n3A_3784 : vector<16xf32>
      %jit3A_3786 = arith.constant 1.000000e+00 : f32
      %jit3A_3787 = arith.constant 0.000000e+00 : f32
      %broadcast_in_dim3A_3788 = vector.broadcast %jit3A_3786 : f32 to vector<16xf32>
      %broadcast_in_dim3A_3789 = vector.broadcast %jit3A_3787 : f32 to vector<16xf32>
      %select_n3A_3790 = arith.select %ge3A_3691, %broadcast_in_dim3A_3788, %broadcast_in_dim3A_3789 : vector<16xi1>, vector<16xf32>
      %reduce_sum3A_3791 = arith.constant true
      %reduce_sum3A_3792 = vector.broadcast %reduce_sum3A_3791 : i1 to vector<16xi1>
      %reduce_sum3A_3793 = tpu.scan <sum>, %select_n3A_3790 masked %reduce_sum3A_3792 : vector<16xf32>, vector<16xi1> -> vector<16xf32>
      %reduce_sum3A_3794 = vector.extract %reduce_sum3A_3793[15] : f32 from vector<16xf32>
      %add3A_3795 = arith.addf %add3A_3293, %reduce_sum3A_3794 : f32
      %reduce_sum3A_3796 = arith.constant true
      %reduce_sum3A_3797 = vector.broadcast %reduce_sum3A_3796 : i1 to vector<16xi1>
      %reduce_sum3A_3798 = tpu.scan <sum>, %add3A_3785 masked %reduce_sum3A_3797 : vector<16xf32>, vector<16xi1> -> vector<16xf32>
      %reduce_sum3A_3799 = vector.extract %reduce_sum3A_3798[15] : f32 from vector<16xf32>
      %max3A_3800 = arith.constant 1.000000e+00 : f32
      %max3A_3801 = arith.maximumf %add3A_3795, %max3A_3800 : f32
      %broadcast_in_dim3A_3802 = arith.constant 0.000000e+00 : f32
      %broadcast_in_dim3A_3803 = vector.broadcast %broadcast_in_dim3A_3802 : f32 to vector<16xf32>
      %add3A_3804 = vector.broadcast %max3A_3801 : f32 to vector<16xf32>
      %add3A_3805 = arith.addf %add3A_3804, %broadcast_in_dim3A_3803 : vector<16xf32>
      %eq3A_3806 = arith.constant 0 : i32
      %eq3A_3807 = vector.broadcast %eq3A_3806 : i32 to vector<16xi32>
      %eq3A_3808 = arith.cmpi eq, %iota3A, %eq3A_3807 : vector<16xi32>
      %jit3A_3809 = arith.constant 0.000000e+00 : f32
      %broadcast_in_dim3A_3810 = vector.broadcast %reduce_sum3A_3799 : f32 to vector<16xf32>
      %broadcast_in_dim3A_3811 = vector.broadcast %jit3A_3809 : f32 to vector<16xf32>
      %select_n3A_3812 = arith.select %eq3A_3808, %broadcast_in_dim3A_3810, %broadcast_in_dim3A_3811 : vector<16xi1>, vector<16xf32>
      %div3A_3813 = arith.divf %select_n3A_3812, %add3A_3805 : vector<16xf32>
      %swap3A_3814 = arith.constant 0 : index
      %swap3A_3815 = tpu.vector_load %arg15[%swap3A_3814] {strides = array<i32>} : memref<16xf32, #tpu.memory_space<vmem>>, vector<16xf32>,
      tpu.vector_store %arg15[%swap3A_3814], %div3A_3813 {strides = array<i32>} : memref<16xf32, #tpu.memory_space<vmem>>, vector<16xf32>,
      "tpu.region"() ({
        %run_scoped3A = tpu.sem_alloc : memref<!tpu.dma_semaphore, #tpu.memory_space<semaphore_mem>>
        tpu.enqueue_dma source(%arg15 : memref<16xf32, #tpu.memory_space<vmem>>) target(%arg6 : memref<16xf32, #tpu.memory_space<hbm>>) target_semaphore(%run_scoped3A : memref<!tpu.dma_semaphore, #tpu.memory_space<semaphore_mem>>)
        tpu.wait_dma2 semaphore(%run_scoped3A : memref<!tpu.dma_semaphore, #tpu.memory_space<semaphore_mem>>) src(%arg15 : memref<16xf32, #tpu.memory_space<vmem>>) dst(%arg6 : memref<16xf32, #tpu.memory_space<hbm>>)
        tpu.yield
      }) : () -> ()
    } else {
    }
    return
  }
}

</mosaic_0001>

<sc_bundles>
// kernel: kernel.3.cloned.1.call-start
scs
__scs_entry_jumppad:
0x0: {  	(pc) =	sbr.rel $0x88, $3  }
0x1: {  	(tag) =	ssettag $0x0;
	lr =	simm.s32 $0x1  }
0x2: {  	[smem:$0x3F9E] =	sst lr;
	_ =	strace $0xD0000000  }
0x3: {  	_ = 	snop  }
0x4: {  	_ = 	snop  }
0x5: {  	_ = 	snop  }
0x6: {  	_ = 	snop  }
0x7: {  	_ = 	snop  }
__scs_overlays_trampoline_lowered:
0x8: {  	[smem:$0x3FAD] =	sst s0  }
0x9: {  	[smem:$0x3FAE] =	sst s1  }
0xa: {  	[smem:$0x3FAF] =	sst s2  }
0xb: {  	[smem:$0x3FB0] =	sst s3  }
0xc: {  	[smem:$0x3FB1] =	sst s4  }
0xd: {  	[smem:$0x3FB2] =	sst s5  }
0xe: {  	[smem:$0x3FB3] =	sst s6  }
0xf: {  	[smem:$0x3FB4] =	sst s7  }
0x10: {  	[smem:$0x3FB5] =	sst s8  }
0x11: {  	[smem:$0x3FB6] =	sst s9;
	s0 =	simm.s32 @!p0 $0x0  }
0x12: {  	s1 =	sld [smem:$0x3F9C];
	s0 =	simm.s32 @p0 $0x1  }
0x13: {  	[smem:$0x3FB7] =	sst s0;
	s0 =	simm.s32 @!p1 $0x0  }
0x14: {  	s2 =	sld [smem:$0x3F9B];
	s0 =	simm.s32 @p1 $0x1  }
0x15: {  	[smem:$0x3FB8] =	sst s0;
	s0 =	simm.s32 @!p2 $0x0  }
0x16: {  	s3 =	sld [smem:$0x3FDB];
	s0 =	simm.s32 @p2 $0x1  }
0x17: {  	s4 =	simm.s32 $0x1BF5;
	[smem:$0x3FBA] =	sst s0  }
0x18: {  	s0 =	sld [smem:$0x3F9D];
	_ =	swait.ge [sflag:s4], $0x0  }
0x19: {  	s7 =	sld [smem:$0x3F9E]  }
0x1a: {  	s8 =	sadd.s32 $0xFFFFE003, lr  }
0x1b: {  	s9 =	sadd.s32 $0xFFFFFEF7, lr;
	s5 =	simm.s32 $0xFFFFFFFF;
	p2 =	slt.u32 s8, $0xFFFFF086  }
0x1c: {  	p1 =	slt.u32 s9, $0xF7A;
	s5 =	simm.s32 @!p2 $0x0  }
0x1d: {  	s5 =	simm.s32 @p1 $0x1;
	p0 =	seq.s32 s7, s2  }
0x1e: {  	s7 =	smul.u32 @!p0 $0xF7A, s2;
	p2 =	seq.s32 @!p0 s5, $0x0  }
0x1f: {  	s9 =	smul.u32 $0xF7A, s1;
	s8 =	simm.s32 @!p0 $0x1BF5;
	p2 =	por !p2, p0  }
0x20: {  	[sflag:s8] =	ssyncset.s32 @!p0 $0xFFFFF086;
	s6 =	sadd.s32 @!p0 s3, s7;
	s7 =	simm.s32 @!p0 $0x108  }
0x21: {  	s3 =	sadd.s32 s3, s9;
	s6 =	sadd.s32 @!p0 $0x88, s6;
	s7 =	simm.s32 @p2 $0x1082  }
0x22: {  	[simem:s7], [sflag:s8] =	dma.local @!p0 [hbm:s6], $0xF7A  }
0x23: {  	s9 =	sor.u32 $0xD0000000, s2;
	s6 =	simm.s32 $0x108;
	_ =	swait.ge @!p0 [sflag:s8], $0x0  }
0x24: {  	s3 =	sadd.s32 $0x88, s3;
	s6 =	simm.s32 @!p1 $0x1082;
	[sflag:s4] =	ssyncset.s32 $0xFFFFF086  }
0x25: {  	[simem:s6], [sflag:s4] =	dma.local [hbm:s3], $0xF7A  }
0x26: {  	[smem:$0x3F9E] =	sst s1;
	(tag) =	ssettag s2;
	_ =	strace s9  }
0x27: {  	s1 =	sld [smem:$0x3FAE]  }
0x28: {  	s2 =	sld [smem:$0x3FAF]  }
0x29: {  	s4 =	sld [smem:$0x3FB1]  }
0x2a: {  	p0 =	seq.s32 s5, $0x0;
	s5 =	sld [smem:$0x3FB2]  }
0x2b: {  	s6 =	sld [smem:$0x3FB3]  }
0x2c: {  	s7 =	sld [smem:$0x3FB4]  }
0x2d: {  	s3 =	simm.s32 $0x108;
	s8 =	sld [smem:$0x3FB5]  }
0x2e: {  	s3 =	simm.s32 @!p0 $0x1082;
	s9 =	sld [smem:$0x3FB6]  }
0x2f: {  	lr =	sadd.s32 s0, s3;
	s0 =	sld [smem:$0x3FAD]  }
0x30: {  	s3 =	sld [smem:$0x3FB0]  }
0x31: {  	[smem:$0x3FB9] =	sst s10  }
0x32: {  	s10 =	sld [smem:$0x3FB7];
	_ =	sdelay $0x3  }
0x33: {  	p0 =	seq.s32 s10, $0x1;
	s10 =	sld [smem:$0x3FB9];
	_ =	sdelay $0x3  }
0x34: {  	[smem:$0x3FB9] =	sst s10  }
0x35: {  	s10 =	sld [smem:$0x3FB8];
	_ =	sdelay $0x3  }
0x36: {  	p1 =	seq.s32 s10, $0x1;
	s10 =	sld [smem:$0x3FB9];
	_ =	sdelay $0x3  }
0x37: {  	[smem:$0x3FB9] =	sst s10  }
0x38: {  	s10 =	sld [smem:$0x3FBA]  }
0x39: {  	_ = 	snop;
	(pc) =	sbr.ind lr, $3  }
0x3a: {  	_ = 	snop  }
0x3b: {  	_ = 	snop  }
0x3c: {  	p2 =	seq.s32 s10, $0x1;
	s10 =	sld [smem:$0x3FB9]  }
0x3d: {  	_ =	shalt  }
0x3e: {  	_ =	shalt  }
0x3f: {  	_ =	shalt  }
0x40: {  	_ =	shalt  }
0x41: {  	_ =	shalt  }
0x42: {  	_ =	shalt  }
0x43: {  	_ =	shalt  }
0x44: {  	_ =	shalt  }
0x45: {  	_ =	shalt  }
0x46: {  	_ =	shalt  }
0x47: {  	_ =	shalt  }
0x48: {  	_ =	shalt  }
0x49: {  	_ =	shalt  }
0x4a: {  	_ =	shalt  }
0x4b: {  	_ =	shalt  }
0x4c: {  	_ =	shalt  }
0x4d: {  	_ =	shalt  }
0x4e: {  	_ =	shalt  }
0x4f: {  	_ =	shalt  }
0x50: {  	_ =	shalt  }
0x51: {  	_ =	shalt  }
0x52: {  	_ =	shalt  }
0x53: {  	_ =	shalt  }
0x54: {  	_ =	shalt  }
0x55: {  	_ =	shalt  }
0x56: {  	_ =	shalt  }
0x57: {  	_ =	shalt  }
0x58: {  	_ =	shalt  }
0x59: {  	_ =	shalt  }
0x5a: {  	_ =	shalt  }
0x5b: {  	_ =	shalt  }
0x5c: {  	_ =	shalt  }
0x5d: {  	_ =	shalt  }
0x5e: {  	_ =	shalt  }
0x5f: {  	_ =	shalt  }
0x60: {  	_ =	shalt  }
0x61: {  	_ =	shalt  }
0x62: {  	_ =	shalt  }
0x63: {  	_ =	shalt  }
0x64: {  	_ =	shalt  }
0x65: {  	_ =	shalt  }
0x66: {  	_ =	shalt  }
0x67: {  	_ =	shalt  }
0x68: {  	_ =	shalt  }
0x69: {  	_ =	shalt  }
0x6a: {  	_ =	shalt  }
0x6b: {  	_ =	shalt  }
0x6c: {  	_ =	shalt  }
0x6d: {  	_ =	shalt  }
0x6e: {  	_ =	shalt  }
0x6f: {  	_ =	shalt  }
0x70: {  	_ =	shalt  }
0x71: {  	_ =	shalt  }
0x72: {  	_ =	shalt  }
0x73: {  	_ =	shalt  }
0x74: {  	_ =	shalt  }
0x75: {  	_ =	shalt  }
0x76: {  	_ =	shalt  }
0x77: {  	_ =	shalt  }
0x78: {  	_ =	shalt  }
0x79: {  	_ =	shalt  }
0x7a: {  	_ =	shalt  }
0x7b: {  	_ =	shalt  }
0x7c: {  	_ =	shalt  }
0x7d: {  	_ =	shalt  }
0x7e: {  	_ =	shalt  }
0x7f: {  	_ =	shalt  }
0x80: {  	_ =	shalt  }
0x81: {  	_ =	shalt  }
0x82: {  	_ =	shalt  }
0x83: {  	_ =	shalt  }
0x84: {  	_ =	shalt  }
0x85: {  	_ =	shalt  }
0x86: {  	_ =	shalt  }
0x87: {  	_ =	shalt  }
.Lfunc_end0:
.L_simem_size_0:
called_computation_lowered:
.L_overlay_start_0:
0x88: {  	s0 =	sld [smem:$0x3FD9]  }
0x89: {  	s1 =	sld [smem:$0x3FFE];
	_ =	sdelay $0x3  }
0x8a: {  	s0 =	sadd.s32 s1, s0  }
0x8b: {  	[smem:$0x3FC5] =	sst s0  }
0x8c: {  	_ = 	snop  }
0x8d: {  	s0 =	sld [smem:$0x3FD0];
	(tm) =	ssettm $0x1  }
0x8e: {  	s16 =	sld [smem:$0x3FFB];
	_ =	sdelay $0x3  }
0x8f: {  	_ =	strace s16  }
0x90: {  	s1 =	sld [smem:$0x3FFC];
	_ =	sdelay $0x3  }
0x91: {  	_ =	strace s1  }
0x92: {  	s1 =	sld [smem:$0x3FFD];
	_ =	sdelay $0x3  }
0x93: {  	_ =	strace s1  }
0x94: {  	_ =	strace $0x8FFFFFFF  }
0x95: {  	s17 =	sld [smem:$0x3FDB];
	_ =	sdelay $0x1  }
0x96: {  	s2 =	simm.s32 $_scs_section_size  }
0x97: {  	s3 =	simm.s32 $_size__tile_overlayer_lowered;
	s4 =	simm.s32 $_tile_overlayer_lowered  }
0x98: {  	s20 =	simm.s32 $0x1BFF;
	s19 =	sshll.u32 s4, $0x1;
	s1 =	sadd.s32 s2, s17  }
0x99: {  	s5 =	simm.s32 $0x0;
	s18 =	sshll.u32 s3, $0x1;
	s3 =	sadd.s32 s19, s1  }
0x9a: {  	[timem:s5], [sflag:s20] =	dma.local [hbm:s3], s18  }
0x9b: {  	_ =	swait.ge [sflag:s20], s18  }
0x9c: {  	s2 =	ssub.s32 $0x0, s18;
	[sflag:s20] =	ssyncset.done $0x0  }
0x9d: {  	[sflag:s20] =	ssyncadd.s32 s2;
	_ =	sdelay $0x1  }
0x9e: {  	s21 =	simm.s32 $0x1B8B  }
0x9f: {  	_ =	swait.ge [sflag:s21], $0x1  }
0xa0: {  	[sflag:s21] =	ssyncset.done $0x0  }
0xa1: {  	s23 =	simm.s32 $0x1B8E;
	s22 =	sld [smem:$0x3FFE];
	[sflag:s21] =	ssyncadd.s32 $0xFFFFFFFF  }
0xa2: {  	s24 =	simm.s32 $execute0_lowered;
	[smem:$0x3FD2] =	sst s23  }
0xa3: {  	s3 =	sshll.u32 s24, $0x1;
	_ =	strace $0x80000046;
	[dreg:$0x1] =	wrdreg $0xFFFFFFFF  }
0xa4: {  	s25 =	simm.s32 $_size_execute0_lowered;
	s1 =	sadd.s32 s1, s3;
	[dreg:$0x0] =	wrdreg $0x0  }
0xa5: {  	s3 =	sshll.u32 s25, $0x1;
	[dreg:$0x2] =	wrdreg s1  }
0xa6: {  	[dreg:$0x3] =	wrdreg s3  }
0xa7: {  	[dreg:$0x4] =	wrdreg $0xC0  }
0xa8: {  	_ =	task [dreg:s5], $0x5FFFF  }
0xa9: {  	[dreg:$0x1] =	wrdreg $0xFFFFFFFF  }
0xaa: {  	[dreg:$0x0] =	wrdreg $0x60  }
0xab: {  	[dreg:$0x2] =	wrdreg s22  }
0xac: {  	[dreg:$0x3] =	wrdreg s0  }
0xad: {  	[dreg:$0x4] =	wrdreg $0x9  }
0xae: {  	_ =	task.clear_ibuf [dreg:s5], $0x5FFFF;
	_ =	strace $0x90000046  }
0xaf: {  	s26 =	simm.s32 $0x9;
	_ =	strace $0x80000048  }
0xb0: {  	_ =	swait.ge [sflag:s26], $0x1  }
0xb1: {  	[sflag:s26] =	ssyncadd.s32 $0xFFFFFFFF  }
0xb2: {  	_ =	strace $0x90000048  }
0xb3: {  	_ =	sfence  }
0xb4: {  	s28 =	sld [smem:$0x0];
	_ =	sdelay $0x1  }
0xb5: {  	s29 =	srdreg.scid  }
0xb6: {  	s30 =	sshll.u32 s29, $0xD;
	s31 =	sshrl.u32 s29, $0x2  }
0xb7: {  	s2 =	sand.u32 $0x4000, s30;
	s1 =	sand.u32 $0x1, s29;
	s0 =	sadd.s32 s31, s28  }
0xb8: {  	s1 =	sor.u32 s2, s1;
	s0 =	sshll.u32 s0, $0x11  }
0xb9: {  	s0 =	sor.u32 s0, s1  }
0xba: {  	s0 =	sadd.s32 $0x8F2B, s0  }
0xbb: {  	[sflag:s0] =	ssyncadd.remote.s32 $0x1  }
0xbc: {  	_ =	sfence.sel $0xFFFF  }
0xbd: {  	[dreg:$0x0] =	wrdreg $0xFFFFFFFF;
	(pc) =	sbr.abs _section_cstart, $3  }
0xbe: {  	[dreg:$0x1] =	wrdreg $0xFFFFFFFF  }
0xbf: {  	_ =	task.clear_ibuf [dreg:s5], $0x2FFFF;
	_ =	strace $0x9FFFFFFF  }
0xc0: {  	(tm) =	ssettm $0x7FFFFFFF  }
0xc1: {  	_ =	shalt  }
tec
execute0_lowered:
.L_overlay_start_1:
0x0: {  	(tag) =	ssettag $0x1  }
0x1: {  	s3 =	rddreg [dreg:$0x0]  }
0x2: {  	s1 =	rddreg [dreg:$0x1];
	s2 =	stileid.u32  }
0x3: {  	s0 =	rddreg [dreg:$0x2];
	s4 =	simm.s32 $0x0;
	s5 =	sshll.u32 s2, $0xB  }
0x4: {  	[smem:$0x7FF] =	sst s4;
	s5 =	sadd.s32 s5, s3  }
0x5: {  	s28 =	simm.s32 $0x1;
	_ =	strace $0x80000047;
	s6 =	sadd.s32 $0x8400, s5  }
0x6: {  	[tilespmem:s4], [sflag:$0x1] =	stream.linear.gather [hbm4b:s6+s4], $0x4000, $0x38;
	[tilespmem:$0x12A00] =	vst v63  }
0x7: {  	_ =	swait.ge [sflag:s28], $0x4000  }
0x8: {  	[sflag:s28] =	ssyncset.done $0x0  }
0x9: {  	s8 =	simm.s32 $0x4000;
	s7 =	sadd.s32 $0x400, s5;
	[sflag:s28] =	ssyncadd.s32 $0xFFFFC000  }
0xa: {  	[tilespmem:s8], [sflag:$0x1] =	stream.linear.gather [hbm4b:s7+s4], $0x4000, $0x38;
	[tilespmem:$0x12A00] =	vst v63  }
0xb: {  	_ =	swait.ge [sflag:s28], $0x4000  }
0xc: {  	[sflag:s28] =	ssyncset.done $0x0  }
0xd: {  	s30 =	simm.s32 $0x8000;
	s29 =	sadd.s32 $0x10400, s5;
	[sflag:s28] =	ssyncadd.s32 $0xFFFFC000  }
0xe: {  	[tilespmem:s30], [sflag:$0x1] =	stream.linear.gather [hbm4b:s29+s4], $0x4000, $0x38;
	[tilespmem:$0x12A00] =	vst v63  }
0xf: {  	_ =	swait.ge [sflag:s28], $0x4000  }
0x10: {  	[sflag:s28] =	ssyncset.done $0x0  }
0x11: {  	s31 =	simm.s32 $0xC000;
	s5 =	sadd.s32 $0x18400, s5;
	[sflag:s28] =	ssyncadd.s32 $0xFFFFC000  }
0x12: {  	[tilespmem:s31], [sflag:$0x1] =	stream.linear.gather [hbm4b:s5+s4], $0x4000, $0x38;
	[tilespmem:$0x12A00] =	vst v63  }
0x13: {  	_ =	swait.ge [sflag:s28], $0x4000  }
0x14: {  	[sflag:s28] =	ssyncset.done $0x0  }
0x15: {  	v0 =	vimm.f32 $0.0e+00;
	s3 =	sadd.s32 $0x20400, s3;
	[sflag:s28] =	ssyncadd.s32 $0xFFFFC000  }
.LBB2_1:
0x16: {  	p0 =	sne.s32 s4, $0x3FC0  }
.Ltmp0:
0x17: {  	_ = 	snop;
	(pc) =	sbr.rel @p0 .LBB2_1-.Ltmp0, $3  }
0x18: {  	_ =	sdelay $0x1  }
0x19: {  	s5 =	sshra.s32 s4, $0x2  }
0x1a: {  	s4 =	sadd.s32 $0x40, s4;
	[tilespmem:s5+$0x10000] =	vst v0  }
0x1b: {  	s4 =	simm.s32 $0x0  }
0x1c: {  	v0 =	vld [tilespmem:s4+$0x4000]  }
0x1d: {  	v1 =	vld [tilespmem:s4+$0x0];
	_ =	sdelay $0x4  }
0x1e: {  	v0 =	vsub.f32 v1, v0;
	_ =	sdelay $0x1  }
0x1f: {  	v0 =	vadd.f32 $0.0e+00, v0;
	_ =	sdelay $0x1  }
0x20: {  	v0 =	vmul.f32 $1.442695020e+00, v0;
	_ =	sdelay $0x1  }
0x21: {  	(erf) = vpow2.f32 v0;
	_ =	sdelay $0x8  }
0x22: {  	v0 =	vpop (erf)  }
0x23: {  	v0 =	vadd.f32 $1.000000000e+00, v0;
	_ =	sdelay $0x1  }
0x24: {  	(erf) = vrcp.f32 v0;
	_ =	sdelay $0x7  }
0x25: {  	v3 =	vld [tilespmem:s4+$0x8000]  }
0x26: {  	v2 =	vld [tilespmem:s4+$0xC000];
	v5 =	vpop (erf)  }
0x27: {  	v0 =	vmul.f32 $1.442695020e+00, v5;
	_ =	sdelay $0x1  }
0x28: {  	(erf) = vpow2.f32 v0;
	v0 =	vlaneseq.u32  }
0x29: {  	v4 =	vshll.u32 v3, $0xC;
	v1 =	vmul.u32 $0x40, v0  }
0x2a: {  	v3 =	vshll.u32 v3, $0xA;
	v4 =	vor.u32 $0x1, v4;
	v2 =	vadd.s32 v0, v2  }
0x2b: {  	v7 =	vand.u32 $0x1, v0;
	v6 =	vand.u32 $0x3F, v2;
	v2 =	vor.u32 $0x800, v1  }
0x2c: {  	v8 =	vor.u32 v1, v6;
	v9 =	vadd.s32 v2, v3;
	v3 =	vmul.u32 $0x40, v7  }
0x2d: {  	v7 =	vand.u32 $0xFFFFFF80, v9;
	v9 =	vcvt.s32.f32 v4;
	v4 =	vor.u32 $0x400, v1  }
0x2e: {  	v10 =	vor.u32 v7, v6;
	v7 =	vor.u32 v4, v6  }
0x2f: {  	v6 =	vor.u32 v3, v10;
	_ =	sdelay $0x1  }
0x30: {  	s4 =	simm.s32 $0x10000  }
0x31: {  	s5 =	simm.s32 $0x200;
	[tilespmem:v8+s4+$0x0] =	vst.idx.add.f32.msk $0xffff, v9;
	v8 =	vpop (erf)  }
.LBB2_3:
0x32: {  	p0 =	sne.s32 s5, $0xFE00;
	[tilespmem:v7+s4+$0x0] =	vst.idx.add.f32.msk $0xffff, v8;
	s6 =	smov.u32 s5;
	s5 =	sadd.s32 $0x200, s5  }
0x33: {  	s6 =	sshra.s32 s6, $0x2;
	[tilespmem:v6+s4+$0x0] =	vst.idx.add.f32.msk $0xffff, v5  }
0x34: {  	v5 =	vld [tilespmem:s6+$0x4000]  }
0x35: {  	v6 =	vld [tilespmem:s6+$0x0];
	_ =	sdelay $0x4  }
0x36: {  	v5 =	vsub.f32 v6, v5;
	_ =	sdelay $0x1  }
0x37: {  	v5 =	vadd.f32 $0.0e+00, v5;
	_ =	sdelay $0x1  }
0x38: {  	v5 =	vmul.f32 $1.442695020e+00, v5;
	_ =	sdelay $0x1  }
0x39: {  	(erf) = vpow2.f32 v5;
	_ =	sdelay $0x8  }
0x3a: {  	v5 =	vpop (erf)  }
0x3b: {  	v5 =	vadd.f32 $1.000000000e+00, v5;
	_ =	sdelay $0x1  }
0x3c: {  	(erf) = vrcp.f32 v5;
	_ =	sdelay $0x6  }
0x3d: {  	v6 =	vld [tilespmem:s6+$0x8000]  }
0x3e: {  	v7 =	vld [tilespmem:s6+$0xC000]  }
0x3f: {  	v5 =	vpop (erf)  }
0x40: {  	v8 =	vmul.f32 $1.442695020e+00, v5;
	_ =	sdelay $0x1  }
0x41: {  	v9 =	vshll.u32 v6, $0xC;
	v6 =	vshll.u32 v6, $0xA;
	(erf) = vpow2.f32 v8  }
0x42: {  	v7 =	vadd.s32 v0, v7;
	v8 =	vor.u32 $0x1, v9;
	v6 =	vadd.s32 v2, v6  }
0x43: {  	v7 =	vand.u32 $0x3F, v7;
	v6 =	vand.u32 $0xFFFFFF80, v6  }
0x44: {  	v9 =	vor.u32 v1, v7;
	v6 =	vor.u32 v6, v7  }
0x45: {  	v7 =	vor.u32 v4, v7  }
.Ltmp1:
0x46: {  	v6 =	vor.u32 v3, v6;
	(pc) =	sbr.rel @p0 .LBB2_3-.Ltmp1, $3  }
0x47: {  	v10 =	vcvt.s32.f32 v8;
	_ =	sdelay $0x1  }
0x48: {  	[tilespmem:v9+s4+$0x0] =	vst.idx.add.f32.msk $0xffff, v10  }
0x49: {  	v8 =	vpop (erf)  }
0x4a: {  	_ =	sdelay $0x1  }
0x4b: {  	v0 =	vlaneseq.u32  }
0x4c: {  	v1 =	vor.u32 $0x400, v0  }
0x4d: {  	[tilespmem:v7+s4+$0x0] =	vst.idx.add.f32.msk $0xffff, v8;
	v2 =	vor.u32 $0x800, v0  }
0x4e: {  	[tilespmem:v6+s4+$0x0] =	vst.idx.add.f32.msk $0xffff, v5;
	v3 =	vor.u32 $0xC00, v0  }
0x4f: {  	s29 =	simm.s32 $0x10000;
	v4 =	vadd.s32 $0x41, v0;
	[bflag:$0x0] =	sbarrier.arrive $0xFFFF  }
0x50: {  	v40 =	vadd.s32 $0x441, v0;
	v39 =	vld.idx.msk [tilespmem:v0+s29+$0x0], $0xffff  }
0x51: {  	v41 =	vadd.s32 $0x841, v0;
	v1 =	vld.idx.msk [tilespmem:v1+s29+$0x0], $0xffff  }
0x52: {  	v42 =	vadd.s32 $0xC41, v0;
	v2 =	vld.idx.msk [tilespmem:v2+s29+$0x0], $0xffff  }
0x53: {  	v9 =	vadd.s32 $0x82, v0;
	v3 =	vld.idx.msk [tilespmem:v3+s29+$0x0], $0xffff  }
0x54: {  	v10 =	vadd.s32 $0x482, v0;
	v4 =	vld.idx.msk [tilespmem:v4+s29+$0x0], $0xffff  }
0x55: {  	v11 =	vadd.s32 $0x882, v0;
	v6 =	vld.idx.msk [tilespmem:v40+s29+$0x0], $0xffff  }
0x56: {  	v12 =	vadd.s32 $0xC82, v0;
	v7 =	vld.idx.msk [tilespmem:v41+s29+$0x0], $0xffff  }
0x57: {  	v13 =	vadd.s32 $0xC3, v0;
	v8 =	vld.idx.msk [tilespmem:v42+s29+$0x0], $0xffff  }
0x58: {  	v14 =	vadd.s32 $0x4C3, v0;
	v9 =	vld.idx.msk [tilespmem:v9+s29+$0x0], $0xffff  }
0x59: {  	v15 =	vadd.s32 $0x8C3, v0;
	v10 =	vld.idx.msk [tilespmem:v10+s29+$0x0], $0xffff  }
0x5a: {  	v16 =	vadd.s32 $0xCC3, v0;
	v11 =	vld.idx.msk [tilespmem:v11+s29+$0x0], $0xffff  }
0x5b: {  	v17 =	vadd.s32 $0x104, v0;
	v12 =	vld.idx.msk [tilespmem:v12+s29+$0x0], $0xffff  }
0x5c: {  	v18 =	vadd.s32 $0x504, v0;
	v13 =	vld.idx.msk [tilespmem:v13+s29+$0x0], $0xffff  }
0x5d: {  	v19 =	vadd.s32 $0x904, v0;
	v14 =	vld.idx.msk [tilespmem:v14+s29+$0x0], $0xffff  }
0x5e: {  	v20 =	vadd.s32 $0xD04, v0;
	v15 =	vld.idx.msk [tilespmem:v15+s29+$0x0], $0xffff  }
0x5f: {  	v21 =	vadd.s32 $0x145, v0;
	v16 =	vld.idx.msk [tilespmem:v16+s29+$0x0], $0xffff  }
0x60: {  	v22 =	vadd.s32 $0x545, v0;
	v17 =	vld.idx.msk [tilespmem:v17+s29+$0x0], $0xffff  }
0x61: {  	v23 =	vadd.s32 $0x945, v0;
	v18 =	vld.idx.msk [tilespmem:v18+s29+$0x0], $0xffff  }
0x62: {  	v24 =	vadd.s32 $0xD45, v0;
	v19 =	vld.idx.msk [tilespmem:v19+s29+$0x0], $0xffff  }
0x63: {  	v25 =	vadd.s32 $0x186, v0;
	v20 =	vld.idx.msk [tilespmem:v20+s29+$0x0], $0xffff  }
0x64: {  	v26 =	vadd.s32 $0x586, v0;
	v21 =	vld.idx.msk [tilespmem:v21+s29+$0x0], $0xffff  }
0x65: {  	v27 =	vadd.s32 $0x986, v0;
	v22 =	vld.idx.msk [tilespmem:v22+s29+$0x0], $0xffff  }
0x66: {  	v28 =	vadd.s32 $0xD86, v0;
	v23 =	vld.idx.msk [tilespmem:v23+s29+$0x0], $0xffff  }
0x67: {  	v29 =	vadd.s32 $0x1C7, v0;
	v24 =	vld.idx.msk [tilespmem:v24+s29+$0x0], $0xffff  }
0x68: {  	v30 =	vadd.s32 $0x5C7, v0;
	v25 =	vld.idx.msk [tilespmem:v25+s29+$0x0], $0xffff  }
0x69: {  	v32 =	vadd.s32 $0xDC7, v0;
	v26 =	vld.idx.msk [tilespmem:v26+s29+$0x0], $0xffff  }
0x6a: {  	v33 =	vadd.s32 $0x208, v0;
	v27 =	vld.idx.msk [tilespmem:v27+s29+$0x0], $0xffff  }
0x6b: {  	v34 =	vadd.s32 $0x608, v0;
	v28 =	vld.idx.msk [tilespmem:v28+s29+$0x0], $0xffff  }
0x6c: {  	v35 =	vadd.s32 $0xA08, v0;
	v29 =	vld.idx.msk [tilespmem:v29+s29+$0x0], $0xffff  }
0x6d: {  	v36 =	vadd.s32 $0x249, v0;
	v30 =	vld.idx.msk [tilespmem:v30+s29+$0x0], $0xffff  }
0x6e: {  	v45 =	vadd.s32 $0x649, v0;
	v32 =	vld.idx.msk [tilespmem:v32+s29+$0x0], $0xffff  }
0x6f: {  	v37 =	vadd.s32 $0xA49, v0;
	v44 =	vld.idx.msk [tilespmem:v33+s29+$0x0], $0xffff  }
0x70: {  	v47 =	vadd.s32 $0xE49, v0;
	v34 =	vld.idx.msk [tilespmem:v34+s29+$0x0], $0xffff  }
0x71: {  	v38 =	vadd.s32 $0x28A, v0;
	v46 =	vld.idx.msk [tilespmem:v35+s29+$0x0], $0xffff;
	v5 =	vadd.f32 $0.0e+00, v39  }
0x72: {  	v49 =	vadd.s32 $0x68A, v0;
	v48 =	vld.idx.msk [tilespmem:v36+s29+$0x0], $0xffff  }
0x73: {  	v51 =	vadd.s32 $0xE8A, v0;
	v33 =	vld.idx.msk [tilespmem:v45+s29+$0x0], $0xffff;
	v4 =	vadd.f32 v4, v5  }
0x74: {  	v55 =	vadd.s32 $0x6CB, v0;
	v50 =	vld.idx.msk [tilespmem:v37+s29+$0x0], $0xffff;
	v1 =	vadd.f32 $0.0e+00, v1;
	v2 =	vadd.f32 $0.0e+00, v2  }
0x75: {  	v59 =	vadd.s32 $0x30C, v0;
	v52 =	vld.idx.msk [tilespmem:v47+s29+$0x0], $0xffff;
	v3 =	vadd.f32 $0.0e+00, v3;
	v4 =	vadd.f32 v9, v4  }
0x76: {  	v61 =	vadd.s32 $0xECB, v0;
	v54 =	vld.idx.msk [tilespmem:v38+s29+$0x0], $0xffff;
	v1 =	vadd.f32 v6, v1;
	v2 =	vadd.f32 v7, v2  }
0x77: {  	v56 =	vld.idx.msk [tilespmem:v49+s29+$0x0], $0xffff;
	v45 =	vadd.s32 $0xF4D, v0;
	v3 =	vadd.f32 v8, v3;
	v4 =	vadd.f32 v13, v4  }
0x78: {  	v31 =	vadd.s32 $0x9C7, v0;
	v60 =	vld.idx.msk [tilespmem:v51+s29+$0x0], $0xffff;
	v1 =	vadd.f32 v10, v1;
	v2 =	vadd.f32 v11, v2  }
0x79: {  	v43 =	vadd.s32 $0xE08, v0;
	v63 =	vld.idx.msk [tilespmem:v55+s29+$0x0], $0xffff;
	v3 =	vadd.f32 v12, v3;
	v4 =	vadd.f32 v17, v4  }
0x7a: {  	v53 =	vadd.s32 $0x2CB, v0;
	v36 =	vld.idx.msk [tilespmem:v59+s29+$0x0], $0xffff;
	v1 =	vadd.f32 v14, v1;
	v2 =	vadd.f32 v15, v2  }
0x7b: {  	v38 =	vld.idx.msk [tilespmem:v61+s29+$0x0], $0xffff;
	v39 =	vadd.s32 $0xA8A, v0;
	v3 =	vadd.f32 v16, v3;
	v4 =	vadd.f32 v21, v4  }
0x7c: {  	v49 =	vadd.s32 $0xF8E, v0;
	v51 =	vld.idx.msk [tilespmem:v45+s29+$0x0], $0xffff;
	v1 =	vadd.f32 v18, v1;
	v2 =	vadd.f32 v19, v2  }
0x7d: {  	v62 =	vadd.s32 $0x34D, v0;
	v5 =	vld.idx.msk [tilespmem:v31+s29+$0x0], $0xffff;
	v3 =	vadd.f32 v20, v3;
	v4 =	vadd.f32 v25, v4  }
0x7e: {  	v57 =	vadd.s32 $0xACB, v0;
	v31 =	vld.idx.msk [tilespmem:v43+s29+$0x0], $0xffff;
	v1 =	vadd.f32 v22, v1;
	v2 =	vadd.f32 v23, v2  }
0x7f: {  	v35 =	vadd.s32 $0x38E, v0;
	v8 =	vld.idx.msk [tilespmem:v53+s29+$0x0], $0xffff;
	v3 =	vadd.f32 v24, v3;
	v4 =	vadd.f32 v29, v4  }
0x80: {  	v58 =	vld.idx.msk [tilespmem:v39+s29+$0x0], $0xffff;
	v39 =	vadd.s32 $0x3CF, v0;
	v1 =	vadd.f32 v26, v1;
	v2 =	vadd.f32 v27, v2  }
0x81: {  	v40 =	vadd.s32 $0xF0C, v0;
	v7 =	vld.idx.msk [tilespmem:v49+s29+$0x0], $0xffff;
	v3 =	vadd.f32 v28, v3;
	v4 =	vadd.f32 v44, v4  }
0x82: {  	v9 =	vld.idx.msk [tilespmem:v62+s29+$0x0], $0xffff;
	v25 =	vadd.s32 $0x70C, v0;
	v1 =	vadd.f32 v30, v1;
	v2 =	vadd.f32 v5, v2  }
0x83: {  	v37 =	vadd.s32 $0xB0C, v0;
	v12 =	vld.idx.msk [tilespmem:v57+s29+$0x0], $0xffff;
	v3 =	vadd.f32 v32, v3;
	v4 =	vadd.f32 v48, v4  }
0x84: {  	v42 =	vadd.s32 $0x74D, v0;
	v17 =	vld.idx.msk [tilespmem:v35+s29+$0x0], $0xffff;
	v1 =	vadd.f32 v34, v1;
	v2 =	vadd.f32 v46, v2  }
0x85: {  	v43 =	vadd.s32 $0xB4D, v0;
	v16 =	vld.idx.msk [tilespmem:v39+s29+$0x0], $0xffff;
	v3 =	vadd.f32 v31, v3;
	v4 =	vadd.f32 v54, v4  }
0x86: {  	v22 =	vld.idx.msk [tilespmem:v40+s29+$0x0], $0xffff;
	v46 =	vadd.s32 $0x78E, v0;
	v1 =	vadd.f32 v33, v1;
	v2 =	vadd.f32 v50, v2  }
0x87: {  	v41 =	vld.idx.msk [tilespmem:v25+s29+$0x0], $0xffff;
	v3 =	vadd.f32 v52, v3;
	v50 =	vadd.s32 $0x7CF, v0;
	v4 =	vadd.f32 v8, v4  }
0x88: {  	v47 =	vadd.s32 $0xB8E, v0;
	v44 =	vld.idx.msk [tilespmem:v37+s29+$0x0], $0xffff;
	v1 =	vadd.f32 v56, v1  }
0x89: {  	v53 =	vadd.s32 $0xFCF, v0;
	v48 =	vld.idx.msk [tilespmem:v42+s29+$0x0], $0xffff;
	v3 =	vadd.f32 v60, v3;
	v4 =	vadd.f32 v36, v4  }
0x8a: {  	v5 =	vld.idx.msk [tilespmem:v43+s29+$0x0], $0xffff;
	v52 =	vadd.s32 $0xBCF, v0;
	v2 =	vadd.f32 v58, v2;
	v1 =	vadd.f32 v63, v1  }
0x8b: {  	v13 =	vld.idx.msk [tilespmem:v46+s29+$0x0], $0xffff;
	v3 =	vadd.f32 v38, v3;
	v4 =	vadd.f32 v9, v4  }
0x8c: {  	v2 =	vadd.f32 v12, v2;
	v54 =	vld.idx.msk [tilespmem:v50+s29+$0x0], $0xffff;
	v1 =	vadd.f32 v41, v1  }
0x8d: {  	v3 =	vadd.f32 v22, v3;
	v9 =	vld.idx.msk [tilespmem:v47+s29+$0x0], $0xffff;
	v4 =	vadd.f32 v17, v4  }
0x8e: {  	v56 =	vld.idx.msk [tilespmem:v53+s29+$0x0], $0xffff;
	v2 =	vadd.f32 v44, v2;
	v1 =	vadd.f32 v48, v1  }
0x8f: {  	v55 =	vld.idx.msk [tilespmem:v52+s29+$0x0], $0xffff;
	v3 =	vadd.f32 v51, v3;
	v4 =	vadd.f32 v16, v4  }
0x90: {  	v2 =	vadd.f32 v5, v2;
	v1 =	vadd.f32 v13, v1  }
0x91: {  	v3 =	vadd.f32 v7, v3;
	v4 =	vtrunc.f32 v4  }
0x92: {  	v2 =	vadd.f32 v9, v2;
	v1 =	vadd.f32 v54, v1;
	v4 =	vcvt.f32.s32 v4  }
0x93: {  	v3 =	vadd.f32 v56, v3  }
0x94: {  	v58 =	vor.u32 $0x10, v0;
	v2 =	vadd.f32 v55, v2;
	[tilespmem:$0x11080] =	vst v1;
	v57 =	vand.u32 $0xFFF, v4  }
0x95: {  	v59 =	vor.u32 $0x410, v0;
	[tilespmem:$0x11100] =	vst v3;
	v4 =	vshra.s32 v4, $0xC;
	v10 =	vcvt.s32.f32 v57  }
0x96: {  	v60 =	vor.u32 $0x810, v0;
	[tilespmem:$0x110C0] =	vst v2;
	v4 =	vcvt.s32.f32 v4  }
0x97: {  	v61 =	vor.u32 $0xC10, v0;
	[tilespmem:$0x11000] =	vst v10  }
0x98: {  	v62 =	vadd.s32 $0x51, v0;
	[tilespmem:$0x11040] =	vst v4  }
0x99: {  	v34 =	vadd.s32 $0x451, v0;
	v63 =	vld.idx.msk [tilespmem:v58+s29+$0x0], $0xffff  }
0x9a: {  	v35 =	vadd.s32 $0x851, v0;
	v4 =	vld.idx.msk [tilespmem:v59+s29+$0x0], $0xffff  }
0x9b: {  	v36 =	vadd.s32 $0xC51, v0;
	v1 =	vld.idx.msk [tilespmem:v60+s29+$0x0], $0xffff  }
0x9c: {  	v37 =	vadd.s32 $0x92, v0;
	v2 =	vld.idx.msk [tilespmem:v61+s29+$0x0], $0xffff  }
0x9d: {  	v38 =	vadd.s32 $0x492, v0;
	v3 =	vld.idx.msk [tilespmem:v62+s29+$0x0], $0xffff  }
0x9e: {  	v39 =	vadd.s32 $0x892, v0;
	v6 =	vld.idx.msk [tilespmem:v34+s29+$0x0], $0xffff  }
0x9f: {  	v40 =	vadd.s32 $0xC92, v0;
	v7 =	vld.idx.msk [tilespmem:v35+s29+$0x0], $0xffff  }
0xa0: {  	v41 =	vadd.s32 $0xD3, v0;
	v8 =	vld.idx.msk [tilespmem:v36+s29+$0x0], $0xffff  }
0xa1: {  	v42 =	vadd.s32 $0x4D3, v0;
	v9 =	vld.idx.msk [tilespmem:v37+s29+$0x0], $0xffff  }
0xa2: {  	v43 =	vadd.s32 $0x8D3, v0;
	v10 =	vld.idx.msk [tilespmem:v38+s29+$0x0], $0xffff  }
0xa3: {  	v44 =	vadd.s32 $0xCD3, v0;
	v11 =	vld.idx.msk [tilespmem:v39+s29+$0x0], $0xffff  }
0xa4: {  	v45 =	vadd.s32 $0x114, v0;
	v12 =	vld.idx.msk [tilespmem:v40+s29+$0x0], $0xffff  }
0xa5: {  	v46 =	vadd.s32 $0x514, v0;
	v13 =	vld.idx.msk [tilespmem:v41+s29+$0x0], $0xffff  }
0xa6: {  	v47 =	vadd.s32 $0x914, v0;
	v14 =	vld.idx.msk [tilespmem:v42+s29+$0x0], $0xffff  }
0xa7: {  	v48 =	vadd.s32 $0xD14, v0;
	v15 =	vld.idx.msk [tilespmem:v43+s29+$0x0], $0xffff  }
0xa8: {  	v49 =	vadd.s32 $0x155, v0;
	v16 =	vld.idx.msk [tilespmem:v44+s29+$0x0], $0xffff  }
0xa9: {  	v50 =	vadd.s32 $0x555, v0;
	v17 =	vld.idx.msk [tilespmem:v45+s29+$0x0], $0xffff  }
0xaa: {  	v51 =	vadd.s32 $0x955, v0;
	v18 =	vld.idx.msk [tilespmem:v46+s29+$0x0], $0xffff  }
0xab: {  	v52 =	vadd.s32 $0xD55, v0;
	v19 =	vld.idx.msk [tilespmem:v47+s29+$0x0], $0xffff  }
0xac: {  	v53 =	vadd.s32 $0x196, v0;
	v20 =	vld.idx.msk [tilespmem:v48+s29+$0x0], $0xffff  }
0xad: {  	v54 =	vadd.s32 $0x596, v0;
	v21 =	vld.idx.msk [tilespmem:v49+s29+$0x0], $0xffff  }
0xae: {  	v55 =	vadd.s32 $0x996, v0;
	v22 =	vld.idx.msk [tilespmem:v50+s29+$0x0], $0xffff  }
0xaf: {  	v56 =	vadd.s32 $0xD96, v0;
	v23 =	vld.idx.msk [tilespmem:v51+s29+$0x0], $0xffff  }
0xb0: {  	v57 =	vadd.s32 $0x1D7, v0;
	v24 =	vld.idx.msk [tilespmem:v52+s29+$0x0], $0xffff  }
0xb1: {  	v25 =	vld.idx.msk [tilespmem:v53+s29+$0x0], $0xffff;
	v58 =	vadd.s32 $0x5D7, v0  }
0xb2: {  	v26 =	vld.idx.msk [tilespmem:v54+s29+$0x0], $0xffff;
	v60 =	vadd.s32 $0xDD7, v0  }
0xb3: {  	v27 =	vld.idx.msk [tilespmem:v55+s29+$0x0], $0xffff;
	v61 =	vadd.s32 $0x218, v0  }
0xb4: {  	v28 =	vld.idx.msk [tilespmem:v56+s29+$0x0], $0xffff;
	v62 =	vadd.s32 $0x618, v0  }
0xb5: {  	v40 =	vadd.s32 $0xE18, v0;
	v29 =	vld.idx.msk [tilespmem:v57+s29+$0x0], $0xffff  }
0xb6: {  	v41 =	vadd.s32 $0x259, v0;
	v30 =	vld.idx.msk [tilespmem:v58+s29+$0x0], $0xffff  }
0xb7: {  	v43 =	vadd.s32 $0x659, v0;
	v32 =	vld.idx.msk [tilespmem:v60+s29+$0x0], $0xffff  }
0xb8: {  	v44 =	vadd.s32 $0xA59, v0;
	v42 =	vld.idx.msk [tilespmem:v61+s29+$0x0], $0xffff  }
0xb9: {  	v45 =	vadd.s32 $0xE59, v0;
	v34 =	vld.idx.msk [tilespmem:v62+s29+$0x0], $0xffff  }
0xba: {  	v46 =	vadd.s32 $0x29A, v0;
	v5 =	vadd.f32 $0.0e+00, v63;
	v31 =	vld.idx.msk [tilespmem:v40+s29+$0x0], $0xffff  }
0xbb: {  	v48 =	vadd.s32 $0x69A, v0;
	v47 =	vld.idx.msk [tilespmem:v41+s29+$0x0], $0xffff  }
0xbc: {  	v49 =	vadd.s32 $0xA9A, v0;
	v33 =	vld.idx.msk [tilespmem:v43+s29+$0x0], $0xffff;
	v3 =	vadd.f32 v3, v5  }
0xbd: {  	v51 =	vadd.s32 $0xE9A, v0;
	v4 =	vadd.f32 $0.0e+00, v4;
	v1 =	vadd.f32 $0.0e+00, v1;
	v50 =	vld.idx.msk [tilespmem:v44+s29+$0x0], $0xffff  }
0xbe: {  	v37 =	vadd.s32 $0xB1C, v0;
	v2 =	vadd.f32 $0.0e+00, v2;
	v52 =	vld.idx.msk [tilespmem:v45+s29+$0x0], $0xffff;
	v3 =	vadd.f32 v9, v3  }
0xbf: {  	v59 =	vadd.s32 $0x9D7, v0;
	v54 =	vld.idx.msk [tilespmem:v46+s29+$0x0], $0xffff;
	v4 =	vadd.f32 v6, v4;
	v1 =	vadd.f32 v7, v1  }
0xc0: {  	v53 =	vadd.s32 $0x2DB, v0;
	v56 =	vld.idx.msk [tilespmem:v48+s29+$0x0], $0xffff;
	v2 =	vadd.f32 v8, v2;
	v3 =	vadd.f32 v13, v3  }
0xc1: {  	v57 =	vadd.s32 $0xADB, v0;
	v58 =	vld.idx.msk [tilespmem:v49+s29+$0x0], $0xffff;
	v4 =	vadd.f32 v10, v4;
	v1 =	vadd.f32 v11, v1  }
0xc2: {  	v60 =	vld.idx.msk [tilespmem:v51+s29+$0x0], $0xffff;
	v61 =	vadd.s32 $0xEDB, v0;
	v2 =	vadd.f32 v12, v2;
	v3 =	vadd.f32 v17, v3  }
0xc3: {  	v63 =	vadd.s32 $0xA18, v0;
	v44 =	vld.idx.msk [tilespmem:v37+s29+$0x0], $0xffff;
	v4 =	vadd.f32 v14, v4;
	v1 =	vadd.f32 v15, v1  }
0xc4: {  	v62 =	vadd.s32 $0x35D, v0;
	v5 =	vld.idx.msk [tilespmem:v59+s29+$0x0], $0xffff;
	v2 =	vadd.f32 v16, v2;
	v3 =	vadd.f32 v21, v3  }
0xc5: {  	v45 =	vadd.s32 $0xF5D, v0;
	v8 =	vld.idx.msk [tilespmem:v53+s29+$0x0], $0xffff;
	v4 =	vadd.f32 v18, v4;
	v1 =	vadd.f32 v19, v1  }
0xc6: {  	v49 =	vadd.s32 $0xF9E, v0;
	v12 =	vld.idx.msk [tilespmem:v57+s29+$0x0], $0xffff;
	v2 =	vadd.f32 v20, v2;
	v3 =	vadd.f32 v25, v3  }
0xc7: {  	v55 =	vadd.s32 $0x6DB, v0;
	v38 =	vld.idx.msk [tilespmem:v61+s29+$0x0], $0xffff;
	v4 =	vadd.f32 v22, v4;
	v1 =	vadd.f32 v23, v1  }
0xc8: {  	v59 =	vadd.s32 $0x31C, v0;
	v13 =	vld.idx.msk [tilespmem:v63+s29+$0x0], $0xffff;
	v2 =	vadd.f32 v24, v2;
	v3 =	vadd.f32 v29, v3  }
0xc9: {  	v39 =	vadd.s32 $0x3DF, v0;
	v9 =	vld.idx.msk [tilespmem:v62+s29+$0x0], $0xffff;
	v4 =	vadd.f32 v26, v4;
	v1 =	vadd.f32 v27, v1  }
0xca: {  	v35 =	vadd.s32 $0x39E, v0;
	v51 =	vld.idx.msk [tilespmem:v45+s29+$0x0], $0xffff;
	v2 =	vadd.f32 v28, v2;
	v3 =	vadd.f32 v42, v3  }
0xcb: {  	v7 =	vld.idx.msk [tilespmem:v49+s29+$0x0], $0xffff;
	v25 =	vadd.s32 $0x71C, v0;
	v4 =	vadd.f32 v30, v4;
	v1 =	vadd.f32 v5, v1  }
0xcc: {  	v40 =	vadd.s32 $0xF1C, v0;
	v63 =	vld.idx.msk [tilespmem:v55+s29+$0x0], $0xffff;
	v2 =	vadd.f32 v32, v2;
	v3 =	vadd.f32 v47, v3  }
0xcd: {  	v36 =	vld.idx.msk [tilespmem:v59+s29+$0x0], $0xffff;
	v42 =	vadd.s32 $0x75D, v0;
	v4 =	vadd.f32 v34, v4;
	v1 =	vadd.f32 v13, v1  }
0xce: {  	v43 =	vadd.s32 $0xB5D, v0;
	v16 =	vld.idx.msk [tilespmem:v39+s29+$0x0], $0xffff;
	v2 =	vadd.f32 v31, v2;
	v3 =	vadd.f32 v54, v3  }
0xcf: {  	v46 =	vadd.s32 $0x79E, v0;
	v17 =	vld.idx.msk [tilespmem:v35+s29+$0x0], $0xffff;
	v4 =	vadd.f32 v33, v4;
	v1 =	vadd.f32 v50, v1  }
0xd0: {  	v41 =	vld.idx.msk [tilespmem:v25+s29+$0x0], $0xffff;
	v2 =	vadd.f32 v52, v2;
	v50 =	vadd.s32 $0x7DF, v0;
	v3 =	vadd.f32 v8, v3  }
0xd1: {  	v22 =	vld.idx.msk [tilespmem:v40+s29+$0x0], $0xffff;
	v47 =	vadd.s32 $0xB9E, v0;
	v4 =	vadd.f32 v56, v4  }
0xd2: {  	v53 =	vadd.s32 $0xFDF, v0;
	v2 =	vadd.f32 v60, v2;
	v48 =	vld.idx.msk [tilespmem:v42+s29+$0x0], $0xffff;
	v3 =	vadd.f32 v36, v3  }
0xd3: {  	v5 =	vld.idx.msk [tilespmem:v43+s29+$0x0], $0xffff;
	v52 =	vadd.s32 $0xBDF, v0;
	v1 =	vadd.f32 v58, v1;
	v4 =	vadd.f32 v63, v4  }
0xd4: {  	v13 =	vld.idx.msk [tilespmem:v46+s29+$0x0], $0xffff;
	v2 =	vadd.f32 v38, v2;
	v3 =	vadd.f32 v9, v3  }
0xd5: {  	v1 =	vadd.f32 v12, v1;
	v54 =	vld.idx.msk [tilespmem:v50+s29+$0x0], $0xffff;
	v4 =	vadd.f32 v41, v4  }
0xd6: {  	v2 =	vadd.f32 v22, v2;
	v9 =	vld.idx.msk [tilespmem:v47+s29+$0x0], $0xffff;
	v3 =	vadd.f32 v17, v3  }
0xd7: {  	v56 =	vld.idx.msk [tilespmem:v53+s29+$0x0], $0xffff;
	v1 =	vadd.f32 v44, v1;
	v4 =	vadd.f32 v48, v4  }
0xd8: {  	v55 =	vld.idx.msk [tilespmem:v52+s29+$0x0], $0xffff;
	v2 =	vadd.f32 v51, v2;
	v3 =	vadd.f32 v16, v3  }
0xd9: {  	v1 =	vadd.f32 v5, v1;
	v4 =	vadd.f32 v13, v4  }
0xda: {  	v2 =	vadd.f32 v7, v2;
	v3 =	vtrunc.f32 v3  }
0xdb: {  	v4 =	vadd.f32 v54, v4;
	v1 =	vadd.f32 v9, v1;
	v3 =	vcvt.f32.s32 v3  }
0xdc: {  	v2 =	vadd.f32 v56, v2  }
0xdd: {  	v58 =	vor.u32 $0x20, v0;
	[tilespmem:$0x11090] =	vst v4;
	v1 =	vadd.f32 v55, v1;
	v57 =	vand.u32 $0xFFF, v3  }
0xde: {  	v59 =	vor.u32 $0x420, v0;
	[tilespmem:$0x11110] =	vst v2;
	v3 =	vshra.s32 v3, $0xC;
	v10 =	vcvt.s32.f32 v57  }
0xdf: {  	v60 =	vor.u32 $0x820, v0;
	[tilespmem:$0x110D0] =	vst v1;
	v3 =	vcvt.s32.f32 v3  }
0xe0: {  	v61 =	vor.u32 $0xC20, v0;
	[tilespmem:$0x11010] =	vst v10  }
0xe1: {  	v62 =	vadd.s32 $0x61, v0;
	[tilespmem:$0x11050] =	vst v3  }
0xe2: {  	v34 =	vadd.s32 $0x461, v0;
	v63 =	vld.idx.msk [tilespmem:v58+s29+$0x0], $0xffff  }
0xe3: {  	v35 =	vadd.s32 $0x861, v0;
	v3 =	vld.idx.msk [tilespmem:v59+s29+$0x0], $0xffff  }
0xe4: {  	v36 =	vadd.s32 $0xC61, v0;
	v4 =	vld.idx.msk [tilespmem:v60+s29+$0x0], $0xffff  }
0xe5: {  	v37 =	vadd.s32 $0xA2, v0;
	v1 =	vld.idx.msk [tilespmem:v61+s29+$0x0], $0xffff  }
0xe6: {  	v38 =	vadd.s32 $0x4A2, v0;
	v2 =	vld.idx.msk [tilespmem:v62+s29+$0x0], $0xffff  }
0xe7: {  	v39 =	vadd.s32 $0x8A2, v0;
	v6 =	vld.idx.msk [tilespmem:v34+s29+$0x0], $0xffff  }
0xe8: {  	v40 =	vadd.s32 $0xCA2, v0;
	v7 =	vld.idx.msk [tilespmem:v35+s29+$0x0], $0xffff  }
0xe9: {  	v41 =	vadd.s32 $0xE3, v0;
	v8 =	vld.idx.msk [tilespmem:v36+s29+$0x0], $0xffff  }
0xea: {  	v42 =	vadd.s32 $0x4E3, v0;
	v9 =	vld.idx.msk [tilespmem:v37+s29+$0x0], $0xffff  }
0xeb: {  	v43 =	vadd.s32 $0x8E3, v0;
	v10 =	vld.idx.msk [tilespmem:v38+s29+$0x0], $0xffff  }
0xec: {  	v44 =	vadd.s32 $0xCE3, v0;
	v11 =	vld.idx.msk [tilespmem:v39+s29+$0x0], $0xffff  }
0xed: {  	v45 =	vadd.s32 $0x124, v0;
	v12 =	vld.idx.msk [tilespmem:v40+s29+$0x0], $0xffff  }
0xee: {  	v46 =	vadd.s32 $0x524, v0;
	v13 =	vld.idx.msk [tilespmem:v41+s29+$0x0], $0xffff  }
0xef: {  	v47 =	vadd.s32 $0x924, v0;
	v14 =	vld.idx.msk [tilespmem:v42+s29+$0x0], $0xffff  }
0xf0: {  	v48 =	vadd.s32 $0xD24, v0;
	v15 =	vld.idx.msk [tilespmem:v43+s29+$0x0], $0xffff  }
0xf1: {  	v49 =	vadd.s32 $0x165, v0;
	v16 =	vld.idx.msk [tilespmem:v44+s29+$0x0], $0xffff  }
0xf2: {  	v50 =	vadd.s32 $0x565, v0;
	v17 =	vld.idx.msk [tilespmem:v45+s29+$0x0], $0xffff  }
0xf3: {  	v51 =	vadd.s32 $0x965, v0;
	v18 =	vld.idx.msk [tilespmem:v46+s29+$0x0], $0xffff  }
0xf4: {  	v52 =	vadd.s32 $0xD65, v0;
	v19 =	vld.idx.msk [tilespmem:v47+s29+$0x0], $0xffff  }
0xf5: {  	vm14 =	vcmask $0x300;
	vm13 =	vcmask $0x704;
	v53 =	vadd.s32 $0x1A6, v0;
	v20 =	vld.idx.msk [tilespmem:v48+s29+$0x0], $0xffff  }
0xf6: {  	vm15 =	vcmask $0x1F10;
	vm12 =	vcmask $0xB08;
	v54 =	vadd.s32 $0x5A6, v0;
	v21 =	vld.idx.msk [tilespmem:v49+s29+$0x0], $0xffff  }
0xf7: {  	vm11 =	vcmask $0xF0C;
	vm10 =	vcmask $0x1310;
	v55 =	vadd.s32 $0x9A6, v0;
	v22 =	vld.idx.msk [tilespmem:v50+s29+$0x0], $0xffff  }
0xf8: {  	vm9 =	vcmask $0x1714;
	vm8 =	vcmask $0x1B18;
	v57 =	vadd.s32 $0x1E7, v0;
	v23 =	vld.idx.msk [tilespmem:v51+s29+$0x0], $0xffff  }
0xf9: {  	vm7 =	vcmask $0x1F1C;
	vm6 =	vcmask $0x2320;
	v24 =	vld.idx.msk [tilespmem:v52+s29+$0x0], $0xffff;
	v58 =	vadd.s32 $0x5E7, v0  }
0xfa: {  	vm5 =	vcmask $0x2724;
	vm4 =	vcmask $0x2B28;
	v25 =	vld.idx.msk [tilespmem:v53+s29+$0x0], $0xffff;
	v60 =	vadd.s32 $0xDE7, v0  }
0xfb: {  	vm3 =	vcmask $0x2F2C;
	vm1 =	vcmask $0x3330;
	v26 =	vld.idx.msk [tilespmem:v54+s29+$0x0], $0xffff;
	v61 =	vadd.s32 $0x228, v0  }
0xfc: {  	vm0 =	vcmask $0x3734;
	vm2 =	vcmask $0x3B38;
	v27 =	vld.idx.msk [tilespmem:v55+s29+$0x0], $0xffff;
	v62 =	vadd.s32 $0x628, v0  }
0xfd: {  	v56 =	vadd.s32 $0xDA6, v0;
	v59 =	vadd.s32 $0x9E7, v0;
	v40 =	vadd.s32 $0xE28, v0;
	v29 =	vld.idx.msk [tilespmem:v57+s29+$0x0], $0xffff  }
0xfe: {  	v41 =	vadd.s32 $0x269, v0;
	v43 =	vadd.s32 $0x669, v0;
	v44 =	vadd.s32 $0xA69, v0;
	v30 =	vld.idx.msk [tilespmem:v58+s29+$0x0], $0xffff  }
0xff: {  	v45 =	vadd.s32 $0xE69, v0;
	v46 =	vadd.s32 $0x2AA, v0;
	v48 =	vadd.s32 $0x6AA, v0;
	v32 =	vld.idx.msk [tilespmem:v60+s29+$0x0], $0xffff  }
0x100: {  	v49 =	vadd.s32 $0xAAA, v0;
	v51 =	vadd.s32 $0xEAA, v0;
	v53 =	vadd.s32 $0x2EB, v0;
	v42 =	vld.idx.msk [tilespmem:v61+s29+$0x0], $0xffff  }
0x101: {  	v55 =	vadd.s32 $0x6EB, v0;
	v35 =	vadd.s32 $0x3AE, v0;
	v37 =	vadd.s32 $0xB2C, v0;
	v34 =	vld.idx.msk [tilespmem:v62+s29+$0x0], $0xffff  }
0x102: {  	v39 =	vadd.s32 $0x3EF, v0;
	v57 =	vadd.s32 $0xAEB, v0;
	v5 =	vadd.f32 $0.0e+00, v63;
	v31 =	vld.idx.msk [tilespmem:v40+s29+$0x0], $0xffff  }
0x103: {  	v63 =	vadd.s32 $0xA28, v0;
	v3 =	vadd.f32 $0.0e+00, v3;
	v4 =	vadd.f32 $0.0e+00, v4;
	v33 =	vld.idx.msk [tilespmem:v43+s29+$0x0], $0xffff  }
0x104: {  	v1 =	vadd.f32 $0.0e+00, v1;
	v52 =	vld.idx.msk [tilespmem:v45+s29+$0x0], $0xffff;
	v61 =	vadd.s32 $0xEEB, v0;
	v62 =	vadd.s32 $0x36D, v0  }
0x105: {  	v54 =	vld.idx.msk [tilespmem:v46+s29+$0x0], $0xffff;
	v40 =	vadd.s32 $0xF2C, v0;
	v43 =	vadd.s32 $0xB6D, v0;
	v45 =	vadd.s32 $0xF6D, v0  }
0x106: {  	v58 =	vld.idx.msk [tilespmem:v49+s29+$0x0], $0xffff;
	v46 =	vadd.s32 $0x7AE, v0;
	v2 =	vadd.f32 v2, v5;
	v3 =	vadd.f32 v6, v3  }
0x107: {  	v60 =	vld.idx.msk [tilespmem:v51+s29+$0x0], $0xffff;
	v49 =	vadd.s32 $0xFAE, v0;
	v4 =	vadd.f32 v7, v4;
	v1 =	vadd.f32 v8, v1  }
0x108: {  	v5 =	vld.idx.msk [tilespmem:v59+s29+$0x0], $0xffff;
	v59 =	vadd.s32 $0x32C, v0;
	v2 =	vadd.f32 v9, v2;
	v3 =	vadd.f32 v10, v3  }
0x109: {  	v8 =	vld.idx.msk [tilespmem:v53+s29+$0x0], $0xffff;
	v53 =	vadd.s32 $0xFEF, v0;
	v4 =	vadd.f32 v11, v4;
	v1 =	vadd.f32 v12, v1  }
0x10a: {  	v11 =	vimm.s32 $0x74737271;
	v9 =	vld.idx.msk [tilespmem:v62+s29+$0x0], $0xffff;
	v62 =	vimm.s32 $0x7C7B7A79;
	v2 =	vadd.f32 v13, v2  }
0x10b: {  	v51 =	vld.idx.msk [tilespmem:v45+s29+$0x0], $0xffff;
	v45 =	vimm.s32 $0x8C2;
	v3 =	vadd.f32 v14, v3;
	v4 =	vadd.f32 v15, v4  }
0x10c: {  	v28 =	vld.idx.msk [tilespmem:v56+s29+$0x0], $0xffff;
	v1 =	vadd.f32 v16, v1;
	v15 =	vimm.s32 $0x840;
	v2 =	vadd.f32 v17, v2  }
0x10d: {  	v36 =	vld.idx.msk [tilespmem:v59+s29+$0x0], $0xffff;
	v59 =	vor.u32 $0x430, v0;
	v3 =	vadd.f32 v18, v3;
	v4 =	vadd.f32 v19, v4  }
0x10e: {  	v1 =	vadd.f32 v20, v1;
	v18 =	vimm.s32 $0x8180BFBE;
	v19 =	vimm.s32 $0xB5B4B3B2  }
0x10f: {  	v47 =	vld.idx.msk [tilespmem:v41+s29+$0x0], $0xffff;
	v20 =	vimm.s32 $0xB9B8B7B6;
	v2 =	vadd.f32 v21, v2;
	v3 =	vadd.f32 v22, v3  }
0x110: {  	v17 =	vld.idx.msk [tilespmem:v35+s29+$0x0], $0xffff;
	v35 =	vimm.s32 $0xFAF9F8F7;
	v4 =	vadd.f32 v23, v4;
	v1 =	vadd.f32 v24, v1  }
0x111: {  	v13 =	vld.idx.msk [tilespmem:v63+s29+$0x0], $0xffff;
	v24 =	vimm.s32 $0x881;
	v2 =	vadd.f32 v25, v2;
	v3 =	vadd.f32 v26, v3  }
0x112: {  	v50 =	vld.idx.msk [tilespmem:v44+s29+$0x0], $0xffff;
	v25 =	vadd.s32 $0x72C, v0;
	v4 =	vadd.f32 v27, v4;
	v1 =	vadd.f32 v28, v1  }
0x113: {  	v56 =	vld.idx.msk [tilespmem:v48+s29+$0x0], $0xffff;
	v26 =	vimm.s32 $0x4C2;
	v2 =	vadd.f32 v29, v2;
	v3 =	vadd.f32 v30, v3  }
0x114: {  	v12 =	vld.idx.msk [tilespmem:v57+s29+$0x0], $0xffff;
	v4 =	vadd.f32 v5, v4;
	v1 =	vadd.f32 v32, v1;
	v32 =	vimm.s32 $0xFEFDFCFB  }
0x115: {  	v63 =	vld.idx.msk [tilespmem:v55+s29+$0x0], $0xffff;
	v2 =	vadd.f32 v42, v2;
	v42 =	vadd.s32 $0x76D, v0;
	v3 =	vadd.f32 v34, v3  }
0x116: {  	v4 =	vadd.f32 v13, v4;
	v1 =	vadd.f32 v31, v1;
	v13 =	vld.idx.msk [tilespmem:v46+s29+$0x0], $0xffff;
	v34 =	vimm.s32 $0xF6F5F4F3  }
0x117: {  	v46 =	vimm.s32 $0xCC2;
	v41 =	vld.idx.msk [tilespmem:v25+s29+$0x0], $0xffff;
	v25 =	vimm.s32 $0xC81;
	v2 =	vadd.f32 v47, v2  }
0x118: {  	v38 =	vld.idx.msk [tilespmem:v61+s29+$0x0], $0xffff;
	v3 =	vadd.f32 v33, v3;
	v47 =	vadd.s32 $0xBAE, v0;
	v4 =	vadd.f32 v50, v4  }
0x119: {  	v1 =	vadd.f32 v52, v1;
	v50 =	vadd.s32 $0x7EF, v0;
	v52 =	vadd.s32 $0xBEF, v0  }
0x11a: {  	v44 =	vld.idx.msk [tilespmem:v37+s29+$0x0], $0xffff;
	v33 =	vimm.s32 $0xC2C1C0FF;
	v2 =	vadd.f32 v54, v2;
	v3 =	vadd.f32 v56, v3  }
0x11b: {  	v22 =	vld.idx.msk [tilespmem:v40+s29+$0x0], $0xffff;
	v4 =	vadd.f32 v58, v4;
	v1 =	vadd.f32 v60, v1;
	v58 =	vor.u32 $0x30, v0  }
0x11c: {  	v56 =	vld.idx.msk [tilespmem:v53+s29+$0x0], $0xffff;
	v53 =	vimm.s32 $0x903;
	v2 =	vadd.f32 v8, v2;
	v3 =	vadd.f32 v63, v3  }
0x11d: {  	v48 =	vld.idx.msk [tilespmem:v42+s29+$0x0], $0xffff;
	v4 =	vadd.f32 v12, v4;
	v1 =	vadd.f32 v38, v1;
	v12 =	vimm.s32 $0x78777675  }
0x11e: {  	v5 =	vld.idx.msk [tilespmem:v43+s29+$0x0], $0xffff;
	v63 =	vor.u32 $0x830, v0;
	v0 =	vor.u32 $0xC30, v0;
	v8 =	vunpack.c.0.s8.s32 v12  }
0x11f: {  	v55 =	vld.idx.msk [tilespmem:v52+s29+$0x0], $0xffff;
	v12 =	vsel vm14, $0x4F3, v26;
	v52 =	vimm.s32 $0x503;
	v2 =	vadd.f32 v36, v2  }
0x120: {  	v26 =	vimm.s32 $0x585;
	v3 =	vadd.f32 v41, v3;
	v4 =	vadd.f32 v44, v4  }
0x121: {  	v7 =	vld.idx.msk [tilespmem:v49+s29+$0x0], $0xffff;
	v1 =	vadd.f32 v22, v1;
	v22 =	vimm.s32 $0x481;
	v12 =	vsel vm13, $0x4F4, v12  }
0x122: {  	v16 =	vld.idx.msk [tilespmem:v39+s29+$0x0], $0xffff;
	v23 =	vsel vm14, $0x4B2, v22;
	v2 =	vadd.f32 v9, v2;
	v3 =	vadd.f32 v48, v3  }
0x123: {  	v54 =	vld.idx.msk [tilespmem:v50+s29+$0x0], $0xffff;
	v12 =	vsel vm12, $0x4F5, v12;
	v4 =	vadd.f32 v5, v4;
	v1 =	vadd.f32 v51, v1  }
0x124: {  	v9 =	vld.idx.msk [tilespmem:v47+s29+$0x0], $0xffff;
	v28 =	vsel vm11, $0x4F6, v12;
	v12 =	vunpack.c.0.s8.s32 v34;
	v47 =	vimm.s32 $0x103  }
0x125: {  	v30 =	vsel vm10, $0x4F7, v28;
	v28 =	vimm.s32 $0xD85;
	v2 =	vadd.f32 v17, v2  }
0x126: {  	v3 =	vadd.f32 v13, v3;
	v1 =	vadd.f32 v7, v1;
	v7 =	vunpack.c.0.s8.s32 v11  }
0x127: {  	v17 =	vimm.s32 $0xBDBCBBBA;
	v11 =	vunpack.c.0.s8.s32 v20;
	v2 =	vadd.f32 v16, v2  }
0x128: {  	v3 =	vadd.f32 v54, v3;
	v1 =	vadd.f32 v56, v1;
	v14 =	vsel vm15, v8, v7  }
0x129: {  	v16 =	vimm.s32 $0xC40;
	v8 =	vunpack.c.0.s8.s32 v17;
	v54 =	vimm.s32 $0xD03  }
0x12a: {  	v17 =	vsel vm14, $0x5B6, v26;
	v4 =	vadd.f32 v9, v4;
	v9 =	vimm.s32 $0x407F7E7D  }
0x12b: {  	v7 =	vsel vm14, $0xC71, v16;
	v17 =	vsel vm13, $0x5B7, v17;
	v2 =	vtrunc.f32 v2  }
0x12c: {  	v5 =	vunpack.c.0.s8.s32 v9;
	v7 =	vsel vm13, $0xC72, v7;
	v9 =	vunpack.c.0.s8.s32 v18  }
0x12d: {  	v17 =	vsel vm12, $0x5B8, v17;
	v2 =	vcvt.f32.s32 v2;
	v7 =	vsel vm12, $0xC73, v7  }
0x12e: {  	v4 =	vadd.f32 v55, v4;
	v17 =	vsel vm11, $0x5B9, v17;
	v7 =	vsel vm11, $0xC74, v7  }
0x12f: {  	v8 =	vsel vm15, v9, v8;
	v9 =	vsel vm13, $0x4B3, v23;
	v17 =	vsel vm10, $0x5BA, v17  }
0x130: {  	v57 =	vand.u32 $0xFFF, v2;
	v2 =	vshra.s32 v2, $0xC;
	v7 =	vsel vm10, $0xC75, v7  }
0x131: {  	v9 =	vsel vm12, $0x4B4, v9;
	v17 =	vsel vm9, $0x5BB, v17;
	v10 =	vcvt.s32.f32 v57  }
0x132: {  	[tilespmem:$0x110A0] =	vst v3;
	v2 =	vcvt.s32.f32 v2;
	v7 =	vsel vm9, $0xC76, v7;
	v9 =	vsel vm11, $0x4B5, v9  }
0x133: {  	[tilespmem:$0x11120] =	vst v1;
	v17 =	vsel vm8, $0x5BC, v17;
	v7 =	vsel vm8, $0xC77, v7;
	v9 =	vsel vm10, $0x4B6, v9  }
0x134: {  	v17 =	vsel vm7, $0x5BD, v17;
	[tilespmem:$0x11020] =	vst v10;
	v10 =	vimm.s32 $0x440;
	v7 =	vsel vm7, $0xC78, v7  }
0x135: {  	[tilespmem:$0x110E0] =	vst v4;
	v9 =	vsel vm9, $0x4B7, v9;
	v17 =	vsel vm6, $0x5BE, v17;
	v6 =	vsel vm14, $0x471, v10  }
0x136: {  	[tilespmem:$0x11060] =	vst v2;
	v7 =	vsel vm6, $0xC79, v7;
	v10 =	vunpack.c.0.s8.s32 v19;
	v9 =	vsel vm8, $0x4B8, v9  }
0x137: {  	v3 =	vld.idx.msk [tilespmem:v59+s29+$0x0], $0xffff;
	v59 =	vimm.s32 $0x144;
	v17 =	vsel vm5, $0x5BF, v17;
	v19 =	vsel vm14, $0xDB6, v28  }
0x138: {  	v6 =	vsel vm13, $0x472, v6;
	v7 =	vsel vm5, $0xC7A, v7;
	v9 =	vsel vm7, $0x4B9, v9  }
0x139: {  	v17 =	vsel vm4, $0x580, v17;
	v19 =	vsel vm13, $0xDB7, v19;
	v6 =	vsel vm12, $0x473, v6  }
0x13a: {  	v7 =	vsel vm4, $0xC7B, v7;
	v21 =	vsel vm15, v11, v10;
	v10 =	vsel vm14, $0x8B2, v24  }
0x13b: {  	v11 =	vsel vm14, $0xCB2, v25;
	v9 =	vsel vm6, $0x4BA, v9;
	v24 =	vimm.s32 $0xD44  }
0x13c: {  	v25 =	vimm.s32 $0x185;
	v17 =	vsel vm3, $0x581, v17;
	v19 =	vsel vm12, $0xDB8, v19  }
0x13d: {  	v1 =	vld.idx.msk [tilespmem:v58+s29+$0x0], $0xffff;
	v6 =	vsel vm11, $0x474, v6;
	v7 =	vsel vm3, $0xC7C, v7;
	v8 =	vcombine.low v21, v8  }
0x13e: {  	v10 =	vsel vm13, $0x8B3, v10;
	v11 =	vsel vm13, $0xCB3, v11;
	v9 =	vsel vm5, $0x4BB, v9  }
0x13f: {  	v16 =	vsel vm14, $0x1B6, v25;
	v17 =	vsel vm1, $0x582, v17;
	v19 =	vsel vm11, $0xDB9, v19  }
0x140: {  	v4 =	vld.idx.msk [tilespmem:v63+s29+$0x0], $0xffff;
	v6 =	vsel vm10, $0x475, v6;
	v7 =	vsel vm1, $0xC7D, v7;
	v10 =	vsel vm12, $0x8B4, v10  }
0x141: {  	v0 =	vld.idx.msk [tilespmem:v0+s29+$0x0], $0xffff;
	v11 =	vsel vm12, $0xCB4, v11;
	v9 =	vsel vm4, $0x4BC, v9;
	v16 =	vsel vm13, $0x1B7, v16  }
0x142: {  	v17 =	vsel vm0, $0x583, v17;
	v19 =	vsel vm10, $0xDBA, v19;
	v60 =	vadd.f32 $0.0e+00, v1  }
0x143: {  	v61 =	vadd.f32 $0.0e+00, v3;
	v3 =	vunpack.c.0.s8.s32 v62;
	v6 =	vsel vm9, $0x476, v6  }
0x144: {  	v7 =	vsel vm0, $0xC7E, v7;
	v8 =	vand.u32 $0xFF, v8;
	v10 =	vsel vm11, $0x8B5, v10  }
0x145: {  	v11 =	vsel vm11, $0xCB5, v11;
	v9 =	vsel vm3, $0x4BD, v9;
	v4 =	vadd.f32 $0.0e+00, v4  }
0x146: {  	v0 =	vadd.f32 $0.0e+00, v0;
	v16 =	vsel vm12, $0x1B8, v16;
	v17 =	vsel vm2, $0x584, v17  }
0x147: {  	v19 =	vsel vm9, $0xDBB, v19;
	v13 =	vsel vm8, $0x477, v6;
	v6 =	vsel vm14, $0x871, v15  }
0x148: {  	v7 =	vsel vm2, $0xC7F, v7;
	v10 =	vsel vm10, $0x8B6, v10;
	v11 =	vsel vm10, $0xCB6, v11  }
0x149: {  	v9 =	vsel vm1, $0x4BE, v9;
	v16 =	vsel vm11, $0x1B9, v16;
	v19 =	vsel vm8, $0xDBC, v19  }
0x14a: {  	v3 =	vsel vm15, v5, v3;
	v5 =	vsel vm7, $0x478, v13;
	v6 =	vsel vm13, $0x872, v6  }
0x14b: {  	v10 =	vsel vm9, $0x8B7, v10;
	v11 =	vsel vm9, $0xCB7, v11;
	v9 =	vsel vm0, $0x4BF, v9  }
0x14c: {  	v13 =	vunpack.c.0.s8.s32 v35;
	v16 =	vsel vm10, $0x1BA, v16;
	v19 =	vsel vm7, $0xDBD, v19  }
0x14d: {  	v3 =	vcombine.low v14, v3;
	v5 =	vsel vm6, $0x479, v5;
	v6 =	vsel vm12, $0x873, v6  }
0x14e: {  	v10 =	vsel vm8, $0x8B8, v10;
	v11 =	vsel vm8, $0xCB8, v11;
	v9 =	vsel vm2, $0x480, v9  }
0x14f: {  	v16 =	vsel vm9, $0x1BB, v16;
	v19 =	vsel vm6, $0xDBE, v19;
	v5 =	vsel vm5, $0x47A, v5  }
0x150: {  	v6 =	vsel vm11, $0x874, v6;
	v10 =	vsel vm7, $0x8B9, v10;
	v11 =	vsel vm7, $0xCB9, v11  }
0x151: {  	v40 =	vsel vm15, v13, v12;
	v16 =	vsel vm8, $0x1BC, v16;
	v19 =	vsel vm5, $0xDBF, v19  }
0x152: {  	v5 =	vsel vm4, $0x47B, v5;
	v6 =	vsel vm10, $0x875, v6;
	v10 =	vsel vm6, $0x8BA, v10  }
0x153: {  	v11 =	vsel vm6, $0xCBA, v11;
	v29 =	vld.idx.msk [tilespmem:v8+s29+$0x0], $0xffff;
	v8 =	vunpack.c.0.s8.s32 v32;
	v16 =	vsel vm7, $0x1BD, v16  }
0x154: {  	v19 =	vsel vm4, $0xD80, v19;
	v32 =	vimm.s32 $0xDC6;
	v5 =	vsel vm3, $0x47C, v5  }
0x155: {  	v6 =	vsel vm9, $0x876, v6;
	v10 =	vsel vm5, $0x8BB, v10;
	v11 =	vsel vm5, $0xCBB, v11  }
0x156: {  	v27 =	vld.idx.msk [tilespmem:v7+s29+$0x0], $0xffff;
	v7 =	vsel vm14, $0xCF3, v46;
	v16 =	vsel vm6, $0x1BE, v16;
	v19 =	vsel vm3, $0xD81, v19  }
0x157: {  	v6 =	vsel vm8, $0x877, v6;
	v5 =	vsel vm1, $0x47D, v5;
	v10 =	vsel vm4, $0x8BC, v10  }
0x158: {  	v11 =	vsel vm4, $0xCBC, v11;
	v7 =	vsel vm13, $0xCF4, v7;
	v16 =	vsel vm5, $0x1BF, v16  }
0x159: {  	v19 =	vsel vm1, $0xD82, v19;
	v6 =	vsel vm7, $0x878, v6;
	v5 =	vsel vm0, $0x47E, v5  }
0x15a: {  	v10 =	vsel vm3, $0x8BD, v10;
	v11 =	vsel vm3, $0xCBD, v11;
	v31 =	vld.idx.msk [tilespmem:v9+s29+$0x0], $0xffff;
	v9 =	vunpack.c.0.s8.s32 v33  }
0x15b: {  	v7 =	vsel vm12, $0xCF5, v7;
	v16 =	vsel vm4, $0x180, v16;
	v19 =	vsel vm0, $0xD83, v19  }
0x15c: {  	v6 =	vsel vm6, $0x879, v6;
	v5 =	vsel vm2, $0x47F, v5;
	v10 =	vsel vm1, $0x8BE, v10  }
0x15d: {  	v11 =	vsel vm1, $0xCBE, v11;
	v7 =	vsel vm11, $0xCF6, v7;
	v16 =	vsel vm3, $0x181, v16  }
0x15e: {  	v19 =	vsel vm2, $0xD84, v19;
	v6 =	vsel vm5, $0x87A, v6;
	v10 =	vsel vm0, $0x8BF, v10  }
0x15f: {  	v11 =	vsel vm0, $0xCBF, v11;
	v39 =	vsel vm15, v9, v8;
	v8 =	vsel vm14, $0x134, v47  }
0x160: {  	v7 =	vsel vm10, $0xCF7, v7;
	v16 =	vsel vm1, $0x182, v16;
	v47 =	vimm.s32 $0x607  }
0x161: {  	v6 =	vsel vm4, $0x87B, v6;
	v10 =	vsel vm2, $0x880, v10;
	v11 =	vsel vm2, $0xC80, v11  }
0x162: {  	v3 =	vld.idx.msk [tilespmem:v3+s29+$0x0], $0xffff;
	v36 =	vadd.f32 v27, v0;
	v8 =	vsel vm13, $0x135, v8;
	v7 =	vsel vm9, $0xCF8, v7  }
0x163: {  	v16 =	vsel vm0, $0x183, v16;
	v27 =	vimm.s32 $0x985;
	v6 =	vsel vm3, $0x87C, v6  }
0x164: {  	v8 =	vsel vm12, $0x136, v8;
	v7 =	vsel vm8, $0xCF9, v7;
	v16 =	vsel vm2, $0x184, v16  }
0x165: {  	v18 =	vsel vm14, $0x9B6, v27;
	v6 =	vsel vm1, $0x87D, v6;
	v8 =	vsel vm11, $0x137, v8  }
0x166: {  	v7 =	vsel vm7, $0xCFA, v7;
	v18 =	vsel vm13, $0x9B7, v18;
	v6 =	vsel vm0, $0x87E, v6  }
0x167: {  	v2 =	vadd.f32 v3, v60;
	v8 =	vsel vm10, $0x138, v8;
	v7 =	vsel vm6, $0xCFB, v7  }
0x168: {  	v60 =	vimm.s32 $0x544;
	v18 =	vsel vm12, $0x9B8, v18;
	v6 =	vsel vm2, $0x87F, v6  }
0x169: {  	v8 =	vsel vm9, $0x139, v8;
	v7 =	vsel vm5, $0xCFC, v7;
	v13 =	vsel vm14, $0x575, v60  }
0x16a: {  	v18 =	vsel vm11, $0x9B9, v18;
	v60 =	vimm.s32 $0x2CA;
	v37 =	vadd.f32 v29, v2  }
0x16b: {  	v5 =	vld.idx.msk [tilespmem:v5+s29+$0x0], $0xffff;
	v8 =	vsel vm8, $0x13A, v8;
	v7 =	vsel vm4, $0xCFD, v7;
	v13 =	vsel vm13, $0x576, v13  }
0x16c: {  	v29 =	vimm.s32 $0x1C6;
	v18 =	vsel vm10, $0x9BA, v18;
	v8 =	vsel vm7, $0x13B, v8  }
0x16d: {  	v7 =	vsel vm3, $0xCFE, v7;
	v13 =	vsel vm12, $0x577, v13;
	v20 =	vsel vm14, $0x1F7, v29  }
0x16e: {  	v18 =	vsel vm9, $0x9BB, v18;
	v8 =	vsel vm6, $0x13C, v8;
	v7 =	vsel vm1, $0xCFF, v7  }
0x16f: {  	v13 =	vsel vm11, $0x578, v13;
	v20 =	vsel vm13, $0x1F8, v20;
	v18 =	vsel vm8, $0x9BC, v18  }
0x170: {  	v11 =	vld.idx.msk [tilespmem:v11+s29+$0x0], $0xffff;
	v1 =	vadd.f32 v5, v61;
	v5 =	vcombine.low v40, v39;
	v8 =	vsel vm5, $0x13D, v8  }
0x171: {  	v50 =	vsel vm0, $0xCC0, v7;
	v61 =	vimm.s32 $0x944;
	v13 =	vsel vm10, $0x579, v13  }
0x172: {  	v20 =	vsel vm12, $0x1F9, v20;
	v18 =	vsel vm7, $0x9BD, v18;
	v8 =	vsel vm4, $0x13E, v8  }
0x173: {  	v7 =	vsel vm2, $0xCC1, v50;
	v14 =	vsel vm14, $0x975, v61;
	v13 =	vsel vm9, $0x57A, v13  }
0x174: {  	v20 =	vsel vm11, $0x1FA, v20;
	v18 =	vsel vm6, $0x9BE, v18;
	v61 =	vimm.s32 $0x30B  }
0x175: {  	v1 =	vadd.f32 v31, v1;
	v43 =	vadd.f32 v11, v36;
	v5 =	vand.u32 $0xFF, v5  }
0x176: {  	v48 =	vsel vm3, $0x13F, v8;
	v11 =	vsel vm14, $0xD34, v54;
	v14 =	vsel vm13, $0x976, v14  }
0x177: {  	v13 =	vsel vm8, $0x57B, v13;
	v20 =	vsel vm10, $0x1FB, v20;
	v18 =	vsel vm5, $0x9BF, v18  }
0x178: {  	v31 =	vimm.s32 $0x9C6;
	v54 =	vimm.s32 $0x648;
	v9 =	vsel vm1, $0x100, v48  }
0x179: {  	v11 =	vsel vm13, $0xD35, v11;
	v14 =	vsel vm12, $0x977, v14;
	v13 =	vsel vm7, $0x57C, v13  }
0x17a: {  	v6 =	vld.idx.msk [tilespmem:v6+s29+$0x0], $0xffff;
	v20 =	vsel vm9, $0x1FC, v20;
	v18 =	vsel vm4, $0x980, v18;
	v51 =	vsel vm0, $0x101, v9  }
0x17b: {  	v9 =	vsel vm14, $0x534, v52;
	v11 =	vsel vm12, $0xD36, v11;
	v14 =	vsel vm11, $0x978, v14  }
0x17c: {  	v13 =	vsel vm6, $0x57D, v13;
	v20 =	vsel vm8, $0x1FD, v20;
	v18 =	vsel vm3, $0x981, v18  }
0x17d: {  	v52 =	vimm.s32 $0xE07;
	v9 =	vsel vm13, $0x535, v9;
	v11 =	vsel vm11, $0xD37, v11  }
0x17e: {  	v14 =	vsel vm10, $0x979, v14;
	v13 =	vsel vm5, $0x57E, v13;
	v20 =	vsel vm7, $0x1FE, v20  }
0x17f: {  	v18 =	vsel vm1, $0x982, v18;
	v4 =	vadd.f32 v6, v4;
	v6 =	vsel vm9, $0x4F8, v30  }
0x180: {  	v10 =	vld.idx.msk [tilespmem:v10+s29+$0x0], $0xffff;
	v9 =	vsel vm12, $0x536, v9;
	v11 =	vsel vm10, $0xD38, v11;
	v14 =	vsel vm9, $0x97A, v14  }
0x181: {  	v13 =	vsel vm4, $0x57F, v13;
	v20 =	vsel vm6, $0x1FF, v20;
	v18 =	vsel vm0, $0x983, v18  }
0x182: {  	v30 =	vimm.s32 $0x5C6;
	v6 =	vsel vm8, $0x4F9, v6;
	v9 =	vsel vm11, $0x537, v9  }
0x183: {  	v11 =	vsel vm9, $0xD39, v11;
	v14 =	vsel vm8, $0x97B, v14;
	v13 =	vsel vm3, $0x540, v13  }
0x184: {  	v20 =	vsel vm5, $0x1C0, v20;
	v18 =	vsel vm2, $0x984, v18;
	v21 =	vsel vm14, $0x5F7, v30  }
0x185: {  	v6 =	vsel vm7, $0x4FA, v6;
	v42 =	vadd.f32 v10, v4;
	v10 =	vsel vm14, $0x934, v53  }
0x186: {  	v9 =	vsel vm10, $0x538, v9;
	v11 =	vsel vm8, $0xD3A, v11;
	v14 =	vsel vm7, $0x97C, v14  }
0x187: {  	v13 =	vsel vm1, $0x541, v13;
	v20 =	vsel vm4, $0x1C1, v20;
	v21 =	vsel vm13, $0x5F8, v21  }
0x188: {  	v53 =	vimm.s32 $0x248;
	v6 =	vsel vm6, $0x4FB, v6;
	v10 =	vsel vm13, $0x935, v10  }
0x189: {  	v9 =	vsel vm9, $0x539, v9;
	v11 =	vsel vm7, $0xD3B, v11;
	v14 =	vsel vm6, $0x97D, v14  }
0x18a: {  	v22 =	vsel vm0, $0x542, v13;
	v20 =	vsel vm3, $0x1C2, v20;
	v21 =	vsel vm12, $0x5F9, v21  }
0x18b: {  	v38 =	vsel vm5, $0x4FC, v6;
	v6 =	vsel vm14, $0x8F3, v45;
	v10 =	vsel vm12, $0x936, v10  }
0x18c: {  	v9 =	vsel vm8, $0x53A, v9;
	v11 =	vsel vm6, $0xD3C, v11;
	v14 =	vsel vm5, $0x97E, v14  }
0x18d: {  	v13 =	vsel vm2, $0x543, v22;
	v20 =	vsel vm1, $0x1C3, v20;
	v22 =	vsel vm14, $0x9F7, v31  }
0x18e: {  	v7 =	vld.idx.msk [tilespmem:v7+s29+$0x0], $0xffff;
	v21 =	vsel vm11, $0x5FA, v21;
	v2 =	vsel vm4, $0x4FD, v38;
	v6 =	vsel vm13, $0x8F4, v6  }
0x18f: {  	v5 =	vld.idx.msk [tilespmem:v5+s29+$0x0], $0xffff;
	v10 =	vsel vm11, $0x937, v10;
	v9 =	vsel vm7, $0x53B, v9;
	v11 =	vsel vm5, $0xD3D, v11  }
0x190: {  	v14 =	vsel vm4, $0x97F, v14;
	v20 =	vsel vm0, $0x1C4, v20;
	v22 =	vsel vm13, $0x9F8, v22  }
0x191: {  	v21 =	vsel vm10, $0x5FB, v21;
	v41 =	vsel vm3, $0x4FE, v2;
	v6 =	vsel vm12, $0x8F5, v6  }
0x192: {  	v10 =	vsel vm10, $0x938, v10;
	v9 =	vsel vm6, $0x53C, v9;
	v11 =	vsel vm4, $0xD3E, v11  }
0x193: {  	v62 =	vsel vm3, $0x940, v14;
	v20 =	vsel vm2, $0x1C5, v20;
	v22 =	vsel vm12, $0x9F9, v22  }
0x194: {  	v21 =	vsel vm9, $0x5FC, v21;
	v0 =	vadd.f32 v5, v37;
	v2 =	vadd.f32 v7, v43  }
0x195: {  	v5 =	vsel vm14, $0x638, v47;
	v7 =	vsel vm14, $0xE38, v52;
	v47 =	vimm.s32 $0xF8D  }
0x196: {  	v44 =	vsel vm1, $0x4FF, v41;
	v6 =	vsel vm11, $0x8F6, v6;
	v10 =	vsel vm9, $0x939, v10  }
0x197: {  	v9 =	vsel vm5, $0x53D, v9;
	v55 =	vsel vm3, $0xD3F, v11;
	v15 =	vsel vm1, $0x941, v62  }
0x198: {  	v22 =	vsel vm11, $0x9FA, v22;
	v21 =	vsel vm8, $0x5FD, v21;
	v5 =	vsel vm13, $0x639, v5  }
0x199: {  	v7 =	vsel vm13, $0xE39, v7;
	v62 =	vimm.s32 $0x34C;
	v4 =	vsel vm0, $0x4C0, v44  }
0x19a: {  	v6 =	vsel vm10, $0x8F7, v6;
	v10 =	vsel vm8, $0x93A, v10;
	v9 =	vsel vm4, $0x53E, v9  }
0x19b: {  	v12 =	vsel vm1, $0xD00, v55;
	v23 =	vsel vm0, $0x942, v15;
	v15 =	vsel vm14, $0xD75, v24  }
0x19c: {  	v22 =	vsel vm10, $0x9FB, v22;
	v21 =	vsel vm7, $0x5FE, v21;
	v5 =	vsel vm12, $0x63A, v5  }
0x19d: {  	v33 =	vld.idx.msk [tilespmem:v17+s29+$0x0], $0xffff;
	v7 =	vsel vm12, $0xE3A, v7;
	v55 =	vimm.s32 $0xA48;
	v17 =	vsel vm14, $0x37D, v62  }
0x19e: {  	v4 =	vsel vm2, $0x4C1, v4;
	v6 =	vsel vm9, $0x8F8, v6;
	v10 =	vsel vm7, $0x93B, v10  }
0x19f: {  	v9 =	vsel vm3, $0x53F, v9;
	v58 =	vsel vm0, $0xD01, v12;
	v12 =	vsel vm14, $0x175, v59  }
0x1a0: {  	v15 =	vsel vm13, $0xD76, v15;
	v22 =	vsel vm9, $0x9FC, v22;
	v21 =	vsel vm6, $0x5FF, v21  }
0x1a1: {  	v5 =	vsel vm11, $0x63B, v5;
	v7 =	vsel vm11, $0xE3B, v7;
	v59 =	vimm.s32 $0xA89  }
0x1a2: {  	v17 =	vsel vm13, $0x37E, v17;
	v6 =	vsel vm8, $0x8F9, v6;
	v10 =	vsel vm6, $0x93C, v10  }
0x1a3: {  	v9 =	vsel vm1, $0x500, v9;
	v12 =	vsel vm13, $0x176, v12;
	v15 =	vsel vm12, $0xD77, v15  }
0x1a4: {  	v22 =	vsel vm8, $0x9FD, v22;
	v21 =	vsel vm5, $0x5C0, v21;
	v5 =	vsel vm10, $0x63C, v5  }
0x1a5: {  	v7 =	vsel vm10, $0xE3C, v7;
	v17 =	vsel vm12, $0x37F, v17;
	v6 =	vsel vm7, $0x8FA, v6  }
0x1a6: {  	v10 =	vsel vm5, $0x93D, v10;
	v9 =	vsel vm0, $0x501, v9;
	v12 =	vsel vm12, $0x177, v12  }
0x1a7: {  	v15 =	vsel vm11, $0xD78, v15;
	v22 =	vsel vm7, $0x9FE, v22;
	v21 =	vsel vm4, $0x5C1, v21  }
0x1a8: {  	v5 =	vsel vm9, $0x63D, v5;
	v7 =	vsel vm9, $0xE3D, v7;
	v17 =	vsel vm11, $0x340, v17  }
0x1a9: {  	v6 =	vsel vm6, $0x8FB, v6;
	v10 =	vsel vm4, $0x93E, v10;
	v56 =	vsel vm2, $0x502, v9  }
0x1aa: {  	v9 =	vsel vm2, $0xD02, v58;
	v12 =	vsel vm11, $0x178, v12;
	v15 =	vsel vm10, $0xD79, v15  }
0x1ab: {  	v22 =	vsel vm6, $0x9FF, v22;
	v21 =	vsel vm3, $0x5C2, v21;
	v5 =	vsel vm8, $0x63E, v5  }
0x1ac: {  	v7 =	vsel vm8, $0xE3E, v7;
	v58 =	vimm.s32 $0x689;
	v17 =	vsel vm10, $0x341, v17  }
0x1ad: {  	v6 =	vsel vm5, $0x8FC, v6;
	v10 =	vsel vm3, $0x93F, v10;
	v12 =	vsel vm10, $0x179, v12  }
0x1ae: {  	v15 =	vsel vm9, $0xD7A, v15;
	v22 =	vsel vm5, $0x9C0, v22;
	v21 =	vsel vm1, $0x5C3, v21  }
0x1af: {  	v5 =	vsel vm7, $0x63F, v5;
	v7 =	vsel vm7, $0xE3F, v7;
	v17 =	vsel vm9, $0x342, v17  }
0x1b0: {  	v6 =	vsel vm4, $0x8FD, v6;
	v10 =	vsel vm1, $0x900, v10;
	v12 =	vsel vm9, $0x17A, v12  }
0x1b1: {  	v15 =	vsel vm8, $0xD7B, v15;
	v22 =	vsel vm4, $0x9C1, v22;
	v21 =	vsel vm0, $0x5C4, v21  }
0x1b2: {  	v5 =	vsel vm6, $0x600, v5;
	v7 =	vsel vm6, $0xE00, v7;
	v17 =	vsel vm8, $0x343, v17  }
0x1b3: {  	v6 =	vsel vm3, $0x8FE, v6;
	v57 =	vsel vm0, $0x901, v10;
	v12 =	vsel vm8, $0x17B, v12  }
0x1b4: {  	v15 =	vsel vm7, $0xD7C, v15;
	v22 =	vsel vm3, $0x9C2, v22;
	v21 =	vsel vm2, $0x5C5, v21  }
0x1b5: {  	v5 =	vsel vm5, $0x601, v5;
	v7 =	vsel vm5, $0xE01, v7;
	v17 =	vsel vm7, $0x344, v17  }
0x1b6: {  	v6 =	vsel vm1, $0x8FF, v6;
	v10 =	vsel vm2, $0x902, v57;
	v12 =	vsel vm7, $0x17C, v12  }
0x1b7: {  	v15 =	vsel vm6, $0xD7D, v15;
	v22 =	vsel vm1, $0x9C3, v22;
	v5 =	vsel vm4, $0x602, v5  }
0x1b8: {  	v7 =	vsel vm4, $0xE02, v7;
	v57 =	vimm.s32 $0x289;
	v17 =	vsel vm6, $0x345, v17  }
0x1b9: {  	v6 =	vsel vm0, $0x8C0, v6;
	v12 =	vsel vm6, $0x17D, v12;
	v15 =	vsel vm5, $0xD7E, v15  }
0x1ba: {  	v4 =	vld.idx.msk [tilespmem:v4+s29+$0x0], $0xffff;
	v22 =	vsel vm0, $0x9C4, v22;
	v5 =	vsel vm3, $0x603, v5;
	v7 =	vsel vm3, $0xE03, v7  }
0x1bb: {  	v11 =	vld.idx.msk [tilespmem:v56+s29+$0x0], $0xffff;
	v56 =	vimm.s32 $0xE48;
	v17 =	vsel vm5, $0x346, v17;
	v49 =	vsel vm2, $0x8C1, v6  }
0x1bc: {  	v6 =	vsel vm2, $0x102, v51;
	v12 =	vsel vm5, $0x17E, v12;
	v15 =	vsel vm4, $0xD7F, v15  }
0x1bd: {  	v34 =	vsel vm2, $0x9C5, v22;
	v51 =	vimm.s32 $0xA07;
	v5 =	vsel vm1, $0x604, v5  }
0x1be: {  	v7 =	vsel vm1, $0xE04, v7;
	v17 =	vsel vm4, $0x347, v17;
	v12 =	vsel vm4, $0x17F, v12  }
0x1bf: {  	v9 =	vld.idx.msk [tilespmem:v9+s29+$0x0], $0xffff;
	v15 =	vsel vm3, $0xD40, v15;
	v1 =	vadd.f32 v4, v1;
	v5 =	vsel vm0, $0x605, v5  }
0x1c0: {  	v7 =	vsel vm0, $0xE05, v7;
	v17 =	vsel vm3, $0x348, v17;
	v12 =	vsel vm3, $0x140, v12  }
0x1c1: {  	v15 =	vsel vm1, $0xD41, v15;
	v5 =	vsel vm2, $0x606, v5;
	v7 =	vsel vm2, $0xE06, v7  }
0x1c2: {  	v13 =	vld.idx.msk [tilespmem:v13+s29+$0x0], $0xffff;
	v17 =	vsel vm1, $0x349, v17;
	v12 =	vsel vm1, $0x141, v12;
	v15 =	vsel vm0, $0xD42, v15  }
0x1c3: {  	v40 =	vld.idx.msk [tilespmem:v21+s29+$0x0], $0xffff;
	v21 =	vsel vm0, $0x34A, v17;
	v12 =	vsel vm0, $0x142, v12;
	v15 =	vsel vm2, $0xD43, v15  }
0x1c4: {  	v1 =	vadd.f32 v11, v1;
	v2 =	vadd.f32 v9, v2;
	v9 =	vsel vm14, $0x679, v54  }
0x1c5: {  	v11 =	vsel vm14, $0xE79, v56;
	v63 =	vsel vm2, $0x143, v12;
	v12 =	vsel vm2, $0x943, v23  }
0x1c6: {  	v23 =	vsel vm14, $0xDF7, v32;
	v9 =	vsel vm13, $0x67A, v9;
	v11 =	vsel vm13, $0xE7A, v11  }
0x1c7: {  	v32 =	vimm.s32 $0xE89;
	v23 =	vsel vm13, $0xDF8, v23;
	v1 =	vadd.f32 v13, v1  }
0x1c8: {  	v8 =	vld.idx.msk [tilespmem:v49+s29+$0x0], $0xffff;
	v9 =	vsel vm12, $0x67B, v9;
	v11 =	vsel vm12, $0xE7B, v11;
	v13 =	vsel vm14, $0x6BA, v58  }
0x1c9: {  	v6 =	vld.idx.msk [tilespmem:v6+s29+$0x0], $0xffff;
	v23 =	vsel vm12, $0xDF9, v23;
	v9 =	vsel vm11, $0x67C, v9;
	v11 =	vsel vm11, $0xE7C, v11  }
0x1ca: {  	v13 =	vsel vm13, $0x6BB, v13;
	v23 =	vsel vm11, $0xDFA, v23;
	v1 =	vadd.f32 v33, v1  }
0x1cb: {  	v9 =	vsel vm10, $0x67D, v9;
	v11 =	vsel vm10, $0xE7D, v11;
	v13 =	vsel vm12, $0x6BC, v13  }
0x1cc: {  	v33 =	vsel vm14, $0xEBA, v32;
	v23 =	vsel vm10, $0xDFB, v23;
	v9 =	vsel vm9, $0x67E, v9  }
0x1cd: {  	v11 =	vsel vm9, $0xE7E, v11;
	v13 =	vsel vm11, $0x6BD, v13;
	v23 =	vsel vm9, $0xDFC, v23  }
0x1ce: {  	v10 =	vld.idx.msk [tilespmem:v10+s29+$0x0], $0xffff;
	v3 =	vadd.f32 v8, v42;
	v0 =	vadd.f32 v6, v0;
	v42 =	vimm.s32 $0x207  }
0x1cf: {  	v45 =	vadd.f32 v40, v1;
	v9 =	vsel vm8, $0x67F, v9;
	v11 =	vsel vm8, $0xE7F, v11  }
0x1d0: {  	v14 =	vld.idx.msk [tilespmem:v63+s29+$0x0], $0xffff;
	v13 =	vsel vm10, $0x6BE, v13;
	v63 =	vimm.s32 $0x38D;
	v40 =	vimm.s32 $0xF0B  }
0x1d1: {  	v23 =	vsel vm8, $0xDFD, v23;
	v44 =	vsel vm14, $0x238, v42;
	v9 =	vsel vm7, $0x640, v9  }
0x1d2: {  	v36 =	vld.idx.msk [tilespmem:v18+s29+$0x0], $0xffff;
	v11 =	vsel vm7, $0xE40, v11;
	v13 =	vsel vm9, $0x6BF, v13;
	v18 =	vsel vm14, $0x3BE, v63  }
0x1d3: {  	v42 =	vimm.s32 $0xB4C;
	v23 =	vsel vm7, $0xDFE, v23;
	v3 =	vadd.f32 v10, v3  }
0x1d4: {  	v15 =	vld.idx.msk [tilespmem:v15+s29+$0x0], $0xffff;
	v46 =	vsel vm13, $0x239, v44;
	v9 =	vsel vm6, $0x641, v9;
	v10 =	vsel vm14, $0xA79, v55  }
0x1d5: {  	v11 =	vsel vm6, $0xE41, v11;
	v13 =	vsel vm8, $0x680, v13;
	v18 =	vsel vm13, $0x3BF, v18  }
0x1d6: {  	v44 =	vimm.s32 $0x78D;
	v23 =	vsel vm6, $0xDFF, v23;
	v49 =	vsel vm12, $0x23A, v46  }
0x1d7: {  	v12 =	vld.idx.msk [tilespmem:v12+s29+$0x0], $0xffff;
	v9 =	vsel vm5, $0x642, v9;
	v10 =	vsel vm13, $0xA7A, v10;
	v11 =	vsel vm5, $0xE42, v11  }
0x1d8: {  	v13 =	vsel vm7, $0x681, v13;
	v18 =	vsel vm12, $0x380, v18;
	v46 =	vimm.s32 $0xB8D  }
0x1d9: {  	v23 =	vsel vm5, $0xDC0, v23;
	v2 =	vadd.f32 v15, v2;
	v9 =	vsel vm4, $0x643, v9  }
0x1da: {  	v38 =	vld.idx.msk [tilespmem:v19+s29+$0x0], $0xffff;
	v10 =	vsel vm12, $0xA7B, v10;
	v11 =	vsel vm4, $0xE43, v11;
	v15 =	vsel vm14, $0x2FB, v60  }
0x1db: {  	v13 =	vsel vm6, $0x682, v13;
	v18 =	vsel vm11, $0x381, v18;
	v23 =	vsel vm4, $0xDC1, v23  }
0x1dc: {  	v0 =	vadd.f32 v14, v0;
	v3 =	vadd.f32 v12, v3;
	v9 =	vsel vm3, $0x644, v9  }
0x1dd: {  	v5 =	vld.idx.msk [tilespmem:v5+s29+$0x0], $0xffff;
	v10 =	vsel vm11, $0xA7C, v10;
	v12 =	vsel vm14, $0x2BA, v57;
	v11 =	vsel vm3, $0xE44, v11  }
0x1de: {  	v14 =	vsel vm14, $0xABA, v59;
	v15 =	vsel vm13, $0x2FC, v15;
	v13 =	vsel vm5, $0x683, v13  }
0x1df: {  	v16 =	vld.idx.msk [tilespmem:v16+s29+$0x0], $0xffff;
	v18 =	vsel vm10, $0x382, v18;
	v23 =	vsel vm3, $0xDC2, v23;
	v6 =	vadd.f32 v38, v2  }
0x1e0: {  	v9 =	vsel vm1, $0x645, v9;
	v10 =	vsel vm10, $0xA7D, v10;
	v12 =	vsel vm13, $0x2BB, v12  }
0x1e1: {  	v11 =	vsel vm1, $0xE45, v11;
	v14 =	vsel vm13, $0xABB, v14;
	v15 =	vsel vm12, $0x2FD, v15  }
0x1e2: {  	v13 =	vsel vm4, $0x684, v13;
	v18 =	vsel vm9, $0x383, v18;
	v2 =	vadd.f32 v5, v45  }
0x1e3: {  	v38 =	vimm.s32 $0x70B;
	v45 =	vsel vm14, $0x7BE, v44;
	v23 =	vsel vm1, $0xDC3, v23  }
0x1e4: {  	v0 =	vadd.f32 v16, v0;
	v4 =	vadd.f32 v36, v3;
	v9 =	vsel vm0, $0x646, v9  }
0x1e5: {  	v10 =	vsel vm9, $0xA7E, v10;
	v12 =	vsel vm12, $0x2BC, v12;
	v11 =	vsel vm0, $0xE46, v11  }
0x1e6: {  	v39 =	vld.idx.msk [tilespmem:v20+s29+$0x0], $0xffff;
	v14 =	vsel vm12, $0xABC, v14;
	v15 =	vsel vm11, $0x2FE, v15;
	v13 =	vsel vm3, $0x685, v13  }
0x1e7: {  	v41 =	vld.idx.msk [tilespmem:v34+s29+$0x0], $0xffff;
	v16 =	vsel vm14, $0x33C, v61;
	v18 =	vsel vm8, $0x384, v18;
	v36 =	vimm.s32 $0xACA  }
0x1e8: {  	v35 =	vsel vm0, $0xDC4, v23;
	v9 =	vsel vm2, $0x647, v9;
	v10 =	vsel vm8, $0xA7F, v10  }
0x1e9: {  	v12 =	vsel vm11, $0x2BD, v12;
	v11 =	vsel vm2, $0xE47, v11;
	v14 =	vsel vm11, $0xABD, v14  }
0x1ea: {  	v15 =	vsel vm10, $0x2FF, v15;
	v13 =	vsel vm1, $0x686, v13;
	v16 =	vsel vm13, $0x33D, v16  }
0x1eb: {  	v18 =	vsel vm7, $0x385, v18;
	v37 =	vsel vm2, $0xDC5, v35;
	v43 =	vadd.f32 v39, v0  }
0x1ec: {  	v48 =	vadd.f32 v41, v4;
	v4 =	vsel vm11, $0x23B, v49;
	v10 =	vsel vm7, $0xA40, v10  }
0x1ed: {  	v12 =	vsel vm10, $0x2BE, v12;
	v14 =	vsel vm10, $0xABE, v14;
	v15 =	vsel vm9, $0x2C0, v15  }
0x1ee: {  	v13 =	vsel vm0, $0x687, v13;
	v16 =	vsel vm12, $0x33E, v16;
	v18 =	vsel vm6, $0x386, v18  }
0x1ef: {  	v35 =	vimm.s32 $0x6CA;
	v39 =	vimm.s32 $0xB0B;
	v41 =	vimm.s32 $0x74C  }
0x1f0: {  	v49 =	vimm.s32 $0x7CE;
	v4 =	vsel vm10, $0x23C, v4;
	v10 =	vsel vm6, $0xA41, v10  }
0x1f1: {  	v12 =	vsel vm9, $0x2BF, v12;
	v14 =	vsel vm9, $0xABF, v14;
	v15 =	vsel vm8, $0x2C1, v15  }
0x1f2: {  	v13 =	vsel vm2, $0x688, v13;
	v16 =	vsel vm11, $0x33F, v16;
	v18 =	vsel vm5, $0x387, v18  }
0x1f3: {  	v5 =	vsel vm14, $0x77D, v41;
	v4 =	vsel vm9, $0x23D, v4;
	v10 =	vsel vm5, $0xA42, v10  }
0x1f4: {  	v12 =	vsel vm8, $0x280, v12;
	v14 =	vsel vm8, $0xA80, v14;
	v15 =	vsel vm7, $0x2C2, v15  }
0x1f5: {  	v16 =	vsel vm10, $0x300, v16;
	v22 =	vsel vm4, $0x388, v18;
	v18 =	vsel vm14, $0x7FF, v49  }
0x1f6: {  	v5 =	vsel vm13, $0x77E, v5;
	v4 =	vsel vm8, $0x23E, v4;
	v10 =	vsel vm4, $0xA43, v10  }
0x1f7: {  	v12 =	vsel vm7, $0x281, v12;
	v14 =	vsel vm7, $0xA81, v14;
	v15 =	vsel vm6, $0x2C3, v15  }
0x1f8: {  	v16 =	vsel vm9, $0x301, v16;
	v24 =	vsel vm3, $0x389, v22;
	v18 =	vsel vm13, $0x7C0, v18  }
0x1f9: {  	v5 =	vsel vm12, $0x77F, v5;
	v4 =	vsel vm7, $0x23F, v4;
	v10 =	vsel vm3, $0xA44, v10  }
0x1fa: {  	v12 =	vsel vm6, $0x282, v12;
	v14 =	vsel vm6, $0xA82, v14;
	v15 =	vsel vm5, $0x2C4, v15  }
0x1fb: {  	v16 =	vsel vm8, $0x302, v16;
	v25 =	vsel vm1, $0x38A, v24;
	v18 =	vsel vm12, $0x7C1, v18  }
0x1fc: {  	v5 =	vsel vm11, $0x740, v5;
	v4 =	vsel vm6, $0x200, v4;
	v10 =	vsel vm1, $0xA45, v10  }
0x1fd: {  	v12 =	vsel vm5, $0x283, v12;
	v14 =	vsel vm5, $0xA83, v14;
	v15 =	vsel vm4, $0x2C5, v15  }
0x1fe: {  	v8 =	vld.idx.msk [tilespmem:v37+s29+$0x0], $0xffff;
	v16 =	vsel vm7, $0x303, v16;
	v27 =	vsel vm0, $0x38B, v25;
	v37 =	vimm.s32 $0xECA  }
0x1ff: {  	v18 =	vsel vm11, $0x7C2, v18;
	v5 =	vsel vm10, $0x741, v5;
	v4 =	vsel vm5, $0x201, v4  }
0x200: {  	v10 =	vsel vm0, $0xA46, v10;
	v12 =	vsel vm4, $0x284, v12;
	v14 =	vsel vm4, $0xA84, v14  }
0x201: {  	v15 =	vsel vm3, $0x2C6, v15;
	v16 =	vsel vm6, $0x304, v16;
	v29 =	vsel vm2, $0x38C, v27  }
0x202: {  	v18 =	vsel vm10, $0x7C3, v18;
	v5 =	vsel vm9, $0x742, v5;
	v4 =	vsel vm4, $0x202, v4  }
0x203: {  	v10 =	vsel vm2, $0xA47, v10;
	v12 =	vsel vm3, $0x285, v12;
	v14 =	vsel vm3, $0xA85, v14  }
0x204: {  	v9 =	vld.idx.msk [tilespmem:v9+s29+$0x0], $0xffff;
	v15 =	vsel vm1, $0x2C7, v15;
	v16 =	vsel vm5, $0x305, v16;
	v18 =	vsel vm9, $0x7C4, v18  }
0x205: {  	v5 =	vsel vm8, $0x743, v5;
	v4 =	vsel vm3, $0x203, v4;
	v12 =	vsel vm1, $0x286, v12  }
0x206: {  	v14 =	vsel vm1, $0xA86, v14;
	v15 =	vsel vm0, $0x2C8, v15;
	v16 =	vsel vm4, $0x306, v16  }
0x207: {  	v18 =	vsel vm8, $0x7C5, v18;
	v5 =	vsel vm7, $0x744, v5;
	v4 =	vsel vm1, $0x204, v4  }
0x208: {  	v12 =	vsel vm0, $0x287, v12;
	v14 =	vsel vm0, $0xA87, v14;
	v15 =	vsel vm2, $0x2C9, v15  }
0x209: {  	v16 =	vsel vm3, $0x307, v16;
	v26 =	vadd.f32 v9, v2;
	v9 =	vsel vm14, $0xAFB, v36  }
0x20a: {  	v13 =	vld.idx.msk [tilespmem:v13+s29+$0x0], $0xffff;
	v18 =	vsel vm7, $0x7C6, v18;
	v5 =	vsel vm6, $0x745, v5;
	v50 =	vadd.f32 v8, v6  }
0x20b: {  	v6 =	vsel vm14, $0xA38, v51;
	v4 =	vsel vm0, $0x205, v4;
	v8 =	vsel vm14, $0x279, v53  }
0x20c: {  	v12 =	vsel vm2, $0x288, v12;
	v14 =	vsel vm2, $0xA88, v14;
	v16 =	vsel vm1, $0x308, v16  }
0x20d: {  	v7 =	vld.idx.msk [tilespmem:v7+s29+$0x0], $0xffff;
	v51 =	vimm.s32 $0xFCE;
	v9 =	vsel vm13, $0xAFC, v9;
	v18 =	vsel vm6, $0x7C7, v18  }
0x20e: {  	v5 =	vsel vm5, $0x746, v5;
	v6 =	vsel vm13, $0xA39, v6;
	v4 =	vsel vm2, $0x206, v4  }
0x20f: {  	v8 =	vsel vm13, $0x27A, v8;
	v16 =	vsel vm0, $0x309, v16;
	v31 =	vadd.f32 v13, v26  }
0x210: {  	v13 =	vsel vm14, $0xB7D, v42;
	v9 =	vsel vm12, $0xAFD, v9;
	v18 =	vsel vm5, $0x7C8, v18  }
0x211: {  	v5 =	vsel vm4, $0x747, v5;
	v6 =	vsel vm12, $0xA3A, v6;
	v8 =	vsel vm12, $0x27B, v8  }
0x212: {  	v16 =	vsel vm2, $0x30A, v16;
	v1 =	vadd.f32 v7, v50;
	v7 =	vsel vm14, $0x6FB, v35  }
0x213: {  	v11 =	vld.idx.msk [tilespmem:v11+s29+$0x0], $0xffff;
	v50 =	vimm.s32 $0xBCE;
	v13 =	vsel vm13, $0xB7E, v13;
	v9 =	vsel vm11, $0xAFE, v9  }
0x214: {  	v18 =	vsel vm4, $0x7C9, v18;
	v5 =	vsel vm3, $0x748, v5;
	v6 =	vsel vm11, $0xA3B, v6  }
0x215: {  	v8 =	vsel vm11, $0x27C, v8;
	v19 =	vsel vm14, $0xBFF, v50;
	v7 =	vsel vm13, $0x6FC, v7  }
0x216: {  	v13 =	vsel vm12, $0xB7F, v13;
	v9 =	vsel vm10, $0xAFF, v9;
	v18 =	vsel vm3, $0x7CA, v18  }
0x217: {  	v5 =	vsel vm1, $0x749, v5;
	v6 =	vsel vm10, $0xA3C, v6;
	v8 =	vsel vm10, $0x27D, v8  }
0x218: {  	v23 =	vld.idx.msk [tilespmem:v15+s29+$0x0], $0xffff;
	v30 =	vadd.f32 v11, v1;
	v11 =	vsel vm14, $0xB3C, v39;
	v15 =	vsel vm14, $0xBBE, v46  }
0x219: {  	v19 =	vsel vm13, $0xBC0, v19;
	v7 =	vsel vm12, $0x6FD, v7;
	v13 =	vsel vm11, $0xB40, v13  }
0x21a: {  	v9 =	vsel vm9, $0xAC0, v9;
	v5 =	vsel vm0, $0x74A, v5;
	v18 =	vsel vm1, $0x7CB, v18  }
0x21b: {  	v6 =	vsel vm9, $0xA3D, v6;
	v8 =	vsel vm9, $0x27E, v8;
	v20 =	vld.idx.msk [tilespmem:v14+s29+$0x0], $0xffff;
	v14 =	vsel vm2, $0x34B, v21  }
0x21c: {  	v11 =	vsel vm13, $0xB3D, v11;
	v15 =	vsel vm13, $0xBBF, v15;
	v19 =	vsel vm12, $0xBC1, v19  }
0x21d: {  	v7 =	vsel vm11, $0x6FE, v7;
	v13 =	vsel vm10, $0xB41, v13;
	v9 =	vsel vm8, $0xAC1, v9  }
0x21e: {  	v5 =	vsel vm2, $0x74B, v5;
	v6 =	vsel vm8, $0xA3E, v6;
	v8 =	vsel vm8, $0x27F, v8  }
0x21f: {  	v11 =	vsel vm12, $0xB3E, v11;
	v15 =	vsel vm12, $0xB80, v15;
	v19 =	vsel vm11, $0xBC2, v19  }
0x220: {  	v7 =	vsel vm10, $0x6FF, v7;
	v13 =	vsel vm9, $0xB42, v13;
	v9 =	vsel vm7, $0xAC2, v9  }
0x221: {  	v6 =	vsel vm7, $0xA3F, v6;
	v8 =	vsel vm7, $0x240, v8;
	v28 =	vld.idx.msk [tilespmem:v16+s29+$0x0], $0xffff;
	v16 =	vsel vm14, $0xFBE, v47  }
0x222: {  	v11 =	vsel vm11, $0xB3F, v11;
	v15 =	vsel vm11, $0xB81, v15;
	v19 =	vsel vm10, $0xBC3, v19  }
0x223: {  	v7 =	vsel vm9, $0x6C0, v7;
	v13 =	vsel vm8, $0xB43, v13;
	v9 =	vsel vm6, $0xAC3, v9  }
0x224: {  	v6 =	vsel vm6, $0xA00, v6;
	v8 =	vsel vm6, $0x241, v8;
	v16 =	vsel vm13, $0xFBF, v16  }
0x225: {  	v11 =	vsel vm10, $0xB00, v11;
	v15 =	vsel vm10, $0xB82, v15;
	v19 =	vsel vm9, $0xBC4, v19  }
0x226: {  	v7 =	vsel vm8, $0x6C1, v7;
	v13 =	vsel vm7, $0xB44, v13;
	v9 =	vsel vm5, $0xAC4, v9  }
0x227: {  	v6 =	vsel vm5, $0xA01, v6;
	v8 =	vsel vm5, $0x242, v8;
	v16 =	vsel vm12, $0xF80, v16  }
0x228: {  	v4 =	vld.idx.msk [tilespmem:v4+s29+$0x0], $0xffff;
	v11 =	vsel vm9, $0xB01, v11;
	v15 =	vsel vm9, $0xB83, v15;
	v19 =	vsel vm8, $0xBC5, v19  }
0x229: {  	v7 =	vsel vm7, $0x6C2, v7;
	v13 =	vsel vm6, $0xB45, v13;
	v9 =	vsel vm4, $0xAC5, v9  }
0x22a: {  	v6 =	vsel vm4, $0xA02, v6;
	v8 =	vsel vm4, $0x243, v8;
	v16 =	vsel vm11, $0xF81, v16  }
0x22b: {  	v11 =	vsel vm8, $0xB02, v11;
	v15 =	vsel vm8, $0xB84, v15;
	v19 =	vsel vm7, $0xBC6, v19  }
0x22c: {  	v7 =	vsel vm6, $0x6C3, v7;
	v13 =	vsel vm5, $0xB46, v13;
	v9 =	vsel vm3, $0xAC6, v9  }
0x22d: {  	v6 =	vsel vm3, $0xA03, v6;
	v8 =	vsel vm3, $0x244, v8;
	v3 =	vadd.f32 v4, v43  }
0x22e: {  	v43 =	vimm.s32 $0xF4C;
	v4 =	vsel vm13, $0xEBB, v33;
	v16 =	vsel vm10, $0xF82, v16  }
0x22f: {  	v11 =	vsel vm7, $0xB03, v11;
	v15 =	vsel vm7, $0xB85, v15;
	v19 =	vsel vm6, $0xBC7, v19  }
0x230: {  	v7 =	vsel vm5, $0x6C4, v7;
	v13 =	vsel vm4, $0xB47, v13;
	v9 =	vsel vm1, $0xAC7, v9  }
0x231: {  	v34 =	vld.idx.msk [tilespmem:v14+s29+$0x0], $0xffff;
	v6 =	vsel vm1, $0xA04, v6;
	v8 =	vsel vm1, $0x245, v8;
	v14 =	vsel vm14, $0xF7D, v43  }
0x232: {  	v4 =	vsel vm12, $0xEBC, v4;
	v16 =	vsel vm9, $0xF83, v16;
	v11 =	vsel vm6, $0xB04, v11  }
0x233: {  	v15 =	vsel vm6, $0xB86, v15;
	v19 =	vsel vm5, $0xBC8, v19;
	v7 =	vsel vm4, $0x6C5, v7  }
0x234: {  	v13 =	vsel vm3, $0xB48, v13;
	v9 =	vsel vm0, $0xAC8, v9;
	v6 =	vsel vm0, $0xA05, v6  }
0x235: {  	v8 =	vsel vm0, $0x246, v8;
	v14 =	vsel vm13, $0xF7E, v14;
	v4 =	vsel vm11, $0xEBD, v4  }
0x236: {  	v16 =	vsel vm8, $0xF84, v16;
	v11 =	vsel vm5, $0xB05, v11;
	v15 =	vsel vm5, $0xB87, v15  }
0x237: {  	v19 =	vsel vm4, $0xBC9, v19;
	v7 =	vsel vm3, $0x6C6, v7;
	v9 =	vsel vm2, $0xAC9, v9  }
0x238: {  	v13 =	vsel vm1, $0xB49, v13;
	v6 =	vsel vm2, $0xA06, v6;
	v8 =	vsel vm2, $0x247, v8  }
0x239: {  	v14 =	vsel vm12, $0xF7F, v14;
	v4 =	vsel vm10, $0xEBE, v4;
	v16 =	vsel vm7, $0xF85, v16  }
0x23a: {  	v11 =	vsel vm4, $0xB06, v11;
	v15 =	vsel vm4, $0xB88, v15;
	v19 =	vsel vm3, $0xBCA, v19  }
0x23b: {  	v7 =	vsel vm1, $0x6C7, v7;
	v13 =	vsel vm0, $0xB4A, v13;
	v14 =	vsel vm11, $0xF40, v14  }
0x23c: {  	v4 =	vsel vm9, $0xEBF, v4;
	v16 =	vsel vm6, $0xF86, v16;
	v11 =	vsel vm3, $0xB07, v11  }
0x23d: {  	v15 =	vsel vm3, $0xB89, v15;
	v7 =	vsel vm0, $0x6C8, v7;
	v13 =	vsel vm2, $0xB4B, v13  }
0x23e: {  	v19 =	vsel vm1, $0xBCB, v19;
	v14 =	vsel vm10, $0xF41, v14;
	v4 =	vsel vm8, $0xE80, v4  }
0x23f: {  	v16 =	vsel vm5, $0xF87, v16;
	v7 =	vsel vm2, $0x6C9, v7;
	v11 =	vsel vm1, $0xB08, v11  }
0x240: {  	v15 =	vsel vm1, $0xB8A, v15;
	v19 =	vsel vm0, $0xBCC, v19;
	v14 =	vsel vm9, $0xF42, v14  }
0x241: {  	v4 =	vsel vm7, $0xE81, v4;
	v16 =	vsel vm4, $0xF88, v16;
	v11 =	vsel vm0, $0xB09, v11  }
0x242: {  	v15 =	vsel vm0, $0xB8B, v15;
	v14 =	vsel vm8, $0xF43, v14;
	v4 =	vsel vm6, $0xE82, v4;
	v6 =	vld.idx.msk [tilespmem:v6+s29+$0x0], $0xffff  }
0x243: {  	v53 =	vsel vm2, $0xBCD, v19;
	v8 =	vld.idx.msk [tilespmem:v8+s29+$0x0], $0xffff;
	v14 =	vsel vm7, $0xF44, v14;
	v4 =	vsel vm5, $0xE83, v4  }
0x244: {  	v16 =	vsel vm3, $0xF89, v16;
	v14 =	vsel vm6, $0xF45, v14;
	v4 =	vsel vm4, $0xE84, v4  }
0x245: {  	v10 =	vld.idx.msk [tilespmem:v10+s29+$0x0], $0xffff;
	v11 =	vsel vm2, $0xB0A, v11;
	v14 =	vsel vm5, $0xF46, v14;
	v4 =	vsel vm3, $0xE85, v4  }
0x246: {  	v12 =	vld.idx.msk [tilespmem:v12+s29+$0x0], $0xffff;
	v15 =	vsel vm2, $0xB8C, v15;
	v14 =	vsel vm4, $0xF47, v14;
	v4 =	vsel vm1, $0xE86, v4  }
0x247: {  	v16 =	vsel vm1, $0xF8A, v16;
	v14 =	vsel vm3, $0xF48, v14;
	v4 =	vsel vm0, $0xE87, v4  }
0x248: {  	v0 =	vadd.f32 v6, v48;
	v3 =	vadd.f32 v8, v3;
	v6 =	vsel vm14, $0x73C, v38  }
0x249: {  	v48 =	vimm.s32 $0x3CE;
	v4 =	vsel vm2, $0xE88, v4;
	v14 =	vsel vm1, $0xF49, v14  }
0x24a: {  	v17 =	vsel vm14, $0x3FF, v48;
	v6 =	vsel vm13, $0x73D, v6;
	v14 =	vsel vm0, $0xF4A, v14  }
0x24b: {  	v0 =	vadd.f32 v10, v0;
	v3 =	vadd.f32 v12, v3;
	v10 =	vsel vm14, $0xEFB, v37  }
0x24c: {  	v12 =	vsel vm14, $0xF3C, v40;
	v17 =	vsel vm13, $0x3C0, v17;
	v6 =	vsel vm12, $0x73E, v6  }
0x24d: {  	v10 =	vsel vm13, $0xEFC, v10;
	v12 =	vsel vm13, $0xF3D, v12;
	v17 =	vsel vm12, $0x3C1, v17  }
0x24e: {  	v6 =	vsel vm11, $0x73F, v6;
	v0 =	vadd.f32 v20, v0;
	v3 =	vadd.f32 v23, v3  }
0x24f: {  	v20 =	vsel vm14, $0xFFF, v51;
	v10 =	vsel vm12, $0xEFD, v10;
	v12 =	vsel vm12, $0xF3E, v12  }
0x250: {  	v17 =	vsel vm11, $0x3C2, v17;
	v6 =	vsel vm10, $0x700, v6;
	v20 =	vsel vm13, $0xFC0, v20  }
0x251: {  	v10 =	vsel vm11, $0xEFE, v10;
	v12 =	vsel vm11, $0xF3F, v12;
	v17 =	vsel vm10, $0x3C3, v17  }
0x252: {  	v6 =	vsel vm9, $0x701, v6;
	v3 =	vadd.f32 v28, v3;
	v20 =	vsel vm12, $0xFC1, v20  }
0x253: {  	v10 =	vsel vm10, $0xEFF, v10;
	v12 =	vsel vm10, $0xF00, v12;
	v17 =	vsel vm9, $0x3C4, v17  }
0x254: {  	v8 =	vld.idx.msk [tilespmem:v29+s29+$0x0], $0xffff;
	v6 =	vsel vm8, $0x702, v6;
	v20 =	vsel vm11, $0xFC2, v20;
	v10 =	vsel vm9, $0xEC0, v10  }
0x255: {  	v12 =	vsel vm9, $0xF01, v12;
	v17 =	vsel vm8, $0x3C5, v17;
	v6 =	vsel vm7, $0x703, v6  }
0x256: {  	v3 =	vadd.f32 v34, v3;
	v20 =	vsel vm10, $0xFC3, v20;
	v10 =	vsel vm8, $0xEC1, v10  }
0x257: {  	v12 =	vsel vm8, $0xF02, v12;
	v17 =	vsel vm7, $0x3C6, v17;
	v6 =	vsel vm6, $0x704, v6  }
0x258: {  	v20 =	vsel vm9, $0xFC4, v20;
	v10 =	vsel vm7, $0xEC2, v10;
	v12 =	vsel vm7, $0xF03, v12  }
0x259: {  	v17 =	vsel vm6, $0x3C7, v17;
	v6 =	vsel vm5, $0x705, v6;
	v3 =	vadd.f32 v8, v3  }
0x25a: {  	v8 =	vsel vm13, $0x7BF, v45;
	v20 =	vsel vm8, $0xFC5, v20;
	v10 =	vsel vm6, $0xEC3, v10  }
0x25b: {  	v12 =	vsel vm6, $0xF04, v12;
	v17 =	vsel vm5, $0x3C8, v17;
	v6 =	vsel vm4, $0x706, v6  }
0x25c: {  	v8 =	vsel vm12, $0x780, v8;
	v20 =	vsel vm7, $0xFC6, v20;
	v10 =	vsel vm5, $0xEC4, v10  }
0x25d: {  	v12 =	vsel vm5, $0xF05, v12;
	v17 =	vsel vm4, $0x3C9, v17;
	v6 =	vsel vm3, $0x707, v6  }
0x25e: {  	v8 =	vsel vm11, $0x781, v8;
	v20 =	vsel vm6, $0xFC7, v20;
	v10 =	vsel vm4, $0xEC5, v10  }
0x25f: {  	v12 =	vsel vm4, $0xF06, v12;
	v17 =	vsel vm3, $0x3CA, v17;
	v8 =	vsel vm10, $0x782, v8  }
0x260: {  	v10 =	vsel vm3, $0xEC6, v10;
	v12 =	vsel vm3, $0xF07, v12;
	v17 =	vsel vm1, $0x3CB, v17  }
0x261: {  	v5 =	vld.idx.msk [tilespmem:v5+s29+$0x0], $0xffff;
	v8 =	vsel vm9, $0x783, v8;
	v10 =	vsel vm1, $0xEC7, v10;
	v17 =	vsel vm0, $0x3CC, v17  }
0x262: {  	v9 =	vld.idx.msk [tilespmem:v9+s29+$0x0], $0xffff;
	v8 =	vsel vm8, $0x784, v8;
	v10 =	vsel vm0, $0xEC8, v10;
	v17 =	vsel vm2, $0x3CD, v17  }
0x263: {  	v13 =	vld.idx.msk [tilespmem:v13+s29+$0x0], $0xffff;
	v12 =	vsel vm1, $0xF08, v12;
	v8 =	vsel vm7, $0x785, v8;
	v10 =	vsel vm2, $0xEC9, v10  }
0x264: {  	v7 =	vld.idx.msk [tilespmem:v7+s29+$0x0], $0xffff;
	v6 =	vsel vm1, $0x708, v6;
	v12 =	vsel vm0, $0xF09, v12;
	v8 =	vsel vm6, $0x786, v8  }
0x265: {  	v11 =	vld.idx.msk [tilespmem:v11+s29+$0x0], $0xffff;
	v6 =	vsel vm0, $0x709, v6;
	v12 =	vsel vm2, $0xF0A, v12;
	v8 =	vsel vm5, $0x787, v8  }
0x266: {  	v4 =	vld.idx.msk [tilespmem:v4+s29+$0x0], $0xffff;
	v20 =	vsel vm5, $0xFC8, v20;
	v6 =	vsel vm2, $0x70A, v6;
	v8 =	vsel vm4, $0x788, v8  }
0x267: {  	v14 =	vsel vm2, $0xF4B, v14;
	v20 =	vsel vm4, $0xFC9, v20;
	v8 =	vsel vm3, $0x789, v8;
	v17 =	vld.idx.msk [tilespmem:v17+s29+$0x0], $0xffff  }
0x268: {  	v16 =	vsel vm0, $0xF8B, v16;
	v20 =	vsel vm3, $0xFCA, v20;
	v10 =	vld.idx.msk [tilespmem:v10+s29+$0x0], $0xffff;
	v8 =	vsel vm1, $0x78A, v8  }
0x269: {  	v16 =	vsel vm2, $0xF8C, v16;
	v57 =	vld.idx.msk [tilespmem:v15+s29+$0x0], $0xffff;
	v20 =	vsel vm1, $0xFCB, v20;
	v8 =	vsel vm0, $0x78B, v8  }
0x26a: {  	v0 =	vadd.f32 v9, v0;
	v54 =	vsel vm0, $0xFCC, v20;
	v12 =	vld.idx.msk [tilespmem:v12+s29+$0x0], $0xffff;
	v8 =	vsel vm2, $0x78C, v8  }
0x26b: {  	v18 =	vsel vm0, $0x7CC, v18;
	v2 =	vadd.f32 v4, v30;
	v56 =	vsel vm2, $0xFCD, v54;
	v6 =	vld.idx.msk [tilespmem:v6+s29+$0x0], $0xffff  }
0x26c: {  	v18 =	vsel vm2, $0x7CD, v18;
	v52 =	vld.idx.msk [tilespmem:v14+s29+$0x0], $0xffff;
	v0 =	vadd.f32 v11, v0  }
0x26d: {  	v60 =	vld.idx.msk [tilespmem:v53+s29+$0x0], $0xffff;
	v3 =	vadd.f32 v17, v3;
	v2 =	vadd.f32 v10, v2  }
0x26e: {  	v1 =	vadd.f32 v7, v31;
	v58 =	vld.idx.msk [tilespmem:v16+s29+$0x0], $0xffff;
	v0 =	vadd.f32 v13, v0  }
0x26f: {  	v3 =	vtrunc.f32 v3;
	v55 =	vld.idx.msk [tilespmem:v8+s29+$0x0], $0xffff;
	v2 =	vadd.f32 v12, v2  }
0x270: {  	v0 =	vadd.f32 v57, v0;
	v61 =	vld.idx.msk [tilespmem:v56+s29+$0x0], $0xffff;
	v1 =	vadd.f32 v6, v1;
	v3 =	vcvt.f32.s32 v3  }
0x271: {  	v59 =	vld.idx.msk [tilespmem:v18+s29+$0x0], $0xffff;
	v2 =	vadd.f32 v52, v2  }
0x272: {  	v0 =	vadd.f32 v60, v0;
	v1 =	vadd.f32 v5, v1;
	v62 =	vand.u32 $0xFFF, v3  }
0x273: {  	s30 =	sshrl.u32 s2, $0x3;
	v3 =	vshra.s32 v3, $0xC;
	v63 =	vcvt.s32.f32 v62;
	v2 =	vadd.f32 v58, v2  }
0x274: {  	s5 =	sshll.u32 s2, $0x7;
	s4 =	smul.u32 $0xC00, s30;
	[tilespmem:$0x110F0] =	vst v0;
	v3 =	vcvt.s32.f32 v3;
	v1 =	vadd.f32 v55, v1  }
0x275: {  	s5 =	sand.u32 $0x380, s5;
	[tilespmem:$0x11030] =	vst v63;
	v2 =	vadd.f32 v61, v2  }
0x276: {  	s4 =	sor.u32 s5, s4;
	[tilespmem:$0x11070] =	vst v3;
	v1 =	vadd.f32 v59, v1  }
0x277: {  	s31 =	simm.s32 $0x80;
	s4 =	sshrl.u32 s4, $0x3;
	[tilespmem:$0x11130] =	vst v2  }
0x278: {  	s6 =	simm.s32 $0x400;
	s7 =	simm.s32 $0x11000;
	s4 =	sadd.s32 s3, s4;
	[tilespmem:$0x110B0] =	vst v1  }
0x279: {  	[hbm4b:s4+s31] =	stream.strided.scatter [tilespmem:s7], [sflag:$0x1], $0x180, s6, s31, $0x38;
	[tilespmem:$0x12A00] =	vst v63  }
0x27a: {  	s4 =	simm.s32 $0x1  }
0x27b: {  	_ =	swait.ge [sflag:s4], $0x180  }
0x27c: {  	[sflag:s4] =	ssyncset.done $0x0  }
0x27d: {  	[sflag:s4] =	ssyncadd.s32 $0xFFFFFE80  }
0x27e: {  	p0 =	sne.s32 s2, $0x0;
	[bflag:$0x0] =	sbarrier.arrive $0xFFFF  }
0x27f: {  	_ =	sfence.sel @p0 $0x180000  }
0x280: {  	[bflag:$0x0] =	sbarrier.arrive @p0 $0xFFFF  }
0x281: {  	_ =	strace @p0 $0x90000047  }
0x282: {  	[bflag:$0x2] =	sbarrier.arrive @p0 $0xFFFF  }
0x283: {  	_ =	shalt @p0  }
.LBB2_5:
0x284: {  	s2 =	simm.s32 $0x0;
	s5 =	simm.s32 $0x11180  }
0x285: {  	[tilespmem:s5], [sflag:$0x1] =	stream.linear.gather [hbm4b:s3+s2], $0x1800, $0x38;
	[tilespmem:$0x12A00] =	vst v63  }
0x286: {  	_ =	swait.ge [sflag:s4], $0x1800  }
0x287: {  	[sflag:s4] =	ssyncset.done $0x0  }
0x288: {  	[sflag:s4] =	ssyncadd.s32 $0xFFFFE800  }
0x289: {  	v38 =	vld [tilespmem:$0x11180]  }
0x28a: {  	v6 =	vld [tilespmem:$0x111C0]  }
0x28b: {  	v16 =	vld [tilespmem:$0x11580]  }
0x28c: {  	v0 =	vld [tilespmem:$0x115C0]  }
0x28d: {  	v59 =	vld [tilespmem:$0x11980]  }
0x28e: {  	v32 =	vld [tilespmem:$0x11200]  }
0x28f: {  	v33 =	vld [tilespmem:$0x11240]  }
0x290: {  	v37 =	vld [tilespmem:$0x11600]  }
0x291: {  	v51 =	vld [tilespmem:$0x11640]  }
0x292: {  	v60 =	vld [tilespmem:$0x11A00]  }
0x293: {  	v29 =	vld [tilespmem:$0x11280]  }
0x294: {  	v34 =	vld [tilespmem:$0x112C0]  }
0x295: {  	v35 =	vld [tilespmem:$0x11680]  }
0x296: {  	v61 =	vld [tilespmem:$0x116C0]  }
0x297: {  	v62 =	vld [tilespmem:$0x11A80]  }
0x298: {  	v36 =	vld [tilespmem:$0x11300]  }
0x299: {  	v39 =	vld [tilespmem:$0x11340]  }
0x29a: {  	v41 =	vld [tilespmem:$0x11700]  }
0x29b: {  	v63 =	vld [tilespmem:$0x11740]  }
0x29c: {  	v4 =	vld [tilespmem:$0x11B00]  }
0x29d: {  	v42 =	vld [tilespmem:$0x113C0]  }
0x29e: {  	v43 =	vld [tilespmem:$0x11780]  }
0x29f: {  	v5 =	vld [tilespmem:$0x117C0]  }
0x2a0: {  	v7 =	vld [tilespmem:$0x11B80]  }
0x2a1: {  	v44 =	vld [tilespmem:$0x11400]  }
0x2a2: {  	v46 =	vld [tilespmem:$0x11440]  }
0x2a3: {  	v47 =	vld [tilespmem:$0x11800]  }
0x2a4: {  	v8 =	vld [tilespmem:$0x11840]  }
0x2a5: {  	v9 =	vld [tilespmem:$0x11C00]  }
0x2a6: {  	v45 =	vld [tilespmem:$0x11480];
	[tilespmem:$0x1F9B0] =	vst v0  }
0x2a7: {  	v49 =	vld [tilespmem:$0x114C0];
	[tilespmem:$0x1F9C0] =	vst v59  }
0x2a8: {  	v50 =	vld [tilespmem:$0x11880];
	[tilespmem:$0x1F9D0] =	vst v60  }
0x2a9: {  	v10 =	vld [tilespmem:$0x118C0];
	[tilespmem:$0x1F9E0] =	vst v61  }
0x2aa: {  	v11 =	vld [tilespmem:$0x11C80];
	[tilespmem:$0x1F9F0] =	vst v62  }
0x2ab: {  	v48 =	vld [tilespmem:$0x11500];
	[tilespmem:$0x1FA00] =	vst v63  }
0x2ac: {  	v12 =	vld [tilespmem:$0x11940];
	[tilespmem:$0x1FA10] =	vst v4  }
0x2ad: {  	v13 =	vld [tilespmem:$0x11D00];
	[tilespmem:$0x1FA20] =	vst v5  }
0x2ae: {  	v56 =	vld [tilespmem:$0x12180];
	[tilespmem:$0x1FA30] =	vst v7  }
0x2af: {  	v14 =	vld [tilespmem:$0x121C0];
	[tilespmem:$0x1FA60] =	vst v8  }
0x2b0: {  	v15 =	vld [tilespmem:$0x12580];
	[tilespmem:$0x1FAA0] =	vst v9  }
0x2b1: {  	v63 =	vld [tilespmem:$0x11380];
	[tilespmem:$0x1FB70] =	vst v10  }
0x2b2: {  	[tilespmem:$0x1FB80] =	vst v11;
	v60 =	vld [tilespmem:$0x11540]  }
0x2b3: {  	v61 =	vld [tilespmem:$0x11900];
	[tilespmem:$0x1FB90] =	vst v12  }
0x2b4: {  	[tilespmem:$0x1FBA0] =	vst v13;
	v62 =	vld [tilespmem:$0x11D80]  }
0x2b5: {  	v4 =	vld [tilespmem:$0x11DC0];
	[tilespmem:$0x1FBB0] =	vst v14  }
0x2b6: {  	[tilespmem:$0x1FBC0] =	vst v15;
	v15 =	vld [tilespmem:$0x11E00]  }
0x2b7: {  	v53 =	vld [tilespmem:$0x11E40]  }
0x2b8: {  	v13 =	vld [tilespmem:$0x12200]  }
0x2b9: {  	v17 =	vld [tilespmem:$0x12240]  }
0x2ba: {  	v18 =	vld [tilespmem:$0x12600]  }
0x2bb: {  	v2 =	vld [tilespmem:$0x11E80]  }
0x2bc: {  	v19 =	vld [tilespmem:$0x11EC0]  }
0x2bd: {  	v20 =	vld [tilespmem:$0x12280]  }
0x2be: {  	v21 =	vld [tilespmem:$0x122C0]  }
0x2bf: {  	v22 =	vld [tilespmem:$0x12680]  }
0x2c0: {  	v23 =	vld [tilespmem:$0x11F00]  }
0x2c1: {  	v24 =	vld [tilespmem:$0x11F40]  }
0x2c2: {  	v25 =	vld [tilespmem:$0x12300]  }
0x2c3: {  	v26 =	vld [tilespmem:$0x12340]  }
0x2c4: {  	v27 =	vld [tilespmem:$0x12700]  }
0x2c5: {  	v28 =	vld [tilespmem:$0x11F80]  }
0x2c6: {  	v30 =	vld [tilespmem:$0x11FC0]  }
0x2c7: {  	v31 =	vld [tilespmem:$0x12380]  }
0x2c8: {  	v40 =	vld [tilespmem:$0x123C0]  }
0x2c9: {  	v52 =	vld [tilespmem:$0x12780]  }
0x2ca: {  	v54 =	vld [tilespmem:$0x12000]  }
0x2cb: {  	v55 =	vld [tilespmem:$0x12040]  }
0x2cc: {  	v57 =	vld [tilespmem:$0x12400]  }
0x2cd: {  	v58 =	vld [tilespmem:$0x12440]  }
0x2ce: {  	v59 =	vld [tilespmem:$0x12800]  }
0x2cf: {  	v5 =	vld [tilespmem:$0x12080]  }
0x2d0: {  	v7 =	vld [tilespmem:$0x120C0]  }
0x2d1: {  	v8 =	vld [tilespmem:$0x12480]  }
0x2d2: {  	v9 =	vld [tilespmem:$0x124C0]  }
0x2d3: {  	v10 =	vld [tilespmem:$0x12880]  }
0x2d4: {  	v11 =	vld [tilespmem:$0x12100]  }
0x2d5: {  	v12 =	vld [tilespmem:$0x12140]  }
0x2d6: {  	v14 =	vld [tilespmem:$0x12500]  }
0x2d7: {  	v1 =	vld [tilespmem:$0x11190]  }
0x2d8: {  	v0 =	vld [tilespmem:$0x11210]  }
0x2d9: {  	v3 =	vld [tilespmem:$0x11650]  }
0x2da: {  	v32 =	vadd.f32 v32, v38;
	v38 =	vld [tilespmem:$0x12290]  }
0x2db: {  	v37 =	vadd.f32 v37, v16;
	v16 =	vld [tilespmem:$0x122D0]  }
0x2dc: {  	v33 =	vadd.f32 v33, v6;
	v6 =	vld [tilespmem:$0x1FA60]  }
0x2dd: {  	v29 =	vadd.f32 v29, v32;
	v32 =	vld [tilespmem:$0x12690]  }
0x2de: {  	[tilespmem:$0x1FBD0] =	vst v17;
	v17 =	vld [tilespmem:$0x12540]  }
0x2df: {  	[tilespmem:$0x1FBE0] =	vst v18;
	v18 =	vld [tilespmem:$0x12900]  }
0x2e0: {  	[tilespmem:$0x1FA40] =	vst v19;
	v19 =	vld [tilespmem:$0x115D0]  }
0x2e1: {  	[tilespmem:$0x1FA50] =	vst v20;
	v20 =	vld [tilespmem:$0x11990]  }
0x2e2: {  	[tilespmem:$0x1FCA0] =	vst v52;
	v52 =	vld [tilespmem:$0x11250]  }
0x2e3: {  	[tilespmem:$0x1FAE0] =	vst v54;
	v54 =	vld [tilespmem:$0x11610]  }
0x2e4: {  	[tilespmem:$0x1FBF0] =	vst v21;
	v21 =	vld [tilespmem:$0x11A10]  }
0x2e5: {  	[tilespmem:$0x1FC30] =	vst v3;
	v3 =	vld [tilespmem:$0x11290]  }
0x2e6: {  	[tilespmem:$0x1FAF0] =	vst v55;
	v55 =	vld [tilespmem:$0x112D0]  }
0x2e7: {  	[tilespmem:$0x1FB00] =	vst v57;
	v57 =	vld [tilespmem:$0x11690]  }
0x2e8: {  	[tilespmem:$0x1FB10] =	vst v5;
	v5 =	vld [tilespmem:$0x116D0]  }
0x2e9: {  	[tilespmem:$0x1FC00] =	vst v22;
	v22 =	vld [tilespmem:$0x11A90]  }
0x2ea: {  	[tilespmem:$0x1FCC0] =	vst v58;
	v58 =	vld [tilespmem:$0x11310]  }
0x2eb: {  	[tilespmem:$0x1FB20] =	vst v7;
	v7 =	vld [tilespmem:$0x11350]  }
0x2ec: {  	[tilespmem:$0x1FB30] =	vst v8;
	v8 =	vld [tilespmem:$0x11710]  }
0x2ed: {  	[tilespmem:$0x1FA70] =	vst v23;
	v23 =	vld [tilespmem:$0x11750]  }
0x2ee: {  	[tilespmem:$0x1FA80] =	vst v24;
	v24 =	vld [tilespmem:$0x11B10]  }
0x2ef: {  	[tilespmem:$0x1FD20] =	vst v9;
	v9 =	vld [tilespmem:$0x11390]  }
0x2f0: {  	[tilespmem:$0x1FD40] =	vst v10;
	v10 =	vld [tilespmem:$0x113D0]  }
0x2f1: {  	[tilespmem:$0x1FB40] =	vst v11;
	v11 =	vld [tilespmem:$0x11790]  }
0x2f2: {  	[tilespmem:$0x1FA90] =	vst v25;
	v25 =	vld [tilespmem:$0x117D0]  }
0x2f3: {  	[tilespmem:$0x1FC10] =	vst v26;
	v26 =	vld [tilespmem:$0x11B90]  }
0x2f4: {  	[tilespmem:$0x1FB50] =	vst v12;
	v12 =	vld [tilespmem:$0x11410]  }
0x2f5: {  	[tilespmem:$0x1FB60] =	vst v14;
	v14 =	vld [tilespmem:$0x11450]  }
0x2f6: {  	[tilespmem:$0x1FC40] =	vst v27;
	v27 =	vld [tilespmem:$0x11C10]  }
0x2f7: {  	[tilespmem:$0x1FCE0] =	vst v59;
	v59 =	vld [tilespmem:$0x11490]  }
0x2f8: {  	[tilespmem:$0x1FAB0] =	vst v28;
	v28 =	vld [tilespmem:$0x11C90]  }
0x2f9: {  	[tilespmem:$0x1FAC0] =	vst v30;
	v30 =	vld [tilespmem:$0x11D10]  }
0x2fa: {  	[tilespmem:$0x1FAD0] =	vst v31;
	v31 =	vld [tilespmem:$0x12590]  }
0x2fb: {  	[tilespmem:$0x1FC70] =	vst v40;
	v40 =	vld [tilespmem:$0x12610]  }
0x2fc: {  	v29 =	vadd.f32 v36, v29;
	[tilespmem:$0x1FDF0] =	vst v16;
	v16 =	vadd.f32 v35, v37;
	v37 =	vld [tilespmem:$0x11F10]  }
0x2fd: {  	v35 =	vld [tilespmem:$0x1F9B0]  }
0x2fe: {  	v29 =	vadd.f32 v63, v29;
	v63 =	vld [tilespmem:$0x12790]  }
0x2ff: {  	v0 =	vadd.f32 v0, v1;
	v1 =	vld [tilespmem:$0x12510]  }
0x300: {  	[tilespmem:$0x1FE00] =	vst v32;
	v32 =	vadd.f32 v34, v33;
	v33 =	vadd.f32 v41, v16;
	v41 =	vld [tilespmem:$0x1F9C0]  }
0x301: {  	v29 =	vadd.f32 v44, v29;
	v44 =	vld [tilespmem:$0x12010]  }
0x302: {  	v16 =	vld [tilespmem:$0x1FA10]  }
0x303: {  	v32 =	vadd.f32 v39, v32;
	v39 =	vld [tilespmem:$0x12310]  }
0x304: {  	v33 =	vadd.f32 v43, v33;
	v43 =	vld [tilespmem:$0x1F9E0]  }
0x305: {  	[tilespmem:$0x1FD70] =	vst v17;
	v17 =	vld [tilespmem:$0x111D0]  }
0x306: {  	[tilespmem:$0x1FD90] =	vst v18;
	v18 =	vld [tilespmem:$0x11590]  }
0x307: {  	[tilespmem:$0x1FC80] =	vst v5;
	v5 =	vld [tilespmem:$0x11810]  }
0x308: {  	[tilespmem:$0x1FC20] =	vst v19;
	v19 =	vld [tilespmem:$0x11850]  }
0x309: {  	[tilespmem:$0x1FC50] =	vst v20;
	v20 =	vld [tilespmem:$0x11890]  }
0x30a: {  	[tilespmem:$0x1FC60] =	vst v21;
	v21 =	vld [tilespmem:$0x118D0]  }
0x30b: {  	[tilespmem:$0x1FC90] =	vst v22;
	v22 =	vld [tilespmem:$0x11550]  }
0x30c: {  	[tilespmem:$0x1FCB0] =	vst v23;
	v23 =	vld [tilespmem:$0x11910]  }
0x30d: {  	[tilespmem:$0x1FCD0] =	vst v24;
	v24 =	vld [tilespmem:$0x11950]  }
0x30e: {  	[tilespmem:$0x1FCF0] =	vst v25;
	v25 =	vld [tilespmem:$0x11DD0]  }
0x30f: {  	[tilespmem:$0x1FD00] =	vst v26;
	v26 =	vld [tilespmem:$0x12190]  }
0x310: {  	[tilespmem:$0x1FD30] =	vst v27;
	v27 =	vld [tilespmem:$0x121D0]  }
0x311: {  	[tilespmem:$0x1FDA0] =	vst v30;
	v30 =	vld [tilespmem:$0x11E50]  }
0x312: {  	[tilespmem:$0x1FDC0] =	vst v31;
	v31 =	vld [tilespmem:$0x12210]  }
0x313: {  	[tilespmem:$0x1FD60] =	vst v28;
	v28 =	vld [tilespmem:$0x12250]  }
0x314: {  	[tilespmem:$0x1FDE0] =	vst v40;
	v40 =	vld [tilespmem:$0x11ED0]  }
0x315: {  	v34 =	vadd.f32 v51, v35;
	v51 =	vld [tilespmem:$0x11F50]  }
0x316: {  	v35 =	vld [tilespmem:$0x1F9D0]  }
0x317: {  	v32 =	vadd.f32 v42, v32;
	v42 =	vld [tilespmem:$0x12710]  }
0x318: {  	v29 =	vadd.f32 v45, v29;
	[tilespmem:$0x1FE40] =	vst v63;
	v63 =	vld [tilespmem:$0x1FA40]  }
0x319: {  	v33 =	vadd.f32 v47, v33;
	v47 =	vld [tilespmem:$0x1F9F0]  }
0x31a: {  	v0 =	vadd.f32 v3, v0;
	v29 =	vadd.f32 v48, v29;
	v48 =	vld [tilespmem:$0x12410]  }
0x31b: {  	v32 =	vadd.f32 v46, v32;
	v46 =	vld [tilespmem:$0x1FAA0]  }
0x31c: {  	v0 =	vadd.f32 v58, v0;
	v58 =	vld [tilespmem:$0x1FB20]  }
0x31d: {  	v33 =	vadd.f32 v50, v33;
	v50 =	vld [tilespmem:$0x1FA00]  }
0x31e: {  	v29 =	vadd.f32 v62, v29;
	v62 =	vld [tilespmem:$0x1FA30]  }
0x31f: {  	v34 =	vadd.f32 v43, v34;
	v43 =	vld [tilespmem:$0x12390]  }
0x320: {  	v32 =	vadd.f32 v49, v32;
	v49 =	vld [tilespmem:$0x123D0]  }
0x321: {  	[tilespmem:$0x1FD10] =	vst v19;
	v19 =	vld [tilespmem:$0x114D0]  }
0x322: {  	[tilespmem:$0x1FD50] =	vst v21;
	v21 =	vld [tilespmem:$0x11510]  }
0x323: {  	[tilespmem:$0x1FD80] =	vst v24;
	v24 =	vld [tilespmem:$0x11D90]  }
0x324: {  	[tilespmem:$0x1FDB0] =	vst v27;
	v27 =	vld [tilespmem:$0x11E10]  }
0x325: {  	[tilespmem:$0x1FDD0] =	vst v28;
	v28 =	vld [tilespmem:$0x11E90]  }
0x326: {  	v36 =	vadd.f32 v35, v41;
	v41 =	vld [tilespmem:$0x12350]  }
0x327: {  	[tilespmem:$0x1FE20] =	vst v42;
	v42 =	vld [tilespmem:$0x11FD0]  }
0x328: {  	v33 =	vadd.f32 v61, v33;
	v61 =	vld [tilespmem:$0x12810]  }
0x329: {  	v29 =	vadd.f32 v15, v29;
	v15 =	vld [tilespmem:$0x1FA80]  }
0x32a: {  	v18 =	vadd.f32 v54, v18;
	v54 =	vld [tilespmem:$0x111E0]  }
0x32b: {  	v32 =	vadd.f32 v60, v32;
	v60 =	vld [tilespmem:$0x12450]  }
0x32c: {  	v35 =	vadd.f32 v47, v36;
	v47 =	vld [tilespmem:$0x12050]  }
0x32d: {  	v33 =	vadd.f32 v56, v33;
	v56 =	vld [tilespmem:$0x1FA20]  }
0x32e: {  	v29 =	vadd.f32 v2, v29;
	v2 =	vld [tilespmem:$0x12150]  }
0x32f: {  	v32 =	vadd.f32 v4, v32;
	v4 =	vld [tilespmem:$0x1FA50]  }
0x330: {  	v34 =	vadd.f32 v50, v34;
	v50 =	vld [tilespmem:$0x12890]  }
0x331: {  	v33 =	vadd.f32 v13, v33;
	v13 =	vld [tilespmem:$0x1FA70]  }
0x332: {  	v36 =	vadd.f32 v16, v35;
	v16 =	vld [tilespmem:$0x12490]  }
0x333: {  	v35 =	vld [tilespmem:$0x124D0]  }
0x334: {  	[tilespmem:$0x1FE30] =	vst v49;
	v49 =	vld [tilespmem:$0x1FAB0]  }
0x335: {  	[tilespmem:$0x1FE10] =	vst v41;
	v41 =	vld [tilespmem:$0x11F90]  }
0x336: {  	v32 =	vadd.f32 v53, v32;
	v53 =	vld [tilespmem:$0x12090]  }
0x337: {  	[tilespmem:$0x1FE70] =	vst v61;
	v61 =	vld [tilespmem:$0x1FAE0]  }
0x338: {  	[tilespmem:$0x1FEC0] =	vst v54;
	v54 =	vld [tilespmem:$0x11BA0]  }
0x339: {  	v45 =	vadd.f32 v62, v36;
	v36 =	vld [tilespmem:$0x120D0]  }
0x33a: {  	v0 =	vadd.f32 v9, v0;
	[tilespmem:$0x1FE50] =	vst v60;
	v60 =	vld [tilespmem:$0x1FAD0]  }
0x33b: {  	v17 =	vadd.f32 v52, v17;
	v62 =	vld [tilespmem:$0x1FAF0]  }
0x33c: {  	v0 =	vadd.f32 v12, v0;
	v34 =	vadd.f32 v56, v34;
	v56 =	vld [tilespmem:$0x1FAC0]  }
0x33d: {  	v32 =	vadd.f32 v63, v32;
	v63 =	vadd.f32 v55, v17;
	v55 =	vld [tilespmem:$0x1FB10]  }
0x33e: {  	v17 =	vadd.f32 v59, v0;
	v59 =	vld [tilespmem:$0x11B20]  }
0x33f: {  	[tilespmem:$0x1FE80] =	vst v50;
	v50 =	vld [tilespmem:$0x111A0]  }
0x340: {  	v33 =	vadd.f32 v4, v33;
	v4 =	vadd.f32 v6, v34;
	v34 =	vld [tilespmem:$0x1FA90]  }
0x341: {  	v32 =	vadd.f32 v15, v32;
	v15 =	vld [tilespmem:$0x12110]  }
0x342: {  	v29 =	vadd.f32 v13, v29;
	v6 =	vadd.f32 v46, v45;
	v45 =	vld [tilespmem:$0x12550]  }
0x343: {  	[tilespmem:$0x1FE60] =	vst v35;
	v35 =	vld [tilespmem:$0x12910]  }
0x344: {  	v46 =	vld [tilespmem:$0x1FB00];
	v29 =	vadd.f32 v49, v29  }
0x345: {  	v3 =	vadd.f32 v7, v63;
	v32 =	vadd.f32 v56, v32;
	v56 =	vld [tilespmem:$0x115A0]  }
0x346: {  	v29 =	vadd.f32 v61, v29;
	v61 =	vld [tilespmem:$0x11220]  }
0x347: {  	v3 =	vadd.f32 v10, v3;
	[tilespmem:$0x1FEA0] =	vst v50;
	v50 =	vld [tilespmem:$0x11820]  }
0x348: {  	v33 =	vadd.f32 v34, v33;
	v34 =	vadd.f32 v57, v18;
	v57 =	vld [tilespmem:$0x115E0]  }
0x349: {  	v3 =	vadd.f32 v14, v3;
	v32 =	vadd.f32 v62, v32;
	v62 =	vld [tilespmem:$0x1FB30]  }
0x34a: {  	v18 =	vld [tilespmem:$0x11260]  }
0x34b: {  	v3 =	vadd.f32 v19, v3;
	v19 =	vld [tilespmem:$0x1FB40]  }
0x34c: {  	v33 =	vadd.f32 v60, v33;
	v60 =	vld [tilespmem:$0x119A0]  }
0x34d: {  	v52 =	vadd.f32 v8, v34;
	v8 =	vadd.f32 v55, v29;
	v29 =	vld [tilespmem:$0x116A0]  }
0x34e: {  	v9 =	vadd.f32 v58, v32;
	v58 =	vld [tilespmem:$0x113A0]  }
0x34f: {  	v55 =	vld [tilespmem:$0x117E0]  }
0x350: {  	v3 =	vadd.f32 v22, v3;
	v22 =	vld [tilespmem:$0x11A20]  }
0x351: {  	[tilespmem:$0x1FEE0] =	vst v56;
	v56 =	vld [tilespmem:$0x117A0]  }
0x352: {  	v49 =	vadd.f32 v46, v33;
	v46 =	vld [tilespmem:$0x11620]  }
0x353: {  	v33 =	vld [tilespmem:$0x11AA0]  }
0x354: {  	[tilespmem:$0x1FEB0] =	vst v61;
	v61 =	vld [tilespmem:$0x11720]  }
0x355: {  	v7 =	vadd.f32 v11, v52;
	v52 =	vld [tilespmem:$0x11420]  }
0x356: {  	v3 =	vadd.f32 v25, v3;
	v25 =	vld [tilespmem:$0x112E0]  }
0x357: {  	[tilespmem:$0x1FEF0] =	vst v57;
	v57 =	vld [tilespmem:$0x113E0]  }
0x358: {  	[tilespmem:$0x1FED0] =	vst v18;
	v18 =	vld [tilespmem:$0x1FBA0]  }
0x359: {  	v63 =	vadd.f32 v62, v49;
	v62 =	vld [tilespmem:$0x11360]  }
0x35a: {  	v49 =	vld [tilespmem:$0x11C20]  }
0x35b: {  	v7 =	vadd.f32 v5, v7;
	v5 =	vld [tilespmem:$0x1FCF0]  }
0x35c: {  	[tilespmem:$0x1FF10] =	vst v60;
	v60 =	vld [tilespmem:$0x11760]  }
0x35d: {  	[tilespmem:$0x1FF50] =	vst v29;
	v30 =	vadd.f32 v30, v3;
	v29 =	vld [tilespmem:$0x11520]  }
0x35e: {  	v7 =	vadd.f32 v20, v7;
	v20 =	vadd.f32 v21, v17;
	v21 =	vld [tilespmem:$0x11660]  }
0x35f: {  	v11 =	vadd.f32 v40, v30;
	v40 =	vld [tilespmem:$0x1FB80]  }
0x360: {  	[tilespmem:$0x1FF70] =	vst v33;
	v33 =	vld [tilespmem:$0x114E0]  }
0x361: {  	v30 =	vld [tilespmem:$0x118E0]  }
0x362: {  	v7 =	vadd.f32 v23, v7;
	v23 =	vld [tilespmem:$0x1FB50]  }
0x363: {  	v13 =	vadd.f32 v19, v8;
	v8 =	vadd.f32 v24, v20;
	v24 =	vld [tilespmem:$0x112A0]  }
0x364: {  	v20 =	vld [tilespmem:$0x1FBB0]  }
0x365: {  	[tilespmem:$0x1FF40] =	vst v25;
	v25 =	vld [tilespmem:$0x1FBC0]  }
0x366: {  	v7 =	vadd.f32 v26, v7;
	v26 =	vld [tilespmem:$0x1FB60]  }
0x367: {  	v11 =	vadd.f32 v51, v11;
	v51 =	vld [tilespmem:$0x11460];
	v8 =	vadd.f32 v27, v8  }
0x368: {  	v7 =	vadd.f32 v31, v7;
	v31 =	vld [tilespmem:$0x116E0]  }
0x369: {  	v11 =	vadd.f32 v42, v11;
	v8 =	vadd.f32 v28, v8;
	v28 =	vld [tilespmem:$0x1FCA0]  }
0x36a: {  	v9 =	vadd.f32 v23, v9;
	v7 =	vadd.f32 v38, v7;
	v38 =	vld [tilespmem:$0x1FB70]  }
0x36b: {  	v11 =	vadd.f32 v47, v11;
	v10 =	vadd.f32 v26, v63;
	v63 =	vld [tilespmem:$0x11320]  }
0x36c: {  	v8 =	vadd.f32 v37, v8;
	v32 =	vsub.f32 v13, v9;
	v26 =	vld [tilespmem:$0x1FBD0]  }
0x36d: {  	v7 =	vadd.f32 v39, v7;
	v39 =	vadd.f32 v36, v11;
	v11 =	vld [tilespmem:$0x1FC20]  }
0x36e: {  	v8 =	vadd.f32 v41, v8;
	[tilespmem:$0x1FF60] =	vst v31;
	v31 =	vld [tilespmem:$0x118A0]  }
0x36f: {  	v17 =	vmax.f32 v10, $1.000000000e-30;
	v10 =	vmul.f32 $6.737947000e-03, v32;
	v32 =	vld [tilespmem:$0x11CA0]  }
0x370: {  	v41 =	vadd.f32 v40, v6;
	v8 =	vadd.f32 v44, v8;
	v44 =	vld [tilespmem:$0x1FB90]  }
0x371: {  	v34 =	vand.u32 $0x7FFFFF, v17;
	v7 =	vadd.f32 v43, v7;
	v43 =	vadd.f32 v2, v39;
	v39 =	vld [tilespmem:$0x1FBE0]  }
0x372: {  	v19 =	vadd.f32 v18, v41;
	v12 =	vor.u32 $0x3F800000, v34;
	v34 =	vld [tilespmem:$0x114A0]  }
0x373: {  	[tilespmem:$0x1FE90] =	vst v35;
	v10 =	vadd.f32 v10, v9;
	v4 =	vadd.f32 v38, v4;
	v38 =	vld [tilespmem:$0x1FCB0];
	v35 =	vmul.f32 $5.000000000e-01, v12  }
0x374: {  	vm1 =	vgt.f32 v9, $5.000000000e-01;
	vm0 =	vgt.f32 v12, $1.414213540e+00;
	v6 =	vadd.f32 v25, v19;
	v19 =	vld [tilespmem:$0x1FC40]  }
0x375: {  	v25 =	vld [tilespmem:$0x1FC70];
	v10 =	vsel vm1, v10, v13;
	v37 =	vsel vm0, v35, v12  }
0x376: {  	v7 =	vadd.f32 v48, v7;
	v10 =	vmax.f32 v10, $1.000000000e-30;
	v35 =	vld [tilespmem:$0x11860];
	v12 =	vadd.f32 $1.000000000e+00, v37  }
0x377: {  	v8 =	vadd.f32 v53, v8;
	(erf) = vrcp.f32 v10;
	v47 =	vadd.f32 v44, v4;
	v44 =	vld [tilespmem:$0x1FC00]  }
0x378: {  	v42 =	vadd.f32 v16, v7;
	v9 =	vadd.f32 $-1.000000000e+00, v37;
	v37 =	vld [tilespmem:$0x11920];
	(erf) = vrcp.f32 v12  }
0x379: {  	v6 =	vadd.f32 v39, v6;
	v39 =	vld [tilespmem:$0x1FCC0]  }
0x37a: {  	[tilespmem:$0x1FF20] =	vst v22;
	v22 =	vadd.f32 v15, v8;
	v1 =	vadd.f32 v1, v42;
	v42 =	vld [tilespmem:$0x1FBF0]  }
0x37b: {  	[tilespmem:$0x1FF00] =	vst v21;
	v21 =	vadd.f32 v20, v47;
	v47 =	vld [tilespmem:$0x1FC10]  }
0x37c: {  	v53 =	vsub.f32 v22, v43;
	v12 =	vld [tilespmem:$0x1FC30]  }
0x37d: {  	v20 =	vld [tilespmem:$0x1FC50]  }
0x37e: {  	v23 =	vmul.f32 $6.737947000e-03, v53;
	v53 =	vld [tilespmem:$0x11560]  }
0x37f: {  	v15 =	vmax.f32 v1, $1.000000000e-30;
	v8 =	vadd.f32 v26, v21;
	v21 =	vld [tilespmem:$0x1FC60]  }
0x380: {  	[tilespmem:$0x1FF30] =	vst v24;
	vm2 =	vgt.f32 v43, $5.000000000e-01;
	v24 =	vand.u32 $0x7FFFFF, v15;
	v26 =	vld [tilespmem:$0x1FC80];
	v14 =	vpop (erf)  }
0x381: {  	v4 =	vor.u32 $0x3F800000, v24;
	v10 =	vadd.f32 v23, v43;
	v6 =	vadd.f32 v44, v6;
	v44 =	vld [tilespmem:$0x11DA0];
	v40 =	vpop (erf)  }
0x382: {  	v27 =	vmul.f32 $5.000000000e-01, v4;
	v8 =	vadd.f32 v42, v8;
	v42 =	vld [tilespmem:$0x11D20];
	v36 =	vmul.f32 v40, v9  }
0x383: {  	vm3 =	vgt.f32 v4, $1.414213540e+00;
	v41 =	vsel vm2, v10, v22;
	v18 =	vadd.f32 v12, v11;
	v11 =	vld [tilespmem:$0x1FD10]  }
0x384: {  	v4 =	vsel vm3, v27, v4;
	v48 =	vadd.f32 v47, v8;
	v27 =	vld [tilespmem:$0x1FC90];
	v16 =	vmul.f32 v36, v36  }
0x385: {  	v6 =	vadd.f32 v19, v6;
	v19 =	vld [tilespmem:$0x1FD20];
	v7 =	vmax.f32 v41, $1.000000000e-30  }
0x386: {  	(erf) = vrcp.f32 v7;
	v7 =	vadd.f32 v25, v48;
	v40 =	vld [tilespmem:$0x1FCD0];
	v24 =	vmul.f32 $1.111111120e-01, v16  }
0x387: {  	v47 =	vld [tilespmem:$0x11960];
	v23 =	vadd.f32 v21, v20;
	v6 =	vadd.f32 v28, v6  }
0x388: {  	v28 =	vld [tilespmem:$0x121A0];
	v7 =	vadd.f32 v39, v7;
	v12 =	vadd.f32 $1.428571490e-01, v24  }
0x389: {  	v8 =	vadd.f32 v26, v18;
	v18 =	vld [tilespmem:$0x125A0];
	v9 =	vadd.f32 v27, v23  }
0x38a: {  	v20 =	vadd.f32 v19, v7;
	v19 =	vld [tilespmem:$0x1FD70];
	v12 =	vmul.f32 v12, v16  }
0x38b: {  	v41 =	vadd.f32 v40, v9;
	v9 =	vld [tilespmem:$0x1FD00]  }
0x38c: {  	v21 =	vld [tilespmem:$0x1FD30];
	v10 =	vadd.f32 $2.000000030e-01, v12  }
0x38d: {  	v43 =	vadd.f32 $1.000000000e+00, v4;
	v26 =	vld [tilespmem:$0x11E20];
	v8 =	vadd.f32 v38, v8  }
0x38e: {  	v39 =	vmul.f32 v10, v16;
	v10 =	vld [tilespmem:$0x1FD50]  }
0x38f: {  	v48 =	vld [tilespmem:$0x11DE0];
	(erf) = vrcp.f32 v43;
	v8 =	vadd.f32 v5, v8  }
0x390: {  	v38 =	vadd.f32 v9, v41;
	v41 =	vadd.f32 v19, v20;
	v20 =	vld [tilespmem:$0x1FD80]  }
0x391: {  	v43 =	vld [tilespmem:$0x1FCE0];
	v12 =	vadd.f32 v11, v8  }
0x392: {  	v25 =	vld [tilespmem:$0x11E60]  }
0x393: {  	v9 =	vld [tilespmem:$0x1FD40];
	v40 =	vadd.f32 v10, v12  }
0x394: {  	v5 =	vld [tilespmem:$0x1FDA0]  }
0x395: {  	v38 =	vadd.f32 v21, v38;
	v21 =	vadd.f32 v20, v40;
	v40 =	vld [tilespmem:$0x1FD90]  }
0x396: {  	v6 =	vadd.f32 v43, v6;
	v11 =	vld [tilespmem:$0x1FD60]  }
0x397: {  	v4 =	vadd.f32 $-1.000000000e+00, v4;
	v27 =	vpop (erf);
	v8 =	vld [tilespmem:$0x12620]  }
0x398: {  	v43 =	vld [tilespmem:$0x121E0];
	v23 =	vpop (erf);
	v0 =	vadd.f32 v9, v6  }
0x399: {  	v6 =	vmul.f32 v23, v4;
	v23 =	vld [tilespmem:$0x12260];
	v10 =	vshrl.u32 v17, $0x17  }
0x39a: {  	v7 =	vadd.f32 v40, v0;
	v0 =	vand.u32 $0xFF, v10;
	v10 =	vld [tilespmem:$0x1FDC0]  }
0x39b: {  	v9 =	vld [tilespmem:$0x1FDB0];
	v12 =	vadd.f32 v11, v38;
	v1 =	vmul.f32 v6, v6  }
0x39c: {  	[tilespmem:$0x1FFA0] =	vst v8;
	v8 =	vld [tilespmem:$0x1FDE0]  }
0x39d: {  	v19 =	vld [tilespmem:$0x1FDD0];
	v11 =	vmul.f32 $1.111111120e-01, v1;
	v40 =	vadd.f32 v5, v12  }
0x39e: {  	[tilespmem:$0x1FF80] =	vst v18;
	v24 =	vld [tilespmem:$0x12220];
	v18 =	vadd.f32 $3.333333430e-01, v39  }
0x39f: {  	v39 =	vld [tilespmem:$0x122A0];
	[tilespmem:$0x1FF90] =	vst v23;
	v23 =	vadd.f32 $1.428571490e-01, v11;
	v11 =	vadd.f32 v10, v40  }
0x3a0: {  	v4 =	vld [tilespmem:$0x126A0];
	v38 =	vmul.f32 v18, v16;
	v16 =	vadd.f32 v9, v21  }
0x3a1: {  	vm10 =	vge.f32 v13, $2.000000000e+00;
	v17 =	vadd.f32 v36, v36;
	v13 =	vadd.f32 v8, v11;
	v11 =	vld [tilespmem:$0x1FDF0]  }
0x3a2: {  	v18 =	vld [tilespmem:$0x122E0];
	v2 =	vadd.f32 $1.000000000e+00, v38;
	v16 =	vadd.f32 v19, v16;
	v12 =	vimm.s32 $0xFFFFFF81  }
0x3a3: {  	v20 =	vld [tilespmem:$0x11EE0];
	v23 =	vmul.f32 v23, v1;
	v5 =	vsel vm0, $0xFFFFFF82, v12;
	v10 =	vimm.f32 $1.000000000e+00  }
0x3a4: {  	v0 =	vadd.s32 v0, v5;
	v5 =	vmul.f32 v2, v17;
	v17 =	vld [tilespmem:$0x1FE10];
	v12 =	vsel vm1, $0x3BDCC9FF, v10  }
0x3a5: {  	v21 =	vld [tilespmem:$0x11EA0];
	v19 =	vmul.f32 v14, v12  }
0x3a6: {  	v0 =	vcvt.s32.f32 v0;
	v8 =	vld [tilespmem:$0x1FE00];
	v36 =	vadd.f32 v11, v16;
	v16 =	vadd.f32 $2.000000030e-01, v23  }
0x3a7: {  	v38 =	vimm.f32 $0.0e+00;
	[tilespmem:$0x1FFC0] =	vst v4;
	v4 =	vmul.f32 v19, v41;
	v19 =	vld [tilespmem:$0x12720]  }
0x3a8: {  	v23 =	vmul.f32 $6.931471820e-01, v0;
	v0 =	vsel vm10, $0x3F800000, v38;
	v12 =	vmul.f32 v16, v1;
	v16 =	vld [tilespmem:$0x12360]  }
0x3a9: {  	(xrf2) =	vadd.scan.msk.f32 $0xffff, v0;
	v0 =	vadd.f32 v17, v36;
	v36 =	vld [tilespmem:$0x1FE30]  }
0x3aa: {  	v2 =	vadd.f32 v5, v23;
	v23 =	vld [tilespmem:$0x1FE20]  }
0x3ab: {  	v3 =	vadd.f32 $3.333333430e-01, v12;
	v12 =	vld [tilespmem:$0x1FE50]  }
0x3ac: {  	[tilespmem:$0x1FFB0] =	vst v18;
	v18 =	vld [tilespmem:$0x11F60]  }
0x3ad: {  	v9 =	vimm.s32 $0xFFFFFF81;
	v7 =	vmul.f32 v14, v7;
	v10 =	vimm.f32 $1.000000000e+00;
	[tilespmem:$0x1FFE0] =	vst v19;
	v19 =	vld [tilespmem:$0x1FE60]  }
0x3ae: {  	v41 =	vshrl.u32 v15, $0x17;
	v13 =	vadd.f32 v8, v13;
	v38 =	vld [tilespmem:$0x1FE40];
	v0 =	vadd.f32 v36, v0  }
0x3af: {  	v40 =	vld [tilespmem:$0x11F20];
	v4 =	vsub.f32 v2, v4;
	v1 =	vmul.f32 v3, v1;
	v3 =	vand.u32 $0xFF, v41  }
0x3b0: {  	[tilespmem:$0x1FFD0] =	vst v16;
	v5 =	vadd.f32 v23, v13;
	v16 =	vsel vm3, $0xFFFFFF82, v9;
	v23 =	vld [tilespmem:$0x1FE70];
	v2 =	vadd.f32 v12, v0  }
0x3b1: {  	v14 =	vld [tilespmem:$0x12060];
	v17 =	vadd.f32 v6, v6;
	v36 =	vsel vm2, $0x3BDCC9FF, v10;
	v0 =	vadd.s32 v3, v16  }
0x3b2: {  	v41 =	vld [tilespmem:$0x1FE80];
	v1 =	vadd.f32 $1.000000000e+00, v1;
	v0 =	vcvt.s32.f32 v0;
	v2 =	vadd.f32 v19, v2  }
0x3b3: {  	v15 =	vld [tilespmem:$0x123A0];
	v5 =	vadd.f32 v38, v5;
	v3 =	vmul.f32 v27, v36  }
0x3b4: {  	v11 =	vld [tilespmem:$0x12320];
	v1 =	vmul.f32 v1, v17;
	v0 =	vmul.f32 $6.931471820e-01, v0;
	v2 =	vadd.f32 v45, v2  }
0x3b5: {  	v8 =	vld [tilespmem:$0x11FE0];
	v5 =	vadd.f32 v23, v5  }
0x3b6: {  	v19 =	vld [tilespmem:$0x1FEA0];
	v0 =	vadd.f32 v1, v0;
	v6 =	vmul.f32 v3, v2  }
0x3b7: {  	v5 =	vadd.f32 v41, v5;
	v41 =	vld [tilespmem:$0x1FEB0]  }
0x3b8: {  	v36 =	vsub.f32 v0, v6;
	v6 =	vld [tilespmem:$0x1FEE0]  }
0x3b9: {  	v13 =	vld [tilespmem:$0x11FA0]  }
0x3ba: {  	v9 =	vld [tilespmem:$0x12020]  }
0x3bb: {  	v4 =	vsub.f32 v4, v7;
	v10 =	vld [tilespmem:$0x12420];
	v7, _, _ =	vpop (xrf2)  }
0x3bc: {  	(v2sf) =	vpush v7, $0xF;
	v7 =	vadd.f32 v41, v19;
	v41 =	vld [tilespmem:$0x1FEF0]  }
0x3bd: {  	v2 =	vadd.f32 v46, v6;
	v6 =	vld [tilespmem:$0x1FF00]  }
0x3be: {  	[tilespmem:$0x1FFF0] =	vst v4;
	v4 =	vld [tilespmem:$0x1FEC0]  }
0x3bf: {  	v38 =	vld [tilespmem:$0x123E0]  }
0x3c0: {  	v17 =	vld [tilespmem:$0x1FE90]  }
0x3c1: {  	v3 =	vld [tilespmem:$0x1FF10]  }
0x3c2: {  	v1 =	vadd.f32 v6, v41;
	v41 =	vld [tilespmem:$0x1FF20]  }
0x3c3: {  	v12 =	vld [tilespmem:$0x120E0]  }
0x3c4: {  	v16 =	vld [tilespmem:$0x124A0]  }
0x3c5: {  	v23 =	vadd.f32 v17, v5;
	v5 =	vld [tilespmem:$0x1FED0]  }
0x3c6: {  	v45 =	vld [tilespmem:$0x120A0]  }
0x3c7: {  	v3 =	vadd.f32 v41, v3;
	v41 =	vld [tilespmem:$0x1FF30]  }
0x3c8: {  	v17 =	vld [tilespmem:$0x12120]  }
0x3c9: {  	v19 =	vld [tilespmem:$0x12160]  }
0x3ca: {  	v0 =	vadd.f32 v5, v4;
	v4 =	vld [tilespmem:$0x111F0]  }
0x3cb: {  	v5 =	vld [tilespmem:$0x115B0]  }
0x3cc: {  	v7 =	vadd.f32 v41, v7;
	v41 =	vld [tilespmem:$0x1FF40]  }
0x3cd: {  	v46 =	vld [tilespmem:$0x12520]  }
0x3ce: {  	v6 =	vld [tilespmem:$0x111B0];
	v7 =	vadd.f32 v63, v7  }
0x3cf: {  	v63 =	vld [tilespmem:$0x11230]  }
0x3d0: {  	v7 =	vadd.f32 v58, v7;
	v58 =	vld [tilespmem:$0x113F0]  }
0x3d1: {  	v0 =	vadd.f32 v41, v0;
	v41 =	vld [tilespmem:$0x1FF50]  }
0x3d2: {  	v7 =	vadd.f32 v52, v7;
	v52 =	vld [tilespmem:$0x116B0]  }
0x3d3: {  	v0 =	vadd.f32 v62, v0;
	v62 =	vld [tilespmem:$0x11470]  }
0x3d4: {  	v6 =	vadd.f32 v63, v6;
	v63 =	vld [tilespmem:$0x11F70]  }
0x3d5: {  	v7 =	vadd.f32 v34, v7;
	v34 =	vld [tilespmem:$0x12430]  }
0x3d6: {  	v0 =	vadd.f32 v57, v0;
	v57 =	vld [tilespmem:$0x112B0]  }
0x3d7: {  	v2 =	vadd.f32 v41, v2;
	v41 =	vld [tilespmem:$0x1FF60]  }
0x3d8: {  	v7 =	vadd.f32 v29, v7;
	v29 =	vld [tilespmem:$0x113B0]  }
0x3d9: {  	v0 =	vadd.f32 v51, v0;
	v51 =	vld [tilespmem:$0x11930]  }
0x3da: {  	v2 =	vadd.f32 v61, v2;
	v61 =	vld [tilespmem:$0x11270]  }
0x3db: {  	v7 =	vadd.f32 v44, v7;
	v44 =	vld [tilespmem:$0x114F0]  }
0x3dc: {  	v0 =	vadd.f32 v33, v0;
	v33 =	vld [tilespmem:$0x11730]  }
0x3dd: {  	v2 =	vadd.f32 v56, v2;
	v56 =	vld [tilespmem:$0x11370];
	v7 =	vadd.f32 v26, v7  }
0x3de: {  	v6 =	vadd.f32 v57, v6;
	v57 =	vld [tilespmem:$0x11E70];
	v1 =	vadd.f32 v41, v1  }
0x3df: {  	v41 =	vld [tilespmem:$0x1FF70];
	v0 =	vadd.f32 v53, v0;
	v2 =	vadd.f32 v50, v2  }
0x3e0: {  	v53 =	vld [tilespmem:$0x11DB0];
	v7 =	vadd.f32 v21, v7;
	v1 =	vadd.f32 v60, v1  }
0x3e1: {  	v50 =	vld [tilespmem:$0x11330];
	v0 =	vadd.f32 v48, v0;
	v4 =	vadd.f32 v61, v4  }
0x3e2: {  	v60 =	vld [tilespmem:$0x11430];
	v2 =	vadd.f32 v31, v2;
	v7 =	vadd.f32 v40, v7  }
0x3e3: {  	v48 =	vld [tilespmem:$0x11530];
	v1 =	vadd.f32 v55, v1;
	v0 =	vadd.f32 v25, v0  }
0x3e4: {  	v61 =	vld [tilespmem:$0x122B0];
	v3 =	vadd.f32 v41, v3;
	v2 =	vadd.f32 v37, v2  }
0x3e5: {  	v31 =	vld [tilespmem:$0x117B0];
	v7 =	vadd.f32 v13, v7;
	v1 =	vadd.f32 v35, v1  }
0x3e6: {  	v55 =	vld [tilespmem:$0x112F0];
	v0 =	vadd.f32 v20, v0;
	v6 =	vadd.f32 v50, v6  }
0x3e7: {  	v3 =	vadd.f32 v59, v3;
	v59 =	vld [tilespmem:$0x11630];
	v2 =	vadd.f32 v28, v2  }
0x3e8: {  	v40 =	vld [tilespmem:$0x12130];
	v7 =	vadd.f32 v9, v7;
	v1 =	vadd.f32 v30, v1  }
0x3e9: {  	v25 =	vld [tilespmem:$0x11FB0];
	v0 =	vadd.f32 v18, v0;
	v6 =	vadd.f32 v29, v6  }
0x3ea: {  	v37 =	vld [tilespmem:$0x11830];
	v3 =	vadd.f32 v54, v3;
	v2 =	vadd.f32 v24, v2  }
0x3eb: {  	v41 =	vld [tilespmem:$0x114B0];
	v4 =	vadd.f32 v55, v4;
	v7 =	vadd.f32 v45, v7  }
0x3ec: {  	v35 =	vld [tilespmem:$0x120B0];
	v1 =	vadd.f32 v47, v1;
	v5 =	vadd.f32 v59, v5  }
0x3ed: {  	v50 =	vld [tilespmem:$0x124E0];
	v0 =	vadd.f32 v8, v0;
	v6 =	vadd.f32 v60, v6  }
0x3ee: {  	v30 =	vld [tilespmem:$0x11FF0];
	v3 =	vadd.f32 v49, v3;
	v5 =	vadd.f32 v52, v5  }
0x3ef: {  	v18 =	vld [tilespmem:$0x127A0];
	v2 =	vadd.f32 v39, v2;
	v4 =	vadd.f32 v56, v4  }
0x3f0: {  	v29 =	vld [tilespmem:$0x11A30];
	v7 =	vadd.f32 v17, v7;
	v5 =	vadd.f32 v33, v5  }
0x3f1: {  	v47 =	vld [tilespmem:$0x118B0];
	v28 =	vadd.f32 v43, v1;
	v4 =	vadd.f32 v58, v4  }
0x3f2: {  	v49 =	vld [tilespmem:$0x11570];
	v0 =	vadd.f32 v14, v0;
	v5 =	vadd.f32 v31, v5  }
0x3f3: {  	v54 =	vld [tilespmem:$0x11DF0];
	v6 =	vadd.f32 v41, v6;
	v4 =	vadd.f32 v62, v4  }
0x3f4: {  	v55 =	vld [tilespmem:$0x121B0];
	v3 =	vadd.f32 v32, v3;
	v5 =	vadd.f32 v37, v5  }
0x3f5: {  	v60 =	vld [tilespmem:$0x11EF0];
	v2 =	vadd.f32 v11, v2;
	v4 =	vadd.f32 v44, v4  }
0x3f6: {  	v56 =	vld [tilespmem:$0x11E30];
	v1 =	vadd.f32 v48, v6;
	v5 =	vadd.f32 v47, v5  }
0x3f7: {  	v58 =	vld [tilespmem:$0x12230];
	v0 =	vadd.f32 v12, v0;
	v4 =	vadd.f32 v49, v4  }
0x3f8: {  	v59 =	vld [tilespmem:$0x11EB0];
	v3 =	vadd.f32 v42, v3;
	v5 =	vadd.f32 v51, v5  }
0x3f9: {  	v24 =	vld [tilespmem:$0x12330];
	v1 =	vadd.f32 v53, v1;
	v4 =	vadd.f32 v54, v4  }
0x3fa: {  	v2 =	vadd.f32 v15, v2;
	v62 =	vld [tilespmem:$0x11F30];
	v5 =	vadd.f32 v55, v5  }
0x3fb: {  	v45 =	vld [tilespmem:$0x12530];
	v1 =	vadd.f32 v56, v1;
	v4 =	vadd.f32 v57, v4  }
0x3fc: {  	v32 =	vld [tilespmem:$0x12030];
	v0 =	vadd.f32 v19, v0;
	v5 =	vadd.f32 v58, v5  }
0x3fd: {  	v31 =	vld [tilespmem:$0x123B0];
	v1 =	vadd.f32 v59, v1;
	v4 =	vadd.f32 v60, v4  }
0x3fe: {  	v33 =	vld [tilespmem:$0x12070];
	v2 =	vadd.f32 v10, v2;
	v5 =	vadd.f32 v61, v5  }
0x3ff: {  	vm11 =	vge.f32 v22, $2.000000000e+00;
	v39 =	vld [tilespmem:$0x124B0];
	v1 =	vadd.f32 v62, v1;
	v4 =	vadd.f32 v63, v4  }
0x400: {  	v41 =	vmul.f32 v27, v23;
	v42 =	vsub.f32 v7, v0;
	v37 =	vld [tilespmem:$0x120F0];
	v5 =	vadd.f32 v24, v5  }
0x401: {  	v43 =	vld [tilespmem:$0x12170];
	vm13 =	vge.f32 v7, $2.000000000e+00;
	v1 =	vadd.f32 v25, v1;
	v4 =	vadd.f32 v30, v4  }
0x402: {  	v12 =	vld [tilespmem:$0x12560];
	v44 =	vimm.f32 $0.0e+00;
	v2 =	vadd.f32 v16, v2;
	v5 =	vadd.f32 v31, v5  }
0x403: {  	v15 =	vld [tilespmem:$0x12920];
	v17 =	vsel vm11, $0x3F800000, v44;
	v9 =	vadd.f32 v32, v1;
	v4 =	vadd.f32 v33, v4  }
0x404: {  	v16 =	vmul.f32 $6.737947000e-03, v42;
	v2 =	vadd.f32 v46, v2;
	v62 =	vld [tilespmem:$0x1FF90];
	v46 =	vadd.f32 v34, v5  }
0x405: {  	v10 =	vld [tilespmem:$0x12820];
	vm5 =	vgt.f32 v0, $5.000000000e-01;
	v9 =	vadd.f32 v35, v9;
	v4 =	vadd.f32 v37, v4  }
0x406: {  	v42 =	vld [tilespmem:$0x117F0];
	v49 =	vadd.f32 v16, v0;
	v1 =	vmax.f32 v2, $1.000000000e-30;
	v2 =	vadd.f32 v39, v46  }
0x407: {  	v60 =	vld [tilespmem:$0x1FF80];
	v48 =	vand.u32 $0x7FFFFF, v1;
	v8 =	vadd.f32 v40, v9;
	v4 =	vadd.f32 v43, v4  }
0x408: {  	v53 =	vsel vm5, v49, v7;
	v63 =	vld [tilespmem:$0x11670];
	v14 =	vor.u32 $0x3F800000, v48;
	v52 =	vadd.f32 v45, v2  }
0x409: {  	(xrf2) =	vadd.scan.msk.f32 $0xffff, v17;
	v19 =	vadd.f32 v62, v28;
	v28 =	vld [tilespmem:$0x1FFA0];
	v51 =	vmul.f32 $5.000000000e-01, v14;
	v55 =	vsub.f32 v8, v4  }
0x40a: {  	v56 =	vmax.f32 v53, $1.000000000e-30;
	v58 =	vld [tilespmem:$0x115F0];
	vm12 =	vgt.f32 v14, $1.414213540e+00;
	v2 =	vmax.f32 v52, $1.000000000e-30  }
0x40b: {  	v30 =	vld [tilespmem:$0x1FFB0];
	v54 =	vsel vm12, v51, v14;
	v14 =	vmul.f32 $6.737947000e-03, v55;
	v59 =	vand.u32 $0x7FFFFF, v2  }
0x40c: {  	(erf) = vrcp.f32 v56;
	v61 =	vld [tilespmem:$0x119B0];
	v57 =	vadd.f32 $1.000000000e+00, v54;
	v16 =	vor.u32 $0x3F800000, v59  }
0x40d: {  	v3 =	vadd.f32 v60, v3;
	v33 =	vld [tilespmem:$0x1FFC0];
	v14 =	vadd.f32 v14, v4;
	v27 =	vmul.f32 $5.000000000e-01, v16  }
0x40e: {  	(erf) = vrcp.f32 v57;
	v31 =	vld [tilespmem:$0x116F0];
	vm6 =	vgt.f32 v4, $5.000000000e-01;
	vm4 =	vgt.f32 v16, $1.414213540e+00  }
0x40f: {  	v62 =	vimm.f32 $0.0e+00;
	v34 =	vld [tilespmem:$0x11AB0];
	v14 =	vsel vm6, v14, v8;
	v16 =	vsel vm4, v27, v16  }
0x410: {  	v3 =	vadd.f32 v28, v3;
	v39 =	vld [tilespmem:$0x1FFD0];
	v14 =	vmax.f32 v14, $1.000000000e-30;
	v35 =	vadd.f32 $1.000000000e+00, v16  }
0x411: {  	v1 =	vshrl.u32 v1, $0x17;
	v37 =	vld [tilespmem:$0x11770];
	v0 =	vadd.f32 v63, v58;
	(erf) = vrcp.f32 v14  }
0x412: {  	v23 =	vadd.f32 v33, v3;
	v3 =	vsub.f32 v36, v41;
	v41 =	vld [tilespmem:$0x11B30];
	(erf) = vrcp.f32 v35  }
0x413: {  	v47 =	vld [tilespmem:$0x12460];
	v1 =	vand.u32 $0xFF, v1;
	v32, _, _ =	vpop (xrf2);
	v17 =	vadd.f32 v29, v61;
	v4 =	vadd.f32 v30, v19  }
0x414: {  	(v2sf) =	vpush v32, $0xF;
	v40 =	vld [tilespmem:$0x1FFE0];
	vm14 =	vge.f32 v8, $2.000000000e+00;
	v0 =	vadd.f32 v31, v0  }
0x415: {  	v63 =	vsel vm13, $0x3F800000, v62;
	v43 =	vld [tilespmem:$0x11BB0];
	v17 =	vadd.f32 v34, v17;
	v4 =	vadd.f32 v39, v4  }
0x416: {  	v13 =	vadd.f32 $-1.000000000e+00, v54;
	(xrf2) =	vadd.scan.msk.f32 $0xffff, v63;
	v22 =	vpop (erf);
	v33 =	vsel vm14, $0x3F800000, v62;
	v45 =	vld [tilespmem:$0x11870];
	v0 =	vadd.f32 v37, v0  }
0x417: {  	v49 =	vld [tilespmem:$0x118F0];
	v34 =	vimm.s32 $0xFFFFFF81;
	v44 =	vpop (erf);
	v48 =	vadd.f32 v41, v17;
	v4 =	vadd.f32 v38, v4  }
0x418: {  	v9 =	vld [tilespmem:$0x128A0];
	v0 =	vadd.f32 v42, v0;
	v2 =	vshrl.u32 v2, $0x17;
	v46 =	vmul.f32 v44, v13  }
0x419: {  	v59 =	vimm.f32 $1.000000000e+00;
	v14 =	vadd.f32 v40, v23;
	v4 =	vadd.f32 v47, v4;
	v47 =	vld [tilespmem:$0x11C30]  }
0x41a: {  	v52 =	vld [tilespmem:$0x11970];
	v2 =	vand.u32 $0xFF, v2;
	v11 =	vadd.f32 v43, v48;
	v16 =	vadd.f32 $-1.000000000e+00, v16;
	v20 =	vpop (erf)  }
0x41b: {  	v51 =	vld [tilespmem:$0x11CB0];
	v0 =	vadd.f32 v45, v0;
	v4 =	vadd.f32 v50, v4;
	v50 =	vmul.f32 v46, v46;
	v56 =	vpop (erf)  }
0x41c: {  	v55 =	vld [tilespmem:$0x121F0];
	v60 =	vsel vm5, $0x3BDCC9FF, v59;
	v39 =	vsel vm6, $0x3BDCC9FF, v59;
	v16 =	vmul.f32 v56, v16  }
0x41d: {  	v54 =	vld [tilespmem:$0x11D30];
	(xrf2) =	vadd.scan.msk.f32 $0xffff, v33;
	v5 =	vadd.f32 v46, v46;
	v0 =	vadd.f32 v49, v0;
	v53 =	vmul.f32 $1.111111120e-01, v50  }
0x41e: {  	v61 =	vld [tilespmem:$0x12270];
	v14 =	vadd.f32 v18, v14;
	v11 =	vadd.f32 v47, v11;
	v29 =	vmul.f32 v16, v16  }
0x41f: {  	v58 =	vld [tilespmem:$0x125B0];
	v42 =	vsel vm4, $0xFFFFFF82, v34;
	v0 =	vadd.f32 v52, v0;
	v57 =	vadd.f32 $1.428571490e-01, v53  }
0x420: {  	v30 =	vld [tilespmem:$0x122F0];
	v10 =	vadd.f32 v10, v14;
	v46, _, _ =	vpop (xrf2);
	v11 =	vadd.f32 v51, v11;
	v32 =	vmul.f32 $1.111111120e-01, v29  }
0x421: {  	v28 =	vld [tilespmem:$0x12630];
	(v2sf) =	vpush v46, $0xF;
	v0 =	vadd.f32 v55, v0;
	v7 =	vmul.f32 v57, v50  }
0x422: {  	v36 =	vld [tilespmem:$0x12370];
	v2 =	vadd.s32 v2, v42;
	v11 =	vadd.f32 v54, v11;
	v38 =	vadd.f32 $1.428571490e-01, v32  }
0x423: {  	v31 =	vld [tilespmem:$0x126B0];
	v2 =	vcvt.s32.f32 v2;
	v0 =	vadd.f32 v61, v0;
	v7 =	vadd.f32 $2.000000030e-01, v7  }
0x424: {  	v40 =	vld [tilespmem:$0x123F0];
	v9 =	vadd.f32 v9, v10;
	v10 =	vadd.f32 v58, v11;
	v13 =	vmul.f32 v38, v29  }
0x425: {  	v37 =	vld [tilespmem:$0x12730];
	v4 =	vadd.f32 v12, v4;
	v0 =	vadd.f32 v30, v0;
	v7 =	vmul.f32 v7, v50  }
0x426: {  	v43 =	vld [tilespmem:$0x12470];
	v35 =	vsel vm12, $0xFFFFFF82, v34;
	v10 =	vadd.f32 v28, v10;
	v13 =	vadd.f32 $2.000000030e-01, v13  }
0x427: {  	v41 =	vld [tilespmem:$0x127B0];
	v49, _, _ =	vpop (xrf2);
	v1 =	vadd.s32 v1, v35;
	v0 =	vadd.f32 v36, v0;
	v7 =	vadd.f32 $3.333333430e-01, v7  }
0x428: {  	(v2sf) =	vpush v49, $0xF;
	v47 =	vld [tilespmem:$0x124F0];
	v8 =	vadd.f32 v31, v10;
	v45 =	vmul.f32 v13, v29  }
0x429: {  	v44 =	vld [tilespmem:$0x12830];
	v9 =	vadd.f32 v15, v9;
	v0 =	vadd.f32 v40, v0;
	v6 =	vmul.f32 v7, v50  }
0x42a: {  	v48 =	vld [tilespmem:$0x128B0];
	v1 =	vcvt.s32.f32 v1;
	v8 =	vadd.f32 v37, v8;
	v11 =	vadd.f32 $3.333333430e-01, v45  }
0x42b: {  	v51 =	vmul.f32 v22, v60;
	v0 =	vadd.f32 v43, v0;
	v50 =	vld [tilespmem:$0x12570];
	v6 =	vadd.f32 $1.000000000e+00, v6  }
0x42c: {  	v1 =	vmul.f32 $6.931471820e-01, v1;
	v58 =	vld [tilespmem:$0x1FFF0];
	v8 =	vadd.f32 v41, v8;
	v11 =	vmul.f32 v11, v29  }
0x42d: {  	v52 =	vld [tilespmem:$0x12930];
	v53 =	vadd.f32 v16, v16;
	v0 =	vadd.f32 v47, v0;
	v5 =	vmul.f32 v6, v5  }
0x42e: {  	v2 =	vmul.f32 $6.931471820e-01, v2;
	v7 =	vadd.f32 v44, v8;
	v11 =	vadd.f32 $1.000000000e+00, v11  }
0x42f: {  	v4 =	vmul.f32 v51, v4;
	v56 =	vmul.f32 v20, v39;
	v1 =	vadd.f32 v5, v1  }
0x430: {  	v0 =	vadd.f32 v50, v0;
	v54 =	vadd.f32 v48, v7;
	v55 =	vmul.f32 v11, v53  }
0x431: {  	v57 =	vmul.f32 v22, v9;
	v8 =	vadd.f32 $0.0e+00, v58;
	v1 =	vsub.f32 v1, v4  }
0x432: {  	v0 =	vmul.f32 v56, v0;
	v5 =	vadd.f32 v52, v54;
	v2 =	vadd.f32 v55, v2  }
0x433: {  	v3 =	vnsel vm11, $0x0, v3;
	v59 =	vnsel vm10, $0x0, v8  }
0x434: {  	s26 =	spop (v2sf);
	v1 =	vsub.f32 v1, v57;
	v60 =	vmul.f32 v20, v5;
	v0 =	vsub.f32 v2, v0  }
0x435: {  	s3 =	sadd.f32 $0.0e+00, s26;
	v3 =	vadd.f32 v3, v59  }
0x436: {  	s28 =	spop (v2sf);
	v1 =	vnsel vm13, $0x0, v1;
	v0 =	vsub.f32 v0, v60  }
0x437: {  	s3 =	sadd.f32 s28, s3;
	v1 =	vadd.f32 v1, v3  }
0x438: {  	s29 =	spop (v2sf);
	v0 =	vnsel vm14, $0x0, v0  }
0x439: {  	s3 =	sadd.f32 s29, s3;
	v0 =	vadd.f32 v0, v1  }
0x43a: {  	s30 =	spop (v2sf)  }
0x43b: {  	s3 =	sadd.f32 s30, s3;
	(xrf2) =	vadd.scan.msk.f32 $0xffff, v0;
	_ =	sdelay $0x1  }
0x43c: {  	s3 =	smax.f32 s3, $1.000000000e+00  }
0x43d: {  	v61 =	vmov s3  }
0x43e: {  	(erf) = vrcp.f32 v61;
	_ =	sdelay $0x5  }
0x43f: {  	v62, _, _ =	vpop (xrf2)  }
0x440: {  	v0 =	vbroadcast v62, $0xF  }
0x441: {  	vm15 =	vmmov $0x1  }
0x442: {  	v63 =	vpop (erf);
	v0 =	vnsel vm15, $0x0, v0  }
0x443: {  	v0 =	vmul.f32 v0, v63;
	_ =	sdelay $0x1  }
0x444: {  	s31 =	simm.s32 $0x12980;
	[tilespmem:$0x12980] =	vst v0  }
0x445: {  	[hbm4b:s1+s2] =	stream.linear.scatter [tilespmem:s31], [sflag:$0x1], $0x80, $0x38;
	[tilespmem:$0x12A00] =	vst v63  }
0x446: {  	_ =	swait.ge [sflag:s4], $0x80  }
0x447: {  	[sflag:s4] =	ssyncset.done $0x0  }
0x448: {  	[sflag:s4] =	ssyncadd.s32 $0xFFFFFF80  }
0x449: {  	_ =	sfence.sel $0x180000  }
0x44a: {  	[bflag:$0x0] =	sbarrier.arrive $0xFFFF  }
0x44b: {  	_ =	strace $0x90000047  }
0x44c: {  	s0 =	sadd.s32 $0x100000, s0;
	[bflag:$0x2] =	sbarrier.arrive $0xFFFF  }
0x44d: {  	[sflag:s0] =	ssyncadd.tile.s32 $0x1;
	_ =	shalt  }
.Lfunc_end2:
_tile_overlayer_lowered:
.L_overlay_start_2:
0x44e: {  	(tag) =	ssettag $0x2  }
0x44f: {  	s0 =	rddreg [dreg:$0x0];
	s2 =	stileid.u32  }
0x450: {  	s1 =	rddreg [dreg:$0x1];
	p0 =	sne.s32 s2, $0x0  }
0x451: {  	s3 =	rddreg [dreg:$0x2];
	[bflag:$0x3] =	sbarrier.arrive $0xFFFF;
	s2 =	simm.s32 @!p0 $0x1C01  }
0x452: {  	[timem:s3], [sflag:s2] =	dma.local @!p0 [hbm:s0], s1  }
0x453: {  	s0 =	simm.s32 @!p0 $0x1  }
0x454: {  	_ =	swait.ge @!p0 [sflag:s0], s1  }
0x455: {  	s1 =	ssub.s32 @!p0 $0x0, s1;
	[sflag:s0] =	ssyncset.done @!p0 $0x0  }
0x456: {  	[sflag:s0] =	ssyncadd.s32 @!p0 s1  }
0x457: {  	[bflag:$0x3] =	sbarrier.arrive $0xFFFF  }
0x458: {  	_ =	shalt  }

</sc_bundles>
